<compile_context>
chip_gen: v7x
topology: tpu7x:2x2x1
jax: 0.10.2.dev20260603
libtpu: 0.0.44.dev20260713+nightly
codegen_flags: <defaults>
</compile_context>

<pallas_src>
import functools

import jax
import jax.numpy as jnp
import numpy as np
from jax import lax
from jax.experimental import pallas as pl
from jax.experimental.pallas import tpu as pltpu
from jax.experimental.pallas import tpu_sc as plsc

NNT = 4

NC = 2
NS = 16
TILES = NC * NS
LANES = 16
ROW = 128
WR = 8
NBUF = 2


def _ln(x, g, b):
    m = x.mean(-1, keepdims=True)
    v = x.var(-1, keepdims=True)
    return (x - m) / jnp.sqrt(v + 1e-5) * g + b


def _tc_pre(feat, ee_W0p, ee_b0, ee_g, ee_be, ee_W1, ee_b1,
            sent_vecs, fc_W0, fc_b0, fc_g, fc_be, fc_W1, fc_b1):
    def body(feat_ref, w0_ref, b0_ref, g_ref, be_ref, w1_ref, b1_ref,
             sv_ref, fw0_ref, fb0_ref, fg_ref, fbe_ref, fw1_ref, fb1_ref,
             tab_ref, qc_ref):
        h = jnp.dot(feat_ref[...], w0_ref[...],
                    preferred_element_type=jnp.float32) + b0_ref[...]
        h = jax.nn.gelu(_ln(h, g_ref[...], be_ref[...]))
        tab_ref[...] = jax.nn.sigmoid(
            jnp.dot(h, w1_ref[...], preferred_element_type=jnp.float32)
            + b1_ref[...])
        q = jnp.dot(sv_ref[...], fw0_ref[...],
                    preferred_element_type=jnp.float32) + fb0_ref[...]
        q = jax.nn.gelu(_ln(q, fg_ref[...], fbe_ref[...]))
        qc_ref[...] = (jnp.dot(q, fw1_ref[...],
                               preferred_element_type=jnp.float32)
                       + fb1_ref[...])

    ncomb = feat.shape[0]
    b = sent_vecs.shape[0]
    return pl.pallas_call(
        body,
        out_shape=(jax.ShapeDtypeStruct((ncomb, 1), jnp.float32),
                   jax.ShapeDtypeStruct((b, 1), jnp.float32)),
    )(feat, ee_W0p, ee_b0, ee_g, ee_be, ee_W1, ee_b1,
      sent_vecs, fc_W0, fc_b0, fc_g, fc_be, fc_W1, fc_b1)


def _tc_reduce(p_flat, np_pad):
    def body(p_ref, o_ref):
        o_ref[...] = jnp.sum(p_ref[...], axis=0)

    return pl.pallas_call(
        body,
        out_shape=jax.ShapeDtypeStruct((np_pad,), jnp.float32),
    )(p_flat.reshape(TILES, np_pad))


def _tc_post(proots, qc, reg_W0, reg_b0, reg_g, reg_be, reg_W1, reg_b1):
    def body(pr_ref, qc_ref, rw0_ref, rb0_ref, rg_ref, rbe_ref,
             rw1_ref, rb1_ref, out_ref):
        x = jnp.sum(pr_ref[...], axis=0)[:, None]
        h = x * rw0_ref[...] + rb0_ref[...]
        h = jax.nn.gelu(_ln(h, rg_ref[...], rbe_ref[...]))
        gm = (jnp.dot(h, rw1_ref[...], preferred_element_type=jnp.float32)
              + rb1_ref[...])
        out_ref[...] = gm + qc_ref[...]

    b = proots.shape[1]
    return pl.pallas_call(
        body,
        out_shape=jax.ShapeDtypeStruct((b, 1), jnp.float32),
    )(proots, qc, reg_W0, reg_b0, reg_g, reg_be, reg_W1, reg_b1)


def _mesh():
    return plsc.VectorSubcoreMesh(core_axis_name="c", subcore_axis_name="s",
                                  num_cores=NC, num_subcores=NS)


def _zero_acc(acc_v, np_pad):
    def zf(i, c):
        acc_v[pl.ds(i * LANES, LANES)] = jnp.zeros((LANES,), jnp.float32)
        return c
    lax.fori_loop(0, np_pad // LANES, zf, 0)


def _sc_round1(ed3, nt_pad, table, np_pad, rt):
    r_all = ed3.shape[0] // 3
    nwin = rt // WR
    assert nwin % NBUF == 0
    ncomb = table.shape[0]

    @functools.partial(
        pl.kernel,
        out_type=(jax.ShapeDtypeStruct((r_all, ROW), jnp.float32),
                  jax.ShapeDtypeStruct((TILES * np_pad,), jnp.float32)),
        mesh=_mesh(),
        compiler_params=pltpu.CompilerParams(needs_layout_passes=False),
        scratch_types=[
            pltpu.VMEM((np_pad,), jnp.int32),
            pltpu.VMEM((np_pad,), jnp.float32),
            pltpu.VMEM((ncomb,), jnp.float32),
            pltpu.VMEM((NBUF * WR * 3, ROW), jnp.int32),
            pltpu.VMEM((NBUF * WR, ROW), jnp.float32),
            pltpu.SemaphoreType.DMA,
            pltpu.SemaphoreType.DMA, pltpu.SemaphoreType.DMA,
            pltpu.SemaphoreType.DMA, pltpu.SemaphoreType.DMA,
        ],
    )
    def k(ed_hbm, nt_hbm, tab_hbm, e_out, p_out,
          nt_v, acc_v, tab_v, ibuf, fbuf, stg, l0, l1, e0, e1):
        lsem = (l0, l1)
        esem = (e0, e1)
        cid = lax.axis_index("c")
        sid = lax.axis_index("s")
        wid = cid * NS + sid
        base = wid * rt
        d0 = pltpu.async_copy(nt_hbm, nt_v, stg)
        d1 = pltpu.async_copy(tab_hbm, tab_v, stg)
        pltpu.async_copy(ed_hbm.at[pl.ds(base * 3, WR * 3)],
                         ibuf.at[pl.ds(0, WR * 3)], lsem[0])
        _zero_acc(acc_v, np_pad)
        d0.wait()
        d1.wait()

        def wf(i, c):
            for k2 in range(NBUF):
                w = i * NBUF + k2
                nslot = (k2 + 1) % NBUF
                r0 = base + w * WR

                @pl.when(w >= 2)
                def _():
                    pltpu.make_async_copy(
                        fbuf.at[pl.ds(k2 * WR, WR)],
                        e_out.at[pl.ds(r0, WR)], esem[k2]).wait()

                @pl.when(w + 1 < nwin)
                def _():
                    pltpu.async_copy(
                        ed_hbm.at[pl.ds((r0 + WR) * 3, WR * 3)],
                        ibuf.at[pl.ds(nslot * WR * 3, WR * 3)], lsem[nslot])

                pltpu.make_async_copy(ed_hbm.at[pl.ds(r0 * 3, WR * 3)],
                                      ibuf.at[pl.ds(k2 * WR * 3, WR * 3)],
                                      lsem[k2]).wait()

                def cf(r, cc):
                    for u in range(2):
                        row = (k2 * WR + r * 2 + u) * 3
                        frow = k2 * WR + r * 2 + u
                        for g in range(ROW // LANES):
                            sl = pl.ds(g * LANES, LANES)
                            et = ibuf[row, sl]
                            s = ibuf[row + 1, sl]
                            d = ibuf[row + 2, sl]
                            ht = plsc.load_gather(nt_v, [s])
                            tt = plsc.load_gather(nt_v, [d])
                            idx = et * (NNT * NNT) + ht * NNT + tt
                            e = plsc.load_gather(tab_v, [idx])
                            fbuf[frow, sl] = e
                            plsc.addupdate_scatter(acc_v, [d], e)
                    return cc
                lax.fori_loop(0, WR // 2, cf, 0)
                pltpu.async_copy(fbuf.at[pl.ds(k2 * WR, WR)],
                                 e_out.at[pl.ds(r0, WR)], esem[k2])
            return c
        lax.fori_loop(0, nwin // NBUF, wf, 0)
        for w in (nwin - 2, nwin - 1):
            pltpu.make_async_copy(fbuf.at[pl.ds((w % NBUF) * WR, WR)],
                                  e_out.at[pl.ds(base, WR)],
                                  esem[w % NBUF]).wait()
        pltpu.sync_copy(acc_v, p_out.at[pl.ds(wid * np_pad, np_pad)])

    return k(ed3, nt_pad, table)


def _sc_round(sd2, e2d, a_hbm, np_pad, rt):
    nwin = rt // WR
    assert nwin % NBUF == 0

    @functools.partial(
        pl.kernel,
        out_type=jax.ShapeDtypeStruct((TILES * np_pad,), jnp.float32),
        mesh=_mesh(),
        compiler_params=pltpu.CompilerParams(needs_layout_passes=False),
        scratch_types=[
            pltpu.VMEM((np_pad,), jnp.float32),
            pltpu.VMEM((np_pad,), jnp.float32),
            pltpu.VMEM((NBUF * WR * 2, ROW), jnp.int32),
            pltpu.VMEM((NBUF * WR, ROW), jnp.float32),
            pltpu.SemaphoreType.DMA,
            pltpu.SemaphoreType.DMA, pltpu.SemaphoreType.DMA,
        ],
    )
    def k(sd_hbm, e_hbm, a_in, p_out, a_v, acc_v, ibuf, fbuf, stg, l0, l1):
        lsem = (l0, l1)
        cid = lax.axis_index("c")
        sid = lax.axis_index("s")
        wid = cid * NS + sid
        base = wid * rt
        d0 = pltpu.async_copy(a_in, a_v, stg)
        pltpu.async_copy(sd_hbm.at[pl.ds(base * 2, WR * 2)],
                         ibuf.at[pl.ds(0, WR * 2)], lsem[0])
        pltpu.async_copy(e_hbm.at[pl.ds(base, WR)],
                         fbuf.at[pl.ds(0, WR)], lsem[0])
        _zero_acc(acc_v, np_pad)
        d0.wait()

        def wf(i, c):
            for k2 in range(NBUF):
                w = i * NBUF + k2
                nslot = (k2 + 1) % NBUF
                r0 = base + w * WR

                @pl.when(w + 1 < nwin)
                def _():
                    pltpu.async_copy(
                        sd_hbm.at[pl.ds((r0 + WR) * 2, WR * 2)],
                        ibuf.at[pl.ds(nslot * WR * 2, WR * 2)], lsem[nslot])
                    pltpu.async_copy(e_hbm.at[pl.ds(r0 + WR, WR)],
                                     fbuf.at[pl.ds(nslot * WR, WR)],
                                     lsem[nslot])

                pltpu.make_async_copy(sd_hbm.at[pl.ds(r0 * 2, WR * 2)],
                                      ibuf.at[pl.ds(k2 * WR * 2, WR * 2)],
                                      lsem[k2]).wait()
                pltpu.make_async_copy(e_hbm.at[pl.ds(r0, WR)],
                                      fbuf.at[pl.ds(k2 * WR, WR)],
                                      lsem[k2]).wait()

                def cf(r, cc):
                    for u in range(2):
                        row = (k2 * WR + r * 2 + u) * 2
                        frow = k2 * WR + r * 2 + u
                        for g in range(ROW // LANES):
                            sl = pl.ds(g * LANES, LANES)
                            s = ibuf[row, sl]
                            d = ibuf[row + 1, sl]
                            v = plsc.load_gather(a_v, [s]) + fbuf[frow, sl]
                            plsc.addupdate_scatter(acc_v, [d], v)
                    return cc
                lax.fori_loop(0, WR // 2, cf, 0)
            return c
        lax.fori_loop(0, nwin // NBUF, wf, 0)
        pltpu.sync_copy(acc_v, p_out.at[pl.ds(wid * np_pad, np_pad)])

    return k(sd2, e2d, a_hbm)


def kernel(sent_vecs, concept_ids, node_type_ids, edge_index, edge_type,
           ee_W0, ee_b0, ee_g, ee_be, ee_W1, ee_b1,
           reg_W0, reg_b0, reg_g, reg_be, reg_W1, reg_b1,
           fc_W0, fc_b0, fc_g, fc_be, fc_W1, fc_b1):
    b, nn = node_type_ids.shape
    n = b * nn
    e_cnt = edge_type.shape[0]
    d = ee_W0.shape[0]
    net = d - 2 * NNT
    k_rounds = 4

    np_pad = -((n + 1) // -ROW) * ROW
    blk = WR * NBUF * ROW
    rt = -(e_cnt // -(TILES * blk)) * blk // ROW
    e_pad = TILES * rt * ROW
    r_all = e_pad // ROW

    src = edge_index[0].astype(jnp.int32)
    dst = edge_index[1].astype(jnp.int32)
    et = edge_type.astype(jnp.int32)
    pad = e_pad - e_cnt
    src2d = jnp.concatenate([src, jnp.zeros((pad,), jnp.int32)]).reshape(r_all, ROW)
    dst2d = jnp.concatenate([dst, jnp.full((pad,), n, jnp.int32)]).reshape(r_all, ROW)
    et2d = jnp.concatenate([et, jnp.zeros((pad,), jnp.int32)]).reshape(r_all, ROW)
    ed3 = jnp.stack([et2d, src2d, dst2d], axis=1).reshape(r_all * 3, ROW)
    sd2 = jnp.stack([src2d, dst2d], axis=1).reshape(r_all * 2, ROW)
    nt_pad = jnp.concatenate([node_type_ids.reshape(-1).astype(jnp.int32),
                              jnp.zeros((np_pad - n,), jnp.int32)])

    ncomb = net * NNT * NNT
    ii = np.arange(ncomb)
    feat = np.zeros((ncomb, 128), np.float32)
    feat[ii, ii // (NNT * NNT)] = 1.0
    feat[ii, net + (ii // NNT) % NNT] = 1.0
    feat[ii, net + NNT + ii % NNT] = 1.0
    ee_W0p = jnp.zeros((128, ee_W0.shape[1]), jnp.float32).at[:d].set(ee_W0)

    table, qc = _tc_pre(jnp.asarray(feat), ee_W0p, ee_b0, ee_g, ee_be,
                        ee_W1, ee_b1, sent_vecs,
                        fc_W0, fc_b0, fc_g, fc_be, fc_W1, fc_b1)
    table = table.reshape(ncomb)

    e2d, p = _sc_round1(ed3, nt_pad, table, np_pad, rt)
    for _ in range(k_rounds - 2):
        a = _tc_reduce(p, np_pad)
        p = _sc_round(sd2, e2d, a, np_pad, rt)
    a = _tc_reduce(p, np_pad)
    p = _sc_round(sd2, e2d, a, np_pad, rt)

    proots = (p.reshape(TILES, np_pad)[:, :n]
              .reshape(TILES, b, nn)[:, :, 0])
    return _tc_post(proots, qc,
                    reg_W0, reg_b0, reg_g, reg_be, reg_W1, reg_b1)

# --- scband reference (transcript-rebuilt; emitter-appended) ---
"""Pipeline reference for scband-ham-qa-38534446580442 (READ-ONLY COPY).

The authoritative reference and input builder live on the scoring server;
editing this copy changes nothing except your own understanding.
"""

import jax, jax.numpy as jnp
import numpy as np

B = 50
NN = 1000
N = B * NN
E = 1600000
NET = 38
NNT = 4
H = 64
SD = 1024
FC = 64
K = 4


def _ln(x, g, b):
    m = x.mean(-1, keepdims=True)
    v = x.var(-1, keepdims=True)
    return (x - m) / jnp.sqrt(v + 1e-5) * g + b


def _mlp(x, W0, b0, g, be, W1, b1):
    h = x @ W0 + b0
    h = _ln(h, g, be)
    h = jax.nn.gelu(h)
    return h @ W1 + b1


def setup_inputs(seed: int = 0):
    key = jax.random.key(seed)
    ks = jax.random.split(key, 24)
    D = NET + 2 * NNT
    inp = {}
    inp['sent_vecs'] = jax.random.normal(ks[0], (B, SD), dtype=jnp.float32)
    inp['concept_ids'] = jax.random.randint(ks[1], (B, NN), 0, 100000)
    inp['node_type_ids'] = jax.random.randint(ks[2], (B, NN), 0, NNT)
    inp['edge_index'] = jax.random.randint(ks[3], (2, E), 0, N)
    inp['edge_type'] = jax.random.randint(ks[4], (E,), 0, NET)
    # edge_encoder MLP params (D -> H -> 1, layer_norm)
    inp['ee_W0'] = (jax.random.normal(ks[5], (D, H)) * 0.02).astype(jnp.float32)
    inp['ee_b0'] = jnp.zeros((H,), jnp.float32)
    inp['ee_g'] = jnp.ones((H,), jnp.float32)
    inp['ee_be'] = jnp.zeros((H,), jnp.float32)
    inp['ee_W1'] = (jax.random.normal(ks[6], (H, 1)) * 0.02).astype(jnp.float32)
    inp['ee_b1'] = jnp.zeros((1,), jnp.float32)
    # regulator MLP params (1 -> H -> 1, layer_norm)
    inp['reg_W0'] = (jax.random.normal(ks[7], (1, H)) * 0.02).astype(jnp.float32)
    inp['reg_b0'] = jnp.zeros((H,), jnp.float32)
    inp['reg_g'] = jnp.ones((H,), jnp.float32)
    inp['reg_be'] = jnp.zeros((H,), jnp.float32)
    inp['reg_W1'] = (jax.random.normal(ks[8], (H, 1)) * 0.02).astype(jnp.float32)
    inp['reg_b1'] = jnp.zeros((1,), jnp.float32)
    # fc MLP params (SD -> FC -> 1, layer_norm)
    inp['fc_W0'] = (jax.random.normal(ks[9], (SD, FC)) * 0.02).astype(jnp.float32)
    inp['fc_b0'] = jnp.zeros((FC,), jnp.float32)
    inp['fc_g'] = jnp.ones((FC,), jnp.float32)
    inp['fc_be'] = jnp.zeros((FC,), jnp.float32)
    inp['fc_W1'] = (jax.random.normal(ks[10], (FC, 1)) * 0.02).astype(jnp.float32)
    inp['fc_b1'] = jnp.zeros((1,), jnp.float32)
    return inp


def reference(sent_vecs, concept_ids, node_type_ids, edge_index, edge_type,
              ee_W0, ee_b0, ee_g, ee_be, ee_W1, ee_b1,
              reg_W0, reg_b0, reg_g, reg_be, reg_W1, reg_b1,
              fc_W0, fc_b0, fc_g, fc_be, fc_W1, fc_b1):
    # get_graph_edge_embedding
    edge_vec = jax.nn.one_hot(edge_type, NET, dtype=jnp.float32)
    node_type = node_type_ids.reshape(-1)
    head_type = node_type[edge_index[0]]
    tail_type = node_type[edge_index[1]]
    head_vec = jax.nn.one_hot(head_type, NNT, dtype=jnp.float32)
    tail_vec = jax.nn.one_hot(tail_type, NNT, dtype=jnp.float32)
    feat = jnp.concatenate([edge_vec, head_vec, tail_vec], axis=1)
    edge_embeddings = jax.nn.sigmoid(_mlp(feat, ee_W0, ee_b0, ee_g, ee_be, ee_W1, ee_b1))  # [E,1]
    # k rounds of add-aggregation message passing
    src = edge_index[0]
    dst = edge_index[1]
    aggr_out = jnp.zeros((N, 1), jnp.float32)
    for _ in range(K):
        msg = aggr_out[src] + edge_embeddings
        aggr_out = jax.ops.segment_sum(msg, dst, num_segments=N)
    graph_out = _mlp(aggr_out, reg_W0, reg_b0, reg_g, reg_be, reg_W1, reg_b1)
    graph_out = graph_out.reshape(B, NN, -1)
    graph_message = graph_out[:, 0]  # [B,1]
    question_context = _mlp(sent_vecs, fc_W0, fc_b0, fc_g, fc_be, fc_W1, fc_b1)  # [B,1]
    return question_context + graph_message

if __name__ == "__main__":
    import jax
    _d = setup_inputs()
    print(jax.jit(kernel)(*tuple(_d.values())))

</pallas_src>

<mosaic_0001>
#map = affine_map<(d0, d1) -> (0, 0)>
#map1 = affine_map<(d0, d1) -> (0)>
module attributes {stable_mosaic.version = 14 : i64} {
  func.func @k(%arg0: i32, %arg1: i32, %arg2: memref<25600x128xi32, #tpu.memory_space<hbm>>, %arg3: memref<12800x128xf32, #tpu.memory_space<hbm>>, %arg4: memref<50048xf32, #tpu.memory_space<hbm>>, %arg5: memref<1601536xf32, #tpu.memory_space<hbm>>, %arg6: memref<50048xf32, #tpu.memory_space<vmem>>, %arg7: memref<50048xf32, #tpu.memory_space<vmem>>, %arg8: memref<32x128xi32, #tpu.memory_space<vmem>>, %arg9: memref<16x128xf32, #tpu.memory_space<vmem>>, %arg10: memref<!tpu.dma_semaphore, #tpu.memory_space<semaphore_mem>>, %arg11: memref<!tpu.dma_semaphore, #tpu.memory_space<semaphore_mem>>, %arg12: memref<!tpu.dma_semaphore, #tpu.memory_space<semaphore_mem>>) attributes {dimension_semantics = [#tpu.dimension_semantics<core_parallel>, #tpu.dimension_semantics<subcore_parallel>], iteration_bounds = array<i64: 2, 16>, scalar_prefetch = 0 : i64, scratch_operands = 7 : i64, tpu.core_type = #tpu.core_type<sc_vector_subcore>, window_params = [{transform_indices = #map}, {transform_indices = #map}, {transform_indices = #map1}, {transform_indices = #map1}]} {
    %mul3A = arith.constant 16 : i32
    %mul3A_0 = arith.muli %arg0, %mul3A : i32
    %add3A = arith.addi %mul3A_0, %arg1 : i32
    %mul3A_1 = arith.constant 400 : i32
    %mul3A_2 = arith.muli %add3A, %mul3A_1 : i32
    tpu.enqueue_dma source(%arg4 : memref<50048xf32, #tpu.memory_space<hbm>>) target(%arg6 : memref<50048xf32, #tpu.memory_space<vmem>>) target_semaphore(%arg10 : memref<!tpu.dma_semaphore, #tpu.memory_space<semaphore_mem>>)
    %mul3A_3 = arith.constant 2 : i32
    %mul3A_4 = arith.muli %mul3A_2, %mul3A_3 : i32
    %dma_start3A = arith.constant 0 : i32
    %dma_start3A_5 = arith.constant 0 : i32
    %dma_start3A_6 = tpu.memref_slice %arg8[%dma_start3A, %dma_start3A_5] : memref<32x128xi32, #tpu.memory_space<vmem>> -> memref<16x128xi32, #tpu.memory_space<vmem>>
    %dma_start3A_7 = arith.constant 0 : i32
    %dma_start3A_8 = tpu.memref_slice %arg2[%mul3A_4, %dma_start3A_7] : memref<25600x128xi32, #tpu.memory_space<hbm>> -> memref<16x128xi32, #tpu.memory_space<hbm>>
    %dma_start3A_9 = arith.constant 0 : i32
    %dma_start3A_10 = arith.constant 0 : i32
    %dma_start3A_11 = tpu.memref_slice %arg8[%dma_start3A_9, %dma_start3A_10] : memref<32x128xi32, #tpu.memory_space<vmem>> -> memref<16x128xi32, #tpu.memory_space<vmem>>
    %dma_start3A_12 = arith.constant 0 : i32
    %dma_start3A_13 = tpu.memref_slice %arg2[%mul3A_4, %dma_start3A_12] : memref<25600x128xi32, #tpu.memory_space<hbm>> -> memref<16x128xi32, #tpu.memory_space<hbm>>
    tpu.enqueue_dma source(%dma_start3A_13 : memref<16x128xi32, #tpu.memory_space<hbm>>) target(%dma_start3A_11 : memref<16x128xi32, #tpu.memory_space<vmem>>) target_semaphore(%arg11 : memref<!tpu.dma_semaphore, #tpu.memory_space<semaphore_mem>>)
    %dma_start3A_14 = arith.constant 0 : i32
    %dma_start3A_15 = arith.constant 0 : i32
    %dma_start3A_16 = tpu.memref_slice %arg9[%dma_start3A_14, %dma_start3A_15] : memref<16x128xf32, #tpu.memory_space<vmem>> -> memref<8x128xf32, #tpu.memory_space<vmem>>
    %dma_start3A_17 = arith.constant 0 : i32
    %dma_start3A_18 = tpu.memref_slice %arg3[%mul3A_2, %dma_start3A_17] : memref<12800x128xf32, #tpu.memory_space<hbm>> -> memref<8x128xf32, #tpu.memory_space<hbm>>
    %dma_start3A_19 = arith.constant 0 : i32
    %dma_start3A_20 = arith.constant 0 : i32
    %dma_start3A_21 = tpu.memref_slice %arg9[%dma_start3A_19, %dma_start3A_20] : memref<16x128xf32, #tpu.memory_space<vmem>> -> memref<8x128xf32, #tpu.memory_space<vmem>>
    %dma_start3A_22 = arith.constant 0 : i32
    %dma_start3A_23 = tpu.memref_slice %arg3[%mul3A_2, %dma_start3A_22] : memref<12800x128xf32, #tpu.memory_space<hbm>> -> memref<8x128xf32, #tpu.memory_space<hbm>>
    tpu.enqueue_dma source(%dma_start3A_23 : memref<8x128xf32, #tpu.memory_space<hbm>>) target(%dma_start3A_21 : memref<8x128xf32, #tpu.memory_space<vmem>>) target_semaphore(%arg11 : memref<!tpu.dma_semaphore, #tpu.memory_space<semaphore_mem>>)
    %scan3A = arith.constant 0 : i32
    %scan3A_24 = arith.constant 0 : i32
    %scan3A_25 = arith.constant 3128 : i32
    %scan3A_26 = arith.addi %scan3A_24, %scan3A_25 : i32
    %scan3A_27 = arith.constant 1 : i32
    scf.for %scan3A_37 = %scan3A_24 to %scan3A_26 step %scan3A_27  : i32 {
      %broadcast_in_dim3A = arith.constant 0.000000e+00 : f32
      %broadcast_in_dim3A_38 = vector.broadcast %broadcast_in_dim3A : f32 to vector<16xf32>
      %mul3A_39 = arith.constant 16 : i32
      %mul3A_40 = arith.muli %scan3A_37, %mul3A_39 : i32
      %swap3A = arith.index_cast %mul3A_40 : i32 to index
      %swap3A_41 = tpu.vector_load %arg7[%swap3A] {strides = array<i32>} : memref<50048xf32, #tpu.memory_space<vmem>>, vector<16xf32>,
      tpu.vector_store %arg7[%swap3A], %broadcast_in_dim3A_38 {strides = array<i32>} : memref<50048xf32, #tpu.memory_space<vmem>>, vector<16xf32>,
    }
    %scan3A_28 = arith.constant 3128 : i32
    tpu.wait_dma2 semaphore(%arg10 : memref<!tpu.dma_semaphore, #tpu.memory_space<semaphore_mem>>) src(%arg4 : memref<50048xf32, #tpu.memory_space<hbm>>) dst(%arg6 : memref<50048xf32, #tpu.memory_space<vmem>>)
    %scan3A_29 = arith.constant 0 : i32
    %scan3A_30 = arith.constant 0 : i32
    %scan3A_31 = arith.constant 25 : i32
    %scan3A_32 = arith.addi %scan3A_30, %scan3A_31 : i32
    %scan3A_33 = arith.constant 1 : i32
    scf.for %scan3A_37 = %scan3A_30 to %scan3A_32 step %scan3A_33  : i32 {
      %mul3A_38 = arith.constant 2 : i32
      %mul3A_39 = arith.muli %scan3A_37, %mul3A_38 : i32
      %add3A_40 = arith.constant 0 : i32
      %add3A_41 = arith.addi %mul3A_39, %add3A_40 : i32
      %mul3A_42 = arith.constant 8 : i32
      %mul3A_43 = arith.muli %add3A_41, %mul3A_42 : i32
      %add3A_44 = arith.addi %mul3A_2, %mul3A_43 : i32
      %add3A_45 = arith.constant 1 : i32
      %add3A_46 = arith.addi %add3A_41, %add3A_45 : i32
      %lt3A = arith.constant 50 : i32
      %lt3A_47 = arith.cmpi slt, %add3A_46, %lt3A : i32
      %convert_element_type3A = arith.extui %lt3A_47 : i1 to i32
      %cond3A = arith.constant 0 : i32
      %cond3A_48 = arith.cmpi ne, %convert_element_type3A, %cond3A : i32
      scf.if %cond3A_48 {
        %add3A_118 = arith.constant 8 : i32
        %add3A_119 = arith.addi %add3A_44, %add3A_118 : i32
        %mul3A_120 = arith.constant 2 : i32
        %mul3A_121 = arith.muli %add3A_119, %mul3A_120 : i32
        %dma_start3A_122 = arith.constant 16 : i32
        %dma_start3A_123 = arith.constant 0 : i32
        %dma_start3A_124 = tpu.memref_slice %arg8[%dma_start3A_122, %dma_start3A_123] : memref<32x128xi32, #tpu.memory_space<vmem>> -> memref<16x128xi32, #tpu.memory_space<vmem>>
        %dma_start3A_125 = arith.constant 0 : i32
        %dma_start3A_126 = tpu.memref_slice %arg2[%mul3A_121, %dma_start3A_125] : memref<25600x128xi32, #tpu.memory_space<hbm>> -> memref<16x128xi32, #tpu.memory_space<hbm>>
        %dma_start3A_127 = arith.constant 16 : i32
        %dma_start3A_128 = arith.constant 0 : i32
        %dma_start3A_129 = tpu.memref_slice %arg8[%dma_start3A_127, %dma_start3A_128] : memref<32x128xi32, #tpu.memory_space<vmem>> -> memref<16x128xi32, #tpu.memory_space<vmem>>
        %dma_start3A_130 = arith.constant 0 : i32
        %dma_start3A_131 = tpu.memref_slice %arg2[%mul3A_121, %dma_start3A_130] : memref<25600x128xi32, #tpu.memory_space<hbm>> -> memref<16x128xi32, #tpu.memory_space<hbm>>
        tpu.enqueue_dma source(%dma_start3A_131 : memref<16x128xi32, #tpu.memory_space<hbm>>) target(%dma_start3A_129 : memref<16x128xi32, #tpu.memory_space<vmem>>) target_semaphore(%arg12 : memref<!tpu.dma_semaphore, #tpu.memory_space<semaphore_mem>>)
        %add3A_132 = arith.constant 8 : i32
        %add3A_133 = arith.addi %add3A_44, %add3A_132 : i32
        %dma_start3A_134 = arith.constant 8 : i32
        %dma_start3A_135 = arith.constant 0 : i32
        %dma_start3A_136 = tpu.memref_slice %arg9[%dma_start3A_134, %dma_start3A_135] : memref<16x128xf32, #tpu.memory_space<vmem>> -> memref<8x128xf32, #tpu.memory_space<vmem>>
        %dma_start3A_137 = arith.constant 0 : i32
        %dma_start3A_138 = tpu.memref_slice %arg3[%add3A_133, %dma_start3A_137] : memref<12800x128xf32, #tpu.memory_space<hbm>> -> memref<8x128xf32, #tpu.memory_space<hbm>>
        %dma_start3A_139 = arith.constant 8 : i32
        %dma_start3A_140 = arith.constant 0 : i32
        %dma_start3A_141 = tpu.memref_slice %arg9[%dma_start3A_139, %dma_start3A_140] : memref<16x128xf32, #tpu.memory_space<vmem>> -> memref<8x128xf32, #tpu.memory_space<vmem>>
        %dma_start3A_142 = arith.constant 0 : i32
        %dma_start3A_143 = tpu.memref_slice %arg3[%add3A_133, %dma_start3A_142] : memref<12800x128xf32, #tpu.memory_space<hbm>> -> memref<8x128xf32, #tpu.memory_space<hbm>>
        tpu.enqueue_dma source(%dma_start3A_143 : memref<8x128xf32, #tpu.memory_space<hbm>>) target(%dma_start3A_141 : memref<8x128xf32, #tpu.memory_space<vmem>>) target_semaphore(%arg12 : memref<!tpu.dma_semaphore, #tpu.memory_space<semaphore_mem>>)
      } else {
      }
      %mul3A_49 = arith.constant 2 : i32
      %mul3A_50 = arith.muli %add3A_44, %mul3A_49 : i32
      %dma_wait3A = arith.constant 0 : i32
      %dma_wait3A_51 = arith.constant 0 : i32
      %dma_wait3A_52 = tpu.memref_slice %arg8[%dma_wait3A, %dma_wait3A_51] : memref<32x128xi32, #tpu.memory_space<vmem>> -> memref<16x128xi32, #tpu.memory_space<vmem>>
      %dma_wait3A_53 = arith.constant 0 : i32
      %dma_wait3A_54 = tpu.memref_slice %arg2[%mul3A_50, %dma_wait3A_53] : memref<25600x128xi32, #tpu.memory_space<hbm>> -> memref<16x128xi32, #tpu.memory_space<hbm>>
      %dma_wait3A_55 = arith.constant 0 : i32
      %dma_wait3A_56 = arith.constant 0 : i32
      %dma_wait3A_57 = tpu.memref_slice %arg8[%dma_wait3A_55, %dma_wait3A_56] : memref<32x128xi32, #tpu.memory_space<vmem>> -> memref<16x128xi32, #tpu.memory_space<vmem>>
      %dma_wait3A_58 = arith.constant 0 : i32
      %dma_wait3A_59 = tpu.memref_slice %arg2[%mul3A_50, %dma_wait3A_58] : memref<25600x128xi32, #tpu.memory_space<hbm>> -> memref<16x128xi32, #tpu.memory_space<hbm>>
      tpu.wait_dma2 semaphore(%arg11 : memref<!tpu.dma_semaphore, #tpu.memory_space<semaphore_mem>>) src(%dma_wait3A_59 : memref<16x128xi32, #tpu.memory_space<hbm>>) dst(%dma_wait3A_57 : memref<16x128xi32, #tpu.memory_space<vmem>>)
      %dma_wait3A_60 = arith.constant 0 : i32
      %dma_wait3A_61 = arith.constant 0 : i32
      %dma_wait3A_62 = tpu.memref_slice %arg9[%dma_wait3A_60, %dma_wait3A_61] : memref<16x128xf32, #tpu.memory_space<vmem>> -> memref<8x128xf32, #tpu.memory_space<vmem>>
      %dma_wait3A_63 = arith.constant 0 : i32
      %dma_wait3A_64 = tpu.memref_slice %arg3[%add3A_44, %dma_wait3A_63] : memref<12800x128xf32, #tpu.memory_space<hbm>> -> memref<8x128xf32, #tpu.memory_space<hbm>>
      %dma_wait3A_65 = arith.constant 0 : i32
      %dma_wait3A_66 = arith.constant 0 : i32
      %dma_wait3A_67 = tpu.memref_slice %arg9[%dma_wait3A_65, %dma_wait3A_66] : memref<16x128xf32, #tpu.memory_space<vmem>> -> memref<8x128xf32, #tpu.memory_space<vmem>>
      %dma_wait3A_68 = arith.constant 0 : i32
      %dma_wait3A_69 = tpu.memref_slice %arg3[%add3A_44, %dma_wait3A_68] : memref<12800x128xf32, #tpu.memory_space<hbm>> -> memref<8x128xf32, #tpu.memory_space<hbm>>
      tpu.wait_dma2 semaphore(%arg11 : memref<!tpu.dma_semaphore, #tpu.memory_space<semaphore_mem>>) src(%dma_wait3A_69 : memref<8x128xf32, #tpu.memory_space<hbm>>) dst(%dma_wait3A_67 : memref<8x128xf32, #tpu.memory_space<vmem>>)
      %scan3A_70 = arith.constant 0 : i32
      %scan3A_71 = arith.constant 0 : i32
      %scan3A_72 = arith.constant 4 : i32
      %scan3A_73 = arith.addi %scan3A_71, %scan3A_72 : i32
      %scan3A_74 = arith.constant 1 : i32
      scf.for %scan3A_118 = %scan3A_71 to %scan3A_73 step %scan3A_74  : i32 {
        %mul3A_119 = arith.constant 2 : i32
        %mul3A_120 = arith.muli %scan3A_118, %mul3A_119 : i32
        %add3A_121 = arith.constant 0 : i32
        %add3A_122 = arith.addi %add3A_121, %mul3A_120 : i32
        %add3A_123 = arith.constant 0 : i32
        %add3A_124 = arith.addi %add3A_122, %add3A_123 : i32
        %mul3A_125 = arith.constant 2 : i32
        %mul3A_126 = arith.muli %add3A_124, %mul3A_125 : i32
        %mul3A_127 = arith.constant 2 : i32
        %mul3A_128 = arith.muli %scan3A_118, %mul3A_127 : i32
        %add3A_129 = arith.constant 0 : i32
        %add3A_130 = arith.addi %add3A_129, %mul3A_128 : i32
        %add3A_131 = arith.constant 0 : i32
        %add3A_132 = arith.addi %add3A_130, %add3A_131 : i32
        %get3A = arith.index_cast %mul3A_126 : i32 to index
        %get3A_133 = arith.constant 0 : index
        %get3A_134 = tpu.vector_load %arg8[%get3A, %get3A_133] {strides = array<i32>} : memref<32x128xi32, #tpu.memory_space<vmem>>, vector<16xi32>,
        %add3A_135 = arith.constant 1 : i32
        %add3A_136 = arith.addi %mul3A_126, %add3A_135 : i32
        %get3A_137 = arith.index_cast %add3A_136 : i32 to index
        %get3A_138 = arith.constant 0 : index
        %get3A_139 = tpu.vector_load %arg8[%get3A_137, %get3A_138] {strides = array<i32>} : memref<32x128xi32, #tpu.memory_space<vmem>>, vector<16xi32>,
        %gather3A = tpu.vector_load_idx %arg6[%get3A_134] : memref<50048xf32, #tpu.memory_space<vmem>>[vector<16xi32>], vector<16xf32>,
        %get3A_140 = arith.index_cast %add3A_132 : i32 to index
        %get3A_141 = arith.constant 0 : index
        %get3A_142 = tpu.vector_load %arg9[%get3A_140, %get3A_141] {strides = array<i32>} : memref<16x128xf32, #tpu.memory_space<vmem>>, vector<16xf32>,
        %add3A_143 = arith.addf %gather3A, %get3A_142 : vector<16xf32>
        tpu.vector_store_idx %arg7[%get3A_139], %add3A_143 {add = true} : memref<50048xf32, #tpu.memory_space<vmem>>[vector<16xi32>], vector<16xf32>,
        %get3A_144 = arith.index_cast %mul3A_126 : i32 to index
        %get3A_145 = arith.constant 16 : index
        %get3A_146 = tpu.vector_load %arg8[%get3A_144, %get3A_145] {strides = array<i32>} : memref<32x128xi32, #tpu.memory_space<vmem>>, vector<16xi32>,
        %add3A_147 = arith.constant 1 : i32
        %add3A_148 = arith.addi %mul3A_126, %add3A_147 : i32
        %get3A_149 = arith.index_cast %add3A_148 : i32 to index
        %get3A_150 = arith.constant 16 : index
        %get3A_151 = tpu.vector_load %arg8[%get3A_149, %get3A_150] {strides = array<i32>} : memref<32x128xi32, #tpu.memory_space<vmem>>, vector<16xi32>,
        %gather3A_152 = tpu.vector_load_idx %arg6[%get3A_146] : memref<50048xf32, #tpu.memory_space<vmem>>[vector<16xi32>], vector<16xf32>,
        %get3A_153 = arith.index_cast %add3A_132 : i32 to index
        %get3A_154 = arith.constant 16 : index
        %get3A_155 = tpu.vector_load %arg9[%get3A_153, %get3A_154] {strides = array<i32>} : memref<16x128xf32, #tpu.memory_space<vmem>>, vector<16xf32>,
        %add3A_156 = arith.addf %gather3A_152, %get3A_155 : vector<16xf32>
        tpu.vector_store_idx %arg7[%get3A_151], %add3A_156 {add = true} : memref<50048xf32, #tpu.memory_space<vmem>>[vector<16xi32>], vector<16xf32>,
        %get3A_157 = arith.index_cast %mul3A_126 : i32 to index
        %get3A_158 = arith.constant 32 : index
        %get3A_159 = tpu.vector_load %arg8[%get3A_157, %get3A_158] {strides = array<i32>} : memref<32x128xi32, #tpu.memory_space<vmem>>, vector<16xi32>,
        %add3A_160 = arith.constant 1 : i32
        %add3A_161 = arith.addi %mul3A_126, %add3A_160 : i32
        %get3A_162 = arith.index_cast %add3A_161 : i32 to index
        %get3A_163 = arith.constant 32 : index
        %get3A_164 = tpu.vector_load %arg8[%get3A_162, %get3A_163] {strides = array<i32>} : memref<32x128xi32, #tpu.memory_space<vmem>>, vector<16xi32>,
        %gather3A_165 = tpu.vector_load_idx %arg6[%get3A_159] : memref<50048xf32, #tpu.memory_space<vmem>>[vector<16xi32>], vector<16xf32>,
        %get3A_166 = arith.index_cast %add3A_132 : i32 to index
        %get3A_167 = arith.constant 32 : index
        %get3A_168 = tpu.vector_load %arg9[%get3A_166, %get3A_167] {strides = array<i32>} : memref<16x128xf32, #tpu.memory_space<vmem>>, vector<16xf32>,
        %add3A_169 = arith.addf %gather3A_165, %get3A_168 : vector<16xf32>
        tpu.vector_store_idx %arg7[%get3A_164], %add3A_169 {add = true} : memref<50048xf32, #tpu.memory_space<vmem>>[vector<16xi32>], vector<16xf32>,
        %get3A_170 = arith.index_cast %mul3A_126 : i32 to index
        %get3A_171 = arith.constant 48 : index
        %get3A_172 = tpu.vector_load %arg8[%get3A_170, %get3A_171] {strides = array<i32>} : memref<32x128xi32, #tpu.memory_space<vmem>>, vector<16xi32>,
        %add3A_173 = arith.constant 1 : i32
        %add3A_174 = arith.addi %mul3A_126, %add3A_173 : i32
        %get3A_175 = arith.index_cast %add3A_174 : i32 to index
        %get3A_176 = arith.constant 48 : index
        %get3A_177 = tpu.vector_load %arg8[%get3A_175, %get3A_176] {strides = array<i32>} : memref<32x128xi32, #tpu.memory_space<vmem>>, vector<16xi32>,
        %gather3A_178 = tpu.vector_load_idx %arg6[%get3A_172] : memref<50048xf32, #tpu.memory_space<vmem>>[vector<16xi32>], vector<16xf32>,
        %get3A_179 = arith.index_cast %add3A_132 : i32 to index
        %get3A_180 = arith.constant 48 : index
        %get3A_181 = tpu.vector_load %arg9[%get3A_179, %get3A_180] {strides = array<i32>} : memref<16x128xf32, #tpu.memory_space<vmem>>, vector<16xf32>,
        %add3A_182 = arith.addf %gather3A_178, %get3A_181 : vector<16xf32>
        tpu.vector_store_idx %arg7[%get3A_177], %add3A_182 {add = true} : memref<50048xf32, #tpu.memory_space<vmem>>[vector<16xi32>], vector<16xf32>,
        %get3A_183 = arith.index_cast %mul3A_126 : i32 to index
        %get3A_184 = arith.constant 64 : index
        %get3A_185 = tpu.vector_load %arg8[%get3A_183, %get3A_184] {strides = array<i32>} : memref<32x128xi32, #tpu.memory_space<vmem>>, vector<16xi32>,
        %add3A_186 = arith.constant 1 : i32
        %add3A_187 = arith.addi %mul3A_126, %add3A_186 : i32
        %get3A_188 = arith.index_cast %add3A_187 : i32 to index
        %get3A_189 = arith.constant 64 : index
        %get3A_190 = tpu.vector_load %arg8[%get3A_188, %get3A_189] {strides = array<i32>} : memref<32x128xi32, #tpu.memory_space<vmem>>, vector<16xi32>,
        %gather3A_191 = tpu.vector_load_idx %arg6[%get3A_185] : memref<50048xf32, #tpu.memory_space<vmem>>[vector<16xi32>], vector<16xf32>,
        %get3A_192 = arith.index_cast %add3A_132 : i32 to index
        %get3A_193 = arith.constant 64 : index
        %get3A_194 = tpu.vector_load %arg9[%get3A_192, %get3A_193] {strides = array<i32>} : memref<16x128xf32, #tpu.memory_space<vmem>>, vector<16xf32>,
        %add3A_195 = arith.addf %gather3A_191, %get3A_194 : vector<16xf32>
        tpu.vector_store_idx %arg7[%get3A_190], %add3A_195 {add = true} : memref<50048xf32, #tpu.memory_space<vmem>>[vector<16xi32>], vector<16xf32>,
        %get3A_196 = arith.index_cast %mul3A_126 : i32 to index
        %get3A_197 = arith.constant 80 : index
        %get3A_198 = tpu.vector_load %arg8[%get3A_196, %get3A_197] {strides = array<i32>} : memref<32x128xi32, #tpu.memory_space<vmem>>, vector<16xi32>,
        %add3A_199 = arith.constant 1 : i32
        %add3A_200 = arith.addi %mul3A_126, %add3A_199 : i32
        %get3A_201 = arith.index_cast %add3A_200 : i32 to index
        %get3A_202 = arith.constant 80 : index
        %get3A_203 = tpu.vector_load %arg8[%get3A_201, %get3A_202] {strides = array<i32>} : memref<32x128xi32, #tpu.memory_space<vmem>>, vector<16xi32>,
        %gather3A_204 = tpu.vector_load_idx %arg6[%get3A_198] : memref<50048xf32, #tpu.memory_space<vmem>>[vector<16xi32>], vector<16xf32>,
        %get3A_205 = arith.index_cast %add3A_132 : i32 to index
        %get3A_206 = arith.constant 80 : index
        %get3A_207 = tpu.vector_load %arg9[%get3A_205, %get3A_206] {strides = array<i32>} : memref<16x128xf32, #tpu.memory_space<vmem>>, vector<16xf32>,
        %add3A_208 = arith.addf %gather3A_204, %get3A_207 : vector<16xf32>
        tpu.vector_store_idx %arg7[%get3A_203], %add3A_208 {add = true} : memref<50048xf32, #tpu.memory_space<vmem>>[vector<16xi32>], vector<16xf32>,
        %get3A_209 = arith.index_cast %mul3A_126 : i32 to index
        %get3A_210 = arith.constant 96 : index
        %get3A_211 = tpu.vector_load %arg8[%get3A_209, %get3A_210] {strides = array<i32>} : memref<32x128xi32, #tpu.memory_space<vmem>>, vector<16xi32>,
        %add3A_212 = arith.constant 1 : i32
        %add3A_213 = arith.addi %mul3A_126, %add3A_212 : i32
        %get3A_214 = arith.index_cast %add3A_213 : i32 to index
        %get3A_215 = arith.constant 96 : index
        %get3A_216 = tpu.vector_load %arg8[%get3A_214, %get3A_215] {strides = array<i32>} : memref<32x128xi32, #tpu.memory_space<vmem>>, vector<16xi32>,
        %gather3A_217 = tpu.vector_load_idx %arg6[%get3A_211] : memref<50048xf32, #tpu.memory_space<vmem>>[vector<16xi32>], vector<16xf32>,
        %get3A_218 = arith.index_cast %add3A_132 : i32 to index
        %get3A_219 = arith.constant 96 : index
        %get3A_220 = tpu.vector_load %arg9[%get3A_218, %get3A_219] {strides = array<i32>} : memref<16x128xf32, #tpu.memory_space<vmem>>, vector<16xf32>,
        %add3A_221 = arith.addf %gather3A_217, %get3A_220 : vector<16xf32>
        tpu.vector_store_idx %arg7[%get3A_216], %add3A_221 {add = true} : memref<50048xf32, #tpu.memory_space<vmem>>[vector<16xi32>], vector<16xf32>,
        %get3A_222 = arith.index_cast %mul3A_126 : i32 to index
        %get3A_223 = arith.constant 112 : index
        %get3A_224 = tpu.vector_load %arg8[%get3A_222, %get3A_223] {strides = array<i32>} : memref<32x128xi32, #tpu.memory_space<vmem>>, vector<16xi32>,
        %add3A_225 = arith.constant 1 : i32
        %add3A_226 = arith.addi %mul3A_126, %add3A_225 : i32
        %get3A_227 = arith.index_cast %add3A_226 : i32 to index
        %get3A_228 = arith.constant 112 : index
        %get3A_229 = tpu.vector_load %arg8[%get3A_227, %get3A_228] {strides = array<i32>} : memref<32x128xi32, #tpu.memory_space<vmem>>, vector<16xi32>,
        %gather3A_230 = tpu.vector_load_idx %arg6[%get3A_224] : memref<50048xf32, #tpu.memory_space<vmem>>[vector<16xi32>], vector<16xf32>,
        %get3A_231 = arith.index_cast %add3A_132 : i32 to index
        %get3A_232 = arith.constant 112 : index
        %get3A_233 = tpu.vector_load %arg9[%get3A_231, %get3A_232] {strides = array<i32>} : memref<16x128xf32, #tpu.memory_space<vmem>>, vector<16xf32>,
        %add3A_234 = arith.addf %gather3A_230, %get3A_233 : vector<16xf32>
        tpu.vector_store_idx %arg7[%get3A_229], %add3A_234 {add = true} : memref<50048xf32, #tpu.memory_space<vmem>>[vector<16xi32>], vector<16xf32>,
        %mul3A_235 = arith.constant 2 : i32
        %mul3A_236 = arith.muli %scan3A_118, %mul3A_235 : i32
        %add3A_237 = arith.constant 0 : i32
        %add3A_238 = arith.addi %add3A_237, %mul3A_236 : i32
        %add3A_239 = arith.constant 1 : i32
        %add3A_240 = arith.addi %add3A_238, %add3A_239 : i32
        %mul3A_241 = arith.constant 2 : i32
        %mul3A_242 = arith.muli %add3A_240, %mul3A_241 : i32
        %mul3A_243 = arith.constant 2 : i32
        %mul3A_244 = arith.muli %scan3A_118, %mul3A_243 : i32
        %add3A_245 = arith.constant 0 : i32
        %add3A_246 = arith.addi %add3A_245, %mul3A_244 : i32
        %add3A_247 = arith.constant 1 : i32
        %add3A_248 = arith.addi %add3A_246, %add3A_247 : i32
        %get3A_249 = arith.index_cast %mul3A_242 : i32 to index
        %get3A_250 = arith.constant 0 : index
        %get3A_251 = tpu.vector_load %arg8[%get3A_249, %get3A_250] {strides = array<i32>} : memref<32x128xi32, #tpu.memory_space<vmem>>, vector<16xi32>,
        %add3A_252 = arith.constant 1 : i32
        %add3A_253 = arith.addi %mul3A_242, %add3A_252 : i32
        %get3A_254 = arith.index_cast %add3A_253 : i32 to index
        %get3A_255 = arith.constant 0 : index
        %get3A_256 = tpu.vector_load %arg8[%get3A_254, %get3A_255] {strides = array<i32>} : memref<32x128xi32, #tpu.memory_space<vmem>>, vector<16xi32>,
        %gather3A_257 = tpu.vector_load_idx %arg6[%get3A_251] : memref<50048xf32, #tpu.memory_space<vmem>>[vector<16xi32>], vector<16xf32>,
        %get3A_258 = arith.index_cast %add3A_248 : i32 to index
        %get3A_259 = arith.constant 0 : index
        %get3A_260 = tpu.vector_load %arg9[%get3A_258, %get3A_259] {strides = array<i32>} : memref<16x128xf32, #tpu.memory_space<vmem>>, vector<16xf32>,
        %add3A_261 = arith.addf %gather3A_257, %get3A_260 : vector<16xf32>
        tpu.vector_store_idx %arg7[%get3A_256], %add3A_261 {add = true} : memref<50048xf32, #tpu.memory_space<vmem>>[vector<16xi32>], vector<16xf32>,
        %get3A_262 = arith.index_cast %mul3A_242 : i32 to index
        %get3A_263 = arith.constant 16 : index
        %get3A_264 = tpu.vector_load %arg8[%get3A_262, %get3A_263] {strides = array<i32>} : memref<32x128xi32, #tpu.memory_space<vmem>>, vector<16xi32>,
        %add3A_265 = arith.constant 1 : i32
        %add3A_266 = arith.addi %mul3A_242, %add3A_265 : i32
        %get3A_267 = arith.index_cast %add3A_266 : i32 to index
        %get3A_268 = arith.constant 16 : index
        %get3A_269 = tpu.vector_load %arg8[%get3A_267, %get3A_268] {strides = array<i32>} : memref<32x128xi32, #tpu.memory_space<vmem>>, vector<16xi32>,
        %gather3A_270 = tpu.vector_load_idx %arg6[%get3A_264] : memref<50048xf32, #tpu.memory_space<vmem>>[vector<16xi32>], vector<16xf32>,
        %get3A_271 = arith.index_cast %add3A_248 : i32 to index
        %get3A_272 = arith.constant 16 : index
        %get3A_273 = tpu.vector_load %arg9[%get3A_271, %get3A_272] {strides = array<i32>} : memref<16x128xf32, #tpu.memory_space<vmem>>, vector<16xf32>,
        %add3A_274 = arith.addf %gather3A_270, %get3A_273 : vector<16xf32>
        tpu.vector_store_idx %arg7[%get3A_269], %add3A_274 {add = true} : memref<50048xf32, #tpu.memory_space<vmem>>[vector<16xi32>], vector<16xf32>,
        %get3A_275 = arith.index_cast %mul3A_242 : i32 to index
        %get3A_276 = arith.constant 32 : index
        %get3A_277 = tpu.vector_load %arg8[%get3A_275, %get3A_276] {strides = array<i32>} : memref<32x128xi32, #tpu.memory_space<vmem>>, vector<16xi32>,
        %add3A_278 = arith.constant 1 : i32
        %add3A_279 = arith.addi %mul3A_242, %add3A_278 : i32
        %get3A_280 = arith.index_cast %add3A_279 : i32 to index
        %get3A_281 = arith.constant 32 : index
        %get3A_282 = tpu.vector_load %arg8[%get3A_280, %get3A_281] {strides = array<i32>} : memref<32x128xi32, #tpu.memory_space<vmem>>, vector<16xi32>,
        %gather3A_283 = tpu.vector_load_idx %arg6[%get3A_277] : memref<50048xf32, #tpu.memory_space<vmem>>[vector<16xi32>], vector<16xf32>,
        %get3A_284 = arith.index_cast %add3A_248 : i32 to index
        %get3A_285 = arith.constant 32 : index
        %get3A_286 = tpu.vector_load %arg9[%get3A_284, %get3A_285] {strides = array<i32>} : memref<16x128xf32, #tpu.memory_space<vmem>>, vector<16xf32>,
        %add3A_287 = arith.addf %gather3A_283, %get3A_286 : vector<16xf32>
        tpu.vector_store_idx %arg7[%get3A_282], %add3A_287 {add = true} : memref<50048xf32, #tpu.memory_space<vmem>>[vector<16xi32>], vector<16xf32>,
        %get3A_288 = arith.index_cast %mul3A_242 : i32 to index
        %get3A_289 = arith.constant 48 : index
        %get3A_290 = tpu.vector_load %arg8[%get3A_288, %get3A_289] {strides = array<i32>} : memref<32x128xi32, #tpu.memory_space<vmem>>, vector<16xi32>,
        %add3A_291 = arith.constant 1 : i32
        %add3A_292 = arith.addi %mul3A_242, %add3A_291 : i32
        %get3A_293 = arith.index_cast %add3A_292 : i32 to index
        %get3A_294 = arith.constant 48 : index
        %get3A_295 = tpu.vector_load %arg8[%get3A_293, %get3A_294] {strides = array<i32>} : memref<32x128xi32, #tpu.memory_space<vmem>>, vector<16xi32>,
        %gather3A_296 = tpu.vector_load_idx %arg6[%get3A_290] : memref<50048xf32, #tpu.memory_space<vmem>>[vector<16xi32>], vector<16xf32>,
        %get3A_297 = arith.index_cast %add3A_248 : i32 to index
        %get3A_298 = arith.constant 48 : index
        %get3A_299 = tpu.vector_load %arg9[%get3A_297, %get3A_298] {strides = array<i32>} : memref<16x128xf32, #tpu.memory_space<vmem>>, vector<16xf32>,
        %add3A_300 = arith.addf %gather3A_296, %get3A_299 : vector<16xf32>
        tpu.vector_store_idx %arg7[%get3A_295], %add3A_300 {add = true} : memref<50048xf32, #tpu.memory_space<vmem>>[vector<16xi32>], vector<16xf32>,
        %get3A_301 = arith.index_cast %mul3A_242 : i32 to index
        %get3A_302 = arith.constant 64 : index
        %get3A_303 = tpu.vector_load %arg8[%get3A_301, %get3A_302] {strides = array<i32>} : memref<32x128xi32, #tpu.memory_space<vmem>>, vector<16xi32>,
        %add3A_304 = arith.constant 1 : i32
        %add3A_305 = arith.addi %mul3A_242, %add3A_304 : i32
        %get3A_306 = arith.index_cast %add3A_305 : i32 to index
        %get3A_307 = arith.constant 64 : index
        %get3A_308 = tpu.vector_load %arg8[%get3A_306, %get3A_307] {strides = array<i32>} : memref<32x128xi32, #tpu.memory_space<vmem>>, vector<16xi32>,
        %gather3A_309 = tpu.vector_load_idx %arg6[%get3A_303] : memref<50048xf32, #tpu.memory_space<vmem>>[vector<16xi32>], vector<16xf32>,
        %get3A_310 = arith.index_cast %add3A_248 : i32 to index
        %get3A_311 = arith.constant 64 : index
        %get3A_312 = tpu.vector_load %arg9[%get3A_310, %get3A_311] {strides = array<i32>} : memref<16x128xf32, #tpu.memory_space<vmem>>, vector<16xf32>,
        %add3A_313 = arith.addf %gather3A_309, %get3A_312 : vector<16xf32>
        tpu.vector_store_idx %arg7[%get3A_308], %add3A_313 {add = true} : memref<50048xf32, #tpu.memory_space<vmem>>[vector<16xi32>], vector<16xf32>,
        %get3A_314 = arith.index_cast %mul3A_242 : i32 to index
        %get3A_315 = arith.constant 80 : index
        %get3A_316 = tpu.vector_load %arg8[%get3A_314, %get3A_315] {strides = array<i32>} : memref<32x128xi32, #tpu.memory_space<vmem>>, vector<16xi32>,
        %add3A_317 = arith.constant 1 : i32
        %add3A_318 = arith.addi %mul3A_242, %add3A_317 : i32
        %get3A_319 = arith.index_cast %add3A_318 : i32 to index
        %get3A_320 = arith.constant 80 : index
        %get3A_321 = tpu.vector_load %arg8[%get3A_319, %get3A_320] {strides = array<i32>} : memref<32x128xi32, #tpu.memory_space<vmem>>, vector<16xi32>,
        %gather3A_322 = tpu.vector_load_idx %arg6[%get3A_316] : memref<50048xf32, #tpu.memory_space<vmem>>[vector<16xi32>], vector<16xf32>,
        %get3A_323 = arith.index_cast %add3A_248 : i32 to index
        %get3A_324 = arith.constant 80 : index
        %get3A_325 = tpu.vector_load %arg9[%get3A_323, %get3A_324] {strides = array<i32>} : memref<16x128xf32, #tpu.memory_space<vmem>>, vector<16xf32>,
        %add3A_326 = arith.addf %gather3A_322, %get3A_325 : vector<16xf32>
        tpu.vector_store_idx %arg7[%get3A_321], %add3A_326 {add = true} : memref<50048xf32, #tpu.memory_space<vmem>>[vector<16xi32>], vector<16xf32>,
        %get3A_327 = arith.index_cast %mul3A_242 : i32 to index
        %get3A_328 = arith.constant 96 : index
        %get3A_329 = tpu.vector_load %arg8[%get3A_327, %get3A_328] {strides = array<i32>} : memref<32x128xi32, #tpu.memory_space<vmem>>, vector<16xi32>,
        %add3A_330 = arith.constant 1 : i32
        %add3A_331 = arith.addi %mul3A_242, %add3A_330 : i32
        %get3A_332 = arith.index_cast %add3A_331 : i32 to index
        %get3A_333 = arith.constant 96 : index
        %get3A_334 = tpu.vector_load %arg8[%get3A_332, %get3A_333] {strides = array<i32>} : memref<32x128xi32, #tpu.memory_space<vmem>>, vector<16xi32>,
        %gather3A_335 = tpu.vector_load_idx %arg6[%get3A_329] : memref<50048xf32, #tpu.memory_space<vmem>>[vector<16xi32>], vector<16xf32>,
        %get3A_336 = arith.index_cast %add3A_248 : i32 to index
        %get3A_337 = arith.constant 96 : index
        %get3A_338 = tpu.vector_load %arg9[%get3A_336, %get3A_337] {strides = array<i32>} : memref<16x128xf32, #tpu.memory_space<vmem>>, vector<16xf32>,
        %add3A_339 = arith.addf %gather3A_335, %get3A_338 : vector<16xf32>
        tpu.vector_store_idx %arg7[%get3A_334], %add3A_339 {add = true} : memref<50048xf32, #tpu.memory_space<vmem>>[vector<16xi32>], vector<16xf32>,
        %get3A_340 = arith.index_cast %mul3A_242 : i32 to index
        %get3A_341 = arith.constant 112 : index
        %get3A_342 = tpu.vector_load %arg8[%get3A_340, %get3A_341] {strides = array<i32>} : memref<32x128xi32, #tpu.memory_space<vmem>>, vector<16xi32>,
        %add3A_343 = arith.constant 1 : i32
        %add3A_344 = arith.addi %mul3A_242, %add3A_343 : i32
        %get3A_345 = arith.index_cast %add3A_344 : i32 to index
        %get3A_346 = arith.constant 112 : index
        %get3A_347 = tpu.vector_load %arg8[%get3A_345, %get3A_346] {strides = array<i32>} : memref<32x128xi32, #tpu.memory_space<vmem>>, vector<16xi32>,
        %gather3A_348 = tpu.vector_load_idx %arg6[%get3A_342] : memref<50048xf32, #tpu.memory_space<vmem>>[vector<16xi32>], vector<16xf32>,
        %get3A_349 = arith.index_cast %add3A_248 : i32 to index
        %get3A_350 = arith.constant 112 : index
        %get3A_351 = tpu.vector_load %arg9[%get3A_349, %get3A_350] {strides = array<i32>} : memref<16x128xf32, #tpu.memory_space<vmem>>, vector<16xf32>,
        %add3A_352 = arith.addf %gather3A_348, %get3A_351 : vector<16xf32>
        tpu.vector_store_idx %arg7[%get3A_347], %add3A_352 {add = true} : memref<50048xf32, #tpu.memory_space<vmem>>[vector<16xi32>], vector<16xf32>,
      }
      %scan3A_75 = arith.constant 4 : i32
      %mul3A_76 = arith.constant 2 : i32
      %mul3A_77 = arith.muli %scan3A_37, %mul3A_76 : i32
      %add3A_78 = arith.constant 1 : i32
      %add3A_79 = arith.addi %mul3A_77, %add3A_78 : i32
      %mul3A_80 = arith.constant 8 : i32
      %mul3A_81 = arith.muli %add3A_79, %mul3A_80 : i32
      %add3A_82 = arith.addi %mul3A_2, %mul3A_81 : i32
      %add3A_83 = arith.constant 1 : i32
      %add3A_84 = arith.addi %add3A_79, %add3A_83 : i32
      %lt3A_85 = arith.constant 50 : i32
      %lt3A_86 = arith.cmpi slt, %add3A_84, %lt3A_85 : i32
      %convert_element_type3A_87 = arith.extui %lt3A_86 : i1 to i32
      %cond3A_88 = arith.constant 0 : i32
      %cond3A_89 = arith.cmpi ne, %convert_element_type3A_87, %cond3A_88 : i32
      scf.if %cond3A_89 {
        %add3A_118 = arith.constant 8 : i32
        %add3A_119 = arith.addi %add3A_82, %add3A_118 : i32
        %mul3A_120 = arith.constant 2 : i32
        %mul3A_121 = arith.muli %add3A_119, %mul3A_120 : i32
        %dma_start3A_122 = arith.constant 0 : i32
        %dma_start3A_123 = arith.constant 0 : i32
        %dma_start3A_124 = tpu.memref_slice %arg8[%dma_start3A_122, %dma_start3A_123] : memref<32x128xi32, #tpu.memory_space<vmem>> -> memref<16x128xi32, #tpu.memory_space<vmem>>
        %dma_start3A_125 = arith.constant 0 : i32
        %dma_start3A_126 = tpu.memref_slice %arg2[%mul3A_121, %dma_start3A_125] : memref<25600x128xi32, #tpu.memory_space<hbm>> -> memref<16x128xi32, #tpu.memory_space<hbm>>
        %dma_start3A_127 = arith.constant 0 : i32
        %dma_start3A_128 = arith.constant 0 : i32
        %dma_start3A_129 = tpu.memref_slice %arg8[%dma_start3A_127, %dma_start3A_128] : memref<32x128xi32, #tpu.memory_space<vmem>> -> memref<16x128xi32, #tpu.memory_space<vmem>>
        %dma_start3A_130 = arith.constant 0 : i32
        %dma_start3A_131 = tpu.memref_slice %arg2[%mul3A_121, %dma_start3A_130] : memref<25600x128xi32, #tpu.memory_space<hbm>> -> memref<16x128xi32, #tpu.memory_space<hbm>>
        tpu.enqueue_dma source(%dma_start3A_131 : memref<16x128xi32, #tpu.memory_space<hbm>>) target(%dma_start3A_129 : memref<16x128xi32, #tpu.memory_space<vmem>>) target_semaphore(%arg11 : memref<!tpu.dma_semaphore, #tpu.memory_space<semaphore_mem>>)
        %add3A_132 = arith.constant 8 : i32
        %add3A_133 = arith.addi %add3A_82, %add3A_132 : i32
        %dma_start3A_134 = arith.constant 0 : i32
        %dma_start3A_135 = arith.constant 0 : i32
        %dma_start3A_136 = tpu.memref_slice %arg9[%dma_start3A_134, %dma_start3A_135] : memref<16x128xf32, #tpu.memory_space<vmem>> -> memref<8x128xf32, #tpu.memory_space<vmem>>
        %dma_start3A_137 = arith.constant 0 : i32
        %dma_start3A_138 = tpu.memref_slice %arg3[%add3A_133, %dma_start3A_137] : memref<12800x128xf32, #tpu.memory_space<hbm>> -> memref<8x128xf32, #tpu.memory_space<hbm>>
        %dma_start3A_139 = arith.constant 0 : i32
        %dma_start3A_140 = arith.constant 0 : i32
        %dma_start3A_141 = tpu.memref_slice %arg9[%dma_start3A_139, %dma_start3A_140] : memref<16x128xf32, #tpu.memory_space<vmem>> -> memref<8x128xf32, #tpu.memory_space<vmem>>
        %dma_start3A_142 = arith.constant 0 : i32
        %dma_start3A_143 = tpu.memref_slice %arg3[%add3A_133, %dma_start3A_142] : memref<12800x128xf32, #tpu.memory_space<hbm>> -> memref<8x128xf32, #tpu.memory_space<hbm>>
        tpu.enqueue_dma source(%dma_start3A_143 : memref<8x128xf32, #tpu.memory_space<hbm>>) target(%dma_start3A_141 : memref<8x128xf32, #tpu.memory_space<vmem>>) target_semaphore(%arg11 : memref<!tpu.dma_semaphore, #tpu.memory_space<semaphore_mem>>)
      } else {
      }
      %mul3A_90 = arith.constant 2 : i32
      %mul3A_91 = arith.muli %add3A_82, %mul3A_90 : i32
      %dma_wait3A_92 = arith.constant 16 : i32
      %dma_wait3A_93 = arith.constant 0 : i32
      %dma_wait3A_94 = tpu.memref_slice %arg8[%dma_wait3A_92, %dma_wait3A_93] : memref<32x128xi32, #tpu.memory_space<vmem>> -> memref<16x128xi32, #tpu.memory_space<vmem>>
      %dma_wait3A_95 = arith.constant 0 : i32
      %dma_wait3A_96 = tpu.memref_slice %arg2[%mul3A_91, %dma_wait3A_95] : memref<25600x128xi32, #tpu.memory_space<hbm>> -> memref<16x128xi32, #tpu.memory_space<hbm>>
      %dma_wait3A_97 = arith.constant 16 : i32
      %dma_wait3A_98 = arith.constant 0 : i32
      %dma_wait3A_99 = tpu.memref_slice %arg8[%dma_wait3A_97, %dma_wait3A_98] : memref<32x128xi32, #tpu.memory_space<vmem>> -> memref<16x128xi32, #tpu.memory_space<vmem>>
      %dma_wait3A_100 = arith.constant 0 : i32
      %dma_wait3A_101 = tpu.memref_slice %arg2[%mul3A_91, %dma_wait3A_100] : memref<25600x128xi32, #tpu.memory_space<hbm>> -> memref<16x128xi32, #tpu.memory_space<hbm>>
      tpu.wait_dma2 semaphore(%arg12 : memref<!tpu.dma_semaphore, #tpu.memory_space<semaphore_mem>>) src(%dma_wait3A_101 : memref<16x128xi32, #tpu.memory_space<hbm>>) dst(%dma_wait3A_99 : memref<16x128xi32, #tpu.memory_space<vmem>>)
      %dma_wait3A_102 = arith.constant 8 : i32
      %dma_wait3A_103 = arith.constant 0 : i32
      %dma_wait3A_104 = tpu.memref_slice %arg9[%dma_wait3A_102, %dma_wait3A_103] : memref<16x128xf32, #tpu.memory_space<vmem>> -> memref<8x128xf32, #tpu.memory_space<vmem>>
      %dma_wait3A_105 = arith.constant 0 : i32
      %dma_wait3A_106 = tpu.memref_slice %arg3[%add3A_82, %dma_wait3A_105] : memref<12800x128xf32, #tpu.memory_space<hbm>> -> memref<8x128xf32, #tpu.memory_space<hbm>>
      %dma_wait3A_107 = arith.constant 8 : i32
      %dma_wait3A_108 = arith.constant 0 : i32
      %dma_wait3A_109 = tpu.memref_slice %arg9[%dma_wait3A_107, %dma_wait3A_108] : memref<16x128xf32, #tpu.memory_space<vmem>> -> memref<8x128xf32, #tpu.memory_space<vmem>>
      %dma_wait3A_110 = arith.constant 0 : i32
      %dma_wait3A_111 = tpu.memref_slice %arg3[%add3A_82, %dma_wait3A_110] : memref<12800x128xf32, #tpu.memory_space<hbm>> -> memref<8x128xf32, #tpu.memory_space<hbm>>
      tpu.wait_dma2 semaphore(%arg12 : memref<!tpu.dma_semaphore, #tpu.memory_space<semaphore_mem>>) src(%dma_wait3A_111 : memref<8x128xf32, #tpu.memory_space<hbm>>) dst(%dma_wait3A_109 : memref<8x128xf32, #tpu.memory_space<vmem>>)
      %scan3A_112 = arith.constant 0 : i32
      %scan3A_113 = arith.constant 0 : i32
      %scan3A_114 = arith.constant 4 : i32
      %scan3A_115 = arith.addi %scan3A_113, %scan3A_114 : i32
      %scan3A_116 = arith.constant 1 : i32
      scf.for %scan3A_118 = %scan3A_113 to %scan3A_115 step %scan3A_116  : i32 {
        %mul3A_119 = arith.constant 2 : i32
        %mul3A_120 = arith.muli %scan3A_118, %mul3A_119 : i32
        %add3A_121 = arith.constant 8 : i32
        %add3A_122 = arith.addi %add3A_121, %mul3A_120 : i32
        %add3A_123 = arith.constant 0 : i32
        %add3A_124 = arith.addi %add3A_122, %add3A_123 : i32
        %mul3A_125 = arith.constant 2 : i32
        %mul3A_126 = arith.muli %add3A_124, %mul3A_125 : i32
        %mul3A_127 = arith.constant 2 : i32
        %mul3A_128 = arith.muli %scan3A_118, %mul3A_127 : i32
        %add3A_129 = arith.constant 8 : i32
        %add3A_130 = arith.addi %add3A_129, %mul3A_128 : i32
        %add3A_131 = arith.constant 0 : i32
        %add3A_132 = arith.addi %add3A_130, %add3A_131 : i32
        %get3A = arith.index_cast %mul3A_126 : i32 to index
        %get3A_133 = arith.constant 0 : index
        %get3A_134 = tpu.vector_load %arg8[%get3A, %get3A_133] {strides = array<i32>} : memref<32x128xi32, #tpu.memory_space<vmem>>, vector<16xi32>,
        %add3A_135 = arith.constant 1 : i32
        %add3A_136 = arith.addi %mul3A_126, %add3A_135 : i32
        %get3A_137 = arith.index_cast %add3A_136 : i32 to index
        %get3A_138 = arith.constant 0 : index
        %get3A_139 = tpu.vector_load %arg8[%get3A_137, %get3A_138] {strides = array<i32>} : memref<32x128xi32, #tpu.memory_space<vmem>>, vector<16xi32>,
        %gather3A = tpu.vector_load_idx %arg6[%get3A_134] : memref<50048xf32, #tpu.memory_space<vmem>>[vector<16xi32>], vector<16xf32>,
        %get3A_140 = arith.index_cast %add3A_132 : i32 to index
        %get3A_141 = arith.constant 0 : index
        %get3A_142 = tpu.vector_load %arg9[%get3A_140, %get3A_141] {strides = array<i32>} : memref<16x128xf32, #tpu.memory_space<vmem>>, vector<16xf32>,
        %add3A_143 = arith.addf %gather3A, %get3A_142 : vector<16xf32>
        tpu.vector_store_idx %arg7[%get3A_139], %add3A_143 {add = true} : memref<50048xf32, #tpu.memory_space<vmem>>[vector<16xi32>], vector<16xf32>,
        %get3A_144 = arith.index_cast %mul3A_126 : i32 to index
        %get3A_145 = arith.constant 16 : index
        %get3A_146 = tpu.vector_load %arg8[%get3A_144, %get3A_145] {strides = array<i32>} : memref<32x128xi32, #tpu.memory_space<vmem>>, vector<16xi32>,
        %add3A_147 = arith.constant 1 : i32
        %add3A_148 = arith.addi %mul3A_126, %add3A_147 : i32
        %get3A_149 = arith.index_cast %add3A_148 : i32 to index
        %get3A_150 = arith.constant 16 : index
        %get3A_151 = tpu.vector_load %arg8[%get3A_149, %get3A_150] {strides = array<i32>} : memref<32x128xi32, #tpu.memory_space<vmem>>, vector<16xi32>,
        %gather3A_152 = tpu.vector_load_idx %arg6[%get3A_146] : memref<50048xf32, #tpu.memory_space<vmem>>[vector<16xi32>], vector<16xf32>,
        %get3A_153 = arith.index_cast %add3A_132 : i32 to index
        %get3A_154 = arith.constant 16 : index
        %get3A_155 = tpu.vector_load %arg9[%get3A_153, %get3A_154] {strides = array<i32>} : memref<16x128xf32, #tpu.memory_space<vmem>>, vector<16xf32>,
        %add3A_156 = arith.addf %gather3A_152, %get3A_155 : vector<16xf32>
        tpu.vector_store_idx %arg7[%get3A_151], %add3A_156 {add = true} : memref<50048xf32, #tpu.memory_space<vmem>>[vector<16xi32>], vector<16xf32>,
        %get3A_157 = arith.index_cast %mul3A_126 : i32 to index
        %get3A_158 = arith.constant 32 : index
        %get3A_159 = tpu.vector_load %arg8[%get3A_157, %get3A_158] {strides = array<i32>} : memref<32x128xi32, #tpu.memory_space<vmem>>, vector<16xi32>,
        %add3A_160 = arith.constant 1 : i32
        %add3A_161 = arith.addi %mul3A_126, %add3A_160 : i32
        %get3A_162 = arith.index_cast %add3A_161 : i32 to index
        %get3A_163 = arith.constant 32 : index
        %get3A_164 = tpu.vector_load %arg8[%get3A_162, %get3A_163] {strides = array<i32>} : memref<32x128xi32, #tpu.memory_space<vmem>>, vector<16xi32>,
        %gather3A_165 = tpu.vector_load_idx %arg6[%get3A_159] : memref<50048xf32, #tpu.memory_space<vmem>>[vector<16xi32>], vector<16xf32>,
        %get3A_166 = arith.index_cast %add3A_132 : i32 to index
        %get3A_167 = arith.constant 32 : index
        %get3A_168 = tpu.vector_load %arg9[%get3A_166, %get3A_167] {strides = array<i32>} : memref<16x128xf32, #tpu.memory_space<vmem>>, vector<16xf32>,
        %add3A_169 = arith.addf %gather3A_165, %get3A_168 : vector<16xf32>
        tpu.vector_store_idx %arg7[%get3A_164], %add3A_169 {add = true} : memref<50048xf32, #tpu.memory_space<vmem>>[vector<16xi32>], vector<16xf32>,
        %get3A_170 = arith.index_cast %mul3A_126 : i32 to index
        %get3A_171 = arith.constant 48 : index
        %get3A_172 = tpu.vector_load %arg8[%get3A_170, %get3A_171] {strides = array<i32>} : memref<32x128xi32, #tpu.memory_space<vmem>>, vector<16xi32>,
        %add3A_173 = arith.constant 1 : i32
        %add3A_174 = arith.addi %mul3A_126, %add3A_173 : i32
        %get3A_175 = arith.index_cast %add3A_174 : i32 to index
        %get3A_176 = arith.constant 48 : index
        %get3A_177 = tpu.vector_load %arg8[%get3A_175, %get3A_176] {strides = array<i32>} : memref<32x128xi32, #tpu.memory_space<vmem>>, vector<16xi32>,
        %gather3A_178 = tpu.vector_load_idx %arg6[%get3A_172] : memref<50048xf32, #tpu.memory_space<vmem>>[vector<16xi32>], vector<16xf32>,
        %get3A_179 = arith.index_cast %add3A_132 : i32 to index
        %get3A_180 = arith.constant 48 : index
        %get3A_181 = tpu.vector_load %arg9[%get3A_179, %get3A_180] {strides = array<i32>} : memref<16x128xf32, #tpu.memory_space<vmem>>, vector<16xf32>,
        %add3A_182 = arith.addf %gather3A_178, %get3A_181 : vector<16xf32>
        tpu.vector_store_idx %arg7[%get3A_177], %add3A_182 {add = true} : memref<50048xf32, #tpu.memory_space<vmem>>[vector<16xi32>], vector<16xf32>,
        %get3A_183 = arith.index_cast %mul3A_126 : i32 to index
        %get3A_184 = arith.constant 64 : index
        %get3A_185 = tpu.vector_load %arg8[%get3A_183, %get3A_184] {strides = array<i32>} : memref<32x128xi32, #tpu.memory_space<vmem>>, vector<16xi32>,
        %add3A_186 = arith.constant 1 : i32
        %add3A_187 = arith.addi %mul3A_126, %add3A_186 : i32
        %get3A_188 = arith.index_cast %add3A_187 : i32 to index
        %get3A_189 = arith.constant 64 : index
        %get3A_190 = tpu.vector_load %arg8[%get3A_188, %get3A_189] {strides = array<i32>} : memref<32x128xi32, #tpu.memory_space<vmem>>, vector<16xi32>,
        %gather3A_191 = tpu.vector_load_idx %arg6[%get3A_185] : memref<50048xf32, #tpu.memory_space<vmem>>[vector<16xi32>], vector<16xf32>,
        %get3A_192 = arith.index_cast %add3A_132 : i32 to index
        %get3A_193 = arith.constant 64 : index
        %get3A_194 = tpu.vector_load %arg9[%get3A_192, %get3A_193] {strides = array<i32>} : memref<16x128xf32, #tpu.memory_space<vmem>>, vector<16xf32>,
        %add3A_195 = arith.addf %gather3A_191, %get3A_194 : vector<16xf32>
        tpu.vector_store_idx %arg7[%get3A_190], %add3A_195 {add = true} : memref<50048xf32, #tpu.memory_space<vmem>>[vector<16xi32>], vector<16xf32>,
        %get3A_196 = arith.index_cast %mul3A_126 : i32 to index
        %get3A_197 = arith.constant 80 : index
        %get3A_198 = tpu.vector_load %arg8[%get3A_196, %get3A_197] {strides = array<i32>} : memref<32x128xi32, #tpu.memory_space<vmem>>, vector<16xi32>,
        %add3A_199 = arith.constant 1 : i32
        %add3A_200 = arith.addi %mul3A_126, %add3A_199 : i32
        %get3A_201 = arith.index_cast %add3A_200 : i32 to index
        %get3A_202 = arith.constant 80 : index
        %get3A_203 = tpu.vector_load %arg8[%get3A_201, %get3A_202] {strides = array<i32>} : memref<32x128xi32, #tpu.memory_space<vmem>>, vector<16xi32>,
        %gather3A_204 = tpu.vector_load_idx %arg6[%get3A_198] : memref<50048xf32, #tpu.memory_space<vmem>>[vector<16xi32>], vector<16xf32>,
        %get3A_205 = arith.index_cast %add3A_132 : i32 to index
        %get3A_206 = arith.constant 80 : index
        %get3A_207 = tpu.vector_load %arg9[%get3A_205, %get3A_206] {strides = array<i32>} : memref<16x128xf32, #tpu.memory_space<vmem>>, vector<16xf32>,
        %add3A_208 = arith.addf %gather3A_204, %get3A_207 : vector<16xf32>
        tpu.vector_store_idx %arg7[%get3A_203], %add3A_208 {add = true} : memref<50048xf32, #tpu.memory_space<vmem>>[vector<16xi32>], vector<16xf32>,
        %get3A_209 = arith.index_cast %mul3A_126 : i32 to index
        %get3A_210 = arith.constant 96 : index
        %get3A_211 = tpu.vector_load %arg8[%get3A_209, %get3A_210] {strides = array<i32>} : memref<32x128xi32, #tpu.memory_space<vmem>>, vector<16xi32>,
        %add3A_212 = arith.constant 1 : i32
        %add3A_213 = arith.addi %mul3A_126, %add3A_212 : i32
        %get3A_214 = arith.index_cast %add3A_213 : i32 to index
        %get3A_215 = arith.constant 96 : index
        %get3A_216 = tpu.vector_load %arg8[%get3A_214, %get3A_215] {strides = array<i32>} : memref<32x128xi32, #tpu.memory_space<vmem>>, vector<16xi32>,
        %gather3A_217 = tpu.vector_load_idx %arg6[%get3A_211] : memref<50048xf32, #tpu.memory_space<vmem>>[vector<16xi32>], vector<16xf32>,
        %get3A_218 = arith.index_cast %add3A_132 : i32 to index
        %get3A_219 = arith.constant 96 : index
        %get3A_220 = tpu.vector_load %arg9[%get3A_218, %get3A_219] {strides = array<i32>} : memref<16x128xf32, #tpu.memory_space<vmem>>, vector<16xf32>,
        %add3A_221 = arith.addf %gather3A_217, %get3A_220 : vector<16xf32>
        tpu.vector_store_idx %arg7[%get3A_216], %add3A_221 {add = true} : memref<50048xf32, #tpu.memory_space<vmem>>[vector<16xi32>], vector<16xf32>,
        %get3A_222 = arith.index_cast %mul3A_126 : i32 to index
        %get3A_223 = arith.constant 112 : index
        %get3A_224 = tpu.vector_load %arg8[%get3A_222, %get3A_223] {strides = array<i32>} : memref<32x128xi32, #tpu.memory_space<vmem>>, vector<16xi32>,
        %add3A_225 = arith.constant 1 : i32
        %add3A_226 = arith.addi %mul3A_126, %add3A_225 : i32
        %get3A_227 = arith.index_cast %add3A_226 : i32 to index
        %get3A_228 = arith.constant 112 : index
        %get3A_229 = tpu.vector_load %arg8[%get3A_227, %get3A_228] {strides = array<i32>} : memref<32x128xi32, #tpu.memory_space<vmem>>, vector<16xi32>,
        %gather3A_230 = tpu.vector_load_idx %arg6[%get3A_224] : memref<50048xf32, #tpu.memory_space<vmem>>[vector<16xi32>], vector<16xf32>,
        %get3A_231 = arith.index_cast %add3A_132 : i32 to index
        %get3A_232 = arith.constant 112 : index
        %get3A_233 = tpu.vector_load %arg9[%get3A_231, %get3A_232] {strides = array<i32>} : memref<16x128xf32, #tpu.memory_space<vmem>>, vector<16xf32>,
        %add3A_234 = arith.addf %gather3A_230, %get3A_233 : vector<16xf32>
        tpu.vector_store_idx %arg7[%get3A_229], %add3A_234 {add = true} : memref<50048xf32, #tpu.memory_space<vmem>>[vector<16xi32>], vector<16xf32>,
        %mul3A_235 = arith.constant 2 : i32
        %mul3A_236 = arith.muli %scan3A_118, %mul3A_235 : i32
        %add3A_237 = arith.constant 8 : i32
        %add3A_238 = arith.addi %add3A_237, %mul3A_236 : i32
        %add3A_239 = arith.constant 1 : i32
        %add3A_240 = arith.addi %add3A_238, %add3A_239 : i32
        %mul3A_241 = arith.constant 2 : i32
        %mul3A_242 = arith.muli %add3A_240, %mul3A_241 : i32
        %mul3A_243 = arith.constant 2 : i32
        %mul3A_244 = arith.muli %scan3A_118, %mul3A_243 : i32
        %add3A_245 = arith.constant 8 : i32
        %add3A_246 = arith.addi %add3A_245, %mul3A_244 : i32
        %add3A_247 = arith.constant 1 : i32
        %add3A_248 = arith.addi %add3A_246, %add3A_247 : i32
        %get3A_249 = arith.index_cast %mul3A_242 : i32 to index
        %get3A_250 = arith.constant 0 : index
        %get3A_251 = tpu.vector_load %arg8[%get3A_249, %get3A_250] {strides = array<i32>} : memref<32x128xi32, #tpu.memory_space<vmem>>, vector<16xi32>,
        %add3A_252 = arith.constant 1 : i32
        %add3A_253 = arith.addi %mul3A_242, %add3A_252 : i32
        %get3A_254 = arith.index_cast %add3A_253 : i32 to index
        %get3A_255 = arith.constant 0 : index
        %get3A_256 = tpu.vector_load %arg8[%get3A_254, %get3A_255] {strides = array<i32>} : memref<32x128xi32, #tpu.memory_space<vmem>>, vector<16xi32>,
        %gather3A_257 = tpu.vector_load_idx %arg6[%get3A_251] : memref<50048xf32, #tpu.memory_space<vmem>>[vector<16xi32>], vector<16xf32>,
        %get3A_258 = arith.index_cast %add3A_248 : i32 to index
        %get3A_259 = arith.constant 0 : index
        %get3A_260 = tpu.vector_load %arg9[%get3A_258, %get3A_259] {strides = array<i32>} : memref<16x128xf32, #tpu.memory_space<vmem>>, vector<16xf32>,
        %add3A_261 = arith.addf %gather3A_257, %get3A_260 : vector<16xf32>
        tpu.vector_store_idx %arg7[%get3A_256], %add3A_261 {add = true} : memref<50048xf32, #tpu.memory_space<vmem>>[vector<16xi32>], vector<16xf32>,
        %get3A_262 = arith.index_cast %mul3A_242 : i32 to index
        %get3A_263 = arith.constant 16 : index
        %get3A_264 = tpu.vector_load %arg8[%get3A_262, %get3A_263] {strides = array<i32>} : memref<32x128xi32, #tpu.memory_space<vmem>>, vector<16xi32>,
        %add3A_265 = arith.constant 1 : i32
        %add3A_266 = arith.addi %mul3A_242, %add3A_265 : i32
        %get3A_267 = arith.index_cast %add3A_266 : i32 to index
        %get3A_268 = arith.constant 16 : index
        %get3A_269 = tpu.vector_load %arg8[%get3A_267, %get3A_268] {strides = array<i32>} : memref<32x128xi32, #tpu.memory_space<vmem>>, vector<16xi32>,
        %gather3A_270 = tpu.vector_load_idx %arg6[%get3A_264] : memref<50048xf32, #tpu.memory_space<vmem>>[vector<16xi32>], vector<16xf32>,
        %get3A_271 = arith.index_cast %add3A_248 : i32 to index
        %get3A_272 = arith.constant 16 : index
        %get3A_273 = tpu.vector_load %arg9[%get3A_271, %get3A_272] {strides = array<i32>} : memref<16x128xf32, #tpu.memory_space<vmem>>, vector<16xf32>,
        %add3A_274 = arith.addf %gather3A_270, %get3A_273 : vector<16xf32>
        tpu.vector_store_idx %arg7[%get3A_269], %add3A_274 {add = true} : memref<50048xf32, #tpu.memory_space<vmem>>[vector<16xi32>], vector<16xf32>,
        %get3A_275 = arith.index_cast %mul3A_242 : i32 to index
        %get3A_276 = arith.constant 32 : index
        %get3A_277 = tpu.vector_load %arg8[%get3A_275, %get3A_276] {strides = array<i32>} : memref<32x128xi32, #tpu.memory_space<vmem>>, vector<16xi32>,
        %add3A_278 = arith.constant 1 : i32
        %add3A_279 = arith.addi %mul3A_242, %add3A_278 : i32
        %get3A_280 = arith.index_cast %add3A_279 : i32 to index
        %get3A_281 = arith.constant 32 : index
        %get3A_282 = tpu.vector_load %arg8[%get3A_280, %get3A_281] {strides = array<i32>} : memref<32x128xi32, #tpu.memory_space<vmem>>, vector<16xi32>,
        %gather3A_283 = tpu.vector_load_idx %arg6[%get3A_277] : memref<50048xf32, #tpu.memory_space<vmem>>[vector<16xi32>], vector<16xf32>,
        %get3A_284 = arith.index_cast %add3A_248 : i32 to index
        %get3A_285 = arith.constant 32 : index
        %get3A_286 = tpu.vector_load %arg9[%get3A_284, %get3A_285] {strides = array<i32>} : memref<16x128xf32, #tpu.memory_space<vmem>>, vector<16xf32>,
        %add3A_287 = arith.addf %gather3A_283, %get3A_286 : vector<16xf32>
        tpu.vector_store_idx %arg7[%get3A_282], %add3A_287 {add = true} : memref<50048xf32, #tpu.memory_space<vmem>>[vector<16xi32>], vector<16xf32>,
        %get3A_288 = arith.index_cast %mul3A_242 : i32 to index
        %get3A_289 = arith.constant 48 : index
        %get3A_290 = tpu.vector_load %arg8[%get3A_288, %get3A_289] {strides = array<i32>} : memref<32x128xi32, #tpu.memory_space<vmem>>, vector<16xi32>,
        %add3A_291 = arith.constant 1 : i32
        %add3A_292 = arith.addi %mul3A_242, %add3A_291 : i32
        %get3A_293 = arith.index_cast %add3A_292 : i32 to index
        %get3A_294 = arith.constant 48 : index
        %get3A_295 = tpu.vector_load %arg8[%get3A_293, %get3A_294] {strides = array<i32>} : memref<32x128xi32, #tpu.memory_space<vmem>>, vector<16xi32>,
        %gather3A_296 = tpu.vector_load_idx %arg6[%get3A_290] : memref<50048xf32, #tpu.memory_space<vmem>>[vector<16xi32>], vector<16xf32>,
        %get3A_297 = arith.index_cast %add3A_248 : i32 to index
        %get3A_298 = arith.constant 48 : index
        %get3A_299 = tpu.vector_load %arg9[%get3A_297, %get3A_298] {strides = array<i32>} : memref<16x128xf32, #tpu.memory_space<vmem>>, vector<16xf32>,
        %add3A_300 = arith.addf %gather3A_296, %get3A_299 : vector<16xf32>
        tpu.vector_store_idx %arg7[%get3A_295], %add3A_300 {add = true} : memref<50048xf32, #tpu.memory_space<vmem>>[vector<16xi32>], vector<16xf32>,
        %get3A_301 = arith.index_cast %mul3A_242 : i32 to index
        %get3A_302 = arith.constant 64 : index
        %get3A_303 = tpu.vector_load %arg8[%get3A_301, %get3A_302] {strides = array<i32>} : memref<32x128xi32, #tpu.memory_space<vmem>>, vector<16xi32>,
        %add3A_304 = arith.constant 1 : i32
        %add3A_305 = arith.addi %mul3A_242, %add3A_304 : i32
        %get3A_306 = arith.index_cast %add3A_305 : i32 to index
        %get3A_307 = arith.constant 64 : index
        %get3A_308 = tpu.vector_load %arg8[%get3A_306, %get3A_307] {strides = array<i32>} : memref<32x128xi32, #tpu.memory_space<vmem>>, vector<16xi32>,
        %gather3A_309 = tpu.vector_load_idx %arg6[%get3A_303] : memref<50048xf32, #tpu.memory_space<vmem>>[vector<16xi32>], vector<16xf32>,
        %get3A_310 = arith.index_cast %add3A_248 : i32 to index
        %get3A_311 = arith.constant 64 : index
        %get3A_312 = tpu.vector_load %arg9[%get3A_310, %get3A_311] {strides = array<i32>} : memref<16x128xf32, #tpu.memory_space<vmem>>, vector<16xf32>,
        %add3A_313 = arith.addf %gather3A_309, %get3A_312 : vector<16xf32>
        tpu.vector_store_idx %arg7[%get3A_308], %add3A_313 {add = true} : memref<50048xf32, #tpu.memory_space<vmem>>[vector<16xi32>], vector<16xf32>,
        %get3A_314 = arith.index_cast %mul3A_242 : i32 to index
        %get3A_315 = arith.constant 80 : index
        %get3A_316 = tpu.vector_load %arg8[%get3A_314, %get3A_315] {strides = array<i32>} : memref<32x128xi32, #tpu.memory_space<vmem>>, vector<16xi32>,
        %add3A_317 = arith.constant 1 : i32
        %add3A_318 = arith.addi %mul3A_242, %add3A_317 : i32
        %get3A_319 = arith.index_cast %add3A_318 : i32 to index
        %get3A_320 = arith.constant 80 : index
        %get3A_321 = tpu.vector_load %arg8[%get3A_319, %get3A_320] {strides = array<i32>} : memref<32x128xi32, #tpu.memory_space<vmem>>, vector<16xi32>,
        %gather3A_322 = tpu.vector_load_idx %arg6[%get3A_316] : memref<50048xf32, #tpu.memory_space<vmem>>[vector<16xi32>], vector<16xf32>,
        %get3A_323 = arith.index_cast %add3A_248 : i32 to index
        %get3A_324 = arith.constant 80 : index
        %get3A_325 = tpu.vector_load %arg9[%get3A_323, %get3A_324] {strides = array<i32>} : memref<16x128xf32, #tpu.memory_space<vmem>>, vector<16xf32>,
        %add3A_326 = arith.addf %gather3A_322, %get3A_325 : vector<16xf32>
        tpu.vector_store_idx %arg7[%get3A_321], %add3A_326 {add = true} : memref<50048xf32, #tpu.memory_space<vmem>>[vector<16xi32>], vector<16xf32>,
        %get3A_327 = arith.index_cast %mul3A_242 : i32 to index
        %get3A_328 = arith.constant 96 : index
        %get3A_329 = tpu.vector_load %arg8[%get3A_327, %get3A_328] {strides = array<i32>} : memref<32x128xi32, #tpu.memory_space<vmem>>, vector<16xi32>,
        %add3A_330 = arith.constant 1 : i32
        %add3A_331 = arith.addi %mul3A_242, %add3A_330 : i32
        %get3A_332 = arith.index_cast %add3A_331 : i32 to index
        %get3A_333 = arith.constant 96 : index
        %get3A_334 = tpu.vector_load %arg8[%get3A_332, %get3A_333] {strides = array<i32>} : memref<32x128xi32, #tpu.memory_space<vmem>>, vector<16xi32>,
        %gather3A_335 = tpu.vector_load_idx %arg6[%get3A_329] : memref<50048xf32, #tpu.memory_space<vmem>>[vector<16xi32>], vector<16xf32>,
        %get3A_336 = arith.index_cast %add3A_248 : i32 to index
        %get3A_337 = arith.constant 96 : index
        %get3A_338 = tpu.vector_load %arg9[%get3A_336, %get3A_337] {strides = array<i32>} : memref<16x128xf32, #tpu.memory_space<vmem>>, vector<16xf32>,
        %add3A_339 = arith.addf %gather3A_335, %get3A_338 : vector<16xf32>
        tpu.vector_store_idx %arg7[%get3A_334], %add3A_339 {add = true} : memref<50048xf32, #tpu.memory_space<vmem>>[vector<16xi32>], vector<16xf32>,
        %get3A_340 = arith.index_cast %mul3A_242 : i32 to index
        %get3A_341 = arith.constant 112 : index
        %get3A_342 = tpu.vector_load %arg8[%get3A_340, %get3A_341] {strides = array<i32>} : memref<32x128xi32, #tpu.memory_space<vmem>>, vector<16xi32>,
        %add3A_343 = arith.constant 1 : i32
        %add3A_344 = arith.addi %mul3A_242, %add3A_343 : i32
        %get3A_345 = arith.index_cast %add3A_344 : i32 to index
        %get3A_346 = arith.constant 112 : index
        %get3A_347 = tpu.vector_load %arg8[%get3A_345, %get3A_346] {strides = array<i32>} : memref<32x128xi32, #tpu.memory_space<vmem>>, vector<16xi32>,
        %gather3A_348 = tpu.vector_load_idx %arg6[%get3A_342] : memref<50048xf32, #tpu.memory_space<vmem>>[vector<16xi32>], vector<16xf32>,
        %get3A_349 = arith.index_cast %add3A_248 : i32 to index
        %get3A_350 = arith.constant 112 : index
        %get3A_351 = tpu.vector_load %arg9[%get3A_349, %get3A_350] {strides = array<i32>} : memref<16x128xf32, #tpu.memory_space<vmem>>, vector<16xf32>,
        %add3A_352 = arith.addf %gather3A_348, %get3A_351 : vector<16xf32>
        tpu.vector_store_idx %arg7[%get3A_347], %add3A_352 {add = true} : memref<50048xf32, #tpu.memory_space<vmem>>[vector<16xi32>], vector<16xf32>,
      }
      %scan3A_117 = arith.constant 4 : i32
    }
    %scan3A_34 = arith.constant 25 : i32
    %mul3A_35 = arith.constant 50048 : i32
    %mul3A_36 = arith.muli %add3A, %mul3A_35 : i32
    "tpu.region"() ({
      %run_scoped3A = tpu.sem_alloc : memref<!tpu.dma_semaphore, #tpu.memory_space<semaphore_mem>>
      %dma_start3A_37 = tpu.memref_slice %arg5[%mul3A_36] : memref<1601536xf32, #tpu.memory_space<hbm>> -> memref<50048xf32, #tpu.memory_space<hbm>>
      %dma_start3A_38 = tpu.memref_slice %arg5[%mul3A_36] : memref<1601536xf32, #tpu.memory_space<hbm>> -> memref<50048xf32, #tpu.memory_space<hbm>>
      tpu.enqueue_dma source(%arg7 : memref<50048xf32, #tpu.memory_space<vmem>>) target(%dma_start3A_38 : memref<50048xf32, #tpu.memory_space<hbm>>) target_semaphore(%run_scoped3A : memref<!tpu.dma_semaphore, #tpu.memory_space<semaphore_mem>>)
      %dma_wait3A = tpu.memref_slice %arg5[%mul3A_36] : memref<1601536xf32, #tpu.memory_space<hbm>> -> memref<50048xf32, #tpu.memory_space<hbm>>
      %dma_wait3A_39 = tpu.memref_slice %arg5[%mul3A_36] : memref<1601536xf32, #tpu.memory_space<hbm>> -> memref<50048xf32, #tpu.memory_space<hbm>>
      tpu.wait_dma2 semaphore(%run_scoped3A : memref<!tpu.dma_semaphore, #tpu.memory_space<semaphore_mem>>) src(%arg7 : memref<50048xf32, #tpu.memory_space<vmem>>) dst(%dma_wait3A_39 : memref<50048xf32, #tpu.memory_space<hbm>>)
      tpu.yield
    }) : () -> ()
    return
  }
}

#map = affine_map<(d0, d1) -> (0, 0)>
#map1 = affine_map<(d0, d1) -> (0)>
module attributes {stable_mosaic.version = 14 : i64} {
  func.func @k(%arg0: i32, %arg1: i32, %arg2: memref<25600x128xi32, #tpu.memory_space<hbm>>, %arg3: memref<12800x128xf32, #tpu.memory_space<hbm>>, %arg4: memref<50048xf32, #tpu.memory_space<hbm>>, %arg5: memref<1601536xf32, #tpu.memory_space<hbm>>, %arg6: memref<50048xf32, #tpu.memory_space<vmem>>, %arg7: memref<50048xf32, #tpu.memory_space<vmem>>, %arg8: memref<32x128xi32, #tpu.memory_space<vmem>>, %arg9: memref<16x128xf32, #tpu.memory_space<vmem>>, %arg10: memref<!tpu.dma_semaphore, #tpu.memory_space<semaphore_mem>>, %arg11: memref<!tpu.dma_semaphore, #tpu.memory_space<semaphore_mem>>, %arg12: memref<!tpu.dma_semaphore, #tpu.memory_space<semaphore_mem>>) attributes {dimension_semantics = [#tpu.dimension_semantics<core_parallel>, #tpu.dimension_semantics<subcore_parallel>], iteration_bounds = array<i64: 2, 16>, scalar_prefetch = 0 : i64, scratch_operands = 7 : i64, tpu.core_type = #tpu.core_type<sc_vector_subcore>, window_params = [{transform_indices = #map}, {transform_indices = #map}, {transform_indices = #map1}, {transform_indices = #map1}]} {
    %mul3A = arith.constant 16 : i32
    %mul3A_0 = arith.muli %arg0, %mul3A : i32
    %add3A = arith.addi %mul3A_0, %arg1 : i32
    %mul3A_1 = arith.constant 400 : i32
    %mul3A_2 = arith.muli %add3A, %mul3A_1 : i32
    tpu.enqueue_dma source(%arg4 : memref<50048xf32, #tpu.memory_space<hbm>>) target(%arg6 : memref<50048xf32, #tpu.memory_space<vmem>>) target_semaphore(%arg10 : memref<!tpu.dma_semaphore, #tpu.memory_space<semaphore_mem>>)
    %mul3A_3 = arith.constant 2 : i32
    %mul3A_4 = arith.muli %mul3A_2, %mul3A_3 : i32
    %dma_start3A = arith.constant 0 : i32
    %dma_start3A_5 = arith.constant 0 : i32
    %dma_start3A_6 = tpu.memref_slice %arg8[%dma_start3A, %dma_start3A_5] : memref<32x128xi32, #tpu.memory_space<vmem>> -> memref<16x128xi32, #tpu.memory_space<vmem>>
    %dma_start3A_7 = arith.constant 0 : i32
    %dma_start3A_8 = tpu.memref_slice %arg2[%mul3A_4, %dma_start3A_7] : memref<25600x128xi32, #tpu.memory_space<hbm>> -> memref<16x128xi32, #tpu.memory_space<hbm>>
    %dma_start3A_9 = arith.constant 0 : i32
    %dma_start3A_10 = arith.constant 0 : i32
    %dma_start3A_11 = tpu.memref_slice %arg8[%dma_start3A_9, %dma_start3A_10] : memref<32x128xi32, #tpu.memory_space<vmem>> -> memref<16x128xi32, #tpu.memory_space<vmem>>
    %dma_start3A_12 = arith.constant 0 : i32
    %dma_start3A_13 = tpu.memref_slice %arg2[%mul3A_4, %dma_start3A_12] : memref<25600x128xi32, #tpu.memory_space<hbm>> -> memref<16x128xi32, #tpu.memory_space<hbm>>
    tpu.enqueue_dma source(%dma_start3A_13 : memref<16x128xi32, #tpu.memory_space<hbm>>) target(%dma_start3A_11 : memref<16x128xi32, #tpu.memory_space<vmem>>) target_semaphore(%arg11 : memref<!tpu.dma_semaphore, #tpu.memory_space<semaphore_mem>>)
    %dma_start3A_14 = arith.constant 0 : i32
    %dma_start3A_15 = arith.constant 0 : i32
    %dma_start3A_16 = tpu.memref_slice %arg9[%dma_start3A_14, %dma_start3A_15] : memref<16x128xf32, #tpu.memory_space<vmem>> -> memref<8x128xf32, #tpu.memory_space<vmem>>
    %dma_start3A_17 = arith.constant 0 : i32
    %dma_start3A_18 = tpu.memref_slice %arg3[%mul3A_2, %dma_start3A_17] : memref<12800x128xf32, #tpu.memory_space<hbm>> -> memref<8x128xf32, #tpu.memory_space<hbm>>
    %dma_start3A_19 = arith.constant 0 : i32
    %dma_start3A_20 = arith.constant 0 : i32
    %dma_start3A_21 = tpu.memref_slice %arg9[%dma_start3A_19, %dma_start3A_20] : memref<16x128xf32, #tpu.memory_space<vmem>> -> memref<8x128xf32, #tpu.memory_space<vmem>>
    %dma_start3A_22 = arith.constant 0 : i32
    %dma_start3A_23 = tpu.memref_slice %arg3[%mul3A_2, %dma_start3A_22] : memref<12800x128xf32, #tpu.memory_space<hbm>> -> memref<8x128xf32, #tpu.memory_space<hbm>>
    tpu.enqueue_dma source(%dma_start3A_23 : memref<8x128xf32, #tpu.memory_space<hbm>>) target(%dma_start3A_21 : memref<8x128xf32, #tpu.memory_space<vmem>>) target_semaphore(%arg11 : memref<!tpu.dma_semaphore, #tpu.memory_space<semaphore_mem>>)
    %scan3A = arith.constant 0 : i32
    %scan3A_24 = arith.constant 0 : i32
    %scan3A_25 = arith.constant 3128 : i32
    %scan3A_26 = arith.addi %scan3A_24, %scan3A_25 : i32
    %scan3A_27 = arith.constant 1 : i32
    scf.for %scan3A_37 = %scan3A_24 to %scan3A_26 step %scan3A_27  : i32 {
      %broadcast_in_dim3A = arith.constant 0.000000e+00 : f32
      %broadcast_in_dim3A_38 = vector.broadcast %broadcast_in_dim3A : f32 to vector<16xf32>
      %mul3A_39 = arith.constant 16 : i32
      %mul3A_40 = arith.muli %scan3A_37, %mul3A_39 : i32
      %swap3A = arith.index_cast %mul3A_40 : i32 to index
      %swap3A_41 = tpu.vector_load %arg7[%swap3A] {strides = array<i32>} : memref<50048xf32, #tpu.memory_space<vmem>>, vector<16xf32>,
      tpu.vector_store %arg7[%swap3A], %broadcast_in_dim3A_38 {strides = array<i32>} : memref<50048xf32, #tpu.memory_space<vmem>>, vector<16xf32>,
    }
    %scan3A_28 = arith.constant 3128 : i32
    tpu.wait_dma2 semaphore(%arg10 : memref<!tpu.dma_semaphore, #tpu.memory_space<semaphore_mem>>) src(%arg4 : memref<50048xf32, #tpu.memory_space<hbm>>) dst(%arg6 : memref<50048xf32, #tpu.memory_space<vmem>>)
    %scan3A_29 = arith.constant 0 : i32
    %scan3A_30 = arith.constant 0 : i32
    %scan3A_31 = arith.constant 25 : i32
    %scan3A_32 = arith.addi %scan3A_30, %scan3A_31 : i32
    %scan3A_33 = arith.constant 1 : i32
    scf.for %scan3A_37 = %scan3A_30 to %scan3A_32 step %scan3A_33  : i32 {
      %mul3A_38 = arith.constant 2 : i32
      %mul3A_39 = arith.muli %scan3A_37, %mul3A_38 : i32
      %add3A_40 = arith.constant 0 : i32
      %add3A_41 = arith.addi %mul3A_39, %add3A_40 : i32
      %mul3A_42 = arith.constant 8 : i32
      %mul3A_43 = arith.muli %add3A_41, %mul3A_42 : i32
      %add3A_44 = arith.addi %mul3A_2, %mul3A_43 : i32
      %add3A_45 = arith.constant 1 : i32
      %add3A_46 = arith.addi %add3A_41, %add3A_45 : i32
      %lt3A = arith.constant 50 : i32
      %lt3A_47 = arith.cmpi slt, %add3A_46, %lt3A : i32
      %convert_element_type3A = arith.extui %lt3A_47 : i1 to i32
      %cond3A = arith.constant 0 : i32
      %cond3A_48 = arith.cmpi ne, %convert_element_type3A, %cond3A : i32
      scf.if %cond3A_48 {
        %add3A_118 = arith.constant 8 : i32
        %add3A_119 = arith.addi %add3A_44, %add3A_118 : i32
        %mul3A_120 = arith.constant 2 : i32
        %mul3A_121 = arith.muli %add3A_119, %mul3A_120 : i32
        %dma_start3A_122 = arith.constant 16 : i32
        %dma_start3A_123 = arith.constant 0 : i32
        %dma_start3A_124 = tpu.memref_slice %arg8[%dma_start3A_122, %dma_start3A_123] : memref<32x128xi32, #tpu.memory_space<vmem>> -> memref<16x128xi32, #tpu.memory_space<vmem>>
        %dma_start3A_125 = arith.constant 0 : i32
        %dma_start3A_126 = tpu.memref_slice %arg2[%mul3A_121, %dma_start3A_125] : memref<25600x128xi32, #tpu.memory_space<hbm>> -> memref<16x128xi32, #tpu.memory_space<hbm>>
        %dma_start3A_127 = arith.constant 16 : i32
        %dma_start3A_128 = arith.constant 0 : i32
        %dma_start3A_129 = tpu.memref_slice %arg8[%dma_start3A_127, %dma_start3A_128] : memref<32x128xi32, #tpu.memory_space<vmem>> -> memref<16x128xi32, #tpu.memory_space<vmem>>
        %dma_start3A_130 = arith.constant 0 : i32
        %dma_start3A_131 = tpu.memref_slice %arg2[%mul3A_121, %dma_start3A_130] : memref<25600x128xi32, #tpu.memory_space<hbm>> -> memref<16x128xi32, #tpu.memory_space<hbm>>
        tpu.enqueue_dma source(%dma_start3A_131 : memref<16x128xi32, #tpu.memory_space<hbm>>) target(%dma_start3A_129 : memref<16x128xi32, #tpu.memory_space<vmem>>) target_semaphore(%arg12 : memref<!tpu.dma_semaphore, #tpu.memory_space<semaphore_mem>>)
        %add3A_132 = arith.constant 8 : i32
        %add3A_133 = arith.addi %add3A_44, %add3A_132 : i32
        %dma_start3A_134 = arith.constant 8 : i32
        %dma_start3A_135 = arith.constant 0 : i32
        %dma_start3A_136 = tpu.memref_slice %arg9[%dma_start3A_134, %dma_start3A_135] : memref<16x128xf32, #tpu.memory_space<vmem>> -> memref<8x128xf32, #tpu.memory_space<vmem>>
        %dma_start3A_137 = arith.constant 0 : i32
        %dma_start3A_138 = tpu.memref_slice %arg3[%add3A_133, %dma_start3A_137] : memref<12800x128xf32, #tpu.memory_space<hbm>> -> memref<8x128xf32, #tpu.memory_space<hbm>>
        %dma_start3A_139 = arith.constant 8 : i32
        %dma_start3A_140 = arith.constant 0 : i32
        %dma_start3A_141 = tpu.memref_slice %arg9[%dma_start3A_139, %dma_start3A_140] : memref<16x128xf32, #tpu.memory_space<vmem>> -> memref<8x128xf32, #tpu.memory_space<vmem>>
        %dma_start3A_142 = arith.constant 0 : i32
        %dma_start3A_143 = tpu.memref_slice %arg3[%add3A_133, %dma_start3A_142] : memref<12800x128xf32, #tpu.memory_space<hbm>> -> memref<8x128xf32, #tpu.memory_space<hbm>>
        tpu.enqueue_dma source(%dma_start3A_143 : memref<8x128xf32, #tpu.memory_space<hbm>>) target(%dma_start3A_141 : memref<8x128xf32, #tpu.memory_space<vmem>>) target_semaphore(%arg12 : memref<!tpu.dma_semaphore, #tpu.memory_space<semaphore_mem>>)
      } else {
      }
      %mul3A_49 = arith.constant 2 : i32
      %mul3A_50 = arith.muli %add3A_44, %mul3A_49 : i32
      %dma_wait3A = arith.constant 0 : i32
      %dma_wait3A_51 = arith.constant 0 : i32
      %dma_wait3A_52 = tpu.memref_slice %arg8[%dma_wait3A, %dma_wait3A_51] : memref<32x128xi32, #tpu.memory_space<vmem>> -> memref<16x128xi32, #tpu.memory_space<vmem>>
      %dma_wait3A_53 = arith.constant 0 : i32
      %dma_wait3A_54 = tpu.memref_slice %arg2[%mul3A_50, %dma_wait3A_53] : memref<25600x128xi32, #tpu.memory_space<hbm>> -> memref<16x128xi32, #tpu.memory_space<hbm>>
      %dma_wait3A_55 = arith.constant 0 : i32
      %dma_wait3A_56 = arith.constant 0 : i32
      %dma_wait3A_57 = tpu.memref_slice %arg8[%dma_wait3A_55, %dma_wait3A_56] : memref<32x128xi32, #tpu.memory_space<vmem>> -> memref<16x128xi32, #tpu.memory_space<vmem>>
      %dma_wait3A_58 = arith.constant 0 : i32
      %dma_wait3A_59 = tpu.memref_slice %arg2[%mul3A_50, %dma_wait3A_58] : memref<25600x128xi32, #tpu.memory_space<hbm>> -> memref<16x128xi32, #tpu.memory_space<hbm>>
      tpu.wait_dma2 semaphore(%arg11 : memref<!tpu.dma_semaphore, #tpu.memory_space<semaphore_mem>>) src(%dma_wait3A_59 : memref<16x128xi32, #tpu.memory_space<hbm>>) dst(%dma_wait3A_57 : memref<16x128xi32, #tpu.memory_space<vmem>>)
      %dma_wait3A_60 = arith.constant 0 : i32
      %dma_wait3A_61 = arith.constant 0 : i32
      %dma_wait3A_62 = tpu.memref_slice %arg9[%dma_wait3A_60, %dma_wait3A_61] : memref<16x128xf32, #tpu.memory_space<vmem>> -> memref<8x128xf32, #tpu.memory_space<vmem>>
      %dma_wait3A_63 = arith.constant 0 : i32
      %dma_wait3A_64 = tpu.memref_slice %arg3[%add3A_44, %dma_wait3A_63] : memref<12800x128xf32, #tpu.memory_space<hbm>> -> memref<8x128xf32, #tpu.memory_space<hbm>>
      %dma_wait3A_65 = arith.constant 0 : i32
      %dma_wait3A_66 = arith.constant 0 : i32
      %dma_wait3A_67 = tpu.memref_slice %arg9[%dma_wait3A_65, %dma_wait3A_66] : memref<16x128xf32, #tpu.memory_space<vmem>> -> memref<8x128xf32, #tpu.memory_space<vmem>>
      %dma_wait3A_68 = arith.constant 0 : i32
      %dma_wait3A_69 = tpu.memref_slice %arg3[%add3A_44, %dma_wait3A_68] : memref<12800x128xf32, #tpu.memory_space<hbm>> -> memref<8x128xf32, #tpu.memory_space<hbm>>
      tpu.wait_dma2 semaphore(%arg11 : memref<!tpu.dma_semaphore, #tpu.memory_space<semaphore_mem>>) src(%dma_wait3A_69 : memref<8x128xf32, #tpu.memory_space<hbm>>) dst(%dma_wait3A_67 : memref<8x128xf32, #tpu.memory_space<vmem>>)
      %scan3A_70 = arith.constant 0 : i32
      %scan3A_71 = arith.constant 0 : i32
      %scan3A_72 = arith.constant 4 : i32
      %scan3A_73 = arith.addi %scan3A_71, %scan3A_72 : i32
      %scan3A_74 = arith.constant 1 : i32
      scf.for %scan3A_118 = %scan3A_71 to %scan3A_73 step %scan3A_74  : i32 {
        %mul3A_119 = arith.constant 2 : i32
        %mul3A_120 = arith.muli %scan3A_118, %mul3A_119 : i32
        %add3A_121 = arith.constant 0 : i32
        %add3A_122 = arith.addi %add3A_121, %mul3A_120 : i32
        %add3A_123 = arith.constant 0 : i32
        %add3A_124 = arith.addi %add3A_122, %add3A_123 : i32
        %mul3A_125 = arith.constant 2 : i32
        %mul3A_126 = arith.muli %add3A_124, %mul3A_125 : i32
        %mul3A_127 = arith.constant 2 : i32
        %mul3A_128 = arith.muli %scan3A_118, %mul3A_127 : i32
        %add3A_129 = arith.constant 0 : i32
        %add3A_130 = arith.addi %add3A_129, %mul3A_128 : i32
        %add3A_131 = arith.constant 0 : i32
        %add3A_132 = arith.addi %add3A_130, %add3A_131 : i32
        %get3A = arith.index_cast %mul3A_126 : i32 to index
        %get3A_133 = arith.constant 0 : index
        %get3A_134 = tpu.vector_load %arg8[%get3A, %get3A_133] {strides = array<i32>} : memref<32x128xi32, #tpu.memory_space<vmem>>, vector<16xi32>,
        %add3A_135 = arith.constant 1 : i32
        %add3A_136 = arith.addi %mul3A_126, %add3A_135 : i32
        %get3A_137 = arith.index_cast %add3A_136 : i32 to index
        %get3A_138 = arith.constant 0 : index
        %get3A_139 = tpu.vector_load %arg8[%get3A_137, %get3A_138] {strides = array<i32>} : memref<32x128xi32, #tpu.memory_space<vmem>>, vector<16xi32>,
        %gather3A = tpu.vector_load_idx %arg6[%get3A_134] : memref<50048xf32, #tpu.memory_space<vmem>>[vector<16xi32>], vector<16xf32>,
        %get3A_140 = arith.index_cast %add3A_132 : i32 to index
        %get3A_141 = arith.constant 0 : index
        %get3A_142 = tpu.vector_load %arg9[%get3A_140, %get3A_141] {strides = array<i32>} : memref<16x128xf32, #tpu.memory_space<vmem>>, vector<16xf32>,
        %add3A_143 = arith.addf %gather3A, %get3A_142 : vector<16xf32>
        tpu.vector_store_idx %arg7[%get3A_139], %add3A_143 {add = true} : memref<50048xf32, #tpu.memory_space<vmem>>[vector<16xi32>], vector<16xf32>,
        %get3A_144 = arith.index_cast %mul3A_126 : i32 to index
        %get3A_145 = arith.constant 16 : index
        %get3A_146 = tpu.vector_load %arg8[%get3A_144, %get3A_145] {strides = array<i32>} : memref<32x128xi32, #tpu.memory_space<vmem>>, vector<16xi32>,
        %add3A_147 = arith.constant 1 : i32
        %add3A_148 = arith.addi %mul3A_126, %add3A_147 : i32
        %get3A_149 = arith.index_cast %add3A_148 : i32 to index
        %get3A_150 = arith.constant 16 : index
        %get3A_151 = tpu.vector_load %arg8[%get3A_149, %get3A_150] {strides = array<i32>} : memref<32x128xi32, #tpu.memory_space<vmem>>, vector<16xi32>,
        %gather3A_152 = tpu.vector_load_idx %arg6[%get3A_146] : memref<50048xf32, #tpu.memory_space<vmem>>[vector<16xi32>], vector<16xf32>,
        %get3A_153 = arith.index_cast %add3A_132 : i32 to index
        %get3A_154 = arith.constant 16 : index
        %get3A_155 = tpu.vector_load %arg9[%get3A_153, %get3A_154] {strides = array<i32>} : memref<16x128xf32, #tpu.memory_space<vmem>>, vector<16xf32>,
        %add3A_156 = arith.addf %gather3A_152, %get3A_155 : vector<16xf32>
        tpu.vector_store_idx %arg7[%get3A_151], %add3A_156 {add = true} : memref<50048xf32, #tpu.memory_space<vmem>>[vector<16xi32>], vector<16xf32>,
        %get3A_157 = arith.index_cast %mul3A_126 : i32 to index
        %get3A_158 = arith.constant 32 : index
        %get3A_159 = tpu.vector_load %arg8[%get3A_157, %get3A_158] {strides = array<i32>} : memref<32x128xi32, #tpu.memory_space<vmem>>, vector<16xi32>,
        %add3A_160 = arith.constant 1 : i32
        %add3A_161 = arith.addi %mul3A_126, %add3A_160 : i32
        %get3A_162 = arith.index_cast %add3A_161 : i32 to index
        %get3A_163 = arith.constant 32 : index
        %get3A_164 = tpu.vector_load %arg8[%get3A_162, %get3A_163] {strides = array<i32>} : memref<32x128xi32, #tpu.memory_space<vmem>>, vector<16xi32>,
        %gather3A_165 = tpu.vector_load_idx %arg6[%get3A_159] : memref<50048xf32, #tpu.memory_space<vmem>>[vector<16xi32>], vector<16xf32>,
        %get3A_166 = arith.index_cast %add3A_132 : i32 to index
        %get3A_167 = arith.constant 32 : index
        %get3A_168 = tpu.vector_load %arg9[%get3A_166, %get3A_167] {strides = array<i32>} : memref<16x128xf32, #tpu.memory_space<vmem>>, vector<16xf32>,
        %add3A_169 = arith.addf %gather3A_165, %get3A_168 : vector<16xf32>
        tpu.vector_store_idx %arg7[%get3A_164], %add3A_169 {add = true} : memref<50048xf32, #tpu.memory_space<vmem>>[vector<16xi32>], vector<16xf32>,
        %get3A_170 = arith.index_cast %mul3A_126 : i32 to index
        %get3A_171 = arith.constant 48 : index
        %get3A_172 = tpu.vector_load %arg8[%get3A_170, %get3A_171] {strides = array<i32>} : memref<32x128xi32, #tpu.memory_space<vmem>>, vector<16xi32>,
        %add3A_173 = arith.constant 1 : i32
        %add3A_174 = arith.addi %mul3A_126, %add3A_173 : i32
        %get3A_175 = arith.index_cast %add3A_174 : i32 to index
        %get3A_176 = arith.constant 48 : index
        %get3A_177 = tpu.vector_load %arg8[%get3A_175, %get3A_176] {strides = array<i32>} : memref<32x128xi32, #tpu.memory_space<vmem>>, vector<16xi32>,
        %gather3A_178 = tpu.vector_load_idx %arg6[%get3A_172] : memref<50048xf32, #tpu.memory_space<vmem>>[vector<16xi32>], vector<16xf32>,
        %get3A_179 = arith.index_cast %add3A_132 : i32 to index
        %get3A_180 = arith.constant 48 : index
        %get3A_181 = tpu.vector_load %arg9[%get3A_179, %get3A_180] {strides = array<i32>} : memref<16x128xf32, #tpu.memory_space<vmem>>, vector<16xf32>,
        %add3A_182 = arith.addf %gather3A_178, %get3A_181 : vector<16xf32>
        tpu.vector_store_idx %arg7[%get3A_177], %add3A_182 {add = true} : memref<50048xf32, #tpu.memory_space<vmem>>[vector<16xi32>], vector<16xf32>,
        %get3A_183 = arith.index_cast %mul3A_126 : i32 to index
        %get3A_184 = arith.constant 64 : index
        %get3A_185 = tpu.vector_load %arg8[%get3A_183, %get3A_184] {strides = array<i32>} : memref<32x128xi32, #tpu.memory_space<vmem>>, vector<16xi32>,
        %add3A_186 = arith.constant 1 : i32
        %add3A_187 = arith.addi %mul3A_126, %add3A_186 : i32
        %get3A_188 = arith.index_cast %add3A_187 : i32 to index
        %get3A_189 = arith.constant 64 : index
        %get3A_190 = tpu.vector_load %arg8[%get3A_188, %get3A_189] {strides = array<i32>} : memref<32x128xi32, #tpu.memory_space<vmem>>, vector<16xi32>,
        %gather3A_191 = tpu.vector_load_idx %arg6[%get3A_185] : memref<50048xf32, #tpu.memory_space<vmem>>[vector<16xi32>], vector<16xf32>,
        %get3A_192 = arith.index_cast %add3A_132 : i32 to index
        %get3A_193 = arith.constant 64 : index
        %get3A_194 = tpu.vector_load %arg9[%get3A_192, %get3A_193] {strides = array<i32>} : memref<16x128xf32, #tpu.memory_space<vmem>>, vector<16xf32>,
        %add3A_195 = arith.addf %gather3A_191, %get3A_194 : vector<16xf32>
        tpu.vector_store_idx %arg7[%get3A_190], %add3A_195 {add = true} : memref<50048xf32, #tpu.memory_space<vmem>>[vector<16xi32>], vector<16xf32>,
        %get3A_196 = arith.index_cast %mul3A_126 : i32 to index
        %get3A_197 = arith.constant 80 : index
        %get3A_198 = tpu.vector_load %arg8[%get3A_196, %get3A_197] {strides = array<i32>} : memref<32x128xi32, #tpu.memory_space<vmem>>, vector<16xi32>,
        %add3A_199 = arith.constant 1 : i32
        %add3A_200 = arith.addi %mul3A_126, %add3A_199 : i32
        %get3A_201 = arith.index_cast %add3A_200 : i32 to index
        %get3A_202 = arith.constant 80 : index
        %get3A_203 = tpu.vector_load %arg8[%get3A_201, %get3A_202] {strides = array<i32>} : memref<32x128xi32, #tpu.memory_space<vmem>>, vector<16xi32>,
        %gather3A_204 = tpu.vector_load_idx %arg6[%get3A_198] : memref<50048xf32, #tpu.memory_space<vmem>>[vector<16xi32>], vector<16xf32>,
        %get3A_205 = arith.index_cast %add3A_132 : i32 to index
        %get3A_206 = arith.constant 80 : index
        %get3A_207 = tpu.vector_load %arg9[%get3A_205, %get3A_206] {strides = array<i32>} : memref<16x128xf32, #tpu.memory_space<vmem>>, vector<16xf32>,
        %add3A_208 = arith.addf %gather3A_204, %get3A_207 : vector<16xf32>
        tpu.vector_store_idx %arg7[%get3A_203], %add3A_208 {add = true} : memref<50048xf32, #tpu.memory_space<vmem>>[vector<16xi32>], vector<16xf32>,
        %get3A_209 = arith.index_cast %mul3A_126 : i32 to index
        %get3A_210 = arith.constant 96 : index
        %get3A_211 = tpu.vector_load %arg8[%get3A_209, %get3A_210] {strides = array<i32>} : memref<32x128xi32, #tpu.memory_space<vmem>>, vector<16xi32>,
        %add3A_212 = arith.constant 1 : i32
        %add3A_213 = arith.addi %mul3A_126, %add3A_212 : i32
        %get3A_214 = arith.index_cast %add3A_213 : i32 to index
        %get3A_215 = arith.constant 96 : index
        %get3A_216 = tpu.vector_load %arg8[%get3A_214, %get3A_215] {strides = array<i32>} : memref<32x128xi32, #tpu.memory_space<vmem>>, vector<16xi32>,
        %gather3A_217 = tpu.vector_load_idx %arg6[%get3A_211] : memref<50048xf32, #tpu.memory_space<vmem>>[vector<16xi32>], vector<16xf32>,
        %get3A_218 = arith.index_cast %add3A_132 : i32 to index
        %get3A_219 = arith.constant 96 : index
        %get3A_220 = tpu.vector_load %arg9[%get3A_218, %get3A_219] {strides = array<i32>} : memref<16x128xf32, #tpu.memory_space<vmem>>, vector<16xf32>,
        %add3A_221 = arith.addf %gather3A_217, %get3A_220 : vector<16xf32>
        tpu.vector_store_idx %arg7[%get3A_216], %add3A_221 {add = true} : memref<50048xf32, #tpu.memory_space<vmem>>[vector<16xi32>], vector<16xf32>,
        %get3A_222 = arith.index_cast %mul3A_126 : i32 to index
        %get3A_223 = arith.constant 112 : index
        %get3A_224 = tpu.vector_load %arg8[%get3A_222, %get3A_223] {strides = array<i32>} : memref<32x128xi32, #tpu.memory_space<vmem>>, vector<16xi32>,
        %add3A_225 = arith.constant 1 : i32
        %add3A_226 = arith.addi %mul3A_126, %add3A_225 : i32
        %get3A_227 = arith.index_cast %add3A_226 : i32 to index
        %get3A_228 = arith.constant 112 : index
        %get3A_229 = tpu.vector_load %arg8[%get3A_227, %get3A_228] {strides = array<i32>} : memref<32x128xi32, #tpu.memory_space<vmem>>, vector<16xi32>,
        %gather3A_230 = tpu.vector_load_idx %arg6[%get3A_224] : memref<50048xf32, #tpu.memory_space<vmem>>[vector<16xi32>], vector<16xf32>,
        %get3A_231 = arith.index_cast %add3A_132 : i32 to index
        %get3A_232 = arith.constant 112 : index
        %get3A_233 = tpu.vector_load %arg9[%get3A_231, %get3A_232] {strides = array<i32>} : memref<16x128xf32, #tpu.memory_space<vmem>>, vector<16xf32>,
        %add3A_234 = arith.addf %gather3A_230, %get3A_233 : vector<16xf32>
        tpu.vector_store_idx %arg7[%get3A_229], %add3A_234 {add = true} : memref<50048xf32, #tpu.memory_space<vmem>>[vector<16xi32>], vector<16xf32>,
        %mul3A_235 = arith.constant 2 : i32
        %mul3A_236 = arith.muli %scan3A_118, %mul3A_235 : i32
        %add3A_237 = arith.constant 0 : i32
        %add3A_238 = arith.addi %add3A_237, %mul3A_236 : i32
        %add3A_239 = arith.constant 1 : i32
        %add3A_240 = arith.addi %add3A_238, %add3A_239 : i32
        %mul3A_241 = arith.constant 2 : i32
        %mul3A_242 = arith.muli %add3A_240, %mul3A_241 : i32
        %mul3A_243 = arith.constant 2 : i32
        %mul3A_244 = arith.muli %scan3A_118, %mul3A_243 : i32
        %add3A_245 = arith.constant 0 : i32
        %add3A_246 = arith.addi %add3A_245, %mul3A_244 : i32
        %add3A_247 = arith.constant 1 : i32
        %add3A_248 = arith.addi %add3A_246, %add3A_247 : i32
        %get3A_249 = arith.index_cast %mul3A_242 : i32 to index
        %get3A_250 = arith.constant 0 : index
        %get3A_251 = tpu.vector_load %arg8[%get3A_249, %get3A_250] {strides = array<i32>} : memref<32x128xi32, #tpu.memory_space<vmem>>, vector<16xi32>,
        %add3A_252 = arith.constant 1 : i32
        %add3A_253 = arith.addi %mul3A_242, %add3A_252 : i32
        %get3A_254 = arith.index_cast %add3A_253 : i32 to index
        %get3A_255 = arith.constant 0 : index
        %get3A_256 = tpu.vector_load %arg8[%get3A_254, %get3A_255] {strides = array<i32>} : memref<32x128xi32, #tpu.memory_space<vmem>>, vector<16xi32>,
        %gather3A_257 = tpu.vector_load_idx %arg6[%get3A_251] : memref<50048xf32, #tpu.memory_space<vmem>>[vector<16xi32>], vector<16xf32>,
        %get3A_258 = arith.index_cast %add3A_248 : i32 to index
        %get3A_259 = arith.constant 0 : index
        %get3A_260 = tpu.vector_load %arg9[%get3A_258, %get3A_259] {strides = array<i32>} : memref<16x128xf32, #tpu.memory_space<vmem>>, vector<16xf32>,
        %add3A_261 = arith.addf %gather3A_257, %get3A_260 : vector<16xf32>
        tpu.vector_store_idx %arg7[%get3A_256], %add3A_261 {add = true} : memref<50048xf32, #tpu.memory_space<vmem>>[vector<16xi32>], vector<16xf32>,
        %get3A_262 = arith.index_cast %mul3A_242 : i32 to index
        %get3A_263 = arith.constant 16 : index
        %get3A_264 = tpu.vector_load %arg8[%get3A_262, %get3A_263] {strides = array<i32>} : memref<32x128xi32, #tpu.memory_space<vmem>>, vector<16xi32>,
        %add3A_265 = arith.constant 1 : i32
        %add3A_266 = arith.addi %mul3A_242, %add3A_265 : i32
        %get3A_267 = arith.index_cast %add3A_266 : i32 to index
        %get3A_268 = arith.constant 16 : index
        %get3A_269 = tpu.vector_load %arg8[%get3A_267, %get3A_268] {strides = array<i32>} : memref<32x128xi32, #tpu.memory_space<vmem>>, vector<16xi32>,
        %gather3A_270 = tpu.vector_load_idx %arg6[%get3A_264] : memref<50048xf32, #tpu.memory_space<vmem>>[vector<16xi32>], vector<16xf32>,
        %get3A_271 = arith.index_cast %add3A_248 : i32 to index
        %get3A_272 = arith.constant 16 : index
        %get3A_273 = tpu.vector_load %arg9[%get3A_271, %get3A_272] {strides = array<i32>} : memref<16x128xf32, #tpu.memory_space<vmem>>, vector<16xf32>,
        %add3A_274 = arith.addf %gather3A_270, %get3A_273 : vector<16xf32>
        tpu.vector_store_idx %arg7[%get3A_269], %add3A_274 {add = true} : memref<50048xf32, #tpu.memory_space<vmem>>[vector<16xi32>], vector<16xf32>,
        %get3A_275 = arith.index_cast %mul3A_242 : i32 to index
        %get3A_276 = arith.constant 32 : index
        %get3A_277 = tpu.vector_load %arg8[%get3A_275, %get3A_276] {strides = array<i32>} : memref<32x128xi32, #tpu.memory_space<vmem>>, vector<16xi32>,
        %add3A_278 = arith.constant 1 : i32
        %add3A_279 = arith.addi %mul3A_242, %add3A_278 : i32
        %get3A_280 = arith.index_cast %add3A_279 : i32 to index
        %get3A_281 = arith.constant 32 : index
        %get3A_282 = tpu.vector_load %arg8[%get3A_280, %get3A_281] {strides = array<i32>} : memref<32x128xi32, #tpu.memory_space<vmem>>, vector<16xi32>,
        %gather3A_283 = tpu.vector_load_idx %arg6[%get3A_277] : memref<50048xf32, #tpu.memory_space<vmem>>[vector<16xi32>], vector<16xf32>,
        %get3A_284 = arith.index_cast %add3A_248 : i32 to index
        %get3A_285 = arith.constant 32 : index
        %get3A_286 = tpu.vector_load %arg9[%get3A_284, %get3A_285] {strides = array<i32>} : memref<16x128xf32, #tpu.memory_space<vmem>>, vector<16xf32>,
        %add3A_287 = arith.addf %gather3A_283, %get3A_286 : vector<16xf32>
        tpu.vector_store_idx %arg7[%get3A_282], %add3A_287 {add = true} : memref<50048xf32, #tpu.memory_space<vmem>>[vector<16xi32>], vector<16xf32>,
        %get3A_288 = arith.index_cast %mul3A_242 : i32 to index
        %get3A_289 = arith.constant 48 : index
        %get3A_290 = tpu.vector_load %arg8[%get3A_288, %get3A_289] {strides = array<i32>} : memref<32x128xi32, #tpu.memory_space<vmem>>, vector<16xi32>,
        %add3A_291 = arith.constant 1 : i32
        %add3A_292 = arith.addi %mul3A_242, %add3A_291 : i32
        %get3A_293 = arith.index_cast %add3A_292 : i32 to index
        %get3A_294 = arith.constant 48 : index
        %get3A_295 = tpu.vector_load %arg8[%get3A_293, %get3A_294] {strides = array<i32>} : memref<32x128xi32, #tpu.memory_space<vmem>>, vector<16xi32>,
        %gather3A_296 = tpu.vector_load_idx %arg6[%get3A_290] : memref<50048xf32, #tpu.memory_space<vmem>>[vector<16xi32>], vector<16xf32>,
        %get3A_297 = arith.index_cast %add3A_248 : i32 to index
        %get3A_298 = arith.constant 48 : index
        %get3A_299 = tpu.vector_load %arg9[%get3A_297, %get3A_298] {strides = array<i32>} : memref<16x128xf32, #tpu.memory_space<vmem>>, vector<16xf32>,
        %add3A_300 = arith.addf %gather3A_296, %get3A_299 : vector<16xf32>
        tpu.vector_store_idx %arg7[%get3A_295], %add3A_300 {add = true} : memref<50048xf32, #tpu.memory_space<vmem>>[vector<16xi32>], vector<16xf32>,
        %get3A_301 = arith.index_cast %mul3A_242 : i32 to index
        %get3A_302 = arith.constant 64 : index
        %get3A_303 = tpu.vector_load %arg8[%get3A_301, %get3A_302] {strides = array<i32>} : memref<32x128xi32, #tpu.memory_space<vmem>>, vector<16xi32>,
        %add3A_304 = arith.constant 1 : i32
        %add3A_305 = arith.addi %mul3A_242, %add3A_304 : i32
        %get3A_306 = arith.index_cast %add3A_305 : i32 to index
        %get3A_307 = arith.constant 64 : index
        %get3A_308 = tpu.vector_load %arg8[%get3A_306, %get3A_307] {strides = array<i32>} : memref<32x128xi32, #tpu.memory_space<vmem>>, vector<16xi32>,
        %gather3A_309 = tpu.vector_load_idx %arg6[%get3A_303] : memref<50048xf32, #tpu.memory_space<vmem>>[vector<16xi32>], vector<16xf32>,
        %get3A_310 = arith.index_cast %add3A_248 : i32 to index
        %get3A_311 = arith.constant 64 : index
        %get3A_312 = tpu.vector_load %arg9[%get3A_310, %get3A_311] {strides = array<i32>} : memref<16x128xf32, #tpu.memory_space<vmem>>, vector<16xf32>,
        %add3A_313 = arith.addf %gather3A_309, %get3A_312 : vector<16xf32>
        tpu.vector_store_idx %arg7[%get3A_308], %add3A_313 {add = true} : memref<50048xf32, #tpu.memory_space<vmem>>[vector<16xi32>], vector<16xf32>,
        %get3A_314 = arith.index_cast %mul3A_242 : i32 to index
        %get3A_315 = arith.constant 80 : index
        %get3A_316 = tpu.vector_load %arg8[%get3A_314, %get3A_315] {strides = array<i32>} : memref<32x128xi32, #tpu.memory_space<vmem>>, vector<16xi32>,
        %add3A_317 = arith.constant 1 : i32
        %add3A_318 = arith.addi %mul3A_242, %add3A_317 : i32
        %get3A_319 = arith.index_cast %add3A_318 : i32 to index
        %get3A_320 = arith.constant 80 : index
        %get3A_321 = tpu.vector_load %arg8[%get3A_319, %get3A_320] {strides = array<i32>} : memref<32x128xi32, #tpu.memory_space<vmem>>, vector<16xi32>,
        %gather3A_322 = tpu.vector_load_idx %arg6[%get3A_316] : memref<50048xf32, #tpu.memory_space<vmem>>[vector<16xi32>], vector<16xf32>,
        %get3A_323 = arith.index_cast %add3A_248 : i32 to index
        %get3A_324 = arith.constant 80 : index
        %get3A_325 = tpu.vector_load %arg9[%get3A_323, %get3A_324] {strides = array<i32>} : memref<16x128xf32, #tpu.memory_space<vmem>>, vector<16xf32>,
        %add3A_326 = arith.addf %gather3A_322, %get3A_325 : vector<16xf32>
        tpu.vector_store_idx %arg7[%get3A_321], %add3A_326 {add = true} : memref<50048xf32, #tpu.memory_space<vmem>>[vector<16xi32>], vector<16xf32>,
        %get3A_327 = arith.index_cast %mul3A_242 : i32 to index
        %get3A_328 = arith.constant 96 : index
        %get3A_329 = tpu.vector_load %arg8[%get3A_327, %get3A_328] {strides = array<i32>} : memref<32x128xi32, #tpu.memory_space<vmem>>, vector<16xi32>,
        %add3A_330 = arith.constant 1 : i32
        %add3A_331 = arith.addi %mul3A_242, %add3A_330 : i32
        %get3A_332 = arith.index_cast %add3A_331 : i32 to index
        %get3A_333 = arith.constant 96 : index
        %get3A_334 = tpu.vector_load %arg8[%get3A_332, %get3A_333] {strides = array<i32>} : memref<32x128xi32, #tpu.memory_space<vmem>>, vector<16xi32>,
        %gather3A_335 = tpu.vector_load_idx %arg6[%get3A_329] : memref<50048xf32, #tpu.memory_space<vmem>>[vector<16xi32>], vector<16xf32>,
        %get3A_336 = arith.index_cast %add3A_248 : i32 to index
        %get3A_337 = arith.constant 96 : index
        %get3A_338 = tpu.vector_load %arg9[%get3A_336, %get3A_337] {strides = array<i32>} : memref<16x128xf32, #tpu.memory_space<vmem>>, vector<16xf32>,
        %add3A_339 = arith.addf %gather3A_335, %get3A_338 : vector<16xf32>
        tpu.vector_store_idx %arg7[%get3A_334], %add3A_339 {add = true} : memref<50048xf32, #tpu.memory_space<vmem>>[vector<16xi32>], vector<16xf32>,
        %get3A_340 = arith.index_cast %mul3A_242 : i32 to index
        %get3A_341 = arith.constant 112 : index
        %get3A_342 = tpu.vector_load %arg8[%get3A_340, %get3A_341] {strides = array<i32>} : memref<32x128xi32, #tpu.memory_space<vmem>>, vector<16xi32>,
        %add3A_343 = arith.constant 1 : i32
        %add3A_344 = arith.addi %mul3A_242, %add3A_343 : i32
        %get3A_345 = arith.index_cast %add3A_344 : i32 to index
        %get3A_346 = arith.constant 112 : index
        %get3A_347 = tpu.vector_load %arg8[%get3A_345, %get3A_346] {strides = array<i32>} : memref<32x128xi32, #tpu.memory_space<vmem>>, vector<16xi32>,
        %gather3A_348 = tpu.vector_load_idx %arg6[%get3A_342] : memref<50048xf32, #tpu.memory_space<vmem>>[vector<16xi32>], vector<16xf32>,
        %get3A_349 = arith.index_cast %add3A_248 : i32 to index
        %get3A_350 = arith.constant 112 : index
        %get3A_351 = tpu.vector_load %arg9[%get3A_349, %get3A_350] {strides = array<i32>} : memref<16x128xf32, #tpu.memory_space<vmem>>, vector<16xf32>,
        %add3A_352 = arith.addf %gather3A_348, %get3A_351 : vector<16xf32>
        tpu.vector_store_idx %arg7[%get3A_347], %add3A_352 {add = true} : memref<50048xf32, #tpu.memory_space<vmem>>[vector<16xi32>], vector<16xf32>,
      }
      %scan3A_75 = arith.constant 4 : i32
      %mul3A_76 = arith.constant 2 : i32
      %mul3A_77 = arith.muli %scan3A_37, %mul3A_76 : i32
      %add3A_78 = arith.constant 1 : i32
      %add3A_79 = arith.addi %mul3A_77, %add3A_78 : i32
      %mul3A_80 = arith.constant 8 : i32
      %mul3A_81 = arith.muli %add3A_79, %mul3A_80 : i32
      %add3A_82 = arith.addi %mul3A_2, %mul3A_81 : i32
      %add3A_83 = arith.constant 1 : i32
      %add3A_84 = arith.addi %add3A_79, %add3A_83 : i32
      %lt3A_85 = arith.constant 50 : i32
      %lt3A_86 = arith.cmpi slt, %add3A_84, %lt3A_85 : i32
      %convert_element_type3A_87 = arith.extui %lt3A_86 : i1 to i32
      %cond3A_88 = arith.constant 0 : i32
      %cond3A_89 = arith.cmpi ne, %convert_element_type3A_87, %cond3A_88 : i32
      scf.if %cond3A_89 {
        %add3A_118 = arith.constant 8 : i32
        %add3A_119 = arith.addi %add3A_82, %add3A_118 : i32
        %mul3A_120 = arith.constant 2 : i32
        %mul3A_121 = arith.muli %add3A_119, %mul3A_120 : i32
        %dma_start3A_122 = arith.constant 0 : i32
        %dma_start3A_123 = arith.constant 0 : i32
        %dma_start3A_124 = tpu.memref_slice %arg8[%dma_start3A_122, %dma_start3A_123] : memref<32x128xi32, #tpu.memory_space<vmem>> -> memref<16x128xi32, #tpu.memory_space<vmem>>
        %dma_start3A_125 = arith.constant 0 : i32
        %dma_start3A_126 = tpu.memref_slice %arg2[%mul3A_121, %dma_start3A_125] : memref<25600x128xi32, #tpu.memory_space<hbm>> -> memref<16x128xi32, #tpu.memory_space<hbm>>
        %dma_start3A_127 = arith.constant 0 : i32
        %dma_start3A_128 = arith.constant 0 : i32
        %dma_start3A_129 = tpu.memref_slice %arg8[%dma_start3A_127, %dma_start3A_128] : memref<32x128xi32, #tpu.memory_space<vmem>> -> memref<16x128xi32, #tpu.memory_space<vmem>>
        %dma_start3A_130 = arith.constant 0 : i32
        %dma_start3A_131 = tpu.memref_slice %arg2[%mul3A_121, %dma_start3A_130] : memref<25600x128xi32, #tpu.memory_space<hbm>> -> memref<16x128xi32, #tpu.memory_space<hbm>>
        tpu.enqueue_dma source(%dma_start3A_131 : memref<16x128xi32, #tpu.memory_space<hbm>>) target(%dma_start3A_129 : memref<16x128xi32, #tpu.memory_space<vmem>>) target_semaphore(%arg11 : memref<!tpu.dma_semaphore, #tpu.memory_space<semaphore_mem>>)
        %add3A_132 = arith.constant 8 : i32
        %add3A_133 = arith.addi %add3A_82, %add3A_132 : i32
        %dma_start3A_134 = arith.constant 0 : i32
        %dma_start3A_135 = arith.constant 0 : i32
        %dma_start3A_136 = tpu.memref_slice %arg9[%dma_start3A_134, %dma_start3A_135] : memref<16x128xf32, #tpu.memory_space<vmem>> -> memref<8x128xf32, #tpu.memory_space<vmem>>
        %dma_start3A_137 = arith.constant 0 : i32
        %dma_start3A_138 = tpu.memref_slice %arg3[%add3A_133, %dma_start3A_137] : memref<12800x128xf32, #tpu.memory_space<hbm>> -> memref<8x128xf32, #tpu.memory_space<hbm>>
        %dma_start3A_139 = arith.constant 0 : i32
        %dma_start3A_140 = arith.constant 0 : i32
        %dma_start3A_141 = tpu.memref_slice %arg9[%dma_start3A_139, %dma_start3A_140] : memref<16x128xf32, #tpu.memory_space<vmem>> -> memref<8x128xf32, #tpu.memory_space<vmem>>
        %dma_start3A_142 = arith.constant 0 : i32
        %dma_start3A_143 = tpu.memref_slice %arg3[%add3A_133, %dma_start3A_142] : memref<12800x128xf32, #tpu.memory_space<hbm>> -> memref<8x128xf32, #tpu.memory_space<hbm>>
        tpu.enqueue_dma source(%dma_start3A_143 : memref<8x128xf32, #tpu.memory_space<hbm>>) target(%dma_start3A_141 : memref<8x128xf32, #tpu.memory_space<vmem>>) target_semaphore(%arg11 : memref<!tpu.dma_semaphore, #tpu.memory_space<semaphore_mem>>)
      } else {
      }
      %mul3A_90 = arith.constant 2 : i32
      %mul3A_91 = arith.muli %add3A_82, %mul3A_90 : i32
      %dma_wait3A_92 = arith.constant 16 : i32
      %dma_wait3A_93 = arith.constant 0 : i32
      %dma_wait3A_94 = tpu.memref_slice %arg8[%dma_wait3A_92, %dma_wait3A_93] : memref<32x128xi32, #tpu.memory_space<vmem>> -> memref<16x128xi32, #tpu.memory_space<vmem>>
      %dma_wait3A_95 = arith.constant 0 : i32
      %dma_wait3A_96 = tpu.memref_slice %arg2[%mul3A_91, %dma_wait3A_95] : memref<25600x128xi32, #tpu.memory_space<hbm>> -> memref<16x128xi32, #tpu.memory_space<hbm>>
      %dma_wait3A_97 = arith.constant 16 : i32
      %dma_wait3A_98 = arith.constant 0 : i32
      %dma_wait3A_99 = tpu.memref_slice %arg8[%dma_wait3A_97, %dma_wait3A_98] : memref<32x128xi32, #tpu.memory_space<vmem>> -> memref<16x128xi32, #tpu.memory_space<vmem>>
      %dma_wait3A_100 = arith.constant 0 : i32
      %dma_wait3A_101 = tpu.memref_slice %arg2[%mul3A_91, %dma_wait3A_100] : memref<25600x128xi32, #tpu.memory_space<hbm>> -> memref<16x128xi32, #tpu.memory_space<hbm>>
      tpu.wait_dma2 semaphore(%arg12 : memref<!tpu.dma_semaphore, #tpu.memory_space<semaphore_mem>>) src(%dma_wait3A_101 : memref<16x128xi32, #tpu.memory_space<hbm>>) dst(%dma_wait3A_99 : memref<16x128xi32, #tpu.memory_space<vmem>>)
      %dma_wait3A_102 = arith.constant 8 : i32
      %dma_wait3A_103 = arith.constant 0 : i32
      %dma_wait3A_104 = tpu.memref_slice %arg9[%dma_wait3A_102, %dma_wait3A_103] : memref<16x128xf32, #tpu.memory_space<vmem>> -> memref<8x128xf32, #tpu.memory_space<vmem>>
      %dma_wait3A_105 = arith.constant 0 : i32
      %dma_wait3A_106 = tpu.memref_slice %arg3[%add3A_82, %dma_wait3A_105] : memref<12800x128xf32, #tpu.memory_space<hbm>> -> memref<8x128xf32, #tpu.memory_space<hbm>>
      %dma_wait3A_107 = arith.constant 8 : i32
      %dma_wait3A_108 = arith.constant 0 : i32
      %dma_wait3A_109 = tpu.memref_slice %arg9[%dma_wait3A_107, %dma_wait3A_108] : memref<16x128xf32, #tpu.memory_space<vmem>> -> memref<8x128xf32, #tpu.memory_space<vmem>>
      %dma_wait3A_110 = arith.constant 0 : i32
      %dma_wait3A_111 = tpu.memref_slice %arg3[%add3A_82, %dma_wait3A_110] : memref<12800x128xf32, #tpu.memory_space<hbm>> -> memref<8x128xf32, #tpu.memory_space<hbm>>
      tpu.wait_dma2 semaphore(%arg12 : memref<!tpu.dma_semaphore, #tpu.memory_space<semaphore_mem>>) src(%dma_wait3A_111 : memref<8x128xf32, #tpu.memory_space<hbm>>) dst(%dma_wait3A_109 : memref<8x128xf32, #tpu.memory_space<vmem>>)
      %scan3A_112 = arith.constant 0 : i32
      %scan3A_113 = arith.constant 0 : i32
      %scan3A_114 = arith.constant 4 : i32
      %scan3A_115 = arith.addi %scan3A_113, %scan3A_114 : i32
      %scan3A_116 = arith.constant 1 : i32
      scf.for %scan3A_118 = %scan3A_113 to %scan3A_115 step %scan3A_116  : i32 {
        %mul3A_119 = arith.constant 2 : i32
        %mul3A_120 = arith.muli %scan3A_118, %mul3A_119 : i32
        %add3A_121 = arith.constant 8 : i32
        %add3A_122 = arith.addi %add3A_121, %mul3A_120 : i32
        %add3A_123 = arith.constant 0 : i32
        %add3A_124 = arith.addi %add3A_122, %add3A_123 : i32
        %mul3A_125 = arith.constant 2 : i32
        %mul3A_126 = arith.muli %add3A_124, %mul3A_125 : i32
        %mul3A_127 = arith.constant 2 : i32
        %mul3A_128 = arith.muli %scan3A_118, %mul3A_127 : i32
        %add3A_129 = arith.constant 8 : i32
        %add3A_130 = arith.addi %add3A_129, %mul3A_128 : i32
        %add3A_131 = arith.constant 0 : i32
        %add3A_132 = arith.addi %add3A_130, %add3A_131 : i32
        %get3A = arith.index_cast %mul3A_126 : i32 to index
        %get3A_133 = arith.constant 0 : index
        %get3A_134 = tpu.vector_load %arg8[%get3A, %get3A_133] {strides = array<i32>} : memref<32x128xi32, #tpu.memory_space<vmem>>, vector<16xi32>,
        %add3A_135 = arith.constant 1 : i32
        %add3A_136 = arith.addi %mul3A_126, %add3A_135 : i32
        %get3A_137 = arith.index_cast %add3A_136 : i32 to index
        %get3A_138 = arith.constant 0 : index
        %get3A_139 = tpu.vector_load %arg8[%get3A_137, %get3A_138] {strides = array<i32>} : memref<32x128xi32, #tpu.memory_space<vmem>>, vector<16xi32>,
        %gather3A = tpu.vector_load_idx %arg6[%get3A_134] : memref<50048xf32, #tpu.memory_space<vmem>>[vector<16xi32>], vector<16xf32>,
        %get3A_140 = arith.index_cast %add3A_132 : i32 to index
        %get3A_141 = arith.constant 0 : index
        %get3A_142 = tpu.vector_load %arg9[%get3A_140, %get3A_141] {strides = array<i32>} : memref<16x128xf32, #tpu.memory_space<vmem>>, vector<16xf32>,
        %add3A_143 = arith.addf %gather3A, %get3A_142 : vector<16xf32>
        tpu.vector_store_idx %arg7[%get3A_139], %add3A_143 {add = true} : memref<50048xf32, #tpu.memory_space<vmem>>[vector<16xi32>], vector<16xf32>,
        %get3A_144 = arith.index_cast %mul3A_126 : i32 to index
        %get3A_145 = arith.constant 16 : index
        %get3A_146 = tpu.vector_load %arg8[%get3A_144, %get3A_145] {strides = array<i32>} : memref<32x128xi32, #tpu.memory_space<vmem>>, vector<16xi32>,
        %add3A_147 = arith.constant 1 : i32
        %add3A_148 = arith.addi %mul3A_126, %add3A_147 : i32
        %get3A_149 = arith.index_cast %add3A_148 : i32 to index
        %get3A_150 = arith.constant 16 : index
        %get3A_151 = tpu.vector_load %arg8[%get3A_149, %get3A_150] {strides = array<i32>} : memref<32x128xi32, #tpu.memory_space<vmem>>, vector<16xi32>,
        %gather3A_152 = tpu.vector_load_idx %arg6[%get3A_146] : memref<50048xf32, #tpu.memory_space<vmem>>[vector<16xi32>], vector<16xf32>,
        %get3A_153 = arith.index_cast %add3A_132 : i32 to index
        %get3A_154 = arith.constant 16 : index
        %get3A_155 = tpu.vector_load %arg9[%get3A_153, %get3A_154] {strides = array<i32>} : memref<16x128xf32, #tpu.memory_space<vmem>>, vector<16xf32>,
        %add3A_156 = arith.addf %gather3A_152, %get3A_155 : vector<16xf32>
        tpu.vector_store_idx %arg7[%get3A_151], %add3A_156 {add = true} : memref<50048xf32, #tpu.memory_space<vmem>>[vector<16xi32>], vector<16xf32>,
        %get3A_157 = arith.index_cast %mul3A_126 : i32 to index
        %get3A_158 = arith.constant 32 : index
        %get3A_159 = tpu.vector_load %arg8[%get3A_157, %get3A_158] {strides = array<i32>} : memref<32x128xi32, #tpu.memory_space<vmem>>, vector<16xi32>,
        %add3A_160 = arith.constant 1 : i32
        %add3A_161 = arith.addi %mul3A_126, %add3A_160 : i32
        %get3A_162 = arith.index_cast %add3A_161 : i32 to index
        %get3A_163 = arith.constant 32 : index
        %get3A_164 = tpu.vector_load %arg8[%get3A_162, %get3A_163] {strides = array<i32>} : memref<32x128xi32, #tpu.memory_space<vmem>>, vector<16xi32>,
        %gather3A_165 = tpu.vector_load_idx %arg6[%get3A_159] : memref<50048xf32, #tpu.memory_space<vmem>>[vector<16xi32>], vector<16xf32>,
        %get3A_166 = arith.index_cast %add3A_132 : i32 to index
        %get3A_167 = arith.constant 32 : index
        %get3A_168 = tpu.vector_load %arg9[%get3A_166, %get3A_167] {strides = array<i32>} : memref<16x128xf32, #tpu.memory_space<vmem>>, vector<16xf32>,
        %add3A_169 = arith.addf %gather3A_165, %get3A_168 : vector<16xf32>
        tpu.vector_store_idx %arg7[%get3A_164], %add3A_169 {add = true} : memref<50048xf32, #tpu.memory_space<vmem>>[vector<16xi32>], vector<16xf32>,
        %get3A_170 = arith.index_cast %mul3A_126 : i32 to index
        %get3A_171 = arith.constant 48 : index
        %get3A_172 = tpu.vector_load %arg8[%get3A_170, %get3A_171] {strides = array<i32>} : memref<32x128xi32, #tpu.memory_space<vmem>>, vector<16xi32>,
        %add3A_173 = arith.constant 1 : i32
        %add3A_174 = arith.addi %mul3A_126, %add3A_173 : i32
        %get3A_175 = arith.index_cast %add3A_174 : i32 to index
        %get3A_176 = arith.constant 48 : index
        %get3A_177 = tpu.vector_load %arg8[%get3A_175, %get3A_176] {strides = array<i32>} : memref<32x128xi32, #tpu.memory_space<vmem>>, vector<16xi32>,
        %gather3A_178 = tpu.vector_load_idx %arg6[%get3A_172] : memref<50048xf32, #tpu.memory_space<vmem>>[vector<16xi32>], vector<16xf32>,
        %get3A_179 = arith.index_cast %add3A_132 : i32 to index
        %get3A_180 = arith.constant 48 : index
        %get3A_181 = tpu.vector_load %arg9[%get3A_179, %get3A_180] {strides = array<i32>} : memref<16x128xf32, #tpu.memory_space<vmem>>, vector<16xf32>,
        %add3A_182 = arith.addf %gather3A_178, %get3A_181 : vector<16xf32>
        tpu.vector_store_idx %arg7[%get3A_177], %add3A_182 {add = true} : memref<50048xf32, #tpu.memory_space<vmem>>[vector<16xi32>], vector<16xf32>,
        %get3A_183 = arith.index_cast %mul3A_126 : i32 to index
        %get3A_184 = arith.constant 64 : index
        %get3A_185 = tpu.vector_load %arg8[%get3A_183, %get3A_184] {strides = array<i32>} : memref<32x128xi32, #tpu.memory_space<vmem>>, vector<16xi32>,
        %add3A_186 = arith.constant 1 : i32
        %add3A_187 = arith.addi %mul3A_126, %add3A_186 : i32
        %get3A_188 = arith.index_cast %add3A_187 : i32 to index
        %get3A_189 = arith.constant 64 : index
        %get3A_190 = tpu.vector_load %arg8[%get3A_188, %get3A_189] {strides = array<i32>} : memref<32x128xi32, #tpu.memory_space<vmem>>, vector<16xi32>,
        %gather3A_191 = tpu.vector_load_idx %arg6[%get3A_185] : memref<50048xf32, #tpu.memory_space<vmem>>[vector<16xi32>], vector<16xf32>,
        %get3A_192 = arith.index_cast %add3A_132 : i32 to index
        %get3A_193 = arith.constant 64 : index
        %get3A_194 = tpu.vector_load %arg9[%get3A_192, %get3A_193] {strides = array<i32>} : memref<16x128xf32, #tpu.memory_space<vmem>>, vector<16xf32>,
        %add3A_195 = arith.addf %gather3A_191, %get3A_194 : vector<16xf32>
        tpu.vector_store_idx %arg7[%get3A_190], %add3A_195 {add = true} : memref<50048xf32, #tpu.memory_space<vmem>>[vector<16xi32>], vector<16xf32>,
        %get3A_196 = arith.index_cast %mul3A_126 : i32 to index
        %get3A_197 = arith.constant 80 : index
        %get3A_198 = tpu.vector_load %arg8[%get3A_196, %get3A_197] {strides = array<i32>} : memref<32x128xi32, #tpu.memory_space<vmem>>, vector<16xi32>,
        %add3A_199 = arith.constant 1 : i32
        %add3A_200 = arith.addi %mul3A_126, %add3A_199 : i32
        %get3A_201 = arith.index_cast %add3A_200 : i32 to index
        %get3A_202 = arith.constant 80 : index
        %get3A_203 = tpu.vector_load %arg8[%get3A_201, %get3A_202] {strides = array<i32>} : memref<32x128xi32, #tpu.memory_space<vmem>>, vector<16xi32>,
        %gather3A_204 = tpu.vector_load_idx %arg6[%get3A_198] : memref<50048xf32, #tpu.memory_space<vmem>>[vector<16xi32>], vector<16xf32>,
        %get3A_205 = arith.index_cast %add3A_132 : i32 to index
        %get3A_206 = arith.constant 80 : index
        %get3A_207 = tpu.vector_load %arg9[%get3A_205, %get3A_206] {strides = array<i32>} : memref<16x128xf32, #tpu.memory_space<vmem>>, vector<16xf32>,
        %add3A_208 = arith.addf %gather3A_204, %get3A_207 : vector<16xf32>
        tpu.vector_store_idx %arg7[%get3A_203], %add3A_208 {add = true} : memref<50048xf32, #tpu.memory_space<vmem>>[vector<16xi32>], vector<16xf32>,
        %get3A_209 = arith.index_cast %mul3A_126 : i32 to index
        %get3A_210 = arith.constant 96 : index
        %get3A_211 = tpu.vector_load %arg8[%get3A_209, %get3A_210] {strides = array<i32>} : memref<32x128xi32, #tpu.memory_space<vmem>>, vector<16xi32>,
        %add3A_212 = arith.constant 1 : i32
        %add3A_213 = arith.addi %mul3A_126, %add3A_212 : i32
        %get3A_214 = arith.index_cast %add3A_213 : i32 to index
        %get3A_215 = arith.constant 96 : index
        %get3A_216 = tpu.vector_load %arg8[%get3A_214, %get3A_215] {strides = array<i32>} : memref<32x128xi32, #tpu.memory_space<vmem>>, vector<16xi32>,
        %gather3A_217 = tpu.vector_load_idx %arg6[%get3A_211] : memref<50048xf32, #tpu.memory_space<vmem>>[vector<16xi32>], vector<16xf32>,
        %get3A_218 = arith.index_cast %add3A_132 : i32 to index
        %get3A_219 = arith.constant 96 : index
        %get3A_220 = tpu.vector_load %arg9[%get3A_218, %get3A_219] {strides = array<i32>} : memref<16x128xf32, #tpu.memory_space<vmem>>, vector<16xf32>,
        %add3A_221 = arith.addf %gather3A_217, %get3A_220 : vector<16xf32>
        tpu.vector_store_idx %arg7[%get3A_216], %add3A_221 {add = true} : memref<50048xf32, #tpu.memory_space<vmem>>[vector<16xi32>], vector<16xf32>,
        %get3A_222 = arith.index_cast %mul3A_126 : i32 to index
        %get3A_223 = arith.constant 112 : index
        %get3A_224 = tpu.vector_load %arg8[%get3A_222, %get3A_223] {strides = array<i32>} : memref<32x128xi32, #tpu.memory_space<vmem>>, vector<16xi32>,
        %add3A_225 = arith.constant 1 : i32
        %add3A_226 = arith.addi %mul3A_126, %add3A_225 : i32
        %get3A_227 = arith.index_cast %add3A_226 : i32 to index
        %get3A_228 = arith.constant 112 : index
        %get3A_229 = tpu.vector_load %arg8[%get3A_227, %get3A_228] {strides = array<i32>} : memref<32x128xi32, #tpu.memory_space<vmem>>, vector<16xi32>,
        %gather3A_230 = tpu.vector_load_idx %arg6[%get3A_224] : memref<50048xf32, #tpu.memory_space<vmem>>[vector<16xi32>], vector<16xf32>,
        %get3A_231 = arith.index_cast %add3A_132 : i32 to index
        %get3A_232 = arith.constant 112 : index
        %get3A_233 = tpu.vector_load %arg9[%get3A_231, %get3A_232] {strides = array<i32>} : memref<16x128xf32, #tpu.memory_space<vmem>>, vector<16xf32>,
        %add3A_234 = arith.addf %gather3A_230, %get3A_233 : vector<16xf32>
        tpu.vector_store_idx %arg7[%get3A_229], %add3A_234 {add = true} : memref<50048xf32, #tpu.memory_space<vmem>>[vector<16xi32>], vector<16xf32>,
        %mul3A_235 = arith.constant 2 : i32
        %mul3A_236 = arith.muli %scan3A_118, %mul3A_235 : i32
        %add3A_237 = arith.constant 8 : i32
        %add3A_238 = arith.addi %add3A_237, %mul3A_236 : i32
        %add3A_239 = arith.constant 1 : i32
        %add3A_240 = arith.addi %add3A_238, %add3A_239 : i32
        %mul3A_241 = arith.constant 2 : i32
        %mul3A_242 = arith.muli %add3A_240, %mul3A_241 : i32
        %mul3A_243 = arith.constant 2 : i32
        %mul3A_244 = arith.muli %scan3A_118, %mul3A_243 : i32
        %add3A_245 = arith.constant 8 : i32
        %add3A_246 = arith.addi %add3A_245, %mul3A_244 : i32
        %add3A_247 = arith.constant 1 : i32
        %add3A_248 = arith.addi %add3A_246, %add3A_247 : i32
        %get3A_249 = arith.index_cast %mul3A_242 : i32 to index
        %get3A_250 = arith.constant 0 : index
        %get3A_251 = tpu.vector_load %arg8[%get3A_249, %get3A_250] {strides = array<i32>} : memref<32x128xi32, #tpu.memory_space<vmem>>, vector<16xi32>,
        %add3A_252 = arith.constant 1 : i32
        %add3A_253 = arith.addi %mul3A_242, %add3A_252 : i32
        %get3A_254 = arith.index_cast %add3A_253 : i32 to index
        %get3A_255 = arith.constant 0 : index
        %get3A_256 = tpu.vector_load %arg8[%get3A_254, %get3A_255] {strides = array<i32>} : memref<32x128xi32, #tpu.memory_space<vmem>>, vector<16xi32>,
        %gather3A_257 = tpu.vector_load_idx %arg6[%get3A_251] : memref<50048xf32, #tpu.memory_space<vmem>>[vector<16xi32>], vector<16xf32>,
        %get3A_258 = arith.index_cast %add3A_248 : i32 to index
        %get3A_259 = arith.constant 0 : index
        %get3A_260 = tpu.vector_load %arg9[%get3A_258, %get3A_259] {strides = array<i32>} : memref<16x128xf32, #tpu.memory_space<vmem>>, vector<16xf32>,
        %add3A_261 = arith.addf %gather3A_257, %get3A_260 : vector<16xf32>
        tpu.vector_store_idx %arg7[%get3A_256], %add3A_261 {add = true} : memref<50048xf32, #tpu.memory_space<vmem>>[vector<16xi32>], vector<16xf32>,
        %get3A_262 = arith.index_cast %mul3A_242 : i32 to index
        %get3A_263 = arith.constant 16 : index
        %get3A_264 = tpu.vector_load %arg8[%get3A_262, %get3A_263] {strides = array<i32>} : memref<32x128xi32, #tpu.memory_space<vmem>>, vector<16xi32>,
        %add3A_265 = arith.constant 1 : i32
        %add3A_266 = arith.addi %mul3A_242, %add3A_265 : i32
        %get3A_267 = arith.index_cast %add3A_266 : i32 to index
        %get3A_268 = arith.constant 16 : index
        %get3A_269 = tpu.vector_load %arg8[%get3A_267, %get3A_268] {strides = array<i32>} : memref<32x128xi32, #tpu.memory_space<vmem>>, vector<16xi32>,
        %gather3A_270 = tpu.vector_load_idx %arg6[%get3A_264] : memref<50048xf32, #tpu.memory_space<vmem>>[vector<16xi32>], vector<16xf32>,
        %get3A_271 = arith.index_cast %add3A_248 : i32 to index
        %get3A_272 = arith.constant 16 : index
        %get3A_273 = tpu.vector_load %arg9[%get3A_271, %get3A_272] {strides = array<i32>} : memref<16x128xf32, #tpu.memory_space<vmem>>, vector<16xf32>,
        %add3A_274 = arith.addf %gather3A_270, %get3A_273 : vector<16xf32>
        tpu.vector_store_idx %arg7[%get3A_269], %add3A_274 {add = true} : memref<50048xf32, #tpu.memory_space<vmem>>[vector<16xi32>], vector<16xf32>,
        %get3A_275 = arith.index_cast %mul3A_242 : i32 to index
        %get3A_276 = arith.constant 32 : index
        %get3A_277 = tpu.vector_load %arg8[%get3A_275, %get3A_276] {strides = array<i32>} : memref<32x128xi32, #tpu.memory_space<vmem>>, vector<16xi32>,
        %add3A_278 = arith.constant 1 : i32
        %add3A_279 = arith.addi %mul3A_242, %add3A_278 : i32
        %get3A_280 = arith.index_cast %add3A_279 : i32 to index
        %get3A_281 = arith.constant 32 : index
        %get3A_282 = tpu.vector_load %arg8[%get3A_280, %get3A_281] {strides = array<i32>} : memref<32x128xi32, #tpu.memory_space<vmem>>, vector<16xi32>,
        %gather3A_283 = tpu.vector_load_idx %arg6[%get3A_277] : memref<50048xf32, #tpu.memory_space<vmem>>[vector<16xi32>], vector<16xf32>,
        %get3A_284 = arith.index_cast %add3A_248 : i32 to index
        %get3A_285 = arith.constant 32 : index
        %get3A_286 = tpu.vector_load %arg9[%get3A_284, %get3A_285] {strides = array<i32>} : memref<16x128xf32, #tpu.memory_space<vmem>>, vector<16xf32>,
        %add3A_287 = arith.addf %gather3A_283, %get3A_286 : vector<16xf32>
        tpu.vector_store_idx %arg7[%get3A_282], %add3A_287 {add = true} : memref<50048xf32, #tpu.memory_space<vmem>>[vector<16xi32>], vector<16xf32>,
        %get3A_288 = arith.index_cast %mul3A_242 : i32 to index
        %get3A_289 = arith.constant 48 : index
        %get3A_290 = tpu.vector_load %arg8[%get3A_288, %get3A_289] {strides = array<i32>} : memref<32x128xi32, #tpu.memory_space<vmem>>, vector<16xi32>,
        %add3A_291 = arith.constant 1 : i32
        %add3A_292 = arith.addi %mul3A_242, %add3A_291 : i32
        %get3A_293 = arith.index_cast %add3A_292 : i32 to index
        %get3A_294 = arith.constant 48 : index
        %get3A_295 = tpu.vector_load %arg8[%get3A_293, %get3A_294] {strides = array<i32>} : memref<32x128xi32, #tpu.memory_space<vmem>>, vector<16xi32>,
        %gather3A_296 = tpu.vector_load_idx %arg6[%get3A_290] : memref<50048xf32, #tpu.memory_space<vmem>>[vector<16xi32>], vector<16xf32>,
        %get3A_297 = arith.index_cast %add3A_248 : i32 to index
        %get3A_298 = arith.constant 48 : index
        %get3A_299 = tpu.vector_load %arg9[%get3A_297, %get3A_298] {strides = array<i32>} : memref<16x128xf32, #tpu.memory_space<vmem>>, vector<16xf32>,
        %add3A_300 = arith.addf %gather3A_296, %get3A_299 : vector<16xf32>
        tpu.vector_store_idx %arg7[%get3A_295], %add3A_300 {add = true} : memref<50048xf32, #tpu.memory_space<vmem>>[vector<16xi32>], vector<16xf32>,
        %get3A_301 = arith.index_cast %mul3A_242 : i32 to index
        %get3A_302 = arith.constant 64 : index
        %get3A_303 = tpu.vector_load %arg8[%get3A_301, %get3A_302] {strides = array<i32>} : memref<32x128xi32, #tpu.memory_space<vmem>>, vector<16xi32>,
        %add3A_304 = arith.constant 1 : i32
        %add3A_305 = arith.addi %mul3A_242, %add3A_304 : i32
        %get3A_306 = arith.index_cast %add3A_305 : i32 to index
        %get3A_307 = arith.constant 64 : index
        %get3A_308 = tpu.vector_load %arg8[%get3A_306, %get3A_307] {strides = array<i32>} : memref<32x128xi32, #tpu.memory_space<vmem>>, vector<16xi32>,
        %gather3A_309 = tpu.vector_load_idx %arg6[%get3A_303] : memref<50048xf32, #tpu.memory_space<vmem>>[vector<16xi32>], vector<16xf32>,
        %get3A_310 = arith.index_cast %add3A_248 : i32 to index
        %get3A_311 = arith.constant 64 : index
        %get3A_312 = tpu.vector_load %arg9[%get3A_310, %get3A_311] {strides = array<i32>} : memref<16x128xf32, #tpu.memory_space<vmem>>, vector<16xf32>,
        %add3A_313 = arith.addf %gather3A_309, %get3A_312 : vector<16xf32>
        tpu.vector_store_idx %arg7[%get3A_308], %add3A_313 {add = true} : memref<50048xf32, #tpu.memory_space<vmem>>[vector<16xi32>], vector<16xf32>,
        %get3A_314 = arith.index_cast %mul3A_242 : i32 to index
        %get3A_315 = arith.constant 80 : index
        %get3A_316 = tpu.vector_load %arg8[%get3A_314, %get3A_315] {strides = array<i32>} : memref<32x128xi32, #tpu.memory_space<vmem>>, vector<16xi32>,
        %add3A_317 = arith.constant 1 : i32
        %add3A_318 = arith.addi %mul3A_242, %add3A_317 : i32
        %get3A_319 = arith.index_cast %add3A_318 : i32 to index
        %get3A_320 = arith.constant 80 : index
        %get3A_321 = tpu.vector_load %arg8[%get3A_319, %get3A_320] {strides = array<i32>} : memref<32x128xi32, #tpu.memory_space<vmem>>, vector<16xi32>,
        %gather3A_322 = tpu.vector_load_idx %arg6[%get3A_316] : memref<50048xf32, #tpu.memory_space<vmem>>[vector<16xi32>], vector<16xf32>,
        %get3A_323 = arith.index_cast %add3A_248 : i32 to index
        %get3A_324 = arith.constant 80 : index
        %get3A_325 = tpu.vector_load %arg9[%get3A_323, %get3A_324] {strides = array<i32>} : memref<16x128xf32, #tpu.memory_space<vmem>>, vector<16xf32>,
        %add3A_326 = arith.addf %gather3A_322, %get3A_325 : vector<16xf32>
        tpu.vector_store_idx %arg7[%get3A_321], %add3A_326 {add = true} : memref<50048xf32, #tpu.memory_space<vmem>>[vector<16xi32>], vector<16xf32>,
        %get3A_327 = arith.index_cast %mul3A_242 : i32 to index
        %get3A_328 = arith.constant 96 : index
        %get3A_329 = tpu.vector_load %arg8[%get3A_327, %get3A_328] {strides = array<i32>} : memref<32x128xi32, #tpu.memory_space<vmem>>, vector<16xi32>,
        %add3A_330 = arith.constant 1 : i32
        %add3A_331 = arith.addi %mul3A_242, %add3A_330 : i32
        %get3A_332 = arith.index_cast %add3A_331 : i32 to index
        %get3A_333 = arith.constant 96 : index
        %get3A_334 = tpu.vector_load %arg8[%get3A_332, %get3A_333] {strides = array<i32>} : memref<32x128xi32, #tpu.memory_space<vmem>>, vector<16xi32>,
        %gather3A_335 = tpu.vector_load_idx %arg6[%get3A_329] : memref<50048xf32, #tpu.memory_space<vmem>>[vector<16xi32>], vector<16xf32>,
        %get3A_336 = arith.index_cast %add3A_248 : i32 to index
        %get3A_337 = arith.constant 96 : index
        %get3A_338 = tpu.vector_load %arg9[%get3A_336, %get3A_337] {strides = array<i32>} : memref<16x128xf32, #tpu.memory_space<vmem>>, vector<16xf32>,
        %add3A_339 = arith.addf %gather3A_335, %get3A_338 : vector<16xf32>
        tpu.vector_store_idx %arg7[%get3A_334], %add3A_339 {add = true} : memref<50048xf32, #tpu.memory_space<vmem>>[vector<16xi32>], vector<16xf32>,
        %get3A_340 = arith.index_cast %mul3A_242 : i32 to index
        %get3A_341 = arith.constant 112 : index
        %get3A_342 = tpu.vector_load %arg8[%get3A_340, %get3A_341] {strides = array<i32>} : memref<32x128xi32, #tpu.memory_space<vmem>>, vector<16xi32>,
        %add3A_343 = arith.constant 1 : i32
        %add3A_344 = arith.addi %mul3A_242, %add3A_343 : i32
        %get3A_345 = arith.index_cast %add3A_344 : i32 to index
        %get3A_346 = arith.constant 112 : index
        %get3A_347 = tpu.vector_load %arg8[%get3A_345, %get3A_346] {strides = array<i32>} : memref<32x128xi32, #tpu.memory_space<vmem>>, vector<16xi32>,
        %gather3A_348 = tpu.vector_load_idx %arg6[%get3A_342] : memref<50048xf32, #tpu.memory_space<vmem>>[vector<16xi32>], vector<16xf32>,
        %get3A_349 = arith.index_cast %add3A_248 : i32 to index
        %get3A_350 = arith.constant 112 : index
        %get3A_351 = tpu.vector_load %arg9[%get3A_349, %get3A_350] {strides = array<i32>} : memref<16x128xf32, #tpu.memory_space<vmem>>, vector<16xf32>,
        %add3A_352 = arith.addf %gather3A_348, %get3A_351 : vector<16xf32>
        tpu.vector_store_idx %arg7[%get3A_347], %add3A_352 {add = true} : memref<50048xf32, #tpu.memory_space<vmem>>[vector<16xi32>], vector<16xf32>,
      }
      %scan3A_117 = arith.constant 4 : i32
    }
    %scan3A_34 = arith.constant 25 : i32
    %mul3A_35 = arith.constant 50048 : i32
    %mul3A_36 = arith.muli %add3A, %mul3A_35 : i32
    "tpu.region"() ({
      %run_scoped3A = tpu.sem_alloc : memref<!tpu.dma_semaphore, #tpu.memory_space<semaphore_mem>>
      %dma_start3A_37 = tpu.memref_slice %arg5[%mul3A_36] : memref<1601536xf32, #tpu.memory_space<hbm>> -> memref<50048xf32, #tpu.memory_space<hbm>>
      %dma_start3A_38 = tpu.memref_slice %arg5[%mul3A_36] : memref<1601536xf32, #tpu.memory_space<hbm>> -> memref<50048xf32, #tpu.memory_space<hbm>>
      tpu.enqueue_dma source(%arg7 : memref<50048xf32, #tpu.memory_space<vmem>>) target(%dma_start3A_38 : memref<50048xf32, #tpu.memory_space<hbm>>) target_semaphore(%run_scoped3A : memref<!tpu.dma_semaphore, #tpu.memory_space<semaphore_mem>>)
      %dma_wait3A = tpu.memref_slice %arg5[%mul3A_36] : memref<1601536xf32, #tpu.memory_space<hbm>> -> memref<50048xf32, #tpu.memory_space<hbm>>
      %dma_wait3A_39 = tpu.memref_slice %arg5[%mul3A_36] : memref<1601536xf32, #tpu.memory_space<hbm>> -> memref<50048xf32, #tpu.memory_space<hbm>>
      tpu.wait_dma2 semaphore(%run_scoped3A : memref<!tpu.dma_semaphore, #tpu.memory_space<semaphore_mem>>) src(%arg7 : memref<50048xf32, #tpu.memory_space<vmem>>) dst(%dma_wait3A_39 : memref<50048xf32, #tpu.memory_space<hbm>>)
      tpu.yield
    }) : () -> ()
    return
  }
}

#map = affine_map<(d0, d1) -> (0, 0)>
#map1 = affine_map<(d0, d1) -> (0)>
module attributes {stable_mosaic.version = 14 : i64} {
  func.func @k(%arg0: i32, %arg1: i32, %arg2: memref<38400x128xi32, #tpu.memory_space<hbm>>, %arg3: memref<50048xi32, #tpu.memory_space<hbm>>, %arg4: memref<608xf32, #tpu.memory_space<hbm>>, %arg5: memref<12800x128xf32, #tpu.memory_space<hbm>>, %arg6: memref<1601536xf32, #tpu.memory_space<hbm>>, %arg7: memref<50048xi32, #tpu.memory_space<vmem>>, %arg8: memref<50048xf32, #tpu.memory_space<vmem>>, %arg9: memref<608xf32, #tpu.memory_space<vmem>>, %arg10: memref<48x128xi32, #tpu.memory_space<vmem>>, %arg11: memref<16x128xf32, #tpu.memory_space<vmem>>, %arg12: memref<!tpu.dma_semaphore, #tpu.memory_space<semaphore_mem>>, %arg13: memref<!tpu.dma_semaphore, #tpu.memory_space<semaphore_mem>>, %arg14: memref<!tpu.dma_semaphore, #tpu.memory_space<semaphore_mem>>, %arg15: memref<!tpu.dma_semaphore, #tpu.memory_space<semaphore_mem>>, %arg16: memref<!tpu.dma_semaphore, #tpu.memory_space<semaphore_mem>>) attributes {dimension_semantics = [#tpu.dimension_semantics<core_parallel>, #tpu.dimension_semantics<subcore_parallel>], iteration_bounds = array<i64: 2, 16>, scalar_prefetch = 0 : i64, scratch_operands = 10 : i64, tpu.core_type = #tpu.core_type<sc_vector_subcore>, window_params = [{transform_indices = #map}, {transform_indices = #map1}, {transform_indices = #map1}, {transform_indices = #map}, {transform_indices = #map1}]} {
    %mul3A = arith.constant 16 : i32
    %mul3A_0 = arith.muli %arg0, %mul3A : i32
    %add3A = arith.addi %mul3A_0, %arg1 : i32
    %mul3A_1 = arith.constant 400 : i32
    %mul3A_2 = arith.muli %add3A, %mul3A_1 : i32
    tpu.enqueue_dma source(%arg3 : memref<50048xi32, #tpu.memory_space<hbm>>) target(%arg7 : memref<50048xi32, #tpu.memory_space<vmem>>) target_semaphore(%arg12 : memref<!tpu.dma_semaphore, #tpu.memory_space<semaphore_mem>>)
    tpu.enqueue_dma source(%arg4 : memref<608xf32, #tpu.memory_space<hbm>>) target(%arg9 : memref<608xf32, #tpu.memory_space<vmem>>) target_semaphore(%arg12 : memref<!tpu.dma_semaphore, #tpu.memory_space<semaphore_mem>>)
    %mul3A_3 = arith.constant 3 : i32
    %mul3A_4 = arith.muli %mul3A_2, %mul3A_3 : i32
    %dma_start3A = arith.constant 0 : i32
    %dma_start3A_5 = arith.constant 0 : i32
    %dma_start3A_6 = tpu.memref_slice %arg10[%dma_start3A, %dma_start3A_5] : memref<48x128xi32, #tpu.memory_space<vmem>> -> memref<24x128xi32, #tpu.memory_space<vmem>>
    %dma_start3A_7 = arith.constant 0 : i32
    %dma_start3A_8 = tpu.memref_slice %arg2[%mul3A_4, %dma_start3A_7] : memref<38400x128xi32, #tpu.memory_space<hbm>> -> memref<24x128xi32, #tpu.memory_space<hbm>>
    %dma_start3A_9 = arith.constant 0 : i32
    %dma_start3A_10 = arith.constant 0 : i32
    %dma_start3A_11 = tpu.memref_slice %arg10[%dma_start3A_9, %dma_start3A_10] : memref<48x128xi32, #tpu.memory_space<vmem>> -> memref<24x128xi32, #tpu.memory_space<vmem>>
    %dma_start3A_12 = arith.constant 0 : i32
    %dma_start3A_13 = tpu.memref_slice %arg2[%mul3A_4, %dma_start3A_12] : memref<38400x128xi32, #tpu.memory_space<hbm>> -> memref<24x128xi32, #tpu.memory_space<hbm>>
    tpu.enqueue_dma source(%dma_start3A_13 : memref<24x128xi32, #tpu.memory_space<hbm>>) target(%dma_start3A_11 : memref<24x128xi32, #tpu.memory_space<vmem>>) target_semaphore(%arg13 : memref<!tpu.dma_semaphore, #tpu.memory_space<semaphore_mem>>)
    %scan3A = arith.constant 0 : i32
    %scan3A_14 = arith.constant 0 : i32
    %scan3A_15 = arith.constant 3128 : i32
    %scan3A_16 = arith.addi %scan3A_14, %scan3A_15 : i32
    %scan3A_17 = arith.constant 1 : i32
    scf.for %scan3A_46 = %scan3A_14 to %scan3A_16 step %scan3A_17  : i32 {
      %broadcast_in_dim3A = arith.constant 0.000000e+00 : f32
      %broadcast_in_dim3A_47 = vector.broadcast %broadcast_in_dim3A : f32 to vector<16xf32>
      %mul3A_48 = arith.constant 16 : i32
      %mul3A_49 = arith.muli %scan3A_46, %mul3A_48 : i32
      %swap3A = arith.index_cast %mul3A_49 : i32 to index
      %swap3A_50 = tpu.vector_load %arg8[%swap3A] {strides = array<i32>} : memref<50048xf32, #tpu.memory_space<vmem>>, vector<16xf32>,
      tpu.vector_store %arg8[%swap3A], %broadcast_in_dim3A_47 {strides = array<i32>} : memref<50048xf32, #tpu.memory_space<vmem>>, vector<16xf32>,
    }
    %scan3A_18 = arith.constant 3128 : i32
    tpu.wait_dma2 semaphore(%arg12 : memref<!tpu.dma_semaphore, #tpu.memory_space<semaphore_mem>>) src(%arg3 : memref<50048xi32, #tpu.memory_space<hbm>>) dst(%arg7 : memref<50048xi32, #tpu.memory_space<vmem>>)
    tpu.wait_dma2 semaphore(%arg12 : memref<!tpu.dma_semaphore, #tpu.memory_space<semaphore_mem>>) src(%arg4 : memref<608xf32, #tpu.memory_space<hbm>>) dst(%arg9 : memref<608xf32, #tpu.memory_space<vmem>>)
    %scan3A_19 = arith.constant 0 : i32
    %scan3A_20 = arith.constant 0 : i32
    %scan3A_21 = arith.constant 25 : i32
    %scan3A_22 = arith.addi %scan3A_20, %scan3A_21 : i32
    %scan3A_23 = arith.constant 1 : i32
    scf.for %scan3A_46 = %scan3A_20 to %scan3A_22 step %scan3A_23  : i32 {
      %mul3A_47 = arith.constant 2 : i32
      %mul3A_48 = arith.muli %scan3A_46, %mul3A_47 : i32
      %add3A_49 = arith.constant 0 : i32
      %add3A_50 = arith.addi %mul3A_48, %add3A_49 : i32
      %mul3A_51 = arith.constant 8 : i32
      %mul3A_52 = arith.muli %add3A_50, %mul3A_51 : i32
      %add3A_53 = arith.addi %mul3A_2, %mul3A_52 : i32
      %ge3A = arith.constant 2 : i32
      %ge3A_54 = arith.cmpi sge, %add3A_50, %ge3A : i32
      %convert_element_type3A = arith.extui %ge3A_54 : i1 to i32
      %cond3A = arith.constant 0 : i32
      %cond3A_55 = arith.cmpi ne, %convert_element_type3A, %cond3A : i32
      scf.if %cond3A_55 {
        %dma_wait3A_137 = arith.constant 0 : i32
        %dma_wait3A_138 = arith.constant 0 : i32
        %dma_wait3A_139 = tpu.memref_slice %arg11[%dma_wait3A_137, %dma_wait3A_138] : memref<16x128xf32, #tpu.memory_space<vmem>> -> memref<8x128xf32, #tpu.memory_space<vmem>>
        %dma_wait3A_140 = arith.constant 0 : i32
        %dma_wait3A_141 = tpu.memref_slice %arg5[%add3A_53, %dma_wait3A_140] : memref<12800x128xf32, #tpu.memory_space<hbm>> -> memref<8x128xf32, #tpu.memory_space<hbm>>
        %dma_wait3A_142 = arith.constant 0 : i32
        %dma_wait3A_143 = tpu.memref_slice %arg5[%add3A_53, %dma_wait3A_142] : memref<12800x128xf32, #tpu.memory_space<hbm>> -> memref<8x128xf32, #tpu.memory_space<hbm>>
        %dma_wait3A_144 = arith.constant 0 : i32
        %dma_wait3A_145 = arith.constant 0 : i32
        %dma_wait3A_146 = tpu.memref_slice %arg11[%dma_wait3A_144, %dma_wait3A_145] : memref<16x128xf32, #tpu.memory_space<vmem>> -> memref<8x128xf32, #tpu.memory_space<vmem>>
        tpu.wait_dma2 semaphore(%arg15 : memref<!tpu.dma_semaphore, #tpu.memory_space<semaphore_mem>>) src(%dma_wait3A_146 : memref<8x128xf32, #tpu.memory_space<vmem>>) dst(%dma_wait3A_143 : memref<8x128xf32, #tpu.memory_space<hbm>>)
      } else {
      }
      %add3A_56 = arith.constant 1 : i32
      %add3A_57 = arith.addi %add3A_50, %add3A_56 : i32
      %lt3A = arith.constant 50 : i32
      %lt3A_58 = arith.cmpi slt, %add3A_57, %lt3A : i32
      %convert_element_type3A_59 = arith.extui %lt3A_58 : i1 to i32
      %cond3A_60 = arith.constant 0 : i32
      %cond3A_61 = arith.cmpi ne, %convert_element_type3A_59, %cond3A_60 : i32
      scf.if %cond3A_61 {
        %add3A_137 = arith.constant 8 : i32
        %add3A_138 = arith.addi %add3A_53, %add3A_137 : i32
        %mul3A_139 = arith.constant 3 : i32
        %mul3A_140 = arith.muli %add3A_138, %mul3A_139 : i32
        %dma_start3A_141 = arith.constant 24 : i32
        %dma_start3A_142 = arith.constant 0 : i32
        %dma_start3A_143 = tpu.memref_slice %arg10[%dma_start3A_141, %dma_start3A_142] : memref<48x128xi32, #tpu.memory_space<vmem>> -> memref<24x128xi32, #tpu.memory_space<vmem>>
        %dma_start3A_144 = arith.constant 0 : i32
        %dma_start3A_145 = tpu.memref_slice %arg2[%mul3A_140, %dma_start3A_144] : memref<38400x128xi32, #tpu.memory_space<hbm>> -> memref<24x128xi32, #tpu.memory_space<hbm>>
        %dma_start3A_146 = arith.constant 24 : i32
        %dma_start3A_147 = arith.constant 0 : i32
        %dma_start3A_148 = tpu.memref_slice %arg10[%dma_start3A_146, %dma_start3A_147] : memref<48x128xi32, #tpu.memory_space<vmem>> -> memref<24x128xi32, #tpu.memory_space<vmem>>
        %dma_start3A_149 = arith.constant 0 : i32
        %dma_start3A_150 = tpu.memref_slice %arg2[%mul3A_140, %dma_start3A_149] : memref<38400x128xi32, #tpu.memory_space<hbm>> -> memref<24x128xi32, #tpu.memory_space<hbm>>
        tpu.enqueue_dma source(%dma_start3A_150 : memref<24x128xi32, #tpu.memory_space<hbm>>) target(%dma_start3A_148 : memref<24x128xi32, #tpu.memory_space<vmem>>) target_semaphore(%arg14 : memref<!tpu.dma_semaphore, #tpu.memory_space<semaphore_mem>>)
      } else {
      }
      %mul3A_62 = arith.constant 3 : i32
      %mul3A_63 = arith.muli %add3A_53, %mul3A_62 : i32
      %dma_wait3A_64 = arith.constant 0 : i32
      %dma_wait3A_65 = arith.constant 0 : i32
      %dma_wait3A_66 = tpu.memref_slice %arg10[%dma_wait3A_64, %dma_wait3A_65] : memref<48x128xi32, #tpu.memory_space<vmem>> -> memref<24x128xi32, #tpu.memory_space<vmem>>
      %dma_wait3A_67 = arith.constant 0 : i32
      %dma_wait3A_68 = tpu.memref_slice %arg2[%mul3A_63, %dma_wait3A_67] : memref<38400x128xi32, #tpu.memory_space<hbm>> -> memref<24x128xi32, #tpu.memory_space<hbm>>
      %dma_wait3A_69 = arith.constant 0 : i32
      %dma_wait3A_70 = arith.constant 0 : i32
      %dma_wait3A_71 = tpu.memref_slice %arg10[%dma_wait3A_69, %dma_wait3A_70] : memref<48x128xi32, #tpu.memory_space<vmem>> -> memref<24x128xi32, #tpu.memory_space<vmem>>
      %dma_wait3A_72 = arith.constant 0 : i32
      %dma_wait3A_73 = tpu.memref_slice %arg2[%mul3A_63, %dma_wait3A_72] : memref<38400x128xi32, #tpu.memory_space<hbm>> -> memref<24x128xi32, #tpu.memory_space<hbm>>
      tpu.wait_dma2 semaphore(%arg13 : memref<!tpu.dma_semaphore, #tpu.memory_space<semaphore_mem>>) src(%dma_wait3A_73 : memref<24x128xi32, #tpu.memory_space<hbm>>) dst(%dma_wait3A_71 : memref<24x128xi32, #tpu.memory_space<vmem>>)
      %scan3A_74 = arith.constant 0 : i32
      %scan3A_75 = arith.constant 0 : i32
      %scan3A_76 = arith.constant 4 : i32
      %scan3A_77 = arith.addi %scan3A_75, %scan3A_76 : i32
      %scan3A_78 = arith.constant 1 : i32
      scf.for %scan3A_137 = %scan3A_75 to %scan3A_77 step %scan3A_78  : i32 {
        %mul3A_138 = arith.constant 2 : i32
        %mul3A_139 = arith.muli %scan3A_137, %mul3A_138 : i32
        %add3A_140 = arith.constant 0 : i32
        %add3A_141 = arith.addi %add3A_140, %mul3A_139 : i32
        %add3A_142 = arith.constant 0 : i32
        %add3A_143 = arith.addi %add3A_141, %add3A_142 : i32
        %mul3A_144 = arith.constant 3 : i32
        %mul3A_145 = arith.muli %add3A_143, %mul3A_144 : i32
        %mul3A_146 = arith.constant 2 : i32
        %mul3A_147 = arith.muli %scan3A_137, %mul3A_146 : i32
        %add3A_148 = arith.constant 0 : i32
        %add3A_149 = arith.addi %add3A_148, %mul3A_147 : i32
        %add3A_150 = arith.constant 0 : i32
        %add3A_151 = arith.addi %add3A_149, %add3A_150 : i32
        %get3A = arith.index_cast %mul3A_145 : i32 to index
        %get3A_152 = arith.constant 0 : index
        %get3A_153 = tpu.vector_load %arg10[%get3A, %get3A_152] {strides = array<i32>} : memref<48x128xi32, #tpu.memory_space<vmem>>, vector<16xi32>,
        %add3A_154 = arith.constant 1 : i32
        %add3A_155 = arith.addi %mul3A_145, %add3A_154 : i32
        %get3A_156 = arith.index_cast %add3A_155 : i32 to index
        %get3A_157 = arith.constant 0 : index
        %get3A_158 = tpu.vector_load %arg10[%get3A_156, %get3A_157] {strides = array<i32>} : memref<48x128xi32, #tpu.memory_space<vmem>>, vector<16xi32>,
        %add3A_159 = arith.constant 2 : i32
        %add3A_160 = arith.addi %mul3A_145, %add3A_159 : i32
        %get3A_161 = arith.index_cast %add3A_160 : i32 to index
        %get3A_162 = arith.constant 0 : index
        %get3A_163 = tpu.vector_load %arg10[%get3A_161, %get3A_162] {strides = array<i32>} : memref<48x128xi32, #tpu.memory_space<vmem>>, vector<16xi32>,
        %gather3A = tpu.vector_load_idx %arg7[%get3A_158] : memref<50048xi32, #tpu.memory_space<vmem>>[vector<16xi32>], vector<16xi32>,
        %gather3A_164 = tpu.vector_load_idx %arg7[%get3A_163] : memref<50048xi32, #tpu.memory_space<vmem>>[vector<16xi32>], vector<16xi32>,
        %mul3A_165 = arith.constant 16 : i32
        %mul3A_166 = vector.broadcast %mul3A_165 : i32 to vector<16xi32>
        %mul3A_167 = arith.muli %get3A_153, %mul3A_166 : vector<16xi32>
        %mul3A_168 = arith.constant 4 : i32
        %mul3A_169 = vector.broadcast %mul3A_168 : i32 to vector<16xi32>
        %mul3A_170 = arith.muli %gather3A, %mul3A_169 : vector<16xi32>
        %add3A_171 = arith.addi %mul3A_167, %mul3A_170 : vector<16xi32>
        %add3A_172 = arith.addi %add3A_171, %gather3A_164 : vector<16xi32>
        %gather3A_173 = tpu.vector_load_idx %arg9[%add3A_172] : memref<608xf32, #tpu.memory_space<vmem>>[vector<16xi32>], vector<16xf32>,
        %swap3A = arith.index_cast %add3A_151 : i32 to index
        %swap3A_174 = arith.constant 0 : index
        %swap3A_175 = tpu.vector_load %arg11[%swap3A, %swap3A_174] {strides = array<i32>} : memref<16x128xf32, #tpu.memory_space<vmem>>, vector<16xf32>,
        tpu.vector_store %arg11[%swap3A, %swap3A_174], %gather3A_173 {strides = array<i32>} : memref<16x128xf32, #tpu.memory_space<vmem>>, vector<16xf32>,
        tpu.vector_store_idx %arg8[%get3A_163], %gather3A_173 {add = true} : memref<50048xf32, #tpu.memory_space<vmem>>[vector<16xi32>], vector<16xf32>,
        %get3A_176 = arith.index_cast %mul3A_145 : i32 to index
        %get3A_177 = arith.constant 16 : index
        %get3A_178 = tpu.vector_load %arg10[%get3A_176, %get3A_177] {strides = array<i32>} : memref<48x128xi32, #tpu.memory_space<vmem>>, vector<16xi32>,
        %add3A_179 = arith.constant 1 : i32
        %add3A_180 = arith.addi %mul3A_145, %add3A_179 : i32
        %get3A_181 = arith.index_cast %add3A_180 : i32 to index
        %get3A_182 = arith.constant 16 : index
        %get3A_183 = tpu.vector_load %arg10[%get3A_181, %get3A_182] {strides = array<i32>} : memref<48x128xi32, #tpu.memory_space<vmem>>, vector<16xi32>,
        %add3A_184 = arith.constant 2 : i32
        %add3A_185 = arith.addi %mul3A_145, %add3A_184 : i32
        %get3A_186 = arith.index_cast %add3A_185 : i32 to index
        %get3A_187 = arith.constant 16 : index
        %get3A_188 = tpu.vector_load %arg10[%get3A_186, %get3A_187] {strides = array<i32>} : memref<48x128xi32, #tpu.memory_space<vmem>>, vector<16xi32>,
        %gather3A_189 = tpu.vector_load_idx %arg7[%get3A_183] : memref<50048xi32, #tpu.memory_space<vmem>>[vector<16xi32>], vector<16xi32>,
        %gather3A_190 = tpu.vector_load_idx %arg7[%get3A_188] : memref<50048xi32, #tpu.memory_space<vmem>>[vector<16xi32>], vector<16xi32>,
        %mul3A_191 = arith.constant 16 : i32
        %mul3A_192 = vector.broadcast %mul3A_191 : i32 to vector<16xi32>
        %mul3A_193 = arith.muli %get3A_178, %mul3A_192 : vector<16xi32>
        %mul3A_194 = arith.constant 4 : i32
        %mul3A_195 = vector.broadcast %mul3A_194 : i32 to vector<16xi32>
        %mul3A_196 = arith.muli %gather3A_189, %mul3A_195 : vector<16xi32>
        %add3A_197 = arith.addi %mul3A_193, %mul3A_196 : vector<16xi32>
        %add3A_198 = arith.addi %add3A_197, %gather3A_190 : vector<16xi32>
        %gather3A_199 = tpu.vector_load_idx %arg9[%add3A_198] : memref<608xf32, #tpu.memory_space<vmem>>[vector<16xi32>], vector<16xf32>,
        %swap3A_200 = arith.index_cast %add3A_151 : i32 to index
        %swap3A_201 = arith.constant 16 : index
        %swap3A_202 = tpu.vector_load %arg11[%swap3A_200, %swap3A_201] {strides = array<i32>} : memref<16x128xf32, #tpu.memory_space<vmem>>, vector<16xf32>,
        tpu.vector_store %arg11[%swap3A_200, %swap3A_201], %gather3A_199 {strides = array<i32>} : memref<16x128xf32, #tpu.memory_space<vmem>>, vector<16xf32>,
        tpu.vector_store_idx %arg8[%get3A_188], %gather3A_199 {add = true} : memref<50048xf32, #tpu.memory_space<vmem>>[vector<16xi32>], vector<16xf32>,
        %get3A_203 = arith.index_cast %mul3A_145 : i32 to index
        %get3A_204 = arith.constant 32 : index
        %get3A_205 = tpu.vector_load %arg10[%get3A_203, %get3A_204] {strides = array<i32>} : memref<48x128xi32, #tpu.memory_space<vmem>>, vector<16xi32>,
        %add3A_206 = arith.constant 1 : i32
        %add3A_207 = arith.addi %mul3A_145, %add3A_206 : i32
        %get3A_208 = arith.index_cast %add3A_207 : i32 to index
        %get3A_209 = arith.constant 32 : index
        %get3A_210 = tpu.vector_load %arg10[%get3A_208, %get3A_209] {strides = array<i32>} : memref<48x128xi32, #tpu.memory_space<vmem>>, vector<16xi32>,
        %add3A_211 = arith.constant 2 : i32
        %add3A_212 = arith.addi %mul3A_145, %add3A_211 : i32
        %get3A_213 = arith.index_cast %add3A_212 : i32 to index
        %get3A_214 = arith.constant 32 : index
        %get3A_215 = tpu.vector_load %arg10[%get3A_213, %get3A_214] {strides = array<i32>} : memref<48x128xi32, #tpu.memory_space<vmem>>, vector<16xi32>,
        %gather3A_216 = tpu.vector_load_idx %arg7[%get3A_210] : memref<50048xi32, #tpu.memory_space<vmem>>[vector<16xi32>], vector<16xi32>,
        %gather3A_217 = tpu.vector_load_idx %arg7[%get3A_215] : memref<50048xi32, #tpu.memory_space<vmem>>[vector<16xi32>], vector<16xi32>,
        %mul3A_218 = arith.constant 16 : i32
        %mul3A_219 = vector.broadcast %mul3A_218 : i32 to vector<16xi32>
        %mul3A_220 = arith.muli %get3A_205, %mul3A_219 : vector<16xi32>
        %mul3A_221 = arith.constant 4 : i32
        %mul3A_222 = vector.broadcast %mul3A_221 : i32 to vector<16xi32>
        %mul3A_223 = arith.muli %gather3A_216, %mul3A_222 : vector<16xi32>
        %add3A_224 = arith.addi %mul3A_220, %mul3A_223 : vector<16xi32>
        %add3A_225 = arith.addi %add3A_224, %gather3A_217 : vector<16xi32>
        %gather3A_226 = tpu.vector_load_idx %arg9[%add3A_225] : memref<608xf32, #tpu.memory_space<vmem>>[vector<16xi32>], vector<16xf32>,
        %swap3A_227 = arith.index_cast %add3A_151 : i32 to index
        %swap3A_228 = arith.constant 32 : index
        %swap3A_229 = tpu.vector_load %arg11[%swap3A_227, %swap3A_228] {strides = array<i32>} : memref<16x128xf32, #tpu.memory_space<vmem>>, vector<16xf32>,
        tpu.vector_store %arg11[%swap3A_227, %swap3A_228], %gather3A_226 {strides = array<i32>} : memref<16x128xf32, #tpu.memory_space<vmem>>, vector<16xf32>,
        tpu.vector_store_idx %arg8[%get3A_215], %gather3A_226 {add = true} : memref<50048xf32, #tpu.memory_space<vmem>>[vector<16xi32>], vector<16xf32>,
        %get3A_230 = arith.index_cast %mul3A_145 : i32 to index
        %get3A_231 = arith.constant 48 : index
        %get3A_232 = tpu.vector_load %arg10[%get3A_230, %get3A_231] {strides = array<i32>} : memref<48x128xi32, #tpu.memory_space<vmem>>, vector<16xi32>,
        %add3A_233 = arith.constant 1 : i32
        %add3A_234 = arith.addi %mul3A_145, %add3A_233 : i32
        %get3A_235 = arith.index_cast %add3A_234 : i32 to index
        %get3A_236 = arith.constant 48 : index
        %get3A_237 = tpu.vector_load %arg10[%get3A_235, %get3A_236] {strides = array<i32>} : memref<48x128xi32, #tpu.memory_space<vmem>>, vector<16xi32>,
        %add3A_238 = arith.constant 2 : i32
        %add3A_239 = arith.addi %mul3A_145, %add3A_238 : i32
        %get3A_240 = arith.index_cast %add3A_239 : i32 to index
        %get3A_241 = arith.constant 48 : index
        %get3A_242 = tpu.vector_load %arg10[%get3A_240, %get3A_241] {strides = array<i32>} : memref<48x128xi32, #tpu.memory_space<vmem>>, vector<16xi32>,
        %gather3A_243 = tpu.vector_load_idx %arg7[%get3A_237] : memref<50048xi32, #tpu.memory_space<vmem>>[vector<16xi32>], vector<16xi32>,
        %gather3A_244 = tpu.vector_load_idx %arg7[%get3A_242] : memref<50048xi32, #tpu.memory_space<vmem>>[vector<16xi32>], vector<16xi32>,
        %mul3A_245 = arith.constant 16 : i32
        %mul3A_246 = vector.broadcast %mul3A_245 : i32 to vector<16xi32>
        %mul3A_247 = arith.muli %get3A_232, %mul3A_246 : vector<16xi32>
        %mul3A_248 = arith.constant 4 : i32
        %mul3A_249 = vector.broadcast %mul3A_248 : i32 to vector<16xi32>
        %mul3A_250 = arith.muli %gather3A_243, %mul3A_249 : vector<16xi32>
        %add3A_251 = arith.addi %mul3A_247, %mul3A_250 : vector<16xi32>
        %add3A_252 = arith.addi %add3A_251, %gather3A_244 : vector<16xi32>
        %gather3A_253 = tpu.vector_load_idx %arg9[%add3A_252] : memref<608xf32, #tpu.memory_space<vmem>>[vector<16xi32>], vector<16xf32>,
        %swap3A_254 = arith.index_cast %add3A_151 : i32 to index
        %swap3A_255 = arith.constant 48 : index
        %swap3A_256 = tpu.vector_load %arg11[%swap3A_254, %swap3A_255] {strides = array<i32>} : memref<16x128xf32, #tpu.memory_space<vmem>>, vector<16xf32>,
        tpu.vector_store %arg11[%swap3A_254, %swap3A_255], %gather3A_253 {strides = array<i32>} : memref<16x128xf32, #tpu.memory_space<vmem>>, vector<16xf32>,
        tpu.vector_store_idx %arg8[%get3A_242], %gather3A_253 {add = true} : memref<50048xf32, #tpu.memory_space<vmem>>[vector<16xi32>], vector<16xf32>,
        %get3A_257 = arith.index_cast %mul3A_145 : i32 to index
        %get3A_258 = arith.constant 64 : index
        %get3A_259 = tpu.vector_load %arg10[%get3A_257, %get3A_258] {strides = array<i32>} : memref<48x128xi32, #tpu.memory_space<vmem>>, vector<16xi32>,
        %add3A_260 = arith.constant 1 : i32
        %add3A_261 = arith.addi %mul3A_145, %add3A_260 : i32
        %get3A_262 = arith.index_cast %add3A_261 : i32 to index
        %get3A_263 = arith.constant 64 : index
        %get3A_264 = tpu.vector_load %arg10[%get3A_262, %get3A_263] {strides = array<i32>} : memref<48x128xi32, #tpu.memory_space<vmem>>, vector<16xi32>,
        %add3A_265 = arith.constant 2 : i32
        %add3A_266 = arith.addi %mul3A_145, %add3A_265 : i32
        %get3A_267 = arith.index_cast %add3A_266 : i32 to index
        %get3A_268 = arith.constant 64 : index
        %get3A_269 = tpu.vector_load %arg10[%get3A_267, %get3A_268] {strides = array<i32>} : memref<48x128xi32, #tpu.memory_space<vmem>>, vector<16xi32>,
        %gather3A_270 = tpu.vector_load_idx %arg7[%get3A_264] : memref<50048xi32, #tpu.memory_space<vmem>>[vector<16xi32>], vector<16xi32>,
        %gather3A_271 = tpu.vector_load_idx %arg7[%get3A_269] : memref<50048xi32, #tpu.memory_space<vmem>>[vector<16xi32>], vector<16xi32>,
        %mul3A_272 = arith.constant 16 : i32
        %mul3A_273 = vector.broadcast %mul3A_272 : i32 to vector<16xi32>
        %mul3A_274 = arith.muli %get3A_259, %mul3A_273 : vector<16xi32>
        %mul3A_275 = arith.constant 4 : i32
        %mul3A_276 = vector.broadcast %mul3A_275 : i32 to vector<16xi32>
        %mul3A_277 = arith.muli %gather3A_270, %mul3A_276 : vector<16xi32>
        %add3A_278 = arith.addi %mul3A_274, %mul3A_277 : vector<16xi32>
        %add3A_279 = arith.addi %add3A_278, %gather3A_271 : vector<16xi32>
        %gather3A_280 = tpu.vector_load_idx %arg9[%add3A_279] : memref<608xf32, #tpu.memory_space<vmem>>[vector<16xi32>], vector<16xf32>,
        %swap3A_281 = arith.index_cast %add3A_151 : i32 to index
        %swap3A_282 = arith.constant 64 : index
        %swap3A_283 = tpu.vector_load %arg11[%swap3A_281, %swap3A_282] {strides = array<i32>} : memref<16x128xf32, #tpu.memory_space<vmem>>, vector<16xf32>,
        tpu.vector_store %arg11[%swap3A_281, %swap3A_282], %gather3A_280 {strides = array<i32>} : memref<16x128xf32, #tpu.memory_space<vmem>>, vector<16xf32>,
        tpu.vector_store_idx %arg8[%get3A_269], %gather3A_280 {add = true} : memref<50048xf32, #tpu.memory_space<vmem>>[vector<16xi32>], vector<16xf32>,
        %get3A_284 = arith.index_cast %mul3A_145 : i32 to index
        %get3A_285 = arith.constant 80 : index
        %get3A_286 = tpu.vector_load %arg10[%get3A_284, %get3A_285] {strides = array<i32>} : memref<48x128xi32, #tpu.memory_space<vmem>>, vector<16xi32>,
        %add3A_287 = arith.constant 1 : i32
        %add3A_288 = arith.addi %mul3A_145, %add3A_287 : i32
        %get3A_289 = arith.index_cast %add3A_288 : i32 to index
        %get3A_290 = arith.constant 80 : index
        %get3A_291 = tpu.vector_load %arg10[%get3A_289, %get3A_290] {strides = array<i32>} : memref<48x128xi32, #tpu.memory_space<vmem>>, vector<16xi32>,
        %add3A_292 = arith.constant 2 : i32
        %add3A_293 = arith.addi %mul3A_145, %add3A_292 : i32
        %get3A_294 = arith.index_cast %add3A_293 : i32 to index
        %get3A_295 = arith.constant 80 : index
        %get3A_296 = tpu.vector_load %arg10[%get3A_294, %get3A_295] {strides = array<i32>} : memref<48x128xi32, #tpu.memory_space<vmem>>, vector<16xi32>,
        %gather3A_297 = tpu.vector_load_idx %arg7[%get3A_291] : memref<50048xi32, #tpu.memory_space<vmem>>[vector<16xi32>], vector<16xi32>,
        %gather3A_298 = tpu.vector_load_idx %arg7[%get3A_296] : memref<50048xi32, #tpu.memory_space<vmem>>[vector<16xi32>], vector<16xi32>,
        %mul3A_299 = arith.constant 16 : i32
        %mul3A_300 = vector.broadcast %mul3A_299 : i32 to vector<16xi32>
        %mul3A_301 = arith.muli %get3A_286, %mul3A_300 : vector<16xi32>
        %mul3A_302 = arith.constant 4 : i32
        %mul3A_303 = vector.broadcast %mul3A_302 : i32 to vector<16xi32>
        %mul3A_304 = arith.muli %gather3A_297, %mul3A_303 : vector<16xi32>
        %add3A_305 = arith.addi %mul3A_301, %mul3A_304 : vector<16xi32>
        %add3A_306 = arith.addi %add3A_305, %gather3A_298 : vector<16xi32>
        %gather3A_307 = tpu.vector_load_idx %arg9[%add3A_306] : memref<608xf32, #tpu.memory_space<vmem>>[vector<16xi32>], vector<16xf32>,
        %swap3A_308 = arith.index_cast %add3A_151 : i32 to index
        %swap3A_309 = arith.constant 80 : index
        %swap3A_310 = tpu.vector_load %arg11[%swap3A_308, %swap3A_309] {strides = array<i32>} : memref<16x128xf32, #tpu.memory_space<vmem>>, vector<16xf32>,
        tpu.vector_store %arg11[%swap3A_308, %swap3A_309], %gather3A_307 {strides = array<i32>} : memref<16x128xf32, #tpu.memory_space<vmem>>, vector<16xf32>,
        tpu.vector_store_idx %arg8[%get3A_296], %gather3A_307 {add = true} : memref<50048xf32, #tpu.memory_space<vmem>>[vector<16xi32>], vector<16xf32>,
        %get3A_311 = arith.index_cast %mul3A_145 : i32 to index
        %get3A_312 = arith.constant 96 : index
        %get3A_313 = tpu.vector_load %arg10[%get3A_311, %get3A_312] {strides = array<i32>} : memref<48x128xi32, #tpu.memory_space<vmem>>, vector<16xi32>,
        %add3A_314 = arith.constant 1 : i32
        %add3A_315 = arith.addi %mul3A_145, %add3A_314 : i32
        %get3A_316 = arith.index_cast %add3A_315 : i32 to index
        %get3A_317 = arith.constant 96 : index
        %get3A_318 = tpu.vector_load %arg10[%get3A_316, %get3A_317] {strides = array<i32>} : memref<48x128xi32, #tpu.memory_space<vmem>>, vector<16xi32>,
        %add3A_319 = arith.constant 2 : i32
        %add3A_320 = arith.addi %mul3A_145, %add3A_319 : i32
        %get3A_321 = arith.index_cast %add3A_320 : i32 to index
        %get3A_322 = arith.constant 96 : index
        %get3A_323 = tpu.vector_load %arg10[%get3A_321, %get3A_322] {strides = array<i32>} : memref<48x128xi32, #tpu.memory_space<vmem>>, vector<16xi32>,
        %gather3A_324 = tpu.vector_load_idx %arg7[%get3A_318] : memref<50048xi32, #tpu.memory_space<vmem>>[vector<16xi32>], vector<16xi32>,
        %gather3A_325 = tpu.vector_load_idx %arg7[%get3A_323] : memref<50048xi32, #tpu.memory_space<vmem>>[vector<16xi32>], vector<16xi32>,
        %mul3A_326 = arith.constant 16 : i32
        %mul3A_327 = vector.broadcast %mul3A_326 : i32 to vector<16xi32>
        %mul3A_328 = arith.muli %get3A_313, %mul3A_327 : vector<16xi32>
        %mul3A_329 = arith.constant 4 : i32
        %mul3A_330 = vector.broadcast %mul3A_329 : i32 to vector<16xi32>
        %mul3A_331 = arith.muli %gather3A_324, %mul3A_330 : vector<16xi32>
        %add3A_332 = arith.addi %mul3A_328, %mul3A_331 : vector<16xi32>
        %add3A_333 = arith.addi %add3A_332, %gather3A_325 : vector<16xi32>
        %gather3A_334 = tpu.vector_load_idx %arg9[%add3A_333] : memref<608xf32, #tpu.memory_space<vmem>>[vector<16xi32>], vector<16xf32>,
        %swap3A_335 = arith.index_cast %add3A_151 : i32 to index
        %swap3A_336 = arith.constant 96 : index
        %swap3A_337 = tpu.vector_load %arg11[%swap3A_335, %swap3A_336] {strides = array<i32>} : memref<16x128xf32, #tpu.memory_space<vmem>>, vector<16xf32>,
        tpu.vector_store %arg11[%swap3A_335, %swap3A_336], %gather3A_334 {strides = array<i32>} : memref<16x128xf32, #tpu.memory_space<vmem>>, vector<16xf32>,
        tpu.vector_store_idx %arg8[%get3A_323], %gather3A_334 {add = true} : memref<50048xf32, #tpu.memory_space<vmem>>[vector<16xi32>], vector<16xf32>,
        %get3A_338 = arith.index_cast %mul3A_145 : i32 to index
        %get3A_339 = arith.constant 112 : index
        %get3A_340 = tpu.vector_load %arg10[%get3A_338, %get3A_339] {strides = array<i32>} : memref<48x128xi32, #tpu.memory_space<vmem>>, vector<16xi32>,
        %add3A_341 = arith.constant 1 : i32
        %add3A_342 = arith.addi %mul3A_145, %add3A_341 : i32
        %get3A_343 = arith.index_cast %add3A_342 : i32 to index
        %get3A_344 = arith.constant 112 : index
        %get3A_345 = tpu.vector_load %arg10[%get3A_343, %get3A_344] {strides = array<i32>} : memref<48x128xi32, #tpu.memory_space<vmem>>, vector<16xi32>,
        %add3A_346 = arith.constant 2 : i32
        %add3A_347 = arith.addi %mul3A_145, %add3A_346 : i32
        %get3A_348 = arith.index_cast %add3A_347 : i32 to index
        %get3A_349 = arith.constant 112 : index
        %get3A_350 = tpu.vector_load %arg10[%get3A_348, %get3A_349] {strides = array<i32>} : memref<48x128xi32, #tpu.memory_space<vmem>>, vector<16xi32>,
        %gather3A_351 = tpu.vector_load_idx %arg7[%get3A_345] : memref<50048xi32, #tpu.memory_space<vmem>>[vector<16xi32>], vector<16xi32>,
        %gather3A_352 = tpu.vector_load_idx %arg7[%get3A_350] : memref<50048xi32, #tpu.memory_space<vmem>>[vector<16xi32>], vector<16xi32>,
        %mul3A_353 = arith.constant 16 : i32
        %mul3A_354 = vector.broadcast %mul3A_353 : i32 to vector<16xi32>
        %mul3A_355 = arith.muli %get3A_340, %mul3A_354 : vector<16xi32>
        %mul3A_356 = arith.constant 4 : i32
        %mul3A_357 = vector.broadcast %mul3A_356 : i32 to vector<16xi32>
        %mul3A_358 = arith.muli %gather3A_351, %mul3A_357 : vector<16xi32>
        %add3A_359 = arith.addi %mul3A_355, %mul3A_358 : vector<16xi32>
        %add3A_360 = arith.addi %add3A_359, %gather3A_352 : vector<16xi32>
        %gather3A_361 = tpu.vector_load_idx %arg9[%add3A_360] : memref<608xf32, #tpu.memory_space<vmem>>[vector<16xi32>], vector<16xf32>,
        %swap3A_362 = arith.index_cast %add3A_151 : i32 to index
        %swap3A_363 = arith.constant 112 : index
        %swap3A_364 = tpu.vector_load %arg11[%swap3A_362, %swap3A_363] {strides = array<i32>} : memref<16x128xf32, #tpu.memory_space<vmem>>, vector<16xf32>,
        tpu.vector_store %arg11[%swap3A_362, %swap3A_363], %gather3A_361 {strides = array<i32>} : memref<16x128xf32, #tpu.memory_space<vmem>>, vector<16xf32>,
        tpu.vector_store_idx %arg8[%get3A_350], %gather3A_361 {add = true} : memref<50048xf32, #tpu.memory_space<vmem>>[vector<16xi32>], vector<16xf32>,
        %mul3A_365 = arith.constant 2 : i32
        %mul3A_366 = arith.muli %scan3A_137, %mul3A_365 : i32
        %add3A_367 = arith.constant 0 : i32
        %add3A_368 = arith.addi %add3A_367, %mul3A_366 : i32
        %add3A_369 = arith.constant 1 : i32
        %add3A_370 = arith.addi %add3A_368, %add3A_369 : i32
        %mul3A_371 = arith.constant 3 : i32
        %mul3A_372 = arith.muli %add3A_370, %mul3A_371 : i32
        %mul3A_373 = arith.constant 2 : i32
        %mul3A_374 = arith.muli %scan3A_137, %mul3A_373 : i32
        %add3A_375 = arith.constant 0 : i32
        %add3A_376 = arith.addi %add3A_375, %mul3A_374 : i32
        %add3A_377 = arith.constant 1 : i32
        %add3A_378 = arith.addi %add3A_376, %add3A_377 : i32
        %get3A_379 = arith.index_cast %mul3A_372 : i32 to index
        %get3A_380 = arith.constant 0 : index
        %get3A_381 = tpu.vector_load %arg10[%get3A_379, %get3A_380] {strides = array<i32>} : memref<48x128xi32, #tpu.memory_space<vmem>>, vector<16xi32>,
        %add3A_382 = arith.constant 1 : i32
        %add3A_383 = arith.addi %mul3A_372, %add3A_382 : i32
        %get3A_384 = arith.index_cast %add3A_383 : i32 to index
        %get3A_385 = arith.constant 0 : index
        %get3A_386 = tpu.vector_load %arg10[%get3A_384, %get3A_385] {strides = array<i32>} : memref<48x128xi32, #tpu.memory_space<vmem>>, vector<16xi32>,
        %add3A_387 = arith.constant 2 : i32
        %add3A_388 = arith.addi %mul3A_372, %add3A_387 : i32
        %get3A_389 = arith.index_cast %add3A_388 : i32 to index
        %get3A_390 = arith.constant 0 : index
        %get3A_391 = tpu.vector_load %arg10[%get3A_389, %get3A_390] {strides = array<i32>} : memref<48x128xi32, #tpu.memory_space<vmem>>, vector<16xi32>,
        %gather3A_392 = tpu.vector_load_idx %arg7[%get3A_386] : memref<50048xi32, #tpu.memory_space<vmem>>[vector<16xi32>], vector<16xi32>,
        %gather3A_393 = tpu.vector_load_idx %arg7[%get3A_391] : memref<50048xi32, #tpu.memory_space<vmem>>[vector<16xi32>], vector<16xi32>,
        %mul3A_394 = arith.constant 16 : i32
        %mul3A_395 = vector.broadcast %mul3A_394 : i32 to vector<16xi32>
        %mul3A_396 = arith.muli %get3A_381, %mul3A_395 : vector<16xi32>
        %mul3A_397 = arith.constant 4 : i32
        %mul3A_398 = vector.broadcast %mul3A_397 : i32 to vector<16xi32>
        %mul3A_399 = arith.muli %gather3A_392, %mul3A_398 : vector<16xi32>
        %add3A_400 = arith.addi %mul3A_396, %mul3A_399 : vector<16xi32>
        %add3A_401 = arith.addi %add3A_400, %gather3A_393 : vector<16xi32>
        %gather3A_402 = tpu.vector_load_idx %arg9[%add3A_401] : memref<608xf32, #tpu.memory_space<vmem>>[vector<16xi32>], vector<16xf32>,
        %swap3A_403 = arith.index_cast %add3A_378 : i32 to index
        %swap3A_404 = arith.constant 0 : index
        %swap3A_405 = tpu.vector_load %arg11[%swap3A_403, %swap3A_404] {strides = array<i32>} : memref<16x128xf32, #tpu.memory_space<vmem>>, vector<16xf32>,
        tpu.vector_store %arg11[%swap3A_403, %swap3A_404], %gather3A_402 {strides = array<i32>} : memref<16x128xf32, #tpu.memory_space<vmem>>, vector<16xf32>,
        tpu.vector_store_idx %arg8[%get3A_391], %gather3A_402 {add = true} : memref<50048xf32, #tpu.memory_space<vmem>>[vector<16xi32>], vector<16xf32>,
        %get3A_406 = arith.index_cast %mul3A_372 : i32 to index
        %get3A_407 = arith.constant 16 : index
        %get3A_408 = tpu.vector_load %arg10[%get3A_406, %get3A_407] {strides = array<i32>} : memref<48x128xi32, #tpu.memory_space<vmem>>, vector<16xi32>,
        %add3A_409 = arith.constant 1 : i32
        %add3A_410 = arith.addi %mul3A_372, %add3A_409 : i32
        %get3A_411 = arith.index_cast %add3A_410 : i32 to index
        %get3A_412 = arith.constant 16 : index
        %get3A_413 = tpu.vector_load %arg10[%get3A_411, %get3A_412] {strides = array<i32>} : memref<48x128xi32, #tpu.memory_space<vmem>>, vector<16xi32>,
        %add3A_414 = arith.constant 2 : i32
        %add3A_415 = arith.addi %mul3A_372, %add3A_414 : i32
        %get3A_416 = arith.index_cast %add3A_415 : i32 to index
        %get3A_417 = arith.constant 16 : index
        %get3A_418 = tpu.vector_load %arg10[%get3A_416, %get3A_417] {strides = array<i32>} : memref<48x128xi32, #tpu.memory_space<vmem>>, vector<16xi32>,
        %gather3A_419 = tpu.vector_load_idx %arg7[%get3A_413] : memref<50048xi32, #tpu.memory_space<vmem>>[vector<16xi32>], vector<16xi32>,
        %gather3A_420 = tpu.vector_load_idx %arg7[%get3A_418] : memref<50048xi32, #tpu.memory_space<vmem>>[vector<16xi32>], vector<16xi32>,
        %mul3A_421 = arith.constant 16 : i32
        %mul3A_422 = vector.broadcast %mul3A_421 : i32 to vector<16xi32>
        %mul3A_423 = arith.muli %get3A_408, %mul3A_422 : vector<16xi32>
        %mul3A_424 = arith.constant 4 : i32
        %mul3A_425 = vector.broadcast %mul3A_424 : i32 to vector<16xi32>
        %mul3A_426 = arith.muli %gather3A_419, %mul3A_425 : vector<16xi32>
        %add3A_427 = arith.addi %mul3A_423, %mul3A_426 : vector<16xi32>
        %add3A_428 = arith.addi %add3A_427, %gather3A_420 : vector<16xi32>
        %gather3A_429 = tpu.vector_load_idx %arg9[%add3A_428] : memref<608xf32, #tpu.memory_space<vmem>>[vector<16xi32>], vector<16xf32>,
        %swap3A_430 = arith.index_cast %add3A_378 : i32 to index
        %swap3A_431 = arith.constant 16 : index
        %swap3A_432 = tpu.vector_load %arg11[%swap3A_430, %swap3A_431] {strides = array<i32>} : memref<16x128xf32, #tpu.memory_space<vmem>>, vector<16xf32>,
        tpu.vector_store %arg11[%swap3A_430, %swap3A_431], %gather3A_429 {strides = array<i32>} : memref<16x128xf32, #tpu.memory_space<vmem>>, vector<16xf32>,
        tpu.vector_store_idx %arg8[%get3A_418], %gather3A_429 {add = true} : memref<50048xf32, #tpu.memory_space<vmem>>[vector<16xi32>], vector<16xf32>,
        %get3A_433 = arith.index_cast %mul3A_372 : i32 to index
        %get3A_434 = arith.constant 32 : index
        %get3A_435 = tpu.vector_load %arg10[%get3A_433, %get3A_434] {strides = array<i32>} : memref<48x128xi32, #tpu.memory_space<vmem>>, vector<16xi32>,
        %add3A_436 = arith.constant 1 : i32
        %add3A_437 = arith.addi %mul3A_372, %add3A_436 : i32
        %get3A_438 = arith.index_cast %add3A_437 : i32 to index
        %get3A_439 = arith.constant 32 : index
        %get3A_440 = tpu.vector_load %arg10[%get3A_438, %get3A_439] {strides = array<i32>} : memref<48x128xi32, #tpu.memory_space<vmem>>, vector<16xi32>,
        %add3A_441 = arith.constant 2 : i32
        %add3A_442 = arith.addi %mul3A_372, %add3A_441 : i32
        %get3A_443 = arith.index_cast %add3A_442 : i32 to index
        %get3A_444 = arith.constant 32 : index
        %get3A_445 = tpu.vector_load %arg10[%get3A_443, %get3A_444] {strides = array<i32>} : memref<48x128xi32, #tpu.memory_space<vmem>>, vector<16xi32>,
        %gather3A_446 = tpu.vector_load_idx %arg7[%get3A_440] : memref<50048xi32, #tpu.memory_space<vmem>>[vector<16xi32>], vector<16xi32>,
        %gather3A_447 = tpu.vector_load_idx %arg7[%get3A_445] : memref<50048xi32, #tpu.memory_space<vmem>>[vector<16xi32>], vector<16xi32>,
        %mul3A_448 = arith.constant 16 : i32
        %mul3A_449 = vector.broadcast %mul3A_448 : i32 to vector<16xi32>
        %mul3A_450 = arith.muli %get3A_435, %mul3A_449 : vector<16xi32>
        %mul3A_451 = arith.constant 4 : i32
        %mul3A_452 = vector.broadcast %mul3A_451 : i32 to vector<16xi32>
        %mul3A_453 = arith.muli %gather3A_446, %mul3A_452 : vector<16xi32>
        %add3A_454 = arith.addi %mul3A_450, %mul3A_453 : vector<16xi32>
        %add3A_455 = arith.addi %add3A_454, %gather3A_447 : vector<16xi32>
        %gather3A_456 = tpu.vector_load_idx %arg9[%add3A_455] : memref<608xf32, #tpu.memory_space<vmem>>[vector<16xi32>], vector<16xf32>,
        %swap3A_457 = arith.index_cast %add3A_378 : i32 to index
        %swap3A_458 = arith.constant 32 : index
        %swap3A_459 = tpu.vector_load %arg11[%swap3A_457, %swap3A_458] {strides = array<i32>} : memref<16x128xf32, #tpu.memory_space<vmem>>, vector<16xf32>,
        tpu.vector_store %arg11[%swap3A_457, %swap3A_458], %gather3A_456 {strides = array<i32>} : memref<16x128xf32, #tpu.memory_space<vmem>>, vector<16xf32>,
        tpu.vector_store_idx %arg8[%get3A_445], %gather3A_456 {add = true} : memref<50048xf32, #tpu.memory_space<vmem>>[vector<16xi32>], vector<16xf32>,
        %get3A_460 = arith.index_cast %mul3A_372 : i32 to index
        %get3A_461 = arith.constant 48 : index
        %get3A_462 = tpu.vector_load %arg10[%get3A_460, %get3A_461] {strides = array<i32>} : memref<48x128xi32, #tpu.memory_space<vmem>>, vector<16xi32>,
        %add3A_463 = arith.constant 1 : i32
        %add3A_464 = arith.addi %mul3A_372, %add3A_463 : i32
        %get3A_465 = arith.index_cast %add3A_464 : i32 to index
        %get3A_466 = arith.constant 48 : index
        %get3A_467 = tpu.vector_load %arg10[%get3A_465, %get3A_466] {strides = array<i32>} : memref<48x128xi32, #tpu.memory_space<vmem>>, vector<16xi32>,
        %add3A_468 = arith.constant 2 : i32
        %add3A_469 = arith.addi %mul3A_372, %add3A_468 : i32
        %get3A_470 = arith.index_cast %add3A_469 : i32 to index
        %get3A_471 = arith.constant 48 : index
        %get3A_472 = tpu.vector_load %arg10[%get3A_470, %get3A_471] {strides = array<i32>} : memref<48x128xi32, #tpu.memory_space<vmem>>, vector<16xi32>,
        %gather3A_473 = tpu.vector_load_idx %arg7[%get3A_467] : memref<50048xi32, #tpu.memory_space<vmem>>[vector<16xi32>], vector<16xi32>,
        %gather3A_474 = tpu.vector_load_idx %arg7[%get3A_472] : memref<50048xi32, #tpu.memory_space<vmem>>[vector<16xi32>], vector<16xi32>,
        %mul3A_475 = arith.constant 16 : i32
        %mul3A_476 = vector.broadcast %mul3A_475 : i32 to vector<16xi32>
        %mul3A_477 = arith.muli %get3A_462, %mul3A_476 : vector<16xi32>
        %mul3A_478 = arith.constant 4 : i32
        %mul3A_479 = vector.broadcast %mul3A_478 : i32 to vector<16xi32>
        %mul3A_480 = arith.muli %gather3A_473, %mul3A_479 : vector<16xi32>
        %add3A_481 = arith.addi %mul3A_477, %mul3A_480 : vector<16xi32>
        %add3A_482 = arith.addi %add3A_481, %gather3A_474 : vector<16xi32>
        %gather3A_483 = tpu.vector_load_idx %arg9[%add3A_482] : memref<608xf32, #tpu.memory_space<vmem>>[vector<16xi32>], vector<16xf32>,
        %swap3A_484 = arith.index_cast %add3A_378 : i32 to index
        %swap3A_485 = arith.constant 48 : index
        %swap3A_486 = tpu.vector_load %arg11[%swap3A_484, %swap3A_485] {strides = array<i32>} : memref<16x128xf32, #tpu.memory_space<vmem>>, vector<16xf32>,
        tpu.vector_store %arg11[%swap3A_484, %swap3A_485], %gather3A_483 {strides = array<i32>} : memref<16x128xf32, #tpu.memory_space<vmem>>, vector<16xf32>,
        tpu.vector_store_idx %arg8[%get3A_472], %gather3A_483 {add = true} : memref<50048xf32, #tpu.memory_space<vmem>>[vector<16xi32>], vector<16xf32>,
        %get3A_487 = arith.index_cast %mul3A_372 : i32 to index
        %get3A_488 = arith.constant 64 : index
        %get3A_489 = tpu.vector_load %arg10[%get3A_487, %get3A_488] {strides = array<i32>} : memref<48x128xi32, #tpu.memory_space<vmem>>, vector<16xi32>,
        %add3A_490 = arith.constant 1 : i32
        %add3A_491 = arith.addi %mul3A_372, %add3A_490 : i32
        %get3A_492 = arith.index_cast %add3A_491 : i32 to index
        %get3A_493 = arith.constant 64 : index
        %get3A_494 = tpu.vector_load %arg10[%get3A_492, %get3A_493] {strides = array<i32>} : memref<48x128xi32, #tpu.memory_space<vmem>>, vector<16xi32>,
        %add3A_495 = arith.constant 2 : i32
        %add3A_496 = arith.addi %mul3A_372, %add3A_495 : i32
        %get3A_497 = arith.index_cast %add3A_496 : i32 to index
        %get3A_498 = arith.constant 64 : index
        %get3A_499 = tpu.vector_load %arg10[%get3A_497, %get3A_498] {strides = array<i32>} : memref<48x128xi32, #tpu.memory_space<vmem>>, vector<16xi32>,
        %gather3A_500 = tpu.vector_load_idx %arg7[%get3A_494] : memref<50048xi32, #tpu.memory_space<vmem>>[vector<16xi32>], vector<16xi32>,
        %gather3A_501 = tpu.vector_load_idx %arg7[%get3A_499] : memref<50048xi32, #tpu.memory_space<vmem>>[vector<16xi32>], vector<16xi32>,
        %mul3A_502 = arith.constant 16 : i32
        %mul3A_503 = vector.broadcast %mul3A_502 : i32 to vector<16xi32>
        %mul3A_504 = arith.muli %get3A_489, %mul3A_503 : vector<16xi32>
        %mul3A_505 = arith.constant 4 : i32
        %mul3A_506 = vector.broadcast %mul3A_505 : i32 to vector<16xi32>
        %mul3A_507 = arith.muli %gather3A_500, %mul3A_506 : vector<16xi32>
        %add3A_508 = arith.addi %mul3A_504, %mul3A_507 : vector<16xi32>
        %add3A_509 = arith.addi %add3A_508, %gather3A_501 : vector<16xi32>
        %gather3A_510 = tpu.vector_load_idx %arg9[%add3A_509] : memref<608xf32, #tpu.memory_space<vmem>>[vector<16xi32>], vector<16xf32>,
        %swap3A_511 = arith.index_cast %add3A_378 : i32 to index
        %swap3A_512 = arith.constant 64 : index
        %swap3A_513 = tpu.vector_load %arg11[%swap3A_511, %swap3A_512] {strides = array<i32>} : memref<16x128xf32, #tpu.memory_space<vmem>>, vector<16xf32>,
        tpu.vector_store %arg11[%swap3A_511, %swap3A_512], %gather3A_510 {strides = array<i32>} : memref<16x128xf32, #tpu.memory_space<vmem>>, vector<16xf32>,
        tpu.vector_store_idx %arg8[%get3A_499], %gather3A_510 {add = true} : memref<50048xf32, #tpu.memory_space<vmem>>[vector<16xi32>], vector<16xf32>,
        %get3A_514 = arith.index_cast %mul3A_372 : i32 to index
        %get3A_515 = arith.constant 80 : index
        %get3A_516 = tpu.vector_load %arg10[%get3A_514, %get3A_515] {strides = array<i32>} : memref<48x128xi32, #tpu.memory_space<vmem>>, vector<16xi32>,
        %add3A_517 = arith.constant 1 : i32
        %add3A_518 = arith.addi %mul3A_372, %add3A_517 : i32
        %get3A_519 = arith.index_cast %add3A_518 : i32 to index
        %get3A_520 = arith.constant 80 : index
        %get3A_521 = tpu.vector_load %arg10[%get3A_519, %get3A_520] {strides = array<i32>} : memref<48x128xi32, #tpu.memory_space<vmem>>, vector<16xi32>,
        %add3A_522 = arith.constant 2 : i32
        %add3A_523 = arith.addi %mul3A_372, %add3A_522 : i32
        %get3A_524 = arith.index_cast %add3A_523 : i32 to index
        %get3A_525 = arith.constant 80 : index
        %get3A_526 = tpu.vector_load %arg10[%get3A_524, %get3A_525] {strides = array<i32>} : memref<48x128xi32, #tpu.memory_space<vmem>>, vector<16xi32>,
        %gather3A_527 = tpu.vector_load_idx %arg7[%get3A_521] : memref<50048xi32, #tpu.memory_space<vmem>>[vector<16xi32>], vector<16xi32>,
        %gather3A_528 = tpu.vector_load_idx %arg7[%get3A_526] : memref<50048xi32, #tpu.memory_space<vmem>>[vector<16xi32>], vector<16xi32>,
        %mul3A_529 = arith.constant 16 : i32
        %mul3A_530 = vector.broadcast %mul3A_529 : i32 to vector<16xi32>
        %mul3A_531 = arith.muli %get3A_516, %mul3A_530 : vector<16xi32>
        %mul3A_532 = arith.constant 4 : i32
        %mul3A_533 = vector.broadcast %mul3A_532 : i32 to vector<16xi32>
        %mul3A_534 = arith.muli %gather3A_527, %mul3A_533 : vector<16xi32>
        %add3A_535 = arith.addi %mul3A_531, %mul3A_534 : vector<16xi32>
        %add3A_536 = arith.addi %add3A_535, %gather3A_528 : vector<16xi32>
        %gather3A_537 = tpu.vector_load_idx %arg9[%add3A_536] : memref<608xf32, #tpu.memory_space<vmem>>[vector<16xi32>], vector<16xf32>,
        %swap3A_538 = arith.index_cast %add3A_378 : i32 to index
        %swap3A_539 = arith.constant 80 : index
        %swap3A_540 = tpu.vector_load %arg11[%swap3A_538, %swap3A_539] {strides = array<i32>} : memref<16x128xf32, #tpu.memory_space<vmem>>, vector<16xf32>,
        tpu.vector_store %arg11[%swap3A_538, %swap3A_539], %gather3A_537 {strides = array<i32>} : memref<16x128xf32, #tpu.memory_space<vmem>>, vector<16xf32>,
        tpu.vector_store_idx %arg8[%get3A_526], %gather3A_537 {add = true} : memref<50048xf32, #tpu.memory_space<vmem>>[vector<16xi32>], vector<16xf32>,
        %get3A_541 = arith.index_cast %mul3A_372 : i32 to index
        %get3A_542 = arith.constant 96 : index
        %get3A_543 = tpu.vector_load %arg10[%get3A_541, %get3A_542] {strides = array<i32>} : memref<48x128xi32, #tpu.memory_space<vmem>>, vector<16xi32>,
        %add3A_544 = arith.constant 1 : i32
        %add3A_545 = arith.addi %mul3A_372, %add3A_544 : i32
        %get3A_546 = arith.index_cast %add3A_545 : i32 to index
        %get3A_547 = arith.constant 96 : index
        %get3A_548 = tpu.vector_load %arg10[%get3A_546, %get3A_547] {strides = array<i32>} : memref<48x128xi32, #tpu.memory_space<vmem>>, vector<16xi32>,
        %add3A_549 = arith.constant 2 : i32
        %add3A_550 = arith.addi %mul3A_372, %add3A_549 : i32
        %get3A_551 = arith.index_cast %add3A_550 : i32 to index
        %get3A_552 = arith.constant 96 : index
        %get3A_553 = tpu.vector_load %arg10[%get3A_551, %get3A_552] {strides = array<i32>} : memref<48x128xi32, #tpu.memory_space<vmem>>, vector<16xi32>,
        %gather3A_554 = tpu.vector_load_idx %arg7[%get3A_548] : memref<50048xi32, #tpu.memory_space<vmem>>[vector<16xi32>], vector<16xi32>,
        %gather3A_555 = tpu.vector_load_idx %arg7[%get3A_553] : memref<50048xi32, #tpu.memory_space<vmem>>[vector<16xi32>], vector<16xi32>,
        %mul3A_556 = arith.constant 16 : i32
        %mul3A_557 = vector.broadcast %mul3A_556 : i32 to vector<16xi32>
        %mul3A_558 = arith.muli %get3A_543, %mul3A_557 : vector<16xi32>
        %mul3A_559 = arith.constant 4 : i32
        %mul3A_560 = vector.broadcast %mul3A_559 : i32 to vector<16xi32>
        %mul3A_561 = arith.muli %gather3A_554, %mul3A_560 : vector<16xi32>
        %add3A_562 = arith.addi %mul3A_558, %mul3A_561 : vector<16xi32>
        %add3A_563 = arith.addi %add3A_562, %gather3A_555 : vector<16xi32>
        %gather3A_564 = tpu.vector_load_idx %arg9[%add3A_563] : memref<608xf32, #tpu.memory_space<vmem>>[vector<16xi32>], vector<16xf32>,
        %swap3A_565 = arith.index_cast %add3A_378 : i32 to index
        %swap3A_566 = arith.constant 96 : index
        %swap3A_567 = tpu.vector_load %arg11[%swap3A_565, %swap3A_566] {strides = array<i32>} : memref<16x128xf32, #tpu.memory_space<vmem>>, vector<16xf32>,
        tpu.vector_store %arg11[%swap3A_565, %swap3A_566], %gather3A_564 {strides = array<i32>} : memref<16x128xf32, #tpu.memory_space<vmem>>, vector<16xf32>,
        tpu.vector_store_idx %arg8[%get3A_553], %gather3A_564 {add = true} : memref<50048xf32, #tpu.memory_space<vmem>>[vector<16xi32>], vector<16xf32>,
        %get3A_568 = arith.index_cast %mul3A_372 : i32 to index
        %get3A_569 = arith.constant 112 : index
        %get3A_570 = tpu.vector_load %arg10[%get3A_568, %get3A_569] {strides = array<i32>} : memref<48x128xi32, #tpu.memory_space<vmem>>, vector<16xi32>,
        %add3A_571 = arith.constant 1 : i32
        %add3A_572 = arith.addi %mul3A_372, %add3A_571 : i32
        %get3A_573 = arith.index_cast %add3A_572 : i32 to index
        %get3A_574 = arith.constant 112 : index
        %get3A_575 = tpu.vector_load %arg10[%get3A_573, %get3A_574] {strides = array<i32>} : memref<48x128xi32, #tpu.memory_space<vmem>>, vector<16xi32>,
        %add3A_576 = arith.constant 2 : i32
        %add3A_577 = arith.addi %mul3A_372, %add3A_576 : i32
        %get3A_578 = arith.index_cast %add3A_577 : i32 to index
        %get3A_579 = arith.constant 112 : index
        %get3A_580 = tpu.vector_load %arg10[%get3A_578, %get3A_579] {strides = array<i32>} : memref<48x128xi32, #tpu.memory_space<vmem>>, vector<16xi32>,
        %gather3A_581 = tpu.vector_load_idx %arg7[%get3A_575] : memref<50048xi32, #tpu.memory_space<vmem>>[vector<16xi32>], vector<16xi32>,
        %gather3A_582 = tpu.vector_load_idx %arg7[%get3A_580] : memref<50048xi32, #tpu.memory_space<vmem>>[vector<16xi32>], vector<16xi32>,
        %mul3A_583 = arith.constant 16 : i32
        %mul3A_584 = vector.broadcast %mul3A_583 : i32 to vector<16xi32>
        %mul3A_585 = arith.muli %get3A_570, %mul3A_584 : vector<16xi32>
        %mul3A_586 = arith.constant 4 : i32
        %mul3A_587 = vector.broadcast %mul3A_586 : i32 to vector<16xi32>
        %mul3A_588 = arith.muli %gather3A_581, %mul3A_587 : vector<16xi32>
        %add3A_589 = arith.addi %mul3A_585, %mul3A_588 : vector<16xi32>
        %add3A_590 = arith.addi %add3A_589, %gather3A_582 : vector<16xi32>
        %gather3A_591 = tpu.vector_load_idx %arg9[%add3A_590] : memref<608xf32, #tpu.memory_space<vmem>>[vector<16xi32>], vector<16xf32>,
        %swap3A_592 = arith.index_cast %add3A_378 : i32 to index
        %swap3A_593 = arith.constant 112 : index
        %swap3A_594 = tpu.vector_load %arg11[%swap3A_592, %swap3A_593] {strides = array<i32>} : memref<16x128xf32, #tpu.memory_space<vmem>>, vector<16xf32>,
        tpu.vector_store %arg11[%swap3A_592, %swap3A_593], %gather3A_591 {strides = array<i32>} : memref<16x128xf32, #tpu.memory_space<vmem>>, vector<16xf32>,
        tpu.vector_store_idx %arg8[%get3A_580], %gather3A_591 {add = true} : memref<50048xf32, #tpu.memory_space<vmem>>[vector<16xi32>], vector<16xf32>,
      }
      %scan3A_79 = arith.constant 4 : i32
      %dma_start3A_80 = arith.constant 0 : i32
      %dma_start3A_81 = arith.constant 0 : i32
      %dma_start3A_82 = tpu.memref_slice %arg11[%dma_start3A_80, %dma_start3A_81] : memref<16x128xf32, #tpu.memory_space<vmem>> -> memref<8x128xf32, #tpu.memory_space<vmem>>
      %dma_start3A_83 = arith.constant 0 : i32
      %dma_start3A_84 = tpu.memref_slice %arg5[%add3A_53, %dma_start3A_83] : memref<12800x128xf32, #tpu.memory_space<hbm>> -> memref<8x128xf32, #tpu.memory_space<hbm>>
      %dma_start3A_85 = arith.constant 0 : i32
      %dma_start3A_86 = tpu.memref_slice %arg5[%add3A_53, %dma_start3A_85] : memref<12800x128xf32, #tpu.memory_space<hbm>> -> memref<8x128xf32, #tpu.memory_space<hbm>>
      %dma_start3A_87 = arith.constant 0 : i32
      %dma_start3A_88 = arith.constant 0 : i32
      %dma_start3A_89 = tpu.memref_slice %arg11[%dma_start3A_87, %dma_start3A_88] : memref<16x128xf32, #tpu.memory_space<vmem>> -> memref<8x128xf32, #tpu.memory_space<vmem>>
      tpu.enqueue_dma source(%dma_start3A_89 : memref<8x128xf32, #tpu.memory_space<vmem>>) target(%dma_start3A_86 : memref<8x128xf32, #tpu.memory_space<hbm>>) target_semaphore(%arg15 : memref<!tpu.dma_semaphore, #tpu.memory_space<semaphore_mem>>)
      %mul3A_90 = arith.constant 2 : i32
      %mul3A_91 = arith.muli %scan3A_46, %mul3A_90 : i32
      %add3A_92 = arith.constant 1 : i32
      %add3A_93 = arith.addi %mul3A_91, %add3A_92 : i32
      %mul3A_94 = arith.constant 8 : i32
      %mul3A_95 = arith.muli %add3A_93, %mul3A_94 : i32
      %add3A_96 = arith.addi %mul3A_2, %mul3A_95 : i32
      %ge3A_97 = arith.constant 2 : i32
      %ge3A_98 = arith.cmpi sge, %add3A_93, %ge3A_97 : i32
      %convert_element_type3A_99 = arith.extui %ge3A_98 : i1 to i32
      %cond3A_100 = arith.constant 0 : i32
      %cond3A_101 = arith.cmpi ne, %convert_element_type3A_99, %cond3A_100 : i32
      scf.if %cond3A_101 {
        %dma_wait3A_137 = arith.constant 8 : i32
        %dma_wait3A_138 = arith.constant 0 : i32
        %dma_wait3A_139 = tpu.memref_slice %arg11[%dma_wait3A_137, %dma_wait3A_138] : memref<16x128xf32, #tpu.memory_space<vmem>> -> memref<8x128xf32, #tpu.memory_space<vmem>>
        %dma_wait3A_140 = arith.constant 0 : i32
        %dma_wait3A_141 = tpu.memref_slice %arg5[%add3A_96, %dma_wait3A_140] : memref<12800x128xf32, #tpu.memory_space<hbm>> -> memref<8x128xf32, #tpu.memory_space<hbm>>
        %dma_wait3A_142 = arith.constant 0 : i32
        %dma_wait3A_143 = tpu.memref_slice %arg5[%add3A_96, %dma_wait3A_142] : memref<12800x128xf32, #tpu.memory_space<hbm>> -> memref<8x128xf32, #tpu.memory_space<hbm>>
        %dma_wait3A_144 = arith.constant 8 : i32
        %dma_wait3A_145 = arith.constant 0 : i32
        %dma_wait3A_146 = tpu.memref_slice %arg11[%dma_wait3A_144, %dma_wait3A_145] : memref<16x128xf32, #tpu.memory_space<vmem>> -> memref<8x128xf32, #tpu.memory_space<vmem>>
        tpu.wait_dma2 semaphore(%arg16 : memref<!tpu.dma_semaphore, #tpu.memory_space<semaphore_mem>>) src(%dma_wait3A_146 : memref<8x128xf32, #tpu.memory_space<vmem>>) dst(%dma_wait3A_143 : memref<8x128xf32, #tpu.memory_space<hbm>>)
      } else {
      }
      %add3A_102 = arith.constant 1 : i32
      %add3A_103 = arith.addi %add3A_93, %add3A_102 : i32
      %lt3A_104 = arith.constant 50 : i32
      %lt3A_105 = arith.cmpi slt, %add3A_103, %lt3A_104 : i32
      %convert_element_type3A_106 = arith.extui %lt3A_105 : i1 to i32
      %cond3A_107 = arith.constant 0 : i32
      %cond3A_108 = arith.cmpi ne, %convert_element_type3A_106, %cond3A_107 : i32
      scf.if %cond3A_108 {
        %add3A_137 = arith.constant 8 : i32
        %add3A_138 = arith.addi %add3A_96, %add3A_137 : i32
        %mul3A_139 = arith.constant 3 : i32
        %mul3A_140 = arith.muli %add3A_138, %mul3A_139 : i32
        %dma_start3A_141 = arith.constant 0 : i32
        %dma_start3A_142 = arith.constant 0 : i32
        %dma_start3A_143 = tpu.memref_slice %arg10[%dma_start3A_141, %dma_start3A_142] : memref<48x128xi32, #tpu.memory_space<vmem>> -> memref<24x128xi32, #tpu.memory_space<vmem>>
        %dma_start3A_144 = arith.constant 0 : i32
        %dma_start3A_145 = tpu.memref_slice %arg2[%mul3A_140, %dma_start3A_144] : memref<38400x128xi32, #tpu.memory_space<hbm>> -> memref<24x128xi32, #tpu.memory_space<hbm>>
        %dma_start3A_146 = arith.constant 0 : i32
        %dma_start3A_147 = arith.constant 0 : i32
        %dma_start3A_148 = tpu.memref_slice %arg10[%dma_start3A_146, %dma_start3A_147] : memref<48x128xi32, #tpu.memory_space<vmem>> -> memref<24x128xi32, #tpu.memory_space<vmem>>
        %dma_start3A_149 = arith.constant 0 : i32
        %dma_start3A_150 = tpu.memref_slice %arg2[%mul3A_140, %dma_start3A_149] : memref<38400x128xi32, #tpu.memory_space<hbm>> -> memref<24x128xi32, #tpu.memory_space<hbm>>
        tpu.enqueue_dma source(%dma_start3A_150 : memref<24x128xi32, #tpu.memory_space<hbm>>) target(%dma_start3A_148 : memref<24x128xi32, #tpu.memory_space<vmem>>) target_semaphore(%arg13 : memref<!tpu.dma_semaphore, #tpu.memory_space<semaphore_mem>>)
      } else {
      }
      %mul3A_109 = arith.constant 3 : i32
      %mul3A_110 = arith.muli %add3A_96, %mul3A_109 : i32
      %dma_wait3A_111 = arith.constant 24 : i32
      %dma_wait3A_112 = arith.constant 0 : i32
      %dma_wait3A_113 = tpu.memref_slice %arg10[%dma_wait3A_111, %dma_wait3A_112] : memref<48x128xi32, #tpu.memory_space<vmem>> -> memref<24x128xi32, #tpu.memory_space<vmem>>
      %dma_wait3A_114 = arith.constant 0 : i32
      %dma_wait3A_115 = tpu.memref_slice %arg2[%mul3A_110, %dma_wait3A_114] : memref<38400x128xi32, #tpu.memory_space<hbm>> -> memref<24x128xi32, #tpu.memory_space<hbm>>
      %dma_wait3A_116 = arith.constant 24 : i32
      %dma_wait3A_117 = arith.constant 0 : i32
      %dma_wait3A_118 = tpu.memref_slice %arg10[%dma_wait3A_116, %dma_wait3A_117] : memref<48x128xi32, #tpu.memory_space<vmem>> -> memref<24x128xi32, #tpu.memory_space<vmem>>
      %dma_wait3A_119 = arith.constant 0 : i32
      %dma_wait3A_120 = tpu.memref_slice %arg2[%mul3A_110, %dma_wait3A_119] : memref<38400x128xi32, #tpu.memory_space<hbm>> -> memref<24x128xi32, #tpu.memory_space<hbm>>
      tpu.wait_dma2 semaphore(%arg14 : memref<!tpu.dma_semaphore, #tpu.memory_space<semaphore_mem>>) src(%dma_wait3A_120 : memref<24x128xi32, #tpu.memory_space<hbm>>) dst(%dma_wait3A_118 : memref<24x128xi32, #tpu.memory_space<vmem>>)
      %scan3A_121 = arith.constant 0 : i32
      %scan3A_122 = arith.constant 0 : i32
      %scan3A_123 = arith.constant 4 : i32
      %scan3A_124 = arith.addi %scan3A_122, %scan3A_123 : i32
      %scan3A_125 = arith.constant 1 : i32
      scf.for %scan3A_137 = %scan3A_122 to %scan3A_124 step %scan3A_125  : i32 {
        %mul3A_138 = arith.constant 2 : i32
        %mul3A_139 = arith.muli %scan3A_137, %mul3A_138 : i32
        %add3A_140 = arith.constant 8 : i32
        %add3A_141 = arith.addi %add3A_140, %mul3A_139 : i32
        %add3A_142 = arith.constant 0 : i32
        %add3A_143 = arith.addi %add3A_141, %add3A_142 : i32
        %mul3A_144 = arith.constant 3 : i32
        %mul3A_145 = arith.muli %add3A_143, %mul3A_144 : i32
        %mul3A_146 = arith.constant 2 : i32
        %mul3A_147 = arith.muli %scan3A_137, %mul3A_146 : i32
        %add3A_148 = arith.constant 8 : i32
        %add3A_149 = arith.addi %add3A_148, %mul3A_147 : i32
        %add3A_150 = arith.constant 0 : i32
        %add3A_151 = arith.addi %add3A_149, %add3A_150 : i32
        %get3A = arith.index_cast %mul3A_145 : i32 to index
        %get3A_152 = arith.constant 0 : index
        %get3A_153 = tpu.vector_load %arg10[%get3A, %get3A_152] {strides = array<i32>} : memref<48x128xi32, #tpu.memory_space<vmem>>, vector<16xi32>,
        %add3A_154 = arith.constant 1 : i32
        %add3A_155 = arith.addi %mul3A_145, %add3A_154 : i32
        %get3A_156 = arith.index_cast %add3A_155 : i32 to index
        %get3A_157 = arith.constant 0 : index
        %get3A_158 = tpu.vector_load %arg10[%get3A_156, %get3A_157] {strides = array<i32>} : memref<48x128xi32, #tpu.memory_space<vmem>>, vector<16xi32>,
        %add3A_159 = arith.constant 2 : i32
        %add3A_160 = arith.addi %mul3A_145, %add3A_159 : i32
        %get3A_161 = arith.index_cast %add3A_160 : i32 to index
        %get3A_162 = arith.constant 0 : index
        %get3A_163 = tpu.vector_load %arg10[%get3A_161, %get3A_162] {strides = array<i32>} : memref<48x128xi32, #tpu.memory_space<vmem>>, vector<16xi32>,
        %gather3A = tpu.vector_load_idx %arg7[%get3A_158] : memref<50048xi32, #tpu.memory_space<vmem>>[vector<16xi32>], vector<16xi32>,
        %gather3A_164 = tpu.vector_load_idx %arg7[%get3A_163] : memref<50048xi32, #tpu.memory_space<vmem>>[vector<16xi32>], vector<16xi32>,
        %mul3A_165 = arith.constant 16 : i32
        %mul3A_166 = vector.broadcast %mul3A_165 : i32 to vector<16xi32>
        %mul3A_167 = arith.muli %get3A_153, %mul3A_166 : vector<16xi32>
        %mul3A_168 = arith.constant 4 : i32
        %mul3A_169 = vector.broadcast %mul3A_168 : i32 to vector<16xi32>
        %mul3A_170 = arith.muli %gather3A, %mul3A_169 : vector<16xi32>
        %add3A_171 = arith.addi %mul3A_167, %mul3A_170 : vector<16xi32>
        %add3A_172 = arith.addi %add3A_171, %gather3A_164 : vector<16xi32>
        %gather3A_173 = tpu.vector_load_idx %arg9[%add3A_172] : memref<608xf32, #tpu.memory_space<vmem>>[vector<16xi32>], vector<16xf32>,
        %swap3A = arith.index_cast %add3A_151 : i32 to index
        %swap3A_174 = arith.constant 0 : index
        %swap3A_175 = tpu.vector_load %arg11[%swap3A, %swap3A_174] {strides = array<i32>} : memref<16x128xf32, #tpu.memory_space<vmem>>, vector<16xf32>,
        tpu.vector_store %arg11[%swap3A, %swap3A_174], %gather3A_173 {strides = array<i32>} : memref<16x128xf32, #tpu.memory_space<vmem>>, vector<16xf32>,
        tpu.vector_store_idx %arg8[%get3A_163], %gather3A_173 {add = true} : memref<50048xf32, #tpu.memory_space<vmem>>[vector<16xi32>], vector<16xf32>,
        %get3A_176 = arith.index_cast %mul3A_145 : i32 to index
        %get3A_177 = arith.constant 16 : index
        %get3A_178 = tpu.vector_load %arg10[%get3A_176, %get3A_177] {strides = array<i32>} : memref<48x128xi32, #tpu.memory_space<vmem>>, vector<16xi32>,
        %add3A_179 = arith.constant 1 : i32
        %add3A_180 = arith.addi %mul3A_145, %add3A_179 : i32
        %get3A_181 = arith.index_cast %add3A_180 : i32 to index
        %get3A_182 = arith.constant 16 : index
        %get3A_183 = tpu.vector_load %arg10[%get3A_181, %get3A_182] {strides = array<i32>} : memref<48x128xi32, #tpu.memory_space<vmem>>, vector<16xi32>,
        %add3A_184 = arith.constant 2 : i32
        %add3A_185 = arith.addi %mul3A_145, %add3A_184 : i32
        %get3A_186 = arith.index_cast %add3A_185 : i32 to index
        %get3A_187 = arith.constant 16 : index
        %get3A_188 = tpu.vector_load %arg10[%get3A_186, %get3A_187] {strides = array<i32>} : memref<48x128xi32, #tpu.memory_space<vmem>>, vector<16xi32>,
        %gather3A_189 = tpu.vector_load_idx %arg7[%get3A_183] : memref<50048xi32, #tpu.memory_space<vmem>>[vector<16xi32>], vector<16xi32>,
        %gather3A_190 = tpu.vector_load_idx %arg7[%get3A_188] : memref<50048xi32, #tpu.memory_space<vmem>>[vector<16xi32>], vector<16xi32>,
        %mul3A_191 = arith.constant 16 : i32
        %mul3A_192 = vector.broadcast %mul3A_191 : i32 to vector<16xi32>
        %mul3A_193 = arith.muli %get3A_178, %mul3A_192 : vector<16xi32>
        %mul3A_194 = arith.constant 4 : i32
        %mul3A_195 = vector.broadcast %mul3A_194 : i32 to vector<16xi32>
        %mul3A_196 = arith.muli %gather3A_189, %mul3A_195 : vector<16xi32>
        %add3A_197 = arith.addi %mul3A_193, %mul3A_196 : vector<16xi32>
        %add3A_198 = arith.addi %add3A_197, %gather3A_190 : vector<16xi32>
        %gather3A_199 = tpu.vector_load_idx %arg9[%add3A_198] : memref<608xf32, #tpu.memory_space<vmem>>[vector<16xi32>], vector<16xf32>,
        %swap3A_200 = arith.index_cast %add3A_151 : i32 to index
        %swap3A_201 = arith.constant 16 : index
        %swap3A_202 = tpu.vector_load %arg11[%swap3A_200, %swap3A_201] {strides = array<i32>} : memref<16x128xf32, #tpu.memory_space<vmem>>, vector<16xf32>,
        tpu.vector_store %arg11[%swap3A_200, %swap3A_201], %gather3A_199 {strides = array<i32>} : memref<16x128xf32, #tpu.memory_space<vmem>>, vector<16xf32>,
        tpu.vector_store_idx %arg8[%get3A_188], %gather3A_199 {add = true} : memref<50048xf32, #tpu.memory_space<vmem>>[vector<16xi32>], vector<16xf32>,
        %get3A_203 = arith.index_cast %mul3A_145 : i32 to index
        %get3A_204 = arith.constant 32 : index
        %get3A_205 = tpu.vector_load %arg10[%get3A_203, %get3A_204] {strides = array<i32>} : memref<48x128xi32, #tpu.memory_space<vmem>>, vector<16xi32>,
        %add3A_206 = arith.constant 1 : i32
        %add3A_207 = arith.addi %mul3A_145, %add3A_206 : i32
        %get3A_208 = arith.index_cast %add3A_207 : i32 to index
        %get3A_209 = arith.constant 32 : index
        %get3A_210 = tpu.vector_load %arg10[%get3A_208, %get3A_209] {strides = array<i32>} : memref<48x128xi32, #tpu.memory_space<vmem>>, vector<16xi32>,
        %add3A_211 = arith.constant 2 : i32
        %add3A_212 = arith.addi %mul3A_145, %add3A_211 : i32
        %get3A_213 = arith.index_cast %add3A_212 : i32 to index
        %get3A_214 = arith.constant 32 : index
        %get3A_215 = tpu.vector_load %arg10[%get3A_213, %get3A_214] {strides = array<i32>} : memref<48x128xi32, #tpu.memory_space<vmem>>, vector<16xi32>,
        %gather3A_216 = tpu.vector_load_idx %arg7[%get3A_210] : memref<50048xi32, #tpu.memory_space<vmem>>[vector<16xi32>], vector<16xi32>,
        %gather3A_217 = tpu.vector_load_idx %arg7[%get3A_215] : memref<50048xi32, #tpu.memory_space<vmem>>[vector<16xi32>], vector<16xi32>,
        %mul3A_218 = arith.constant 16 : i32
        %mul3A_219 = vector.broadcast %mul3A_218 : i32 to vector<16xi32>
        %mul3A_220 = arith.muli %get3A_205, %mul3A_219 : vector<16xi32>
        %mul3A_221 = arith.constant 4 : i32
        %mul3A_222 = vector.broadcast %mul3A_221 : i32 to vector<16xi32>
        %mul3A_223 = arith.muli %gather3A_216, %mul3A_222 : vector<16xi32>
        %add3A_224 = arith.addi %mul3A_220, %mul3A_223 : vector<16xi32>
        %add3A_225 = arith.addi %add3A_224, %gather3A_217 : vector<16xi32>
        %gather3A_226 = tpu.vector_load_idx %arg9[%add3A_225] : memref<608xf32, #tpu.memory_space<vmem>>[vector<16xi32>], vector<16xf32>,
        %swap3A_227 = arith.index_cast %add3A_151 : i32 to index
        %swap3A_228 = arith.constant 32 : index
        %swap3A_229 = tpu.vector_load %arg11[%swap3A_227, %swap3A_228] {strides = array<i32>} : memref<16x128xf32, #tpu.memory_space<vmem>>, vector<16xf32>,
        tpu.vector_store %arg11[%swap3A_227, %swap3A_228], %gather3A_226 {strides = array<i32>} : memref<16x128xf32, #tpu.memory_space<vmem>>, vector<16xf32>,
        tpu.vector_store_idx %arg8[%get3A_215], %gather3A_226 {add = true} : memref<50048xf32, #tpu.memory_space<vmem>>[vector<16xi32>], vector<16xf32>,
        %get3A_230 = arith.index_cast %mul3A_145 : i32 to index
        %get3A_231 = arith.constant 48 : index
        %get3A_232 = tpu.vector_load %arg10[%get3A_230, %get3A_231] {strides = array<i32>} : memref<48x128xi32, #tpu.memory_space<vmem>>, vector<16xi32>,
        %add3A_233 = arith.constant 1 : i32
        %add3A_234 = arith.addi %mul3A_145, %add3A_233 : i32
        %get3A_235 = arith.index_cast %add3A_234 : i32 to index
        %get3A_236 = arith.constant 48 : index
        %get3A_237 = tpu.vector_load %arg10[%get3A_235, %get3A_236] {strides = array<i32>} : memref<48x128xi32, #tpu.memory_space<vmem>>, vector<16xi32>,
        %add3A_238 = arith.constant 2 : i32
        %add3A_239 = arith.addi %mul3A_145, %add3A_238 : i32
        %get3A_240 = arith.index_cast %add3A_239 : i32 to index
        %get3A_241 = arith.constant 48 : index
        %get3A_242 = tpu.vector_load %arg10[%get3A_240, %get3A_241] {strides = array<i32>} : memref<48x128xi32, #tpu.memory_space<vmem>>, vector<16xi32>,
        %gather3A_243 = tpu.vector_load_idx %arg7[%get3A_237] : memref<50048xi32, #tpu.memory_space<vmem>>[vector<16xi32>], vector<16xi32>,
        %gather3A_244 = tpu.vector_load_idx %arg7[%get3A_242] : memref<50048xi32, #tpu.memory_space<vmem>>[vector<16xi32>], vector<16xi32>,
        %mul3A_245 = arith.constant 16 : i32
        %mul3A_246 = vector.broadcast %mul3A_245 : i32 to vector<16xi32>
        %mul3A_247 = arith.muli %get3A_232, %mul3A_246 : vector<16xi32>
        %mul3A_248 = arith.constant 4 : i32
        %mul3A_249 = vector.broadcast %mul3A_248 : i32 to vector<16xi32>
        %mul3A_250 = arith.muli %gather3A_243, %mul3A_249 : vector<16xi32>
        %add3A_251 = arith.addi %mul3A_247, %mul3A_250 : vector<16xi32>
        %add3A_252 = arith.addi %add3A_251, %gather3A_244 : vector<16xi32>
        %gather3A_253 = tpu.vector_load_idx %arg9[%add3A_252] : memref<608xf32, #tpu.memory_space<vmem>>[vector<16xi32>], vector<16xf32>,
        %swap3A_254 = arith.index_cast %add3A_151 : i32 to index
        %swap3A_255 = arith.constant 48 : index
        %swap3A_256 = tpu.vector_load %arg11[%swap3A_254, %swap3A_255] {strides = array<i32>} : memref<16x128xf32, #tpu.memory_space<vmem>>, vector<16xf32>,
        tpu.vector_store %arg11[%swap3A_254, %swap3A_255], %gather3A_253 {strides = array<i32>} : memref<16x128xf32, #tpu.memory_space<vmem>>, vector<16xf32>,
        tpu.vector_store_idx %arg8[%get3A_242], %gather3A_253 {add = true} : memref<50048xf32, #tpu.memory_space<vmem>>[vector<16xi32>], vector<16xf32>,
        %get3A_257 = arith.index_cast %mul3A_145 : i32 to index
        %get3A_258 = arith.constant 64 : index
        %get3A_259 = tpu.vector_load %arg10[%get3A_257, %get3A_258] {strides = array<i32>} : memref<48x128xi32, #tpu.memory_space<vmem>>, vector<16xi32>,
        %add3A_260 = arith.constant 1 : i32
        %add3A_261 = arith.addi %mul3A_145, %add3A_260 : i32
        %get3A_262 = arith.index_cast %add3A_261 : i32 to index
        %get3A_263 = arith.constant 64 : index
        %get3A_264 = tpu.vector_load %arg10[%get3A_262, %get3A_263] {strides = array<i32>} : memref<48x128xi32, #tpu.memory_space<vmem>>, vector<16xi32>,
        %add3A_265 = arith.constant 2 : i32
        %add3A_266 = arith.addi %mul3A_145, %add3A_265 : i32
        %get3A_267 = arith.index_cast %add3A_266 : i32 to index
        %get3A_268 = arith.constant 64 : index
        %get3A_269 = tpu.vector_load %arg10[%get3A_267, %get3A_268] {strides = array<i32>} : memref<48x128xi32, #tpu.memory_space<vmem>>, vector<16xi32>,
        %gather3A_270 = tpu.vector_load_idx %arg7[%get3A_264] : memref<50048xi32, #tpu.memory_space<vmem>>[vector<16xi32>], vector<16xi32>,
        %gather3A_271 = tpu.vector_load_idx %arg7[%get3A_269] : memref<50048xi32, #tpu.memory_space<vmem>>[vector<16xi32>], vector<16xi32>,
        %mul3A_272 = arith.constant 16 : i32
        %mul3A_273 = vector.broadcast %mul3A_272 : i32 to vector<16xi32>
        %mul3A_274 = arith.muli %get3A_259, %mul3A_273 : vector<16xi32>
        %mul3A_275 = arith.constant 4 : i32
        %mul3A_276 = vector.broadcast %mul3A_275 : i32 to vector<16xi32>
        %mul3A_277 = arith.muli %gather3A_270, %mul3A_276 : vector<16xi32>
        %add3A_278 = arith.addi %mul3A_274, %mul3A_277 : vector<16xi32>
        %add3A_279 = arith.addi %add3A_278, %gather3A_271 : vector<16xi32>
        %gather3A_280 = tpu.vector_load_idx %arg9[%add3A_279] : memref<608xf32, #tpu.memory_space<vmem>>[vector<16xi32>], vector<16xf32>,
        %swap3A_281 = arith.index_cast %add3A_151 : i32 to index
        %swap3A_282 = arith.constant 64 : index
        %swap3A_283 = tpu.vector_load %arg11[%swap3A_281, %swap3A_282] {strides = array<i32>} : memref<16x128xf32, #tpu.memory_space<vmem>>, vector<16xf32>,
        tpu.vector_store %arg11[%swap3A_281, %swap3A_282], %gather3A_280 {strides = array<i32>} : memref<16x128xf32, #tpu.memory_space<vmem>>, vector<16xf32>,
        tpu.vector_store_idx %arg8[%get3A_269], %gather3A_280 {add = true} : memref<50048xf32, #tpu.memory_space<vmem>>[vector<16xi32>], vector<16xf32>,
        %get3A_284 = arith.index_cast %mul3A_145 : i32 to index
        %get3A_285 = arith.constant 80 : index
        %get3A_286 = tpu.vector_load %arg10[%get3A_284, %get3A_285] {strides = array<i32>} : memref<48x128xi32, #tpu.memory_space<vmem>>, vector<16xi32>,
        %add3A_287 = arith.constant 1 : i32
        %add3A_288 = arith.addi %mul3A_145, %add3A_287 : i32
        %get3A_289 = arith.index_cast %add3A_288 : i32 to index
        %get3A_290 = arith.constant 80 : index
        %get3A_291 = tpu.vector_load %arg10[%get3A_289, %get3A_290] {strides = array<i32>} : memref<48x128xi32, #tpu.memory_space<vmem>>, vector<16xi32>,
        %add3A_292 = arith.constant 2 : i32
        %add3A_293 = arith.addi %mul3A_145, %add3A_292 : i32
        %get3A_294 = arith.index_cast %add3A_293 : i32 to index
        %get3A_295 = arith.constant 80 : index
        %get3A_296 = tpu.vector_load %arg10[%get3A_294, %get3A_295] {strides = array<i32>} : memref<48x128xi32, #tpu.memory_space<vmem>>, vector<16xi32>,
        %gather3A_297 = tpu.vector_load_idx %arg7[%get3A_291] : memref<50048xi32, #tpu.memory_space<vmem>>[vector<16xi32>], vector<16xi32>,
        %gather3A_298 = tpu.vector_load_idx %arg7[%get3A_296] : memref<50048xi32, #tpu.memory_space<vmem>>[vector<16xi32>], vector<16xi32>,
        %mul3A_299 = arith.constant 16 : i32
        %mul3A_300 = vector.broadcast %mul3A_299 : i32 to vector<16xi32>
        %mul3A_301 = arith.muli %get3A_286, %mul3A_300 : vector<16xi32>
        %mul3A_302 = arith.constant 4 : i32
        %mul3A_303 = vector.broadcast %mul3A_302 : i32 to vector<16xi32>
        %mul3A_304 = arith.muli %gather3A_297, %mul3A_303 : vector<16xi32>
        %add3A_305 = arith.addi %mul3A_301, %mul3A_304 : vector<16xi32>
        %add3A_306 = arith.addi %add3A_305, %gather3A_298 : vector<16xi32>
        %gather3A_307 = tpu.vector_load_idx %arg9[%add3A_306] : memref<608xf32, #tpu.memory_space<vmem>>[vector<16xi32>], vector<16xf32>,
        %swap3A_308 = arith.index_cast %add3A_151 : i32 to index
        %swap3A_309 = arith.constant 80 : index
        %swap3A_310 = tpu.vector_load %arg11[%swap3A_308, %swap3A_309] {strides = array<i32>} : memref<16x128xf32, #tpu.memory_space<vmem>>, vector<16xf32>,
        tpu.vector_store %arg11[%swap3A_308, %swap3A_309], %gather3A_307 {strides = array<i32>} : memref<16x128xf32, #tpu.memory_space<vmem>>, vector<16xf32>,
        tpu.vector_store_idx %arg8[%get3A_296], %gather3A_307 {add = true} : memref<50048xf32, #tpu.memory_space<vmem>>[vector<16xi32>], vector<16xf32>,
        %get3A_311 = arith.index_cast %mul3A_145 : i32 to index
        %get3A_312 = arith.constant 96 : index
        %get3A_313 = tpu.vector_load %arg10[%get3A_311, %get3A_312] {strides = array<i32>} : memref<48x128xi32, #tpu.memory_space<vmem>>, vector<16xi32>,
        %add3A_314 = arith.constant 1 : i32
        %add3A_315 = arith.addi %mul3A_145, %add3A_314 : i32
        %get3A_316 = arith.index_cast %add3A_315 : i32 to index
        %get3A_317 = arith.constant 96 : index
        %get3A_318 = tpu.vector_load %arg10[%get3A_316, %get3A_317] {strides = array<i32>} : memref<48x128xi32, #tpu.memory_space<vmem>>, vector<16xi32>,
        %add3A_319 = arith.constant 2 : i32
        %add3A_320 = arith.addi %mul3A_145, %add3A_319 : i32
        %get3A_321 = arith.index_cast %add3A_320 : i32 to index
        %get3A_322 = arith.constant 96 : index
        %get3A_323 = tpu.vector_load %arg10[%get3A_321, %get3A_322] {strides = array<i32>} : memref<48x128xi32, #tpu.memory_space<vmem>>, vector<16xi32>,
        %gather3A_324 = tpu.vector_load_idx %arg7[%get3A_318] : memref<50048xi32, #tpu.memory_space<vmem>>[vector<16xi32>], vector<16xi32>,
        %gather3A_325 = tpu.vector_load_idx %arg7[%get3A_323] : memref<50048xi32, #tpu.memory_space<vmem>>[vector<16xi32>], vector<16xi32>,
        %mul3A_326 = arith.constant 16 : i32
        %mul3A_327 = vector.broadcast %mul3A_326 : i32 to vector<16xi32>
        %mul3A_328 = arith.muli %get3A_313, %mul3A_327 : vector<16xi32>
        %mul3A_329 = arith.constant 4 : i32
        %mul3A_330 = vector.broadcast %mul3A_329 : i32 to vector<16xi32>
        %mul3A_331 = arith.muli %gather3A_324, %mul3A_330 : vector<16xi32>
        %add3A_332 = arith.addi %mul3A_328, %mul3A_331 : vector<16xi32>
        %add3A_333 = arith.addi %add3A_332, %gather3A_325 : vector<16xi32>
        %gather3A_334 = tpu.vector_load_idx %arg9[%add3A_333] : memref<608xf32, #tpu.memory_space<vmem>>[vector<16xi32>], vector<16xf32>,
        %swap3A_335 = arith.index_cast %add3A_151 : i32 to index
        %swap3A_336 = arith.constant 96 : index
        %swap3A_337 = tpu.vector_load %arg11[%swap3A_335, %swap3A_336] {strides = array<i32>} : memref<16x128xf32, #tpu.memory_space<vmem>>, vector<16xf32>,
        tpu.vector_store %arg11[%swap3A_335, %swap3A_336], %gather3A_334 {strides = array<i32>} : memref<16x128xf32, #tpu.memory_space<vmem>>, vector<16xf32>,
        tpu.vector_store_idx %arg8[%get3A_323], %gather3A_334 {add = true} : memref<50048xf32, #tpu.memory_space<vmem>>[vector<16xi32>], vector<16xf32>,
        %get3A_338 = arith.index_cast %mul3A_145 : i32 to index
        %get3A_339 = arith.constant 112 : index
        %get3A_340 = tpu.vector_load %arg10[%get3A_338, %get3A_339] {strides = array<i32>} : memref<48x128xi32, #tpu.memory_space<vmem>>, vector<16xi32>,
        %add3A_341 = arith.constant 1 : i32
        %add3A_342 = arith.addi %mul3A_145, %add3A_341 : i32
        %get3A_343 = arith.index_cast %add3A_342 : i32 to index
        %get3A_344 = arith.constant 112 : index
        %get3A_345 = tpu.vector_load %arg10[%get3A_343, %get3A_344] {strides = array<i32>} : memref<48x128xi32, #tpu.memory_space<vmem>>, vector<16xi32>,
        %add3A_346 = arith.constant 2 : i32
        %add3A_347 = arith.addi %mul3A_145, %add3A_346 : i32
        %get3A_348 = arith.index_cast %add3A_347 : i32 to index
        %get3A_349 = arith.constant 112 : index
        %get3A_350 = tpu.vector_load %arg10[%get3A_348, %get3A_349] {strides = array<i32>} : memref<48x128xi32, #tpu.memory_space<vmem>>, vector<16xi32>,
        %gather3A_351 = tpu.vector_load_idx %arg7[%get3A_345] : memref<50048xi32, #tpu.memory_space<vmem>>[vector<16xi32>], vector<16xi32>,
        %gather3A_352 = tpu.vector_load_idx %arg7[%get3A_350] : memref<50048xi32, #tpu.memory_space<vmem>>[vector<16xi32>], vector<16xi32>,
        %mul3A_353 = arith.constant 16 : i32
        %mul3A_354 = vector.broadcast %mul3A_353 : i32 to vector<16xi32>
        %mul3A_355 = arith.muli %get3A_340, %mul3A_354 : vector<16xi32>
        %mul3A_356 = arith.constant 4 : i32
        %mul3A_357 = vector.broadcast %mul3A_356 : i32 to vector<16xi32>
        %mul3A_358 = arith.muli %gather3A_351, %mul3A_357 : vector<16xi32>
        %add3A_359 = arith.addi %mul3A_355, %mul3A_358 : vector<16xi32>
        %add3A_360 = arith.addi %add3A_359, %gather3A_352 : vector<16xi32>
        %gather3A_361 = tpu.vector_load_idx %arg9[%add3A_360] : memref<608xf32, #tpu.memory_space<vmem>>[vector<16xi32>], vector<16xf32>,
        %swap3A_362 = arith.index_cast %add3A_151 : i32 to index
        %swap3A_363 = arith.constant 112 : index
        %swap3A_364 = tpu.vector_load %arg11[%swap3A_362, %swap3A_363] {strides = array<i32>} : memref<16x128xf32, #tpu.memory_space<vmem>>, vector<16xf32>,
        tpu.vector_store %arg11[%swap3A_362, %swap3A_363], %gather3A_361 {strides = array<i32>} : memref<16x128xf32, #tpu.memory_space<vmem>>, vector<16xf32>,
        tpu.vector_store_idx %arg8[%get3A_350], %gather3A_361 {add = true} : memref<50048xf32, #tpu.memory_space<vmem>>[vector<16xi32>], vector<16xf32>,
        %mul3A_365 = arith.constant 2 : i32
        %mul3A_366 = arith.muli %scan3A_137, %mul3A_365 : i32
        %add3A_367 = arith.constant 8 : i32
        %add3A_368 = arith.addi %add3A_367, %mul3A_366 : i32
        %add3A_369 = arith.constant 1 : i32
        %add3A_370 = arith.addi %add3A_368, %add3A_369 : i32
        %mul3A_371 = arith.constant 3 : i32
        %mul3A_372 = arith.muli %add3A_370, %mul3A_371 : i32
        %mul3A_373 = arith.constant 2 : i32
        %mul3A_374 = arith.muli %scan3A_137, %mul3A_373 : i32
        %add3A_375 = arith.constant 8 : i32
        %add3A_376 = arith.addi %add3A_375, %mul3A_374 : i32
        %add3A_377 = arith.constant 1 : i32
        %add3A_378 = arith.addi %add3A_376, %add3A_377 : i32
        %get3A_379 = arith.index_cast %mul3A_372 : i32 to index
        %get3A_380 = arith.constant 0 : index
        %get3A_381 = tpu.vector_load %arg10[%get3A_379, %get3A_380] {strides = array<i32>} : memref<48x128xi32, #tpu.memory_space<vmem>>, vector<16xi32>,
        %add3A_382 = arith.constant 1 : i32
        %add3A_383 = arith.addi %mul3A_372, %add3A_382 : i32
        %get3A_384 = arith.index_cast %add3A_383 : i32 to index
        %get3A_385 = arith.constant 0 : index
        %get3A_386 = tpu.vector_load %arg10[%get3A_384, %get3A_385] {strides = array<i32>} : memref<48x128xi32, #tpu.memory_space<vmem>>, vector<16xi32>,
        %add3A_387 = arith.constant 2 : i32
        %add3A_388 = arith.addi %mul3A_372, %add3A_387 : i32
        %get3A_389 = arith.index_cast %add3A_388 : i32 to index
        %get3A_390 = arith.constant 0 : index
        %get3A_391 = tpu.vector_load %arg10[%get3A_389, %get3A_390] {strides = array<i32>} : memref<48x128xi32, #tpu.memory_space<vmem>>, vector<16xi32>,
        %gather3A_392 = tpu.vector_load_idx %arg7[%get3A_386] : memref<50048xi32, #tpu.memory_space<vmem>>[vector<16xi32>], vector<16xi32>,
        %gather3A_393 = tpu.vector_load_idx %arg7[%get3A_391] : memref<50048xi32, #tpu.memory_space<vmem>>[vector<16xi32>], vector<16xi32>,
        %mul3A_394 = arith.constant 16 : i32
        %mul3A_395 = vector.broadcast %mul3A_394 : i32 to vector<16xi32>
        %mul3A_396 = arith.muli %get3A_381, %mul3A_395 : vector<16xi32>
        %mul3A_397 = arith.constant 4 : i32
        %mul3A_398 = vector.broadcast %mul3A_397 : i32 to vector<16xi32>
        %mul3A_399 = arith.muli %gather3A_392, %mul3A_398 : vector<16xi32>
        %add3A_400 = arith.addi %mul3A_396, %mul3A_399 : vector<16xi32>
        %add3A_401 = arith.addi %add3A_400, %gather3A_393 : vector<16xi32>
        %gather3A_402 = tpu.vector_load_idx %arg9[%add3A_401] : memref<608xf32, #tpu.memory_space<vmem>>[vector<16xi32>], vector<16xf32>,
        %swap3A_403 = arith.index_cast %add3A_378 : i32 to index
        %swap3A_404 = arith.constant 0 : index
        %swap3A_405 = tpu.vector_load %arg11[%swap3A_403, %swap3A_404] {strides = array<i32>} : memref<16x128xf32, #tpu.memory_space<vmem>>, vector<16xf32>,
        tpu.vector_store %arg11[%swap3A_403, %swap3A_404], %gather3A_402 {strides = array<i32>} : memref<16x128xf32, #tpu.memory_space<vmem>>, vector<16xf32>,
        tpu.vector_store_idx %arg8[%get3A_391], %gather3A_402 {add = true} : memref<50048xf32, #tpu.memory_space<vmem>>[vector<16xi32>], vector<16xf32>,
        %get3A_406 = arith.index_cast %mul3A_372 : i32 to index
        %get3A_407 = arith.constant 16 : index
        %get3A_408 = tpu.vector_load %arg10[%get3A_406, %get3A_407] {strides = array<i32>} : memref<48x128xi32, #tpu.memory_space<vmem>>, vector<16xi32>,
        %add3A_409 = arith.constant 1 : i32
        %add3A_410 = arith.addi %mul3A_372, %add3A_409 : i32
        %get3A_411 = arith.index_cast %add3A_410 : i32 to index
        %get3A_412 = arith.constant 16 : index
        %get3A_413 = tpu.vector_load %arg10[%get3A_411, %get3A_412] {strides = array<i32>} : memref<48x128xi32, #tpu.memory_space<vmem>>, vector<16xi32>,
        %add3A_414 = arith.constant 2 : i32
        %add3A_415 = arith.addi %mul3A_372, %add3A_414 : i32
        %get3A_416 = arith.index_cast %add3A_415 : i32 to index
        %get3A_417 = arith.constant 16 : index
        %get3A_418 = tpu.vector_load %arg10[%get3A_416, %get3A_417] {strides = array<i32>} : memref<48x128xi32, #tpu.memory_space<vmem>>, vector<16xi32>,
        %gather3A_419 = tpu.vector_load_idx %arg7[%get3A_413] : memref<50048xi32, #tpu.memory_space<vmem>>[vector<16xi32>], vector<16xi32>,
        %gather3A_420 = tpu.vector_load_idx %arg7[%get3A_418] : memref<50048xi32, #tpu.memory_space<vmem>>[vector<16xi32>], vector<16xi32>,
        %mul3A_421 = arith.constant 16 : i32
        %mul3A_422 = vector.broadcast %mul3A_421 : i32 to vector<16xi32>
        %mul3A_423 = arith.muli %get3A_408, %mul3A_422 : vector<16xi32>
        %mul3A_424 = arith.constant 4 : i32
        %mul3A_425 = vector.broadcast %mul3A_424 : i32 to vector<16xi32>
        %mul3A_426 = arith.muli %gather3A_419, %mul3A_425 : vector<16xi32>
        %add3A_427 = arith.addi %mul3A_423, %mul3A_426 : vector<16xi32>
        %add3A_428 = arith.addi %add3A_427, %gather3A_420 : vector<16xi32>
        %gather3A_429 = tpu.vector_load_idx %arg9[%add3A_428] : memref<608xf32, #tpu.memory_space<vmem>>[vector<16xi32>], vector<16xf32>,
        %swap3A_430 = arith.index_cast %add3A_378 : i32 to index
        %swap3A_431 = arith.constant 16 : index
        %swap3A_432 = tpu.vector_load %arg11[%swap3A_430, %swap3A_431] {strides = array<i32>} : memref<16x128xf32, #tpu.memory_space<vmem>>, vector<16xf32>,
        tpu.vector_store %arg11[%swap3A_430, %swap3A_431], %gather3A_429 {strides = array<i32>} : memref<16x128xf32, #tpu.memory_space<vmem>>, vector<16xf32>,
        tpu.vector_store_idx %arg8[%get3A_418], %gather3A_429 {add = true} : memref<50048xf32, #tpu.memory_space<vmem>>[vector<16xi32>], vector<16xf32>,
        %get3A_433 = arith.index_cast %mul3A_372 : i32 to index
        %get3A_434 = arith.constant 32 : index
        %get3A_435 = tpu.vector_load %arg10[%get3A_433, %get3A_434] {strides = array<i32>} : memref<48x128xi32, #tpu.memory_space<vmem>>, vector<16xi32>,
        %add3A_436 = arith.constant 1 : i32
        %add3A_437 = arith.addi %mul3A_372, %add3A_436 : i32
        %get3A_438 = arith.index_cast %add3A_437 : i32 to index
        %get3A_439 = arith.constant 32 : index
        %get3A_440 = tpu.vector_load %arg10[%get3A_438, %get3A_439] {strides = array<i32>} : memref<48x128xi32, #tpu.memory_space<vmem>>, vector<16xi32>,
        %add3A_441 = arith.constant 2 : i32
        %add3A_442 = arith.addi %mul3A_372, %add3A_441 : i32
        %get3A_443 = arith.index_cast %add3A_442 : i32 to index
        %get3A_444 = arith.constant 32 : index
        %get3A_445 = tpu.vector_load %arg10[%get3A_443, %get3A_444] {strides = array<i32>} : memref<48x128xi32, #tpu.memory_space<vmem>>, vector<16xi32>,
        %gather3A_446 = tpu.vector_load_idx %arg7[%get3A_440] : memref<50048xi32, #tpu.memory_space<vmem>>[vector<16xi32>], vector<16xi32>,
        %gather3A_447 = tpu.vector_load_idx %arg7[%get3A_445] : memref<50048xi32, #tpu.memory_space<vmem>>[vector<16xi32>], vector<16xi32>,
        %mul3A_448 = arith.constant 16 : i32
        %mul3A_449 = vector.broadcast %mul3A_448 : i32 to vector<16xi32>
        %mul3A_450 = arith.muli %get3A_435, %mul3A_449 : vector<16xi32>
        %mul3A_451 = arith.constant 4 : i32
        %mul3A_452 = vector.broadcast %mul3A_451 : i32 to vector<16xi32>
        %mul3A_453 = arith.muli %gather3A_446, %mul3A_452 : vector<16xi32>
        %add3A_454 = arith.addi %mul3A_450, %mul3A_453 : vector<16xi32>
        %add3A_455 = arith.addi %add3A_454, %gather3A_447 : vector<16xi32>
        %gather3A_456 = tpu.vector_load_idx %arg9[%add3A_455] : memref<608xf32, #tpu.memory_space<vmem>>[vector<16xi32>], vector<16xf32>,
        %swap3A_457 = arith.index_cast %add3A_378 : i32 to index
        %swap3A_458 = arith.constant 32 : index
        %swap3A_459 = tpu.vector_load %arg11[%swap3A_457, %swap3A_458] {strides = array<i32>} : memref<16x128xf32, #tpu.memory_space<vmem>>, vector<16xf32>,
        tpu.vector_store %arg11[%swap3A_457, %swap3A_458], %gather3A_456 {strides = array<i32>} : memref<16x128xf32, #tpu.memory_space<vmem>>, vector<16xf32>,
        tpu.vector_store_idx %arg8[%get3A_445], %gather3A_456 {add = true} : memref<50048xf32, #tpu.memory_space<vmem>>[vector<16xi32>], vector<16xf32>,
        %get3A_460 = arith.index_cast %mul3A_372 : i32 to index
        %get3A_461 = arith.constant 48 : index
        %get3A_462 = tpu.vector_load %arg10[%get3A_460, %get3A_461] {strides = array<i32>} : memref<48x128xi32, #tpu.memory_space<vmem>>, vector<16xi32>,
        %add3A_463 = arith.constant 1 : i32
        %add3A_464 = arith.addi %mul3A_372, %add3A_463 : i32
        %get3A_465 = arith.index_cast %add3A_464 : i32 to index
        %get3A_466 = arith.constant 48 : index
        %get3A_467 = tpu.vector_load %arg10[%get3A_465, %get3A_466] {strides = array<i32>} : memref<48x128xi32, #tpu.memory_space<vmem>>, vector<16xi32>,
        %add3A_468 = arith.constant 2 : i32
        %add3A_469 = arith.addi %mul3A_372, %add3A_468 : i32
        %get3A_470 = arith.index_cast %add3A_469 : i32 to index
        %get3A_471 = arith.constant 48 : index
        %get3A_472 = tpu.vector_load %arg10[%get3A_470, %get3A_471] {strides = array<i32>} : memref<48x128xi32, #tpu.memory_space<vmem>>, vector<16xi32>,
        %gather3A_473 = tpu.vector_load_idx %arg7[%get3A_467] : memref<50048xi32, #tpu.memory_space<vmem>>[vector<16xi32>], vector<16xi32>,
        %gather3A_474 = tpu.vector_load_idx %arg7[%get3A_472] : memref<50048xi32, #tpu.memory_space<vmem>>[vector<16xi32>], vector<16xi32>,
        %mul3A_475 = arith.constant 16 : i32
        %mul3A_476 = vector.broadcast %mul3A_475 : i32 to vector<16xi32>
        %mul3A_477 = arith.muli %get3A_462, %mul3A_476 : vector<16xi32>
        %mul3A_478 = arith.constant 4 : i32
        %mul3A_479 = vector.broadcast %mul3A_478 : i32 to vector<16xi32>
        %mul3A_480 = arith.muli %gather3A_473, %mul3A_479 : vector<16xi32>
        %add3A_481 = arith.addi %mul3A_477, %mul3A_480 : vector<16xi32>
        %add3A_482 = arith.addi %add3A_481, %gather3A_474 : vector<16xi32>
        %gather3A_483 = tpu.vector_load_idx %arg9[%add3A_482] : memref<608xf32, #tpu.memory_space<vmem>>[vector<16xi32>], vector<16xf32>,
        %swap3A_484 = arith.index_cast %add3A_378 : i32 to index
        %swap3A_485 = arith.constant 48 : index
        %swap3A_486 = tpu.vector_load %arg11[%swap3A_484, %swap3A_485] {strides = array<i32>} : memref<16x128xf32, #tpu.memory_space<vmem>>, vector<16xf32>,
        tpu.vector_store %arg11[%swap3A_484, %swap3A_485], %gather3A_483 {strides = array<i32>} : memref<16x128xf32, #tpu.memory_space<vmem>>, vector<16xf32>,
        tpu.vector_store_idx %arg8[%get3A_472], %gather3A_483 {add = true} : memref<50048xf32, #tpu.memory_space<vmem>>[vector<16xi32>], vector<16xf32>,
        %get3A_487 = arith.index_cast %mul3A_372 : i32 to index
        %get3A_488 = arith.constant 64 : index
        %get3A_489 = tpu.vector_load %arg10[%get3A_487, %get3A_488] {strides = array<i32>} : memref<48x128xi32, #tpu.memory_space<vmem>>, vector<16xi32>,
        %add3A_490 = arith.constant 1 : i32
        %add3A_491 = arith.addi %mul3A_372, %add3A_490 : i32
        %get3A_492 = arith.index_cast %add3A_491 : i32 to index
        %get3A_493 = arith.constant 64 : index
        %get3A_494 = tpu.vector_load %arg10[%get3A_492, %get3A_493] {strides = array<i32>} : memref<48x128xi32, #tpu.memory_space<vmem>>, vector<16xi32>,
        %add3A_495 = arith.constant 2 : i32
        %add3A_496 = arith.addi %mul3A_372, %add3A_495 : i32
        %get3A_497 = arith.index_cast %add3A_496 : i32 to index
        %get3A_498 = arith.constant 64 : index
        %get3A_499 = tpu.vector_load %arg10[%get3A_497, %get3A_498] {strides = array<i32>} : memref<48x128xi32, #tpu.memory_space<vmem>>, vector<16xi32>,
        %gather3A_500 = tpu.vector_load_idx %arg7[%get3A_494] : memref<50048xi32, #tpu.memory_space<vmem>>[vector<16xi32>], vector<16xi32>,
        %gather3A_501 = tpu.vector_load_idx %arg7[%get3A_499] : memref<50048xi32, #tpu.memory_space<vmem>>[vector<16xi32>], vector<16xi32>,
        %mul3A_502 = arith.constant 16 : i32
        %mul3A_503 = vector.broadcast %mul3A_502 : i32 to vector<16xi32>
        %mul3A_504 = arith.muli %get3A_489, %mul3A_503 : vector<16xi32>
        %mul3A_505 = arith.constant 4 : i32
        %mul3A_506 = vector.broadcast %mul3A_505 : i32 to vector<16xi32>
        %mul3A_507 = arith.muli %gather3A_500, %mul3A_506 : vector<16xi32>
        %add3A_508 = arith.addi %mul3A_504, %mul3A_507 : vector<16xi32>
        %add3A_509 = arith.addi %add3A_508, %gather3A_501 : vector<16xi32>
        %gather3A_510 = tpu.vector_load_idx %arg9[%add3A_509] : memref<608xf32, #tpu.memory_space<vmem>>[vector<16xi32>], vector<16xf32>,
        %swap3A_511 = arith.index_cast %add3A_378 : i32 to index
        %swap3A_512 = arith.constant 64 : index
        %swap3A_513 = tpu.vector_load %arg11[%swap3A_511, %swap3A_512] {strides = array<i32>} : memref<16x128xf32, #tpu.memory_space<vmem>>, vector<16xf32>,
        tpu.vector_store %arg11[%swap3A_511, %swap3A_512], %gather3A_510 {strides = array<i32>} : memref<16x128xf32, #tpu.memory_space<vmem>>, vector<16xf32>,
        tpu.vector_store_idx %arg8[%get3A_499], %gather3A_510 {add = true} : memref<50048xf32, #tpu.memory_space<vmem>>[vector<16xi32>], vector<16xf32>,
        %get3A_514 = arith.index_cast %mul3A_372 : i32 to index
        %get3A_515 = arith.constant 80 : index
        %get3A_516 = tpu.vector_load %arg10[%get3A_514, %get3A_515] {strides = array<i32>} : memref<48x128xi32, #tpu.memory_space<vmem>>, vector<16xi32>,
        %add3A_517 = arith.constant 1 : i32
        %add3A_518 = arith.addi %mul3A_372, %add3A_517 : i32
        %get3A_519 = arith.index_cast %add3A_518 : i32 to index
        %get3A_520 = arith.constant 80 : index
        %get3A_521 = tpu.vector_load %arg10[%get3A_519, %get3A_520] {strides = array<i32>} : memref<48x128xi32, #tpu.memory_space<vmem>>, vector<16xi32>,
        %add3A_522 = arith.constant 2 : i32
        %add3A_523 = arith.addi %mul3A_372, %add3A_522 : i32
        %get3A_524 = arith.index_cast %add3A_523 : i32 to index
        %get3A_525 = arith.constant 80 : index
        %get3A_526 = tpu.vector_load %arg10[%get3A_524, %get3A_525] {strides = array<i32>} : memref<48x128xi32, #tpu.memory_space<vmem>>, vector<16xi32>,
        %gather3A_527 = tpu.vector_load_idx %arg7[%get3A_521] : memref<50048xi32, #tpu.memory_space<vmem>>[vector<16xi32>], vector<16xi32>,
        %gather3A_528 = tpu.vector_load_idx %arg7[%get3A_526] : memref<50048xi32, #tpu.memory_space<vmem>>[vector<16xi32>], vector<16xi32>,
        %mul3A_529 = arith.constant 16 : i32
        %mul3A_530 = vector.broadcast %mul3A_529 : i32 to vector<16xi32>
        %mul3A_531 = arith.muli %get3A_516, %mul3A_530 : vector<16xi32>
        %mul3A_532 = arith.constant 4 : i32
        %mul3A_533 = vector.broadcast %mul3A_532 : i32 to vector<16xi32>
        %mul3A_534 = arith.muli %gather3A_527, %mul3A_533 : vector<16xi32>
        %add3A_535 = arith.addi %mul3A_531, %mul3A_534 : vector<16xi32>
        %add3A_536 = arith.addi %add3A_535, %gather3A_528 : vector<16xi32>
        %gather3A_537 = tpu.vector_load_idx %arg9[%add3A_536] : memref<608xf32, #tpu.memory_space<vmem>>[vector<16xi32>], vector<16xf32>,
        %swap3A_538 = arith.index_cast %add3A_378 : i32 to index
        %swap3A_539 = arith.constant 80 : index
        %swap3A_540 = tpu.vector_load %arg11[%swap3A_538, %swap3A_539] {strides = array<i32>} : memref<16x128xf32, #tpu.memory_space<vmem>>, vector<16xf32>,
        tpu.vector_store %arg11[%swap3A_538, %swap3A_539], %gather3A_537 {strides = array<i32>} : memref<16x128xf32, #tpu.memory_space<vmem>>, vector<16xf32>,
        tpu.vector_store_idx %arg8[%get3A_526], %gather3A_537 {add = true} : memref<50048xf32, #tpu.memory_space<vmem>>[vector<16xi32>], vector<16xf32>,
        %get3A_541 = arith.index_cast %mul3A_372 : i32 to index
        %get3A_542 = arith.constant 96 : index
        %get3A_543 = tpu.vector_load %arg10[%get3A_541, %get3A_542] {strides = array<i32>} : memref<48x128xi32, #tpu.memory_space<vmem>>, vector<16xi32>,
        %add3A_544 = arith.constant 1 : i32
        %add3A_545 = arith.addi %mul3A_372, %add3A_544 : i32
        %get3A_546 = arith.index_cast %add3A_545 : i32 to index
        %get3A_547 = arith.constant 96 : index
        %get3A_548 = tpu.vector_load %arg10[%get3A_546, %get3A_547] {strides = array<i32>} : memref<48x128xi32, #tpu.memory_space<vmem>>, vector<16xi32>,
        %add3A_549 = arith.constant 2 : i32
        %add3A_550 = arith.addi %mul3A_372, %add3A_549 : i32
        %get3A_551 = arith.index_cast %add3A_550 : i32 to index
        %get3A_552 = arith.constant 96 : index
        %get3A_553 = tpu.vector_load %arg10[%get3A_551, %get3A_552] {strides = array<i32>} : memref<48x128xi32, #tpu.memory_space<vmem>>, vector<16xi32>,
        %gather3A_554 = tpu.vector_load_idx %arg7[%get3A_548] : memref<50048xi32, #tpu.memory_space<vmem>>[vector<16xi32>], vector<16xi32>,
        %gather3A_555 = tpu.vector_load_idx %arg7[%get3A_553] : memref<50048xi32, #tpu.memory_space<vmem>>[vector<16xi32>], vector<16xi32>,
        %mul3A_556 = arith.constant 16 : i32
        %mul3A_557 = vector.broadcast %mul3A_556 : i32 to vector<16xi32>
        %mul3A_558 = arith.muli %get3A_543, %mul3A_557 : vector<16xi32>
        %mul3A_559 = arith.constant 4 : i32
        %mul3A_560 = vector.broadcast %mul3A_559 : i32 to vector<16xi32>
        %mul3A_561 = arith.muli %gather3A_554, %mul3A_560 : vector<16xi32>
        %add3A_562 = arith.addi %mul3A_558, %mul3A_561 : vector<16xi32>
        %add3A_563 = arith.addi %add3A_562, %gather3A_555 : vector<16xi32>
        %gather3A_564 = tpu.vector_load_idx %arg9[%add3A_563] : memref<608xf32, #tpu.memory_space<vmem>>[vector<16xi32>], vector<16xf32>,
        %swap3A_565 = arith.index_cast %add3A_378 : i32 to index
        %swap3A_566 = arith.constant 96 : index
        %swap3A_567 = tpu.vector_load %arg11[%swap3A_565, %swap3A_566] {strides = array<i32>} : memref<16x128xf32, #tpu.memory_space<vmem>>, vector<16xf32>,
        tpu.vector_store %arg11[%swap3A_565, %swap3A_566], %gather3A_564 {strides = array<i32>} : memref<16x128xf32, #tpu.memory_space<vmem>>, vector<16xf32>,
        tpu.vector_store_idx %arg8[%get3A_553], %gather3A_564 {add = true} : memref<50048xf32, #tpu.memory_space<vmem>>[vector<16xi32>], vector<16xf32>,
        %get3A_568 = arith.index_cast %mul3A_372 : i32 to index
        %get3A_569 = arith.constant 112 : index
        %get3A_570 = tpu.vector_load %arg10[%get3A_568, %get3A_569] {strides = array<i32>} : memref<48x128xi32, #tpu.memory_space<vmem>>, vector<16xi32>,
        %add3A_571 = arith.constant 1 : i32
        %add3A_572 = arith.addi %mul3A_372, %add3A_571 : i32
        %get3A_573 = arith.index_cast %add3A_572 : i32 to index
        %get3A_574 = arith.constant 112 : index
        %get3A_575 = tpu.vector_load %arg10[%get3A_573, %get3A_574] {strides = array<i32>} : memref<48x128xi32, #tpu.memory_space<vmem>>, vector<16xi32>,
        %add3A_576 = arith.constant 2 : i32
        %add3A_577 = arith.addi %mul3A_372, %add3A_576 : i32
        %get3A_578 = arith.index_cast %add3A_577 : i32 to index
        %get3A_579 = arith.constant 112 : index
        %get3A_580 = tpu.vector_load %arg10[%get3A_578, %get3A_579] {strides = array<i32>} : memref<48x128xi32, #tpu.memory_space<vmem>>, vector<16xi32>,
        %gather3A_581 = tpu.vector_load_idx %arg7[%get3A_575] : memref<50048xi32, #tpu.memory_space<vmem>>[vector<16xi32>], vector<16xi32>,
        %gather3A_582 = tpu.vector_load_idx %arg7[%get3A_580] : memref<50048xi32, #tpu.memory_space<vmem>>[vector<16xi32>], vector<16xi32>,
        %mul3A_583 = arith.constant 16 : i32
        %mul3A_584 = vector.broadcast %mul3A_583 : i32 to vector<16xi32>
        %mul3A_585 = arith.muli %get3A_570, %mul3A_584 : vector<16xi32>
        %mul3A_586 = arith.constant 4 : i32
        %mul3A_587 = vector.broadcast %mul3A_586 : i32 to vector<16xi32>
        %mul3A_588 = arith.muli %gather3A_581, %mul3A_587 : vector<16xi32>
        %add3A_589 = arith.addi %mul3A_585, %mul3A_588 : vector<16xi32>
        %add3A_590 = arith.addi %add3A_589, %gather3A_582 : vector<16xi32>
        %gather3A_591 = tpu.vector_load_idx %arg9[%add3A_590] : memref<608xf32, #tpu.memory_space<vmem>>[vector<16xi32>], vector<16xf32>,
        %swap3A_592 = arith.index_cast %add3A_378 : i32 to index
        %swap3A_593 = arith.constant 112 : index
        %swap3A_594 = tpu.vector_load %arg11[%swap3A_592, %swap3A_593] {strides = array<i32>} : memref<16x128xf32, #tpu.memory_space<vmem>>, vector<16xf32>,
        tpu.vector_store %arg11[%swap3A_592, %swap3A_593], %gather3A_591 {strides = array<i32>} : memref<16x128xf32, #tpu.memory_space<vmem>>, vector<16xf32>,
        tpu.vector_store_idx %arg8[%get3A_580], %gather3A_591 {add = true} : memref<50048xf32, #tpu.memory_space<vmem>>[vector<16xi32>], vector<16xf32>,
      }
      %scan3A_126 = arith.constant 4 : i32
      %dma_start3A_127 = arith.constant 8 : i32
      %dma_start3A_128 = arith.constant 0 : i32
      %dma_start3A_129 = tpu.memref_slice %arg11[%dma_start3A_127, %dma_start3A_128] : memref<16x128xf32, #tpu.memory_space<vmem>> -> memref<8x128xf32, #tpu.memory_space<vmem>>
      %dma_start3A_130 = arith.constant 0 : i32
      %dma_start3A_131 = tpu.memref_slice %arg5[%add3A_96, %dma_start3A_130] : memref<12800x128xf32, #tpu.memory_space<hbm>> -> memref<8x128xf32, #tpu.memory_space<hbm>>
      %dma_start3A_132 = arith.constant 0 : i32
      %dma_start3A_133 = tpu.memref_slice %arg5[%add3A_96, %dma_start3A_132] : memref<12800x128xf32, #tpu.memory_space<hbm>> -> memref<8x128xf32, #tpu.memory_space<hbm>>
      %dma_start3A_134 = arith.constant 8 : i32
      %dma_start3A_135 = arith.constant 0 : i32
      %dma_start3A_136 = tpu.memref_slice %arg11[%dma_start3A_134, %dma_start3A_135] : memref<16x128xf32, #tpu.memory_space<vmem>> -> memref<8x128xf32, #tpu.memory_space<vmem>>
      tpu.enqueue_dma source(%dma_start3A_136 : memref<8x128xf32, #tpu.memory_space<vmem>>) target(%dma_start3A_133 : memref<8x128xf32, #tpu.memory_space<hbm>>) target_semaphore(%arg16 : memref<!tpu.dma_semaphore, #tpu.memory_space<semaphore_mem>>)
    }
    %scan3A_24 = arith.constant 25 : i32
    %dma_wait3A = arith.constant 0 : i32
    %dma_wait3A_25 = arith.constant 0 : i32
    %dma_wait3A_26 = tpu.memref_slice %arg11[%dma_wait3A, %dma_wait3A_25] : memref<16x128xf32, #tpu.memory_space<vmem>> -> memref<8x128xf32, #tpu.memory_space<vmem>>
    %dma_wait3A_27 = arith.constant 0 : i32
    %dma_wait3A_28 = tpu.memref_slice %arg5[%mul3A_2, %dma_wait3A_27] : memref<12800x128xf32, #tpu.memory_space<hbm>> -> memref<8x128xf32, #tpu.memory_space<hbm>>
    %dma_wait3A_29 = arith.constant 0 : i32
    %dma_wait3A_30 = tpu.memref_slice %arg5[%mul3A_2, %dma_wait3A_29] : memref<12800x128xf32, #tpu.memory_space<hbm>> -> memref<8x128xf32, #tpu.memory_space<hbm>>
    %dma_wait3A_31 = arith.constant 0 : i32
    %dma_wait3A_32 = arith.constant 0 : i32
    %dma_wait3A_33 = tpu.memref_slice %arg11[%dma_wait3A_31, %dma_wait3A_32] : memref<16x128xf32, #tpu.memory_space<vmem>> -> memref<8x128xf32, #tpu.memory_space<vmem>>
    tpu.wait_dma2 semaphore(%arg15 : memref<!tpu.dma_semaphore, #tpu.memory_space<semaphore_mem>>) src(%dma_wait3A_33 : memref<8x128xf32, #tpu.memory_space<vmem>>) dst(%dma_wait3A_30 : memref<8x128xf32, #tpu.memory_space<hbm>>)
    %dma_wait3A_34 = arith.constant 8 : i32
    %dma_wait3A_35 = arith.constant 0 : i32
    %dma_wait3A_36 = tpu.memref_slice %arg11[%dma_wait3A_34, %dma_wait3A_35] : memref<16x128xf32, #tpu.memory_space<vmem>> -> memref<8x128xf32, #tpu.memory_space<vmem>>
    %dma_wait3A_37 = arith.constant 0 : i32
    %dma_wait3A_38 = tpu.memref_slice %arg5[%mul3A_2, %dma_wait3A_37] : memref<12800x128xf32, #tpu.memory_space<hbm>> -> memref<8x128xf32, #tpu.memory_space<hbm>>
    %dma_wait3A_39 = arith.constant 0 : i32
    %dma_wait3A_40 = tpu.memref_slice %arg5[%mul3A_2, %dma_wait3A_39] : memref<12800x128xf32, #tpu.memory_space<hbm>> -> memref<8x128xf32, #tpu.memory_space<hbm>>
    %dma_wait3A_41 = arith.constant 8 : i32
    %dma_wait3A_42 = arith.constant 0 : i32
    %dma_wait3A_43 = tpu.memref_slice %arg11[%dma_wait3A_41, %dma_wait3A_42] : memref<16x128xf32, #tpu.memory_space<vmem>> -> memref<8x128xf32, #tpu.memory_space<vmem>>
    tpu.wait_dma2 semaphore(%arg16 : memref<!tpu.dma_semaphore, #tpu.memory_space<semaphore_mem>>) src(%dma_wait3A_43 : memref<8x128xf32, #tpu.memory_space<vmem>>) dst(%dma_wait3A_40 : memref<8x128xf32, #tpu.memory_space<hbm>>)
    %mul3A_44 = arith.constant 50048 : i32
    %mul3A_45 = arith.muli %add3A, %mul3A_44 : i32
    "tpu.region"() ({
      %run_scoped3A = tpu.sem_alloc : memref<!tpu.dma_semaphore, #tpu.memory_space<semaphore_mem>>
      %dma_start3A_46 = tpu.memref_slice %arg6[%mul3A_45] : memref<1601536xf32, #tpu.memory_space<hbm>> -> memref<50048xf32, #tpu.memory_space<hbm>>
      %dma_start3A_47 = tpu.memref_slice %arg6[%mul3A_45] : memref<1601536xf32, #tpu.memory_space<hbm>> -> memref<50048xf32, #tpu.memory_space<hbm>>
      tpu.enqueue_dma source(%arg8 : memref<50048xf32, #tpu.memory_space<vmem>>) target(%dma_start3A_47 : memref<50048xf32, #tpu.memory_space<hbm>>) target_semaphore(%run_scoped3A : memref<!tpu.dma_semaphore, #tpu.memory_space<semaphore_mem>>)
      %dma_wait3A_48 = tpu.memref_slice %arg6[%mul3A_45] : memref<1601536xf32, #tpu.memory_space<hbm>> -> memref<50048xf32, #tpu.memory_space<hbm>>
      %dma_wait3A_49 = tpu.memref_slice %arg6[%mul3A_45] : memref<1601536xf32, #tpu.memory_space<hbm>> -> memref<50048xf32, #tpu.memory_space<hbm>>
      tpu.wait_dma2 semaphore(%run_scoped3A : memref<!tpu.dma_semaphore, #tpu.memory_space<semaphore_mem>>) src(%arg8 : memref<50048xf32, #tpu.memory_space<vmem>>) dst(%dma_wait3A_49 : memref<50048xf32, #tpu.memory_space<hbm>>)
      tpu.yield
    }) : () -> ()
    return
  }
}

#map = affine_map<(d0, d1) -> (0, 0)>
#map1 = affine_map<(d0, d1) -> (0)>
module attributes {stable_mosaic.version = 14 : i64} {
  func.func @k(%arg0: i32, %arg1: i32, %arg2: memref<25600x128xi32, #tpu.memory_space<hbm>>, %arg3: memref<12800x128xf32, #tpu.memory_space<hbm>>, %arg4: memref<50048xf32, #tpu.memory_space<hbm>>, %arg5: memref<1601536xf32, #tpu.memory_space<hbm>>, %arg6: memref<50048xf32, #tpu.memory_space<vmem>>, %arg7: memref<50048xf32, #tpu.memory_space<vmem>>, %arg8: memref<32x128xi32, #tpu.memory_space<vmem>>, %arg9: memref<16x128xf32, #tpu.memory_space<vmem>>, %arg10: memref<!tpu.dma_semaphore, #tpu.memory_space<semaphore_mem>>, %arg11: memref<!tpu.dma_semaphore, #tpu.memory_space<semaphore_mem>>, %arg12: memref<!tpu.dma_semaphore, #tpu.memory_space<semaphore_mem>>) attributes {dimension_semantics = [#tpu.dimension_semantics<core_parallel>, #tpu.dimension_semantics<subcore_parallel>], iteration_bounds = array<i64: 2, 16>, scalar_prefetch = 0 : i64, scratch_operands = 7 : i64, tpu.core_type = #tpu.core_type<sc_vector_subcore>, window_params = [{transform_indices = #map}, {transform_indices = #map}, {transform_indices = #map1}, {transform_indices = #map1}]} {
    %mul3A = arith.constant 16 : i32
    %mul3A_0 = arith.muli %arg0, %mul3A : i32
    %add3A = arith.addi %mul3A_0, %arg1 : i32
    %mul3A_1 = arith.constant 400 : i32
    %mul3A_2 = arith.muli %add3A, %mul3A_1 : i32
    tpu.enqueue_dma source(%arg4 : memref<50048xf32, #tpu.memory_space<hbm>>) target(%arg6 : memref<50048xf32, #tpu.memory_space<vmem>>) target_semaphore(%arg10 : memref<!tpu.dma_semaphore, #tpu.memory_space<semaphore_mem>>)
    %mul3A_3 = arith.constant 2 : i32
    %mul3A_4 = arith.muli %mul3A_2, %mul3A_3 : i32
    %dma_start3A = arith.constant 0 : i32
    %dma_start3A_5 = arith.constant 0 : i32
    %dma_start3A_6 = tpu.memref_slice %arg8[%dma_start3A, %dma_start3A_5] : memref<32x128xi32, #tpu.memory_space<vmem>> -> memref<16x128xi32, #tpu.memory_space<vmem>>
    %dma_start3A_7 = arith.constant 0 : i32
    %dma_start3A_8 = tpu.memref_slice %arg2[%mul3A_4, %dma_start3A_7] : memref<25600x128xi32, #tpu.memory_space<hbm>> -> memref<16x128xi32, #tpu.memory_space<hbm>>
    %dma_start3A_9 = arith.constant 0 : i32
    %dma_start3A_10 = arith.constant 0 : i32
    %dma_start3A_11 = tpu.memref_slice %arg8[%dma_start3A_9, %dma_start3A_10] : memref<32x128xi32, #tpu.memory_space<vmem>> -> memref<16x128xi32, #tpu.memory_space<vmem>>
    %dma_start3A_12 = arith.constant 0 : i32
    %dma_start3A_13 = tpu.memref_slice %arg2[%mul3A_4, %dma_start3A_12] : memref<25600x128xi32, #tpu.memory_space<hbm>> -> memref<16x128xi32, #tpu.memory_space<hbm>>
    tpu.enqueue_dma source(%dma_start3A_13 : memref<16x128xi32, #tpu.memory_space<hbm>>) target(%dma_start3A_11 : memref<16x128xi32, #tpu.memory_space<vmem>>) target_semaphore(%arg11 : memref<!tpu.dma_semaphore, #tpu.memory_space<semaphore_mem>>)
    %dma_start3A_14 = arith.constant 0 : i32
    %dma_start3A_15 = arith.constant 0 : i32
    %dma_start3A_16 = tpu.memref_slice %arg9[%dma_start3A_14, %dma_start3A_15] : memref<16x128xf32, #tpu.memory_space<vmem>> -> memref<8x128xf32, #tpu.memory_space<vmem>>
    %dma_start3A_17 = arith.constant 0 : i32
    %dma_start3A_18 = tpu.memref_slice %arg3[%mul3A_2, %dma_start3A_17] : memref<12800x128xf32, #tpu.memory_space<hbm>> -> memref<8x128xf32, #tpu.memory_space<hbm>>
    %dma_start3A_19 = arith.constant 0 : i32
    %dma_start3A_20 = arith.constant 0 : i32
    %dma_start3A_21 = tpu.memref_slice %arg9[%dma_start3A_19, %dma_start3A_20] : memref<16x128xf32, #tpu.memory_space<vmem>> -> memref<8x128xf32, #tpu.memory_space<vmem>>
    %dma_start3A_22 = arith.constant 0 : i32
    %dma_start3A_23 = tpu.memref_slice %arg3[%mul3A_2, %dma_start3A_22] : memref<12800x128xf32, #tpu.memory_space<hbm>> -> memref<8x128xf32, #tpu.memory_space<hbm>>
    tpu.enqueue_dma source(%dma_start3A_23 : memref<8x128xf32, #tpu.memory_space<hbm>>) target(%dma_start3A_21 : memref<8x128xf32, #tpu.memory_space<vmem>>) target_semaphore(%arg11 : memref<!tpu.dma_semaphore, #tpu.memory_space<semaphore_mem>>)
    %scan3A = arith.constant 0 : i32
    %scan3A_24 = arith.constant 0 : i32
    %scan3A_25 = arith.constant 3128 : i32
    %scan3A_26 = arith.addi %scan3A_24, %scan3A_25 : i32
    %scan3A_27 = arith.constant 1 : i32
    scf.for %scan3A_37 = %scan3A_24 to %scan3A_26 step %scan3A_27  : i32 {
      %broadcast_in_dim3A = arith.constant 0.000000e+00 : f32
      %broadcast_in_dim3A_38 = vector.broadcast %broadcast_in_dim3A : f32 to vector<16xf32>
      %mul3A_39 = arith.constant 16 : i32
      %mul3A_40 = arith.muli %scan3A_37, %mul3A_39 : i32
      %swap3A = arith.index_cast %mul3A_40 : i32 to index
      %swap3A_41 = tpu.vector_load %arg7[%swap3A] {strides = array<i32>} : memref<50048xf32, #tpu.memory_space<vmem>>, vector<16xf32>,
      tpu.vector_store %arg7[%swap3A], %broadcast_in_dim3A_38 {strides = array<i32>} : memref<50048xf32, #tpu.memory_space<vmem>>, vector<16xf32>,
    }
    %scan3A_28 = arith.constant 3128 : i32
    tpu.wait_dma2 semaphore(%arg10 : memref<!tpu.dma_semaphore, #tpu.memory_space<semaphore_mem>>) src(%arg4 : memref<50048xf32, #tpu.memory_space<hbm>>) dst(%arg6 : memref<50048xf32, #tpu.memory_space<vmem>>)
    %scan3A_29 = arith.constant 0 : i32
    %scan3A_30 = arith.constant 0 : i32
    %scan3A_31 = arith.constant 25 : i32
    %scan3A_32 = arith.addi %scan3A_30, %scan3A_31 : i32
    %scan3A_33 = arith.constant 1 : i32
    scf.for %scan3A_37 = %scan3A_30 to %scan3A_32 step %scan3A_33  : i32 {
      %mul3A_38 = arith.constant 2 : i32
      %mul3A_39 = arith.muli %scan3A_37, %mul3A_38 : i32
      %add3A_40 = arith.constant 0 : i32
      %add3A_41 = arith.addi %mul3A_39, %add3A_40 : i32
      %mul3A_42 = arith.constant 8 : i32
      %mul3A_43 = arith.muli %add3A_41, %mul3A_42 : i32
      %add3A_44 = arith.addi %mul3A_2, %mul3A_43 : i32
      %add3A_45 = arith.constant 1 : i32
      %add3A_46 = arith.addi %add3A_41, %add3A_45 : i32
      %lt3A = arith.constant 50 : i32
      %lt3A_47 = arith.cmpi slt, %add3A_46, %lt3A : i32
      %convert_element_type3A = arith.extui %lt3A_47 : i1 to i32
      %cond3A = arith.constant 0 : i32
      %cond3A_48 = arith.cmpi ne, %convert_element_type3A, %cond3A : i32
      scf.if %cond3A_48 {
        %add3A_118 = arith.constant 8 : i32
        %add3A_119 = arith.addi %add3A_44, %add3A_118 : i32
        %mul3A_120 = arith.constant 2 : i32
        %mul3A_121 = arith.muli %add3A_119, %mul3A_120 : i32
        %dma_start3A_122 = arith.constant 16 : i32
        %dma_start3A_123 = arith.constant 0 : i32
        %dma_start3A_124 = tpu.memref_slice %arg8[%dma_start3A_122, %dma_start3A_123] : memref<32x128xi32, #tpu.memory_space<vmem>> -> memref<16x128xi32, #tpu.memory_space<vmem>>
        %dma_start3A_125 = arith.constant 0 : i32
        %dma_start3A_126 = tpu.memref_slice %arg2[%mul3A_121, %dma_start3A_125] : memref<25600x128xi32, #tpu.memory_space<hbm>> -> memref<16x128xi32, #tpu.memory_space<hbm>>
        %dma_start3A_127 = arith.constant 16 : i32
        %dma_start3A_128 = arith.constant 0 : i32
        %dma_start3A_129 = tpu.memref_slice %arg8[%dma_start3A_127, %dma_start3A_128] : memref<32x128xi32, #tpu.memory_space<vmem>> -> memref<16x128xi32, #tpu.memory_space<vmem>>
        %dma_start3A_130 = arith.constant 0 : i32
        %dma_start3A_131 = tpu.memref_slice %arg2[%mul3A_121, %dma_start3A_130] : memref<25600x128xi32, #tpu.memory_space<hbm>> -> memref<16x128xi32, #tpu.memory_space<hbm>>
        tpu.enqueue_dma source(%dma_start3A_131 : memref<16x128xi32, #tpu.memory_space<hbm>>) target(%dma_start3A_129 : memref<16x128xi32, #tpu.memory_space<vmem>>) target_semaphore(%arg12 : memref<!tpu.dma_semaphore, #tpu.memory_space<semaphore_mem>>)
        %add3A_132 = arith.constant 8 : i32
        %add3A_133 = arith.addi %add3A_44, %add3A_132 : i32
        %dma_start3A_134 = arith.constant 8 : i32
        %dma_start3A_135 = arith.constant 0 : i32
        %dma_start3A_136 = tpu.memref_slice %arg9[%dma_start3A_134, %dma_start3A_135] : memref<16x128xf32, #tpu.memory_space<vmem>> -> memref<8x128xf32, #tpu.memory_space<vmem>>
        %dma_start3A_137 = arith.constant 0 : i32
        %dma_start3A_138 = tpu.memref_slice %arg3[%add3A_133, %dma_start3A_137] : memref<12800x128xf32, #tpu.memory_space<hbm>> -> memref<8x128xf32, #tpu.memory_space<hbm>>
        %dma_start3A_139 = arith.constant 8 : i32
        %dma_start3A_140 = arith.constant 0 : i32
        %dma_start3A_141 = tpu.memref_slice %arg9[%dma_start3A_139, %dma_start3A_140] : memref<16x128xf32, #tpu.memory_space<vmem>> -> memref<8x128xf32, #tpu.memory_space<vmem>>
        %dma_start3A_142 = arith.constant 0 : i32
        %dma_start3A_143 = tpu.memref_slice %arg3[%add3A_133, %dma_start3A_142] : memref<12800x128xf32, #tpu.memory_space<hbm>> -> memref<8x128xf32, #tpu.memory_space<hbm>>
        tpu.enqueue_dma source(%dma_start3A_143 : memref<8x128xf32, #tpu.memory_space<hbm>>) target(%dma_start3A_141 : memref<8x128xf32, #tpu.memory_space<vmem>>) target_semaphore(%arg12 : memref<!tpu.dma_semaphore, #tpu.memory_space<semaphore_mem>>)
      } else {
      }
      %mul3A_49 = arith.constant 2 : i32
      %mul3A_50 = arith.muli %add3A_44, %mul3A_49 : i32
      %dma_wait3A = arith.constant 0 : i32
      %dma_wait3A_51 = arith.constant 0 : i32
      %dma_wait3A_52 = tpu.memref_slice %arg8[%dma_wait3A, %dma_wait3A_51] : memref<32x128xi32, #tpu.memory_space<vmem>> -> memref<16x128xi32, #tpu.memory_space<vmem>>
      %dma_wait3A_53 = arith.constant 0 : i32
      %dma_wait3A_54 = tpu.memref_slice %arg2[%mul3A_50, %dma_wait3A_53] : memref<25600x128xi32, #tpu.memory_space<hbm>> -> memref<16x128xi32, #tpu.memory_space<hbm>>
      %dma_wait3A_55 = arith.constant 0 : i32
      %dma_wait3A_56 = arith.constant 0 : i32
      %dma_wait3A_57 = tpu.memref_slice %arg8[%dma_wait3A_55, %dma_wait3A_56] : memref<32x128xi32, #tpu.memory_space<vmem>> -> memref<16x128xi32, #tpu.memory_space<vmem>>
      %dma_wait3A_58 = arith.constant 0 : i32
      %dma_wait3A_59 = tpu.memref_slice %arg2[%mul3A_50, %dma_wait3A_58] : memref<25600x128xi32, #tpu.memory_space<hbm>> -> memref<16x128xi32, #tpu.memory_space<hbm>>
      tpu.wait_dma2 semaphore(%arg11 : memref<!tpu.dma_semaphore, #tpu.memory_space<semaphore_mem>>) src(%dma_wait3A_59 : memref<16x128xi32, #tpu.memory_space<hbm>>) dst(%dma_wait3A_57 : memref<16x128xi32, #tpu.memory_space<vmem>>)
      %dma_wait3A_60 = arith.constant 0 : i32
      %dma_wait3A_61 = arith.constant 0 : i32
      %dma_wait3A_62 = tpu.memref_slice %arg9[%dma_wait3A_60, %dma_wait3A_61] : memref<16x128xf32, #tpu.memory_space<vmem>> -> memref<8x128xf32, #tpu.memory_space<vmem>>
      %dma_wait3A_63 = arith.constant 0 : i32
      %dma_wait3A_64 = tpu.memref_slice %arg3[%add3A_44, %dma_wait3A_63] : memref<12800x128xf32, #tpu.memory_space<hbm>> -> memref<8x128xf32, #tpu.memory_space<hbm>>
      %dma_wait3A_65 = arith.constant 0 : i32
      %dma_wait3A_66 = arith.constant 0 : i32
      %dma_wait3A_67 = tpu.memref_slice %arg9[%dma_wait3A_65, %dma_wait3A_66] : memref<16x128xf32, #tpu.memory_space<vmem>> -> memref<8x128xf32, #tpu.memory_space<vmem>>
      %dma_wait3A_68 = arith.constant 0 : i32
      %dma_wait3A_69 = tpu.memref_slice %arg3[%add3A_44, %dma_wait3A_68] : memref<12800x128xf32, #tpu.memory_space<hbm>> -> memref<8x128xf32, #tpu.memory_space<hbm>>
      tpu.wait_dma2 semaphore(%arg11 : memref<!tpu.dma_semaphore, #tpu.memory_space<semaphore_mem>>) src(%dma_wait3A_69 : memref<8x128xf32, #tpu.memory_space<hbm>>) dst(%dma_wait3A_67 : memref<8x128xf32, #tpu.memory_space<vmem>>)
      %scan3A_70 = arith.constant 0 : i32
      %scan3A_71 = arith.constant 0 : i32
      %scan3A_72 = arith.constant 4 : i32
      %scan3A_73 = arith.addi %scan3A_71, %scan3A_72 : i32
      %scan3A_74 = arith.constant 1 : i32
      scf.for %scan3A_118 = %scan3A_71 to %scan3A_73 step %scan3A_74  : i32 {
        %mul3A_119 = arith.constant 2 : i32
        %mul3A_120 = arith.muli %scan3A_118, %mul3A_119 : i32
        %add3A_121 = arith.constant 0 : i32
        %add3A_122 = arith.addi %add3A_121, %mul3A_120 : i32
        %add3A_123 = arith.constant 0 : i32
        %add3A_124 = arith.addi %add3A_122, %add3A_123 : i32
        %mul3A_125 = arith.constant 2 : i32
        %mul3A_126 = arith.muli %add3A_124, %mul3A_125 : i32
        %mul3A_127 = arith.constant 2 : i32
        %mul3A_128 = arith.muli %scan3A_118, %mul3A_127 : i32
        %add3A_129 = arith.constant 0 : i32
        %add3A_130 = arith.addi %add3A_129, %mul3A_128 : i32
        %add3A_131 = arith.constant 0 : i32
        %add3A_132 = arith.addi %add3A_130, %add3A_131 : i32
        %get3A = arith.index_cast %mul3A_126 : i32 to index
        %get3A_133 = arith.constant 0 : index
        %get3A_134 = tpu.vector_load %arg8[%get3A, %get3A_133] {strides = array<i32>} : memref<32x128xi32, #tpu.memory_space<vmem>>, vector<16xi32>,
        %add3A_135 = arith.constant 1 : i32
        %add3A_136 = arith.addi %mul3A_126, %add3A_135 : i32
        %get3A_137 = arith.index_cast %add3A_136 : i32 to index
        %get3A_138 = arith.constant 0 : index
        %get3A_139 = tpu.vector_load %arg8[%get3A_137, %get3A_138] {strides = array<i32>} : memref<32x128xi32, #tpu.memory_space<vmem>>, vector<16xi32>,
        %gather3A = tpu.vector_load_idx %arg6[%get3A_134] : memref<50048xf32, #tpu.memory_space<vmem>>[vector<16xi32>], vector<16xf32>,
        %get3A_140 = arith.index_cast %add3A_132 : i32 to index
        %get3A_141 = arith.constant 0 : index
        %get3A_142 = tpu.vector_load %arg9[%get3A_140, %get3A_141] {strides = array<i32>} : memref<16x128xf32, #tpu.memory_space<vmem>>, vector<16xf32>,
        %add3A_143 = arith.addf %gather3A, %get3A_142 : vector<16xf32>
        tpu.vector_store_idx %arg7[%get3A_139], %add3A_143 {add = true} : memref<50048xf32, #tpu.memory_space<vmem>>[vector<16xi32>], vector<16xf32>,
        %get3A_144 = arith.index_cast %mul3A_126 : i32 to index
        %get3A_145 = arith.constant 16 : index
        %get3A_146 = tpu.vector_load %arg8[%get3A_144, %get3A_145] {strides = array<i32>} : memref<32x128xi32, #tpu.memory_space<vmem>>, vector<16xi32>,
        %add3A_147 = arith.constant 1 : i32
        %add3A_148 = arith.addi %mul3A_126, %add3A_147 : i32
        %get3A_149 = arith.index_cast %add3A_148 : i32 to index
        %get3A_150 = arith.constant 16 : index
        %get3A_151 = tpu.vector_load %arg8[%get3A_149, %get3A_150] {strides = array<i32>} : memref<32x128xi32, #tpu.memory_space<vmem>>, vector<16xi32>,
        %gather3A_152 = tpu.vector_load_idx %arg6[%get3A_146] : memref<50048xf32, #tpu.memory_space<vmem>>[vector<16xi32>], vector<16xf32>,
        %get3A_153 = arith.index_cast %add3A_132 : i32 to index
        %get3A_154 = arith.constant 16 : index
        %get3A_155 = tpu.vector_load %arg9[%get3A_153, %get3A_154] {strides = array<i32>} : memref<16x128xf32, #tpu.memory_space<vmem>>, vector<16xf32>,
        %add3A_156 = arith.addf %gather3A_152, %get3A_155 : vector<16xf32>
        tpu.vector_store_idx %arg7[%get3A_151], %add3A_156 {add = true} : memref<50048xf32, #tpu.memory_space<vmem>>[vector<16xi32>], vector<16xf32>,
        %get3A_157 = arith.index_cast %mul3A_126 : i32 to index
        %get3A_158 = arith.constant 32 : index
        %get3A_159 = tpu.vector_load %arg8[%get3A_157, %get3A_158] {strides = array<i32>} : memref<32x128xi32, #tpu.memory_space<vmem>>, vector<16xi32>,
        %add3A_160 = arith.constant 1 : i32
        %add3A_161 = arith.addi %mul3A_126, %add3A_160 : i32
        %get3A_162 = arith.index_cast %add3A_161 : i32 to index
        %get3A_163 = arith.constant 32 : index
        %get3A_164 = tpu.vector_load %arg8[%get3A_162, %get3A_163] {strides = array<i32>} : memref<32x128xi32, #tpu.memory_space<vmem>>, vector<16xi32>,
        %gather3A_165 = tpu.vector_load_idx %arg6[%get3A_159] : memref<50048xf32, #tpu.memory_space<vmem>>[vector<16xi32>], vector<16xf32>,
        %get3A_166 = arith.index_cast %add3A_132 : i32 to index
        %get3A_167 = arith.constant 32 : index
        %get3A_168 = tpu.vector_load %arg9[%get3A_166, %get3A_167] {strides = array<i32>} : memref<16x128xf32, #tpu.memory_space<vmem>>, vector<16xf32>,
        %add3A_169 = arith.addf %gather3A_165, %get3A_168 : vector<16xf32>
        tpu.vector_store_idx %arg7[%get3A_164], %add3A_169 {add = true} : memref<50048xf32, #tpu.memory_space<vmem>>[vector<16xi32>], vector<16xf32>,
        %get3A_170 = arith.index_cast %mul3A_126 : i32 to index
        %get3A_171 = arith.constant 48 : index
        %get3A_172 = tpu.vector_load %arg8[%get3A_170, %get3A_171] {strides = array<i32>} : memref<32x128xi32, #tpu.memory_space<vmem>>, vector<16xi32>,
        %add3A_173 = arith.constant 1 : i32
        %add3A_174 = arith.addi %mul3A_126, %add3A_173 : i32
        %get3A_175 = arith.index_cast %add3A_174 : i32 to index
        %get3A_176 = arith.constant 48 : index
        %get3A_177 = tpu.vector_load %arg8[%get3A_175, %get3A_176] {strides = array<i32>} : memref<32x128xi32, #tpu.memory_space<vmem>>, vector<16xi32>,
        %gather3A_178 = tpu.vector_load_idx %arg6[%get3A_172] : memref<50048xf32, #tpu.memory_space<vmem>>[vector<16xi32>], vector<16xf32>,
        %get3A_179 = arith.index_cast %add3A_132 : i32 to index
        %get3A_180 = arith.constant 48 : index
        %get3A_181 = tpu.vector_load %arg9[%get3A_179, %get3A_180] {strides = array<i32>} : memref<16x128xf32, #tpu.memory_space<vmem>>, vector<16xf32>,
        %add3A_182 = arith.addf %gather3A_178, %get3A_181 : vector<16xf32>
        tpu.vector_store_idx %arg7[%get3A_177], %add3A_182 {add = true} : memref<50048xf32, #tpu.memory_space<vmem>>[vector<16xi32>], vector<16xf32>,
        %get3A_183 = arith.index_cast %mul3A_126 : i32 to index
        %get3A_184 = arith.constant 64 : index
        %get3A_185 = tpu.vector_load %arg8[%get3A_183, %get3A_184] {strides = array<i32>} : memref<32x128xi32, #tpu.memory_space<vmem>>, vector<16xi32>,
        %add3A_186 = arith.constant 1 : i32
        %add3A_187 = arith.addi %mul3A_126, %add3A_186 : i32
        %get3A_188 = arith.index_cast %add3A_187 : i32 to index
        %get3A_189 = arith.constant 64 : index
        %get3A_190 = tpu.vector_load %arg8[%get3A_188, %get3A_189] {strides = array<i32>} : memref<32x128xi32, #tpu.memory_space<vmem>>, vector<16xi32>,
        %gather3A_191 = tpu.vector_load_idx %arg6[%get3A_185] : memref<50048xf32, #tpu.memory_space<vmem>>[vector<16xi32>], vector<16xf32>,
        %get3A_192 = arith.index_cast %add3A_132 : i32 to index
        %get3A_193 = arith.constant 64 : index
        %get3A_194 = tpu.vector_load %arg9[%get3A_192, %get3A_193] {strides = array<i32>} : memref<16x128xf32, #tpu.memory_space<vmem>>, vector<16xf32>,
        %add3A_195 = arith.addf %gather3A_191, %get3A_194 : vector<16xf32>
        tpu.vector_store_idx %arg7[%get3A_190], %add3A_195 {add = true} : memref<50048xf32, #tpu.memory_space<vmem>>[vector<16xi32>], vector<16xf32>,
        %get3A_196 = arith.index_cast %mul3A_126 : i32 to index
        %get3A_197 = arith.constant 80 : index
        %get3A_198 = tpu.vector_load %arg8[%get3A_196, %get3A_197] {strides = array<i32>} : memref<32x128xi32, #tpu.memory_space<vmem>>, vector<16xi32>,
        %add3A_199 = arith.constant 1 : i32
        %add3A_200 = arith.addi %mul3A_126, %add3A_199 : i32
        %get3A_201 = arith.index_cast %add3A_200 : i32 to index
        %get3A_202 = arith.constant 80 : index
        %get3A_203 = tpu.vector_load %arg8[%get3A_201, %get3A_202] {strides = array<i32>} : memref<32x128xi32, #tpu.memory_space<vmem>>, vector<16xi32>,
        %gather3A_204 = tpu.vector_load_idx %arg6[%get3A_198] : memref<50048xf32, #tpu.memory_space<vmem>>[vector<16xi32>], vector<16xf32>,
        %get3A_205 = arith.index_cast %add3A_132 : i32 to index
        %get3A_206 = arith.constant 80 : index
        %get3A_207 = tpu.vector_load %arg9[%get3A_205, %get3A_206] {strides = array<i32>} : memref<16x128xf32, #tpu.memory_space<vmem>>, vector<16xf32>,
        %add3A_208 = arith.addf %gather3A_204, %get3A_207 : vector<16xf32>
        tpu.vector_store_idx %arg7[%get3A_203], %add3A_208 {add = true} : memref<50048xf32, #tpu.memory_space<vmem>>[vector<16xi32>], vector<16xf32>,
        %get3A_209 = arith.index_cast %mul3A_126 : i32 to index
        %get3A_210 = arith.constant 96 : index
        %get3A_211 = tpu.vector_load %arg8[%get3A_209, %get3A_210] {strides = array<i32>} : memref<32x128xi32, #tpu.memory_space<vmem>>, vector<16xi32>,
        %add3A_212 = arith.constant 1 : i32
        %add3A_213 = arith.addi %mul3A_126, %add3A_212 : i32
        %get3A_214 = arith.index_cast %add3A_213 : i32 to index
        %get3A_215 = arith.constant 96 : index
        %get3A_216 = tpu.vector_load %arg8[%get3A_214, %get3A_215] {strides = array<i32>} : memref<32x128xi32, #tpu.memory_space<vmem>>, vector<16xi32>,
        %gather3A_217 = tpu.vector_load_idx %arg6[%get3A_211] : memref<50048xf32, #tpu.memory_space<vmem>>[vector<16xi32>], vector<16xf32>,
        %get3A_218 = arith.index_cast %add3A_132 : i32 to index
        %get3A_219 = arith.constant 96 : index
        %get3A_220 = tpu.vector_load %arg9[%get3A_218, %get3A_219] {strides = array<i32>} : memref<16x128xf32, #tpu.memory_space<vmem>>, vector<16xf32>,
        %add3A_221 = arith.addf %gather3A_217, %get3A_220 : vector<16xf32>
        tpu.vector_store_idx %arg7[%get3A_216], %add3A_221 {add = true} : memref<50048xf32, #tpu.memory_space<vmem>>[vector<16xi32>], vector<16xf32>,
        %get3A_222 = arith.index_cast %mul3A_126 : i32 to index
        %get3A_223 = arith.constant 112 : index
        %get3A_224 = tpu.vector_load %arg8[%get3A_222, %get3A_223] {strides = array<i32>} : memref<32x128xi32, #tpu.memory_space<vmem>>, vector<16xi32>,
        %add3A_225 = arith.constant 1 : i32
        %add3A_226 = arith.addi %mul3A_126, %add3A_225 : i32
        %get3A_227 = arith.index_cast %add3A_226 : i32 to index
        %get3A_228 = arith.constant 112 : index
        %get3A_229 = tpu.vector_load %arg8[%get3A_227, %get3A_228] {strides = array<i32>} : memref<32x128xi32, #tpu.memory_space<vmem>>, vector<16xi32>,
        %gather3A_230 = tpu.vector_load_idx %arg6[%get3A_224] : memref<50048xf32, #tpu.memory_space<vmem>>[vector<16xi32>], vector<16xf32>,
        %get3A_231 = arith.index_cast %add3A_132 : i32 to index
        %get3A_232 = arith.constant 112 : index
        %get3A_233 = tpu.vector_load %arg9[%get3A_231, %get3A_232] {strides = array<i32>} : memref<16x128xf32, #tpu.memory_space<vmem>>, vector<16xf32>,
        %add3A_234 = arith.addf %gather3A_230, %get3A_233 : vector<16xf32>
        tpu.vector_store_idx %arg7[%get3A_229], %add3A_234 {add = true} : memref<50048xf32, #tpu.memory_space<vmem>>[vector<16xi32>], vector<16xf32>,
        %mul3A_235 = arith.constant 2 : i32
        %mul3A_236 = arith.muli %scan3A_118, %mul3A_235 : i32
        %add3A_237 = arith.constant 0 : i32
        %add3A_238 = arith.addi %add3A_237, %mul3A_236 : i32
        %add3A_239 = arith.constant 1 : i32
        %add3A_240 = arith.addi %add3A_238, %add3A_239 : i32
        %mul3A_241 = arith.constant 2 : i32
        %mul3A_242 = arith.muli %add3A_240, %mul3A_241 : i32
        %mul3A_243 = arith.constant 2 : i32
        %mul3A_244 = arith.muli %scan3A_118, %mul3A_243 : i32
        %add3A_245 = arith.constant 0 : i32
        %add3A_246 = arith.addi %add3A_245, %mul3A_244 : i32
        %add3A_247 = arith.constant 1 : i32
        %add3A_248 = arith.addi %add3A_246, %add3A_247 : i32
        %get3A_249 = arith.index_cast %mul3A_242 : i32 to index
        %get3A_250 = arith.constant 0 : index
        %get3A_251 = tpu.vector_load %arg8[%get3A_249, %get3A_250] {strides = array<i32>} : memref<32x128xi32, #tpu.memory_space<vmem>>, vector<16xi32>,
        %add3A_252 = arith.constant 1 : i32
        %add3A_253 = arith.addi %mul3A_242, %add3A_252 : i32
        %get3A_254 = arith.index_cast %add3A_253 : i32 to index
        %get3A_255 = arith.constant 0 : index
        %get3A_256 = tpu.vector_load %arg8[%get3A_254, %get3A_255] {strides = array<i32>} : memref<32x128xi32, #tpu.memory_space<vmem>>, vector<16xi32>,
        %gather3A_257 = tpu.vector_load_idx %arg6[%get3A_251] : memref<50048xf32, #tpu.memory_space<vmem>>[vector<16xi32>], vector<16xf32>,
        %get3A_258 = arith.index_cast %add3A_248 : i32 to index
        %get3A_259 = arith.constant 0 : index
        %get3A_260 = tpu.vector_load %arg9[%get3A_258, %get3A_259] {strides = array<i32>} : memref<16x128xf32, #tpu.memory_space<vmem>>, vector<16xf32>,
        %add3A_261 = arith.addf %gather3A_257, %get3A_260 : vector<16xf32>
        tpu.vector_store_idx %arg7[%get3A_256], %add3A_261 {add = true} : memref<50048xf32, #tpu.memory_space<vmem>>[vector<16xi32>], vector<16xf32>,
        %get3A_262 = arith.index_cast %mul3A_242 : i32 to index
        %get3A_263 = arith.constant 16 : index
        %get3A_264 = tpu.vector_load %arg8[%get3A_262, %get3A_263] {strides = array<i32>} : memref<32x128xi32, #tpu.memory_space<vmem>>, vector<16xi32>,
        %add3A_265 = arith.constant 1 : i32
        %add3A_266 = arith.addi %mul3A_242, %add3A_265 : i32
        %get3A_267 = arith.index_cast %add3A_266 : i32 to index
        %get3A_268 = arith.constant 16 : index
        %get3A_269 = tpu.vector_load %arg8[%get3A_267, %get3A_268] {strides = array<i32>} : memref<32x128xi32, #tpu.memory_space<vmem>>, vector<16xi32>,
        %gather3A_270 = tpu.vector_load_idx %arg6[%get3A_264] : memref<50048xf32, #tpu.memory_space<vmem>>[vector<16xi32>], vector<16xf32>,
        %get3A_271 = arith.index_cast %add3A_248 : i32 to index
        %get3A_272 = arith.constant 16 : index
        %get3A_273 = tpu.vector_load %arg9[%get3A_271, %get3A_272] {strides = array<i32>} : memref<16x128xf32, #tpu.memory_space<vmem>>, vector<16xf32>,
        %add3A_274 = arith.addf %gather3A_270, %get3A_273 : vector<16xf32>
        tpu.vector_store_idx %arg7[%get3A_269], %add3A_274 {add = true} : memref<50048xf32, #tpu.memory_space<vmem>>[vector<16xi32>], vector<16xf32>,
        %get3A_275 = arith.index_cast %mul3A_242 : i32 to index
        %get3A_276 = arith.constant 32 : index
        %get3A_277 = tpu.vector_load %arg8[%get3A_275, %get3A_276] {strides = array<i32>} : memref<32x128xi32, #tpu.memory_space<vmem>>, vector<16xi32>,
        %add3A_278 = arith.constant 1 : i32
        %add3A_279 = arith.addi %mul3A_242, %add3A_278 : i32
        %get3A_280 = arith.index_cast %add3A_279 : i32 to index
        %get3A_281 = arith.constant 32 : index
        %get3A_282 = tpu.vector_load %arg8[%get3A_280, %get3A_281] {strides = array<i32>} : memref<32x128xi32, #tpu.memory_space<vmem>>, vector<16xi32>,
        %gather3A_283 = tpu.vector_load_idx %arg6[%get3A_277] : memref<50048xf32, #tpu.memory_space<vmem>>[vector<16xi32>], vector<16xf32>,
        %get3A_284 = arith.index_cast %add3A_248 : i32 to index
        %get3A_285 = arith.constant 32 : index
        %get3A_286 = tpu.vector_load %arg9[%get3A_284, %get3A_285] {strides = array<i32>} : memref<16x128xf32, #tpu.memory_space<vmem>>, vector<16xf32>,
        %add3A_287 = arith.addf %gather3A_283, %get3A_286 : vector<16xf32>
        tpu.vector_store_idx %arg7[%get3A_282], %add3A_287 {add = true} : memref<50048xf32, #tpu.memory_space<vmem>>[vector<16xi32>], vector<16xf32>,
        %get3A_288 = arith.index_cast %mul3A_242 : i32 to index
        %get3A_289 = arith.constant 48 : index
        %get3A_290 = tpu.vector_load %arg8[%get3A_288, %get3A_289] {strides = array<i32>} : memref<32x128xi32, #tpu.memory_space<vmem>>, vector<16xi32>,
        %add3A_291 = arith.constant 1 : i32
        %add3A_292 = arith.addi %mul3A_242, %add3A_291 : i32
        %get3A_293 = arith.index_cast %add3A_292 : i32 to index
        %get3A_294 = arith.constant 48 : index
        %get3A_295 = tpu.vector_load %arg8[%get3A_293, %get3A_294] {strides = array<i32>} : memref<32x128xi32, #tpu.memory_space<vmem>>, vector<16xi32>,
        %gather3A_296 = tpu.vector_load_idx %arg6[%get3A_290] : memref<50048xf32, #tpu.memory_space<vmem>>[vector<16xi32>], vector<16xf32>,
        %get3A_297 = arith.index_cast %add3A_248 : i32 to index
        %get3A_298 = arith.constant 48 : index
        %get3A_299 = tpu.vector_load %arg9[%get3A_297, %get3A_298] {strides = array<i32>} : memref<16x128xf32, #tpu.memory_space<vmem>>, vector<16xf32>,
        %add3A_300 = arith.addf %gather3A_296, %get3A_299 : vector<16xf32>
        tpu.vector_store_idx %arg7[%get3A_295], %add3A_300 {add = true} : memref<50048xf32, #tpu.memory_space<vmem>>[vector<16xi32>], vector<16xf32>,
        %get3A_301 = arith.index_cast %mul3A_242 : i32 to index
        %get3A_302 = arith.constant 64 : index
        %get3A_303 = tpu.vector_load %arg8[%get3A_301, %get3A_302] {strides = array<i32>} : memref<32x128xi32, #tpu.memory_space<vmem>>, vector<16xi32>,
        %add3A_304 = arith.constant 1 : i32
        %add3A_305 = arith.addi %mul3A_242, %add3A_304 : i32
        %get3A_306 = arith.index_cast %add3A_305 : i32 to index
        %get3A_307 = arith.constant 64 : index
        %get3A_308 = tpu.vector_load %arg8[%get3A_306, %get3A_307] {strides = array<i32>} : memref<32x128xi32, #tpu.memory_space<vmem>>, vector<16xi32>,
        %gather3A_309 = tpu.vector_load_idx %arg6[%get3A_303] : memref<50048xf32, #tpu.memory_space<vmem>>[vector<16xi32>], vector<16xf32>,
        %get3A_310 = arith.index_cast %add3A_248 : i32 to index
        %get3A_311 = arith.constant 64 : index
        %get3A_312 = tpu.vector_load %arg9[%get3A_310, %get3A_311] {strides = array<i32>} : memref<16x128xf32, #tpu.memory_space<vmem>>, vector<16xf32>,
        %add3A_313 = arith.addf %gather3A_309, %get3A_312 : vector<16xf32>
        tpu.vector_store_idx %arg7[%get3A_308], %add3A_313 {add = true} : memref<50048xf32, #tpu.memory_space<vmem>>[vector<16xi32>], vector<16xf32>,
        %get3A_314 = arith.index_cast %mul3A_242 : i32 to index
        %get3A_315 = arith.constant 80 : index
        %get3A_316 = tpu.vector_load %arg8[%get3A_314, %get3A_315] {strides = array<i32>} : memref<32x128xi32, #tpu.memory_space<vmem>>, vector<16xi32>,
        %add3A_317 = arith.constant 1 : i32
        %add3A_318 = arith.addi %mul3A_242, %add3A_317 : i32
        %get3A_319 = arith.index_cast %add3A_318 : i32 to index
        %get3A_320 = arith.constant 80 : index
        %get3A_321 = tpu.vector_load %arg8[%get3A_319, %get3A_320] {strides = array<i32>} : memref<32x128xi32, #tpu.memory_space<vmem>>, vector<16xi32>,
        %gather3A_322 = tpu.vector_load_idx %arg6[%get3A_316] : memref<50048xf32, #tpu.memory_space<vmem>>[vector<16xi32>], vector<16xf32>,
        %get3A_323 = arith.index_cast %add3A_248 : i32 to index
        %get3A_324 = arith.constant 80 : index
        %get3A_325 = tpu.vector_load %arg9[%get3A_323, %get3A_324] {strides = array<i32>} : memref<16x128xf32, #tpu.memory_space<vmem>>, vector<16xf32>,
        %add3A_326 = arith.addf %gather3A_322, %get3A_325 : vector<16xf32>
        tpu.vector_store_idx %arg7[%get3A_321], %add3A_326 {add = true} : memref<50048xf32, #tpu.memory_space<vmem>>[vector<16xi32>], vector<16xf32>,
        %get3A_327 = arith.index_cast %mul3A_242 : i32 to index
        %get3A_328 = arith.constant 96 : index
        %get3A_329 = tpu.vector_load %arg8[%get3A_327, %get3A_328] {strides = array<i32>} : memref<32x128xi32, #tpu.memory_space<vmem>>, vector<16xi32>,
        %add3A_330 = arith.constant 1 : i32
        %add3A_331 = arith.addi %mul3A_242, %add3A_330 : i32
        %get3A_332 = arith.index_cast %add3A_331 : i32 to index
        %get3A_333 = arith.constant 96 : index
        %get3A_334 = tpu.vector_load %arg8[%get3A_332, %get3A_333] {strides = array<i32>} : memref<32x128xi32, #tpu.memory_space<vmem>>, vector<16xi32>,
        %gather3A_335 = tpu.vector_load_idx %arg6[%get3A_329] : memref<50048xf32, #tpu.memory_space<vmem>>[vector<16xi32>], vector<16xf32>,
        %get3A_336 = arith.index_cast %add3A_248 : i32 to index
        %get3A_337 = arith.constant 96 : index
        %get3A_338 = tpu.vector_load %arg9[%get3A_336, %get3A_337] {strides = array<i32>} : memref<16x128xf32, #tpu.memory_space<vmem>>, vector<16xf32>,
        %add3A_339 = arith.addf %gather3A_335, %get3A_338 : vector<16xf32>
        tpu.vector_store_idx %arg7[%get3A_334], %add3A_339 {add = true} : memref<50048xf32, #tpu.memory_space<vmem>>[vector<16xi32>], vector<16xf32>,
        %get3A_340 = arith.index_cast %mul3A_242 : i32 to index
        %get3A_341 = arith.constant 112 : index
        %get3A_342 = tpu.vector_load %arg8[%get3A_340, %get3A_341] {strides = array<i32>} : memref<32x128xi32, #tpu.memory_space<vmem>>, vector<16xi32>,
        %add3A_343 = arith.constant 1 : i32
        %add3A_344 = arith.addi %mul3A_242, %add3A_343 : i32
        %get3A_345 = arith.index_cast %add3A_344 : i32 to index
        %get3A_346 = arith.constant 112 : index
        %get3A_347 = tpu.vector_load %arg8[%get3A_345, %get3A_346] {strides = array<i32>} : memref<32x128xi32, #tpu.memory_space<vmem>>, vector<16xi32>,
        %gather3A_348 = tpu.vector_load_idx %arg6[%get3A_342] : memref<50048xf32, #tpu.memory_space<vmem>>[vector<16xi32>], vector<16xf32>,
        %get3A_349 = arith.index_cast %add3A_248 : i32 to index
        %get3A_350 = arith.constant 112 : index
        %get3A_351 = tpu.vector_load %arg9[%get3A_349, %get3A_350] {strides = array<i32>} : memref<16x128xf32, #tpu.memory_space<vmem>>, vector<16xf32>,
        %add3A_352 = arith.addf %gather3A_348, %get3A_351 : vector<16xf32>
        tpu.vector_store_idx %arg7[%get3A_347], %add3A_352 {add = true} : memref<50048xf32, #tpu.memory_space<vmem>>[vector<16xi32>], vector<16xf32>,
      }
      %scan3A_75 = arith.constant 4 : i32
      %mul3A_76 = arith.constant 2 : i32
      %mul3A_77 = arith.muli %scan3A_37, %mul3A_76 : i32
      %add3A_78 = arith.constant 1 : i32
      %add3A_79 = arith.addi %mul3A_77, %add3A_78 : i32
      %mul3A_80 = arith.constant 8 : i32
      %mul3A_81 = arith.muli %add3A_79, %mul3A_80 : i32
      %add3A_82 = arith.addi %mul3A_2, %mul3A_81 : i32
      %add3A_83 = arith.constant 1 : i32
      %add3A_84 = arith.addi %add3A_79, %add3A_83 : i32
      %lt3A_85 = arith.constant 50 : i32
      %lt3A_86 = arith.cmpi slt, %add3A_84, %lt3A_85 : i32
      %convert_element_type3A_87 = arith.extui %lt3A_86 : i1 to i32
      %cond3A_88 = arith.constant 0 : i32
      %cond3A_89 = arith.cmpi ne, %convert_element_type3A_87, %cond3A_88 : i32
      scf.if %cond3A_89 {
        %add3A_118 = arith.constant 8 : i32
        %add3A_119 = arith.addi %add3A_82, %add3A_118 : i32
        %mul3A_120 = arith.constant 2 : i32
        %mul3A_121 = arith.muli %add3A_119, %mul3A_120 : i32
        %dma_start3A_122 = arith.constant 0 : i32
        %dma_start3A_123 = arith.constant 0 : i32
        %dma_start3A_124 = tpu.memref_slice %arg8[%dma_start3A_122, %dma_start3A_123] : memref<32x128xi32, #tpu.memory_space<vmem>> -> memref<16x128xi32, #tpu.memory_space<vmem>>
        %dma_start3A_125 = arith.constant 0 : i32
        %dma_start3A_126 = tpu.memref_slice %arg2[%mul3A_121, %dma_start3A_125] : memref<25600x128xi32, #tpu.memory_space<hbm>> -> memref<16x128xi32, #tpu.memory_space<hbm>>
        %dma_start3A_127 = arith.constant 0 : i32
        %dma_start3A_128 = arith.constant 0 : i32
        %dma_start3A_129 = tpu.memref_slice %arg8[%dma_start3A_127, %dma_start3A_128] : memref<32x128xi32, #tpu.memory_space<vmem>> -> memref<16x128xi32, #tpu.memory_space<vmem>>
        %dma_start3A_130 = arith.constant 0 : i32
        %dma_start3A_131 = tpu.memref_slice %arg2[%mul3A_121, %dma_start3A_130] : memref<25600x128xi32, #tpu.memory_space<hbm>> -> memref<16x128xi32, #tpu.memory_space<hbm>>
        tpu.enqueue_dma source(%dma_start3A_131 : memref<16x128xi32, #tpu.memory_space<hbm>>) target(%dma_start3A_129 : memref<16x128xi32, #tpu.memory_space<vmem>>) target_semaphore(%arg11 : memref<!tpu.dma_semaphore, #tpu.memory_space<semaphore_mem>>)
        %add3A_132 = arith.constant 8 : i32
        %add3A_133 = arith.addi %add3A_82, %add3A_132 : i32
        %dma_start3A_134 = arith.constant 0 : i32
        %dma_start3A_135 = arith.constant 0 : i32
        %dma_start3A_136 = tpu.memref_slice %arg9[%dma_start3A_134, %dma_start3A_135] : memref<16x128xf32, #tpu.memory_space<vmem>> -> memref<8x128xf32, #tpu.memory_space<vmem>>
        %dma_start3A_137 = arith.constant 0 : i32
        %dma_start3A_138 = tpu.memref_slice %arg3[%add3A_133, %dma_start3A_137] : memref<12800x128xf32, #tpu.memory_space<hbm>> -> memref<8x128xf32, #tpu.memory_space<hbm>>
        %dma_start3A_139 = arith.constant 0 : i32
        %dma_start3A_140 = arith.constant 0 : i32
        %dma_start3A_141 = tpu.memref_slice %arg9[%dma_start3A_139, %dma_start3A_140] : memref<16x128xf32, #tpu.memory_space<vmem>> -> memref<8x128xf32, #tpu.memory_space<vmem>>
        %dma_start3A_142 = arith.constant 0 : i32
        %dma_start3A_143 = tpu.memref_slice %arg3[%add3A_133, %dma_start3A_142] : memref<12800x128xf32, #tpu.memory_space<hbm>> -> memref<8x128xf32, #tpu.memory_space<hbm>>
        tpu.enqueue_dma source(%dma_start3A_143 : memref<8x128xf32, #tpu.memory_space<hbm>>) target(%dma_start3A_141 : memref<8x128xf32, #tpu.memory_space<vmem>>) target_semaphore(%arg11 : memref<!tpu.dma_semaphore, #tpu.memory_space<semaphore_mem>>)
      } else {
      }
      %mul3A_90 = arith.constant 2 : i32
      %mul3A_91 = arith.muli %add3A_82, %mul3A_90 : i32
      %dma_wait3A_92 = arith.constant 16 : i32
      %dma_wait3A_93 = arith.constant 0 : i32
      %dma_wait3A_94 = tpu.memref_slice %arg8[%dma_wait3A_92, %dma_wait3A_93] : memref<32x128xi32, #tpu.memory_space<vmem>> -> memref<16x128xi32, #tpu.memory_space<vmem>>
      %dma_wait3A_95 = arith.constant 0 : i32
      %dma_wait3A_96 = tpu.memref_slice %arg2[%mul3A_91, %dma_wait3A_95] : memref<25600x128xi32, #tpu.memory_space<hbm>> -> memref<16x128xi32, #tpu.memory_space<hbm>>
      %dma_wait3A_97 = arith.constant 16 : i32
      %dma_wait3A_98 = arith.constant 0 : i32
      %dma_wait3A_99 = tpu.memref_slice %arg8[%dma_wait3A_97, %dma_wait3A_98] : memref<32x128xi32, #tpu.memory_space<vmem>> -> memref<16x128xi32, #tpu.memory_space<vmem>>
      %dma_wait3A_100 = arith.constant 0 : i32
      %dma_wait3A_101 = tpu.memref_slice %arg2[%mul3A_91, %dma_wait3A_100] : memref<25600x128xi32, #tpu.memory_space<hbm>> -> memref<16x128xi32, #tpu.memory_space<hbm>>
      tpu.wait_dma2 semaphore(%arg12 : memref<!tpu.dma_semaphore, #tpu.memory_space<semaphore_mem>>) src(%dma_wait3A_101 : memref<16x128xi32, #tpu.memory_space<hbm>>) dst(%dma_wait3A_99 : memref<16x128xi32, #tpu.memory_space<vmem>>)
      %dma_wait3A_102 = arith.constant 8 : i32
      %dma_wait3A_103 = arith.constant 0 : i32
      %dma_wait3A_104 = tpu.memref_slice %arg9[%dma_wait3A_102, %dma_wait3A_103] : memref<16x128xf32, #tpu.memory_space<vmem>> -> memref<8x128xf32, #tpu.memory_space<vmem>>
      %dma_wait3A_105 = arith.constant 0 : i32
      %dma_wait3A_106 = tpu.memref_slice %arg3[%add3A_82, %dma_wait3A_105] : memref<12800x128xf32, #tpu.memory_space<hbm>> -> memref<8x128xf32, #tpu.memory_space<hbm>>
      %dma_wait3A_107 = arith.constant 8 : i32
      %dma_wait3A_108 = arith.constant 0 : i32
      %dma_wait3A_109 = tpu.memref_slice %arg9[%dma_wait3A_107, %dma_wait3A_108] : memref<16x128xf32, #tpu.memory_space<vmem>> -> memref<8x128xf32, #tpu.memory_space<vmem>>
      %dma_wait3A_110 = arith.constant 0 : i32
      %dma_wait3A_111 = tpu.memref_slice %arg3[%add3A_82, %dma_wait3A_110] : memref<12800x128xf32, #tpu.memory_space<hbm>> -> memref<8x128xf32, #tpu.memory_space<hbm>>
      tpu.wait_dma2 semaphore(%arg12 : memref<!tpu.dma_semaphore, #tpu.memory_space<semaphore_mem>>) src(%dma_wait3A_111 : memref<8x128xf32, #tpu.memory_space<hbm>>) dst(%dma_wait3A_109 : memref<8x128xf32, #tpu.memory_space<vmem>>)
      %scan3A_112 = arith.constant 0 : i32
      %scan3A_113 = arith.constant 0 : i32
      %scan3A_114 = arith.constant 4 : i32
      %scan3A_115 = arith.addi %scan3A_113, %scan3A_114 : i32
      %scan3A_116 = arith.constant 1 : i32
      scf.for %scan3A_118 = %scan3A_113 to %scan3A_115 step %scan3A_116  : i32 {
        %mul3A_119 = arith.constant 2 : i32
        %mul3A_120 = arith.muli %scan3A_118, %mul3A_119 : i32
        %add3A_121 = arith.constant 8 : i32
        %add3A_122 = arith.addi %add3A_121, %mul3A_120 : i32
        %add3A_123 = arith.constant 0 : i32
        %add3A_124 = arith.addi %add3A_122, %add3A_123 : i32
        %mul3A_125 = arith.constant 2 : i32
        %mul3A_126 = arith.muli %add3A_124, %mul3A_125 : i32
        %mul3A_127 = arith.constant 2 : i32
        %mul3A_128 = arith.muli %scan3A_118, %mul3A_127 : i32
        %add3A_129 = arith.constant 8 : i32
        %add3A_130 = arith.addi %add3A_129, %mul3A_128 : i32
        %add3A_131 = arith.constant 0 : i32
        %add3A_132 = arith.addi %add3A_130, %add3A_131 : i32
        %get3A = arith.index_cast %mul3A_126 : i32 to index
        %get3A_133 = arith.constant 0 : index
        %get3A_134 = tpu.vector_load %arg8[%get3A, %get3A_133] {strides = array<i32>} : memref<32x128xi32, #tpu.memory_space<vmem>>, vector<16xi32>,
        %add3A_135 = arith.constant 1 : i32
        %add3A_136 = arith.addi %mul3A_126, %add3A_135 : i32
        %get3A_137 = arith.index_cast %add3A_136 : i32 to index
        %get3A_138 = arith.constant 0 : index
        %get3A_139 = tpu.vector_load %arg8[%get3A_137, %get3A_138] {strides = array<i32>} : memref<32x128xi32, #tpu.memory_space<vmem>>, vector<16xi32>,
        %gather3A = tpu.vector_load_idx %arg6[%get3A_134] : memref<50048xf32, #tpu.memory_space<vmem>>[vector<16xi32>], vector<16xf32>,
        %get3A_140 = arith.index_cast %add3A_132 : i32 to index
        %get3A_141 = arith.constant 0 : index
        %get3A_142 = tpu.vector_load %arg9[%get3A_140, %get3A_141] {strides = array<i32>} : memref<16x128xf32, #tpu.memory_space<vmem>>, vector<16xf32>,
        %add3A_143 = arith.addf %gather3A, %get3A_142 : vector<16xf32>
        tpu.vector_store_idx %arg7[%get3A_139], %add3A_143 {add = true} : memref<50048xf32, #tpu.memory_space<vmem>>[vector<16xi32>], vector<16xf32>,
        %get3A_144 = arith.index_cast %mul3A_126 : i32 to index
        %get3A_145 = arith.constant 16 : index
        %get3A_146 = tpu.vector_load %arg8[%get3A_144, %get3A_145] {strides = array<i32>} : memref<32x128xi32, #tpu.memory_space<vmem>>, vector<16xi32>,
        %add3A_147 = arith.constant 1 : i32
        %add3A_148 = arith.addi %mul3A_126, %add3A_147 : i32
        %get3A_149 = arith.index_cast %add3A_148 : i32 to index
        %get3A_150 = arith.constant 16 : index
        %get3A_151 = tpu.vector_load %arg8[%get3A_149, %get3A_150] {strides = array<i32>} : memref<32x128xi32, #tpu.memory_space<vmem>>, vector<16xi32>,
        %gather3A_152 = tpu.vector_load_idx %arg6[%get3A_146] : memref<50048xf32, #tpu.memory_space<vmem>>[vector<16xi32>], vector<16xf32>,
        %get3A_153 = arith.index_cast %add3A_132 : i32 to index
        %get3A_154 = arith.constant 16 : index
        %get3A_155 = tpu.vector_load %arg9[%get3A_153, %get3A_154] {strides = array<i32>} : memref<16x128xf32, #tpu.memory_space<vmem>>, vector<16xf32>,
        %add3A_156 = arith.addf %gather3A_152, %get3A_155 : vector<16xf32>
        tpu.vector_store_idx %arg7[%get3A_151], %add3A_156 {add = true} : memref<50048xf32, #tpu.memory_space<vmem>>[vector<16xi32>], vector<16xf32>,
        %get3A_157 = arith.index_cast %mul3A_126 : i32 to index
        %get3A_158 = arith.constant 32 : index
        %get3A_159 = tpu.vector_load %arg8[%get3A_157, %get3A_158] {strides = array<i32>} : memref<32x128xi32, #tpu.memory_space<vmem>>, vector<16xi32>,
        %add3A_160 = arith.constant 1 : i32
        %add3A_161 = arith.addi %mul3A_126, %add3A_160 : i32
        %get3A_162 = arith.index_cast %add3A_161 : i32 to index
        %get3A_163 = arith.constant 32 : index
        %get3A_164 = tpu.vector_load %arg8[%get3A_162, %get3A_163] {strides = array<i32>} : memref<32x128xi32, #tpu.memory_space<vmem>>, vector<16xi32>,
        %gather3A_165 = tpu.vector_load_idx %arg6[%get3A_159] : memref<50048xf32, #tpu.memory_space<vmem>>[vector<16xi32>], vector<16xf32>,
        %get3A_166 = arith.index_cast %add3A_132 : i32 to index
        %get3A_167 = arith.constant 32 : index
        %get3A_168 = tpu.vector_load %arg9[%get3A_166, %get3A_167] {strides = array<i32>} : memref<16x128xf32, #tpu.memory_space<vmem>>, vector<16xf32>,
        %add3A_169 = arith.addf %gather3A_165, %get3A_168 : vector<16xf32>
        tpu.vector_store_idx %arg7[%get3A_164], %add3A_169 {add = true} : memref<50048xf32, #tpu.memory_space<vmem>>[vector<16xi32>], vector<16xf32>,
        %get3A_170 = arith.index_cast %mul3A_126 : i32 to index
        %get3A_171 = arith.constant 48 : index
        %get3A_172 = tpu.vector_load %arg8[%get3A_170, %get3A_171] {strides = array<i32>} : memref<32x128xi32, #tpu.memory_space<vmem>>, vector<16xi32>,
        %add3A_173 = arith.constant 1 : i32
        %add3A_174 = arith.addi %mul3A_126, %add3A_173 : i32
        %get3A_175 = arith.index_cast %add3A_174 : i32 to index
        %get3A_176 = arith.constant 48 : index
        %get3A_177 = tpu.vector_load %arg8[%get3A_175, %get3A_176] {strides = array<i32>} : memref<32x128xi32, #tpu.memory_space<vmem>>, vector<16xi32>,
        %gather3A_178 = tpu.vector_load_idx %arg6[%get3A_172] : memref<50048xf32, #tpu.memory_space<vmem>>[vector<16xi32>], vector<16xf32>,
        %get3A_179 = arith.index_cast %add3A_132 : i32 to index
        %get3A_180 = arith.constant 48 : index
        %get3A_181 = tpu.vector_load %arg9[%get3A_179, %get3A_180] {strides = array<i32>} : memref<16x128xf32, #tpu.memory_space<vmem>>, vector<16xf32>,
        %add3A_182 = arith.addf %gather3A_178, %get3A_181 : vector<16xf32>
        tpu.vector_store_idx %arg7[%get3A_177], %add3A_182 {add = true} : memref<50048xf32, #tpu.memory_space<vmem>>[vector<16xi32>], vector<16xf32>,
        %get3A_183 = arith.index_cast %mul3A_126 : i32 to index
        %get3A_184 = arith.constant 64 : index
        %get3A_185 = tpu.vector_load %arg8[%get3A_183, %get3A_184] {strides = array<i32>} : memref<32x128xi32, #tpu.memory_space<vmem>>, vector<16xi32>,
        %add3A_186 = arith.constant 1 : i32
        %add3A_187 = arith.addi %mul3A_126, %add3A_186 : i32
        %get3A_188 = arith.index_cast %add3A_187 : i32 to index
        %get3A_189 = arith.constant 64 : index
        %get3A_190 = tpu.vector_load %arg8[%get3A_188, %get3A_189] {strides = array<i32>} : memref<32x128xi32, #tpu.memory_space<vmem>>, vector<16xi32>,
        %gather3A_191 = tpu.vector_load_idx %arg6[%get3A_185] : memref<50048xf32, #tpu.memory_space<vmem>>[vector<16xi32>], vector<16xf32>,
        %get3A_192 = arith.index_cast %add3A_132 : i32 to index
        %get3A_193 = arith.constant 64 : index
        %get3A_194 = tpu.vector_load %arg9[%get3A_192, %get3A_193] {strides = array<i32>} : memref<16x128xf32, #tpu.memory_space<vmem>>, vector<16xf32>,
        %add3A_195 = arith.addf %gather3A_191, %get3A_194 : vector<16xf32>
        tpu.vector_store_idx %arg7[%get3A_190], %add3A_195 {add = true} : memref<50048xf32, #tpu.memory_space<vmem>>[vector<16xi32>], vector<16xf32>,
        %get3A_196 = arith.index_cast %mul3A_126 : i32 to index
        %get3A_197 = arith.constant 80 : index
        %get3A_198 = tpu.vector_load %arg8[%get3A_196, %get3A_197] {strides = array<i32>} : memref<32x128xi32, #tpu.memory_space<vmem>>, vector<16xi32>,
        %add3A_199 = arith.constant 1 : i32
        %add3A_200 = arith.addi %mul3A_126, %add3A_199 : i32
        %get3A_201 = arith.index_cast %add3A_200 : i32 to index
        %get3A_202 = arith.constant 80 : index
        %get3A_203 = tpu.vector_load %arg8[%get3A_201, %get3A_202] {strides = array<i32>} : memref<32x128xi32, #tpu.memory_space<vmem>>, vector<16xi32>,
        %gather3A_204 = tpu.vector_load_idx %arg6[%get3A_198] : memref<50048xf32, #tpu.memory_space<vmem>>[vector<16xi32>], vector<16xf32>,
        %get3A_205 = arith.index_cast %add3A_132 : i32 to index
        %get3A_206 = arith.constant 80 : index
        %get3A_207 = tpu.vector_load %arg9[%get3A_205, %get3A_206] {strides = array<i32>} : memref<16x128xf32, #tpu.memory_space<vmem>>, vector<16xf32>,
        %add3A_208 = arith.addf %gather3A_204, %get3A_207 : vector<16xf32>
        tpu.vector_store_idx %arg7[%get3A_203], %add3A_208 {add = true} : memref<50048xf32, #tpu.memory_space<vmem>>[vector<16xi32>], vector<16xf32>,
        %get3A_209 = arith.index_cast %mul3A_126 : i32 to index
        %get3A_210 = arith.constant 96 : index
        %get3A_211 = tpu.vector_load %arg8[%get3A_209, %get3A_210] {strides = array<i32>} : memref<32x128xi32, #tpu.memory_space<vmem>>, vector<16xi32>,
        %add3A_212 = arith.constant 1 : i32
        %add3A_213 = arith.addi %mul3A_126, %add3A_212 : i32
        %get3A_214 = arith.index_cast %add3A_213 : i32 to index
        %get3A_215 = arith.constant 96 : index
        %get3A_216 = tpu.vector_load %arg8[%get3A_214, %get3A_215] {strides = array<i32>} : memref<32x128xi32, #tpu.memory_space<vmem>>, vector<16xi32>,
        %gather3A_217 = tpu.vector_load_idx %arg6[%get3A_211] : memref<50048xf32, #tpu.memory_space<vmem>>[vector<16xi32>], vector<16xf32>,
        %get3A_218 = arith.index_cast %add3A_132 : i32 to index
        %get3A_219 = arith.constant 96 : index
        %get3A_220 = tpu.vector_load %arg9[%get3A_218, %get3A_219] {strides = array<i32>} : memref<16x128xf32, #tpu.memory_space<vmem>>, vector<16xf32>,
        %add3A_221 = arith.addf %gather3A_217, %get3A_220 : vector<16xf32>
        tpu.vector_store_idx %arg7[%get3A_216], %add3A_221 {add = true} : memref<50048xf32, #tpu.memory_space<vmem>>[vector<16xi32>], vector<16xf32>,
        %get3A_222 = arith.index_cast %mul3A_126 : i32 to index
        %get3A_223 = arith.constant 112 : index
        %get3A_224 = tpu.vector_load %arg8[%get3A_222, %get3A_223] {strides = array<i32>} : memref<32x128xi32, #tpu.memory_space<vmem>>, vector<16xi32>,
        %add3A_225 = arith.constant 1 : i32
        %add3A_226 = arith.addi %mul3A_126, %add3A_225 : i32
        %get3A_227 = arith.index_cast %add3A_226 : i32 to index
        %get3A_228 = arith.constant 112 : index
        %get3A_229 = tpu.vector_load %arg8[%get3A_227, %get3A_228] {strides = array<i32>} : memref<32x128xi32, #tpu.memory_space<vmem>>, vector<16xi32>,
        %gather3A_230 = tpu.vector_load_idx %arg6[%get3A_224] : memref<50048xf32, #tpu.memory_space<vmem>>[vector<16xi32>], vector<16xf32>,
        %get3A_231 = arith.index_cast %add3A_132 : i32 to index
        %get3A_232 = arith.constant 112 : index
        %get3A_233 = tpu.vector_load %arg9[%get3A_231, %get3A_232] {strides = array<i32>} : memref<16x128xf32, #tpu.memory_space<vmem>>, vector<16xf32>,
        %add3A_234 = arith.addf %gather3A_230, %get3A_233 : vector<16xf32>
        tpu.vector_store_idx %arg7[%get3A_229], %add3A_234 {add = true} : memref<50048xf32, #tpu.memory_space<vmem>>[vector<16xi32>], vector<16xf32>,
        %mul3A_235 = arith.constant 2 : i32
        %mul3A_236 = arith.muli %scan3A_118, %mul3A_235 : i32
        %add3A_237 = arith.constant 8 : i32
        %add3A_238 = arith.addi %add3A_237, %mul3A_236 : i32
        %add3A_239 = arith.constant 1 : i32
        %add3A_240 = arith.addi %add3A_238, %add3A_239 : i32
        %mul3A_241 = arith.constant 2 : i32
        %mul3A_242 = arith.muli %add3A_240, %mul3A_241 : i32
        %mul3A_243 = arith.constant 2 : i32
        %mul3A_244 = arith.muli %scan3A_118, %mul3A_243 : i32
        %add3A_245 = arith.constant 8 : i32
        %add3A_246 = arith.addi %add3A_245, %mul3A_244 : i32
        %add3A_247 = arith.constant 1 : i32
        %add3A_248 = arith.addi %add3A_246, %add3A_247 : i32
        %get3A_249 = arith.index_cast %mul3A_242 : i32 to index
        %get3A_250 = arith.constant 0 : index
        %get3A_251 = tpu.vector_load %arg8[%get3A_249, %get3A_250] {strides = array<i32>} : memref<32x128xi32, #tpu.memory_space<vmem>>, vector<16xi32>,
        %add3A_252 = arith.constant 1 : i32
        %add3A_253 = arith.addi %mul3A_242, %add3A_252 : i32
        %get3A_254 = arith.index_cast %add3A_253 : i32 to index
        %get3A_255 = arith.constant 0 : index
        %get3A_256 = tpu.vector_load %arg8[%get3A_254, %get3A_255] {strides = array<i32>} : memref<32x128xi32, #tpu.memory_space<vmem>>, vector<16xi32>,
        %gather3A_257 = tpu.vector_load_idx %arg6[%get3A_251] : memref<50048xf32, #tpu.memory_space<vmem>>[vector<16xi32>], vector<16xf32>,
        %get3A_258 = arith.index_cast %add3A_248 : i32 to index
        %get3A_259 = arith.constant 0 : index
        %get3A_260 = tpu.vector_load %arg9[%get3A_258, %get3A_259] {strides = array<i32>} : memref<16x128xf32, #tpu.memory_space<vmem>>, vector<16xf32>,
        %add3A_261 = arith.addf %gather3A_257, %get3A_260 : vector<16xf32>
        tpu.vector_store_idx %arg7[%get3A_256], %add3A_261 {add = true} : memref<50048xf32, #tpu.memory_space<vmem>>[vector<16xi32>], vector<16xf32>,
        %get3A_262 = arith.index_cast %mul3A_242 : i32 to index
        %get3A_263 = arith.constant 16 : index
        %get3A_264 = tpu.vector_load %arg8[%get3A_262, %get3A_263] {strides = array<i32>} : memref<32x128xi32, #tpu.memory_space<vmem>>, vector<16xi32>,
        %add3A_265 = arith.constant 1 : i32
        %add3A_266 = arith.addi %mul3A_242, %add3A_265 : i32
        %get3A_267 = arith.index_cast %add3A_266 : i32 to index
        %get3A_268 = arith.constant 16 : index
        %get3A_269 = tpu.vector_load %arg8[%get3A_267, %get3A_268] {strides = array<i32>} : memref<32x128xi32, #tpu.memory_space<vmem>>, vector<16xi32>,
        %gather3A_270 = tpu.vector_load_idx %arg6[%get3A_264] : memref<50048xf32, #tpu.memory_space<vmem>>[vector<16xi32>], vector<16xf32>,
        %get3A_271 = arith.index_cast %add3A_248 : i32 to index
        %get3A_272 = arith.constant 16 : index
        %get3A_273 = tpu.vector_load %arg9[%get3A_271, %get3A_272] {strides = array<i32>} : memref<16x128xf32, #tpu.memory_space<vmem>>, vector<16xf32>,
        %add3A_274 = arith.addf %gather3A_270, %get3A_273 : vector<16xf32>
        tpu.vector_store_idx %arg7[%get3A_269], %add3A_274 {add = true} : memref<50048xf32, #tpu.memory_space<vmem>>[vector<16xi32>], vector<16xf32>,
        %get3A_275 = arith.index_cast %mul3A_242 : i32 to index
        %get3A_276 = arith.constant 32 : index
        %get3A_277 = tpu.vector_load %arg8[%get3A_275, %get3A_276] {strides = array<i32>} : memref<32x128xi32, #tpu.memory_space<vmem>>, vector<16xi32>,
        %add3A_278 = arith.constant 1 : i32
        %add3A_279 = arith.addi %mul3A_242, %add3A_278 : i32
        %get3A_280 = arith.index_cast %add3A_279 : i32 to index
        %get3A_281 = arith.constant 32 : index
        %get3A_282 = tpu.vector_load %arg8[%get3A_280, %get3A_281] {strides = array<i32>} : memref<32x128xi32, #tpu.memory_space<vmem>>, vector<16xi32>,
        %gather3A_283 = tpu.vector_load_idx %arg6[%get3A_277] : memref<50048xf32, #tpu.memory_space<vmem>>[vector<16xi32>], vector<16xf32>,
        %get3A_284 = arith.index_cast %add3A_248 : i32 to index
        %get3A_285 = arith.constant 32 : index
        %get3A_286 = tpu.vector_load %arg9[%get3A_284, %get3A_285] {strides = array<i32>} : memref<16x128xf32, #tpu.memory_space<vmem>>, vector<16xf32>,
        %add3A_287 = arith.addf %gather3A_283, %get3A_286 : vector<16xf32>
        tpu.vector_store_idx %arg7[%get3A_282], %add3A_287 {add = true} : memref<50048xf32, #tpu.memory_space<vmem>>[vector<16xi32>], vector<16xf32>,
        %get3A_288 = arith.index_cast %mul3A_242 : i32 to index
        %get3A_289 = arith.constant 48 : index
        %get3A_290 = tpu.vector_load %arg8[%get3A_288, %get3A_289] {strides = array<i32>} : memref<32x128xi32, #tpu.memory_space<vmem>>, vector<16xi32>,
        %add3A_291 = arith.constant 1 : i32
        %add3A_292 = arith.addi %mul3A_242, %add3A_291 : i32
        %get3A_293 = arith.index_cast %add3A_292 : i32 to index
        %get3A_294 = arith.constant 48 : index
        %get3A_295 = tpu.vector_load %arg8[%get3A_293, %get3A_294] {strides = array<i32>} : memref<32x128xi32, #tpu.memory_space<vmem>>, vector<16xi32>,
        %gather3A_296 = tpu.vector_load_idx %arg6[%get3A_290] : memref<50048xf32, #tpu.memory_space<vmem>>[vector<16xi32>], vector<16xf32>,
        %get3A_297 = arith.index_cast %add3A_248 : i32 to index
        %get3A_298 = arith.constant 48 : index
        %get3A_299 = tpu.vector_load %arg9[%get3A_297, %get3A_298] {strides = array<i32>} : memref<16x128xf32, #tpu.memory_space<vmem>>, vector<16xf32>,
        %add3A_300 = arith.addf %gather3A_296, %get3A_299 : vector<16xf32>
        tpu.vector_store_idx %arg7[%get3A_295], %add3A_300 {add = true} : memref<50048xf32, #tpu.memory_space<vmem>>[vector<16xi32>], vector<16xf32>,
        %get3A_301 = arith.index_cast %mul3A_242 : i32 to index
        %get3A_302 = arith.constant 64 : index
        %get3A_303 = tpu.vector_load %arg8[%get3A_301, %get3A_302] {strides = array<i32>} : memref<32x128xi32, #tpu.memory_space<vmem>>, vector<16xi32>,
        %add3A_304 = arith.constant 1 : i32
        %add3A_305 = arith.addi %mul3A_242, %add3A_304 : i32
        %get3A_306 = arith.index_cast %add3A_305 : i32 to index
        %get3A_307 = arith.constant 64 : index
        %get3A_308 = tpu.vector_load %arg8[%get3A_306, %get3A_307] {strides = array<i32>} : memref<32x128xi32, #tpu.memory_space<vmem>>, vector<16xi32>,
        %gather3A_309 = tpu.vector_load_idx %arg6[%get3A_303] : memref<50048xf32, #tpu.memory_space<vmem>>[vector<16xi32>], vector<16xf32>,
        %get3A_310 = arith.index_cast %add3A_248 : i32 to index
        %get3A_311 = arith.constant 64 : index
        %get3A_312 = tpu.vector_load %arg9[%get3A_310, %get3A_311] {strides = array<i32>} : memref<16x128xf32, #tpu.memory_space<vmem>>, vector<16xf32>,
        %add3A_313 = arith.addf %gather3A_309, %get3A_312 : vector<16xf32>
        tpu.vector_store_idx %arg7[%get3A_308], %add3A_313 {add = true} : memref<50048xf32, #tpu.memory_space<vmem>>[vector<16xi32>], vector<16xf32>,
        %get3A_314 = arith.index_cast %mul3A_242 : i32 to index
        %get3A_315 = arith.constant 80 : index
        %get3A_316 = tpu.vector_load %arg8[%get3A_314, %get3A_315] {strides = array<i32>} : memref<32x128xi32, #tpu.memory_space<vmem>>, vector<16xi32>,
        %add3A_317 = arith.constant 1 : i32
        %add3A_318 = arith.addi %mul3A_242, %add3A_317 : i32
        %get3A_319 = arith.index_cast %add3A_318 : i32 to index
        %get3A_320 = arith.constant 80 : index
        %get3A_321 = tpu.vector_load %arg8[%get3A_319, %get3A_320] {strides = array<i32>} : memref<32x128xi32, #tpu.memory_space<vmem>>, vector<16xi32>,
        %gather3A_322 = tpu.vector_load_idx %arg6[%get3A_316] : memref<50048xf32, #tpu.memory_space<vmem>>[vector<16xi32>], vector<16xf32>,
        %get3A_323 = arith.index_cast %add3A_248 : i32 to index
        %get3A_324 = arith.constant 80 : index
        %get3A_325 = tpu.vector_load %arg9[%get3A_323, %get3A_324] {strides = array<i32>} : memref<16x128xf32, #tpu.memory_space<vmem>>, vector<16xf32>,
        %add3A_326 = arith.addf %gather3A_322, %get3A_325 : vector<16xf32>
        tpu.vector_store_idx %arg7[%get3A_321], %add3A_326 {add = true} : memref<50048xf32, #tpu.memory_space<vmem>>[vector<16xi32>], vector<16xf32>,
        %get3A_327 = arith.index_cast %mul3A_242 : i32 to index
        %get3A_328 = arith.constant 96 : index
        %get3A_329 = tpu.vector_load %arg8[%get3A_327, %get3A_328] {strides = array<i32>} : memref<32x128xi32, #tpu.memory_space<vmem>>, vector<16xi32>,
        %add3A_330 = arith.constant 1 : i32
        %add3A_331 = arith.addi %mul3A_242, %add3A_330 : i32
        %get3A_332 = arith.index_cast %add3A_331 : i32 to index
        %get3A_333 = arith.constant 96 : index
        %get3A_334 = tpu.vector_load %arg8[%get3A_332, %get3A_333] {strides = array<i32>} : memref<32x128xi32, #tpu.memory_space<vmem>>, vector<16xi32>,
        %gather3A_335 = tpu.vector_load_idx %arg6[%get3A_329] : memref<50048xf32, #tpu.memory_space<vmem>>[vector<16xi32>], vector<16xf32>,
        %get3A_336 = arith.index_cast %add3A_248 : i32 to index
        %get3A_337 = arith.constant 96 : index
        %get3A_338 = tpu.vector_load %arg9[%get3A_336, %get3A_337] {strides = array<i32>} : memref<16x128xf32, #tpu.memory_space<vmem>>, vector<16xf32>,
        %add3A_339 = arith.addf %gather3A_335, %get3A_338 : vector<16xf32>
        tpu.vector_store_idx %arg7[%get3A_334], %add3A_339 {add = true} : memref<50048xf32, #tpu.memory_space<vmem>>[vector<16xi32>], vector<16xf32>,
        %get3A_340 = arith.index_cast %mul3A_242 : i32 to index
        %get3A_341 = arith.constant 112 : index
        %get3A_342 = tpu.vector_load %arg8[%get3A_340, %get3A_341] {strides = array<i32>} : memref<32x128xi32, #tpu.memory_space<vmem>>, vector<16xi32>,
        %add3A_343 = arith.constant 1 : i32
        %add3A_344 = arith.addi %mul3A_242, %add3A_343 : i32
        %get3A_345 = arith.index_cast %add3A_344 : i32 to index
        %get3A_346 = arith.constant 112 : index
        %get3A_347 = tpu.vector_load %arg8[%get3A_345, %get3A_346] {strides = array<i32>} : memref<32x128xi32, #tpu.memory_space<vmem>>, vector<16xi32>,
        %gather3A_348 = tpu.vector_load_idx %arg6[%get3A_342] : memref<50048xf32, #tpu.memory_space<vmem>>[vector<16xi32>], vector<16xf32>,
        %get3A_349 = arith.index_cast %add3A_248 : i32 to index
        %get3A_350 = arith.constant 112 : index
        %get3A_351 = tpu.vector_load %arg9[%get3A_349, %get3A_350] {strides = array<i32>} : memref<16x128xf32, #tpu.memory_space<vmem>>, vector<16xf32>,
        %add3A_352 = arith.addf %gather3A_348, %get3A_351 : vector<16xf32>
        tpu.vector_store_idx %arg7[%get3A_347], %add3A_352 {add = true} : memref<50048xf32, #tpu.memory_space<vmem>>[vector<16xi32>], vector<16xf32>,
      }
      %scan3A_117 = arith.constant 4 : i32
    }
    %scan3A_34 = arith.constant 25 : i32
    %mul3A_35 = arith.constant 50048 : i32
    %mul3A_36 = arith.muli %add3A, %mul3A_35 : i32
    "tpu.region"() ({
      %run_scoped3A = tpu.sem_alloc : memref<!tpu.dma_semaphore, #tpu.memory_space<semaphore_mem>>
      %dma_start3A_37 = tpu.memref_slice %arg5[%mul3A_36] : memref<1601536xf32, #tpu.memory_space<hbm>> -> memref<50048xf32, #tpu.memory_space<hbm>>
      %dma_start3A_38 = tpu.memref_slice %arg5[%mul3A_36] : memref<1601536xf32, #tpu.memory_space<hbm>> -> memref<50048xf32, #tpu.memory_space<hbm>>
      tpu.enqueue_dma source(%arg7 : memref<50048xf32, #tpu.memory_space<vmem>>) target(%dma_start3A_38 : memref<50048xf32, #tpu.memory_space<hbm>>) target_semaphore(%run_scoped3A : memref<!tpu.dma_semaphore, #tpu.memory_space<semaphore_mem>>)
      %dma_wait3A = tpu.memref_slice %arg5[%mul3A_36] : memref<1601536xf32, #tpu.memory_space<hbm>> -> memref<50048xf32, #tpu.memory_space<hbm>>
      %dma_wait3A_39 = tpu.memref_slice %arg5[%mul3A_36] : memref<1601536xf32, #tpu.memory_space<hbm>> -> memref<50048xf32, #tpu.memory_space<hbm>>
      tpu.wait_dma2 semaphore(%run_scoped3A : memref<!tpu.dma_semaphore, #tpu.memory_space<semaphore_mem>>) src(%arg7 : memref<50048xf32, #tpu.memory_space<vmem>>) dst(%dma_wait3A_39 : memref<50048xf32, #tpu.memory_space<hbm>>)
      tpu.yield
    }) : () -> ()
    return
  }
}

module attributes {stable_mosaic.version = 14 : i64} {
  func.func @body(%arg0: memref<608x128xf32, #tpu.memory_space<vmem>>, %arg1: memref<128x64xf32, #tpu.memory_space<vmem>>, %arg2: memref<64xf32, #tpu.memory_space<vmem>>, %arg3: memref<64xf32, #tpu.memory_space<vmem>>, %arg4: memref<64xf32, #tpu.memory_space<vmem>>, %arg5: memref<64x1xf32, #tpu.memory_space<vmem>>, %arg6: memref<1xf32, #tpu.memory_space<vmem>>, %arg7: memref<50x1024xf32, #tpu.memory_space<vmem>>, %arg8: memref<1024x64xf32, #tpu.memory_space<vmem>>, %arg9: memref<64xf32, #tpu.memory_space<vmem>>, %arg10: memref<64xf32, #tpu.memory_space<vmem>>, %arg11: memref<64xf32, #tpu.memory_space<vmem>>, %arg12: memref<64x1xf32, #tpu.memory_space<vmem>>, %arg13: memref<1xf32, #tpu.memory_space<vmem>>, %arg14: memref<608x1xf32, #tpu.memory_space<vmem>>, %arg15: memref<50x1xf32, #tpu.memory_space<vmem>>) attributes {dimension_semantics = [], scalar_prefetch = 0 : i64, scratch_operands = 0 : i64, tpu.core_type = #tpu.core_type<tc>} {
    %get3A = arith.constant 0 : index
    %get3A_0 = arith.constant 0 : index
    %get3A_1 = vector.load %arg0[%get3A, %get3A_0] : memref<608x128xf32, #tpu.memory_space<vmem>>, vector<608x128xf32>
    %get3A_2 = arith.constant 0 : index
    %get3A_3 = arith.constant 0 : index
    %get3A_4 = vector.load %arg1[%get3A_2, %get3A_3] : memref<128x64xf32, #tpu.memory_space<vmem>>, vector<128x64xf32>
    %dot_general3A = arith.constant dense<0.000000e+00> : vector<608x64xf32>
    %dot_general3A_5 = tpu.matmul %get3A_1, %get3A_4, %dot_general3A {dimension_numbers = #tpu.dot_dimension_numbers<[1], [0], [0], [1], [0, 0, 1, 1], [], []>, transpose_lhs_hint = false} : vector<608x128xf32>, vector<128x64xf32>, vector<608x64xf32> -> vector<608x64xf32>
    %get3A_6 = arith.constant 0 : index
    %get3A_7 = vector.load %arg2[%get3A_6] : memref<64xf32, #tpu.memory_space<vmem>>, vector<64xf32>
    %broadcast_in_dim3A = vector.shape_cast %get3A_7 : vector<64xf32> to vector<1x64xf32>
    %add3A = vector.broadcast %broadcast_in_dim3A : vector<1x64xf32> to vector<608x64xf32>
    %add3A_8 = arith.addf %dot_general3A_5, %add3A : vector<608x64xf32>
    %get3A_9 = arith.constant 0 : index
    %get3A_10 = vector.load %arg3[%get3A_9] : memref<64xf32, #tpu.memory_space<vmem>>, vector<64xf32>
    %get3A_11 = arith.constant 0 : index
    %get3A_12 = vector.load %arg4[%get3A_11] : memref<64xf32, #tpu.memory_space<vmem>>, vector<64xf32>
    %reduce_sum3A = arith.constant dense<0.000000e+00> : vector<608xf32>
    %reduce_sum3A_13 = vector.multi_reduction <add>, %add3A_8, %reduce_sum3A [1] : vector<608x64xf32> to vector<608xf32>
    %broadcast_in_dim3A_14 = vector.shape_cast %reduce_sum3A_13 : vector<608xf32> to vector<608x1xf32>
    %div3A = arith.constant 6.400000e+01 : f32
    %div3A_15 = vector.broadcast %div3A : f32 to vector<608x1xf32>
    %div3A_16 = arith.divf %broadcast_in_dim3A_14, %div3A_15 : vector<608x1xf32>
    %jit3A = arith.constant 0 : i32
    %reduce_sum3A_17 = arith.constant dense<0.000000e+00> : vector<608xf32>
    %reduce_sum3A_18 = vector.multi_reduction <add>, %add3A_8, %reduce_sum3A_17 [1] : vector<608x64xf32> to vector<608xf32>
    %broadcast_in_dim3A_19 = vector.shape_cast %reduce_sum3A_18 : vector<608xf32> to vector<608x1xf32>
    %div3A_20 = arith.constant 6.400000e+01 : f32
    %div3A_21 = vector.broadcast %div3A_20 : f32 to vector<608x1xf32>
    %div3A_22 = arith.divf %broadcast_in_dim3A_19, %div3A_21 : vector<608x1xf32>
    %sub3A = vector.broadcast %div3A_22 : vector<608x1xf32> to vector<608x64xf32>
    %sub3A_23 = arith.subf %add3A_8, %sub3A : vector<608x64xf32>
    %square3A = arith.mulf %sub3A_23, %sub3A_23 : vector<608x64xf32>
    %convert_element_type3A = arith.sitofp %jit3A : i32 to f32
    %sub3A_24 = arith.constant 6.400000e+01 : f32
    %sub3A_25 = arith.subf %sub3A_24, %convert_element_type3A : f32
    %reduce_sum3A_26 = arith.constant dense<0.000000e+00> : vector<608xf32>
    %reduce_sum3A_27 = vector.multi_reduction <add>, %square3A, %reduce_sum3A_26 [1] : vector<608x64xf32> to vector<608xf32>
    %broadcast_in_dim3A_28 = vector.shape_cast %reduce_sum3A_27 : vector<608xf32> to vector<608x1xf32>
    %div3A_29 = vector.broadcast %sub3A_25 : f32 to vector<608x1xf32>
    %div3A_30 = arith.divf %broadcast_in_dim3A_28, %div3A_29 : vector<608x1xf32>
    %gt3A = arith.constant 0.000000e+00 : f32
    %gt3A_31 = arith.cmpf ogt, %sub3A_25, %gt3A : f32
    %jit3A_32 = arith.constant 0x7FC00000 : f32
    %broadcast_in_dim3A_33 = vector.broadcast %jit3A_32 : f32 to vector<608x1xf32>
    %select_n3A = arith.select %gt3A_31, %div3A_30, %broadcast_in_dim3A_33 : vector<608x1xf32>
    %sub3A_34 = vector.broadcast %div3A_16 : vector<608x1xf32> to vector<608x64xf32>
    %sub3A_35 = arith.subf %add3A_8, %sub3A_34 : vector<608x64xf32>
    %add3A_36 = arith.constant 9.99999974E-6 : f32
    %add3A_37 = vector.broadcast %add3A_36 : f32 to vector<608x1xf32>
    %add3A_38 = arith.addf %select_n3A, %add3A_37 : vector<608x1xf32>
    %sqrt3A = math.sqrt %add3A_38 : vector<608x1xf32>
    %div3A_39 = vector.broadcast %sqrt3A : vector<608x1xf32> to vector<608x64xf32>
    %div3A_40 = arith.divf %sub3A_35, %div3A_39 : vector<608x64xf32>
    %broadcast_in_dim3A_41 = vector.shape_cast %get3A_10 : vector<64xf32> to vector<1x64xf32>
    %mul3A = vector.broadcast %broadcast_in_dim3A_41 : vector<1x64xf32> to vector<608x64xf32>
    %mul3A_42 = arith.mulf %div3A_40, %mul3A : vector<608x64xf32>
    %broadcast_in_dim3A_43 = vector.shape_cast %get3A_12 : vector<64xf32> to vector<1x64xf32>
    %add3A_44 = vector.broadcast %broadcast_in_dim3A_43 : vector<1x64xf32> to vector<608x64xf32>
    %add3A_45 = arith.addf %mul3A_42, %add3A_44 : vector<608x64xf32>
    %integer_pow3A = arith.mulf %add3A_45, %add3A_45 : vector<608x64xf32>
    %integer_pow3A_46 = arith.mulf %add3A_45, %integer_pow3A : vector<608x64xf32>
    %mul3A_47 = arith.constant 4.471500e-02 : f32
    %mul3A_48 = vector.broadcast %mul3A_47 : f32 to vector<608x64xf32>
    %mul3A_49 = arith.mulf %mul3A_48, %integer_pow3A_46 : vector<608x64xf32>
    %add3A_50 = arith.addf %add3A_45, %mul3A_49 : vector<608x64xf32>
    %mul3A_51 = arith.constant 0.797884583 : f32
    %mul3A_52 = vector.broadcast %mul3A_51 : f32 to vector<608x64xf32>
    %mul3A_53 = arith.mulf %mul3A_52, %add3A_50 : vector<608x64xf32>
    %tanh3A = math.tanh %mul3A_53 : vector<608x64xf32>
    %add3A_54 = arith.constant 1.000000e+00 : f32
    %add3A_55 = vector.broadcast %add3A_54 : f32 to vector<608x64xf32>
    %add3A_56 = arith.addf %add3A_55, %tanh3A : vector<608x64xf32>
    %mul3A_57 = arith.constant 5.000000e-01 : f32
    %mul3A_58 = vector.broadcast %mul3A_57 : f32 to vector<608x64xf32>
    %mul3A_59 = arith.mulf %mul3A_58, %add3A_56 : vector<608x64xf32>
    %mul3A_60 = arith.mulf %add3A_45, %mul3A_59 : vector<608x64xf32>
    %get3A_61 = arith.constant 0 : index
    %get3A_62 = arith.constant 0 : index
    %get3A_63 = vector.load %arg5[%get3A_61, %get3A_62] : memref<64x1xf32, #tpu.memory_space<vmem>>, vector<64x1xf32>
    %dot_general3A_64 = arith.constant dense<0.000000e+00> : vector<608x1xf32>
    %dot_general3A_65 = tpu.matmul %mul3A_60, %get3A_63, %dot_general3A_64 {dimension_numbers = #tpu.dot_dimension_numbers<[1], [0], [0], [1], [0, 0, 1, 1], [], []>, transpose_lhs_hint = false} : vector<608x64xf32>, vector<64x1xf32>, vector<608x1xf32> -> vector<608x1xf32>
    %get3A_66 = arith.constant 0 : index
    %get3A_67 = vector.load %arg6[%get3A_66] : memref<1xf32, #tpu.memory_space<vmem>>, vector<1xf32>
    %broadcast_in_dim3A_68 = vector.shape_cast %get3A_67 : vector<1xf32> to vector<1x1xf32>
    %add3A_69 = vector.broadcast %broadcast_in_dim3A_68 : vector<1x1xf32> to vector<608x1xf32>
    %add3A_70 = arith.addf %dot_general3A_65, %add3A_69 : vector<608x1xf32>
    %logistic3A = arith.negf %add3A_70 : vector<608x1xf32>
    %logistic3A_71 = math.exp %logistic3A : vector<608x1xf32>
    %logistic3A_72 = arith.constant 1.000000e+00 : f32
    %logistic3A_73 = vector.broadcast %logistic3A_72 : f32 to vector<608x1xf32>
    %logistic3A_74 = arith.addf %logistic3A_73, %logistic3A_71 : vector<608x1xf32>
    %logistic3A_75 = arith.divf %logistic3A_73, %logistic3A_74 : vector<608x1xf32>
    %swap3A = arith.constant 0 : index
    %swap3A_76 = arith.constant 0 : index
    %swap3A_77 = vector.load %arg14[%swap3A, %swap3A_76] : memref<608x1xf32, #tpu.memory_space<vmem>>, vector<608x1xf32>
    tpu.vector_store %arg14[%swap3A, %swap3A_76], %logistic3A_75 {strides = array<i32>} : memref<608x1xf32, #tpu.memory_space<vmem>>, vector<608x1xf32>,
    %get3A_78 = arith.constant 0 : index
    %get3A_79 = arith.constant 0 : index
    %get3A_80 = vector.load %arg7[%get3A_78, %get3A_79] : memref<50x1024xf32, #tpu.memory_space<vmem>>, vector<50x1024xf32>
    %get3A_81 = arith.constant 0 : index
    %get3A_82 = arith.constant 0 : index
    %get3A_83 = vector.load %arg8[%get3A_81, %get3A_82] : memref<1024x64xf32, #tpu.memory_space<vmem>>, vector<1024x64xf32>
    %dot_general3A_84 = arith.constant dense<0.000000e+00> : vector<50x64xf32>
    %dot_general3A_85 = tpu.matmul %get3A_80, %get3A_83, %dot_general3A_84 {dimension_numbers = #tpu.dot_dimension_numbers<[1], [0], [0], [1], [0, 0, 1, 1], [], []>, transpose_lhs_hint = false} : vector<50x1024xf32>, vector<1024x64xf32>, vector<50x64xf32> -> vector<50x64xf32>
    %get3A_86 = arith.constant 0 : index
    %get3A_87 = vector.load %arg9[%get3A_86] : memref<64xf32, #tpu.memory_space<vmem>>, vector<64xf32>
    %broadcast_in_dim3A_88 = vector.shape_cast %get3A_87 : vector<64xf32> to vector<1x64xf32>
    %add3A_89 = vector.broadcast %broadcast_in_dim3A_88 : vector<1x64xf32> to vector<50x64xf32>
    %add3A_90 = arith.addf %dot_general3A_85, %add3A_89 : vector<50x64xf32>
    %get3A_91 = arith.constant 0 : index
    %get3A_92 = vector.load %arg10[%get3A_91] : memref<64xf32, #tpu.memory_space<vmem>>, vector<64xf32>
    %get3A_93 = arith.constant 0 : index
    %get3A_94 = vector.load %arg11[%get3A_93] : memref<64xf32, #tpu.memory_space<vmem>>, vector<64xf32>
    %reduce_sum3A_95 = arith.constant dense<0.000000e+00> : vector<50xf32>
    %reduce_sum3A_96 = vector.multi_reduction <add>, %add3A_90, %reduce_sum3A_95 [1] : vector<50x64xf32> to vector<50xf32>
    %broadcast_in_dim3A_97 = vector.shape_cast %reduce_sum3A_96 : vector<50xf32> to vector<50x1xf32>
    %div3A_98 = arith.constant 6.400000e+01 : f32
    %div3A_99 = vector.broadcast %div3A_98 : f32 to vector<50x1xf32>
    %div3A_100 = arith.divf %broadcast_in_dim3A_97, %div3A_99 : vector<50x1xf32>
    %jit3A_101 = arith.constant 0 : i32
    %reduce_sum3A_102 = arith.constant dense<0.000000e+00> : vector<50xf32>
    %reduce_sum3A_103 = vector.multi_reduction <add>, %add3A_90, %reduce_sum3A_102 [1] : vector<50x64xf32> to vector<50xf32>
    %broadcast_in_dim3A_104 = vector.shape_cast %reduce_sum3A_103 : vector<50xf32> to vector<50x1xf32>
    %div3A_105 = arith.constant 6.400000e+01 : f32
    %div3A_106 = vector.broadcast %div3A_105 : f32 to vector<50x1xf32>
    %div3A_107 = arith.divf %broadcast_in_dim3A_104, %div3A_106 : vector<50x1xf32>
    %sub3A_108 = vector.broadcast %div3A_107 : vector<50x1xf32> to vector<50x64xf32>
    %sub3A_109 = arith.subf %add3A_90, %sub3A_108 : vector<50x64xf32>
    %square3A_110 = arith.mulf %sub3A_109, %sub3A_109 : vector<50x64xf32>
    %convert_element_type3A_111 = arith.sitofp %jit3A_101 : i32 to f32
    %sub3A_112 = arith.constant 6.400000e+01 : f32
    %sub3A_113 = arith.subf %sub3A_112, %convert_element_type3A_111 : f32
    %reduce_sum3A_114 = arith.constant dense<0.000000e+00> : vector<50xf32>
    %reduce_sum3A_115 = vector.multi_reduction <add>, %square3A_110, %reduce_sum3A_114 [1] : vector<50x64xf32> to vector<50xf32>
    %broadcast_in_dim3A_116 = vector.shape_cast %reduce_sum3A_115 : vector<50xf32> to vector<50x1xf32>
    %div3A_117 = vector.broadcast %sub3A_113 : f32 to vector<50x1xf32>
    %div3A_118 = arith.divf %broadcast_in_dim3A_116, %div3A_117 : vector<50x1xf32>
    %gt3A_119 = arith.constant 0.000000e+00 : f32
    %gt3A_120 = arith.cmpf ogt, %sub3A_113, %gt3A_119 : f32
    %jit3A_121 = arith.constant 0x7FC00000 : f32
    %broadcast_in_dim3A_122 = vector.broadcast %jit3A_121 : f32 to vector<50x1xf32>
    %select_n3A_123 = arith.select %gt3A_120, %div3A_118, %broadcast_in_dim3A_122 : vector<50x1xf32>
    %sub3A_124 = vector.broadcast %div3A_100 : vector<50x1xf32> to vector<50x64xf32>
    %sub3A_125 = arith.subf %add3A_90, %sub3A_124 : vector<50x64xf32>
    %add3A_126 = arith.constant 9.99999974E-6 : f32
    %add3A_127 = vector.broadcast %add3A_126 : f32 to vector<50x1xf32>
    %add3A_128 = arith.addf %select_n3A_123, %add3A_127 : vector<50x1xf32>
    %sqrt3A_129 = math.sqrt %add3A_128 : vector<50x1xf32>
    %div3A_130 = vector.broadcast %sqrt3A_129 : vector<50x1xf32> to vector<50x64xf32>
    %div3A_131 = arith.divf %sub3A_125, %div3A_130 : vector<50x64xf32>
    %broadcast_in_dim3A_132 = vector.shape_cast %get3A_92 : vector<64xf32> to vector<1x64xf32>
    %mul3A_133 = vector.broadcast %broadcast_in_dim3A_132 : vector<1x64xf32> to vector<50x64xf32>
    %mul3A_134 = arith.mulf %div3A_131, %mul3A_133 : vector<50x64xf32>
    %broadcast_in_dim3A_135 = vector.shape_cast %get3A_94 : vector<64xf32> to vector<1x64xf32>
    %add3A_136 = vector.broadcast %broadcast_in_dim3A_135 : vector<1x64xf32> to vector<50x64xf32>
    %add3A_137 = arith.addf %mul3A_134, %add3A_136 : vector<50x64xf32>
    %integer_pow3A_138 = arith.mulf %add3A_137, %add3A_137 : vector<50x64xf32>
    %integer_pow3A_139 = arith.mulf %add3A_137, %integer_pow3A_138 : vector<50x64xf32>
    %mul3A_140 = arith.constant 4.471500e-02 : f32
    %mul3A_141 = vector.broadcast %mul3A_140 : f32 to vector<50x64xf32>
    %mul3A_142 = arith.mulf %mul3A_141, %integer_pow3A_139 : vector<50x64xf32>
    %add3A_143 = arith.addf %add3A_137, %mul3A_142 : vector<50x64xf32>
    %mul3A_144 = arith.constant 0.797884583 : f32
    %mul3A_145 = vector.broadcast %mul3A_144 : f32 to vector<50x64xf32>
    %mul3A_146 = arith.mulf %mul3A_145, %add3A_143 : vector<50x64xf32>
    %tanh3A_147 = math.tanh %mul3A_146 : vector<50x64xf32>
    %add3A_148 = arith.constant 1.000000e+00 : f32
    %add3A_149 = vector.broadcast %add3A_148 : f32 to vector<50x64xf32>
    %add3A_150 = arith.addf %add3A_149, %tanh3A_147 : vector<50x64xf32>
    %mul3A_151 = arith.constant 5.000000e-01 : f32
    %mul3A_152 = vector.broadcast %mul3A_151 : f32 to vector<50x64xf32>
    %mul3A_153 = arith.mulf %mul3A_152, %add3A_150 : vector<50x64xf32>
    %mul3A_154 = arith.mulf %add3A_137, %mul3A_153 : vector<50x64xf32>
    %get3A_155 = arith.constant 0 : index
    %get3A_156 = arith.constant 0 : index
    %get3A_157 = vector.load %arg12[%get3A_155, %get3A_156] : memref<64x1xf32, #tpu.memory_space<vmem>>, vector<64x1xf32>
    %dot_general3A_158 = arith.constant dense<0.000000e+00> : vector<50x1xf32>
    %dot_general3A_159 = tpu.matmul %mul3A_154, %get3A_157, %dot_general3A_158 {dimension_numbers = #tpu.dot_dimension_numbers<[1], [0], [0], [1], [0, 0, 1, 1], [], []>, transpose_lhs_hint = false} : vector<50x64xf32>, vector<64x1xf32>, vector<50x1xf32> -> vector<50x1xf32>
    %get3A_160 = arith.constant 0 : index
    %get3A_161 = vector.load %arg13[%get3A_160] : memref<1xf32, #tpu.memory_space<vmem>>, vector<1xf32>
    %broadcast_in_dim3A_162 = vector.shape_cast %get3A_161 : vector<1xf32> to vector<1x1xf32>
    %add3A_163 = vector.broadcast %broadcast_in_dim3A_162 : vector<1x1xf32> to vector<50x1xf32>
    %add3A_164 = arith.addf %dot_general3A_159, %add3A_163 : vector<50x1xf32>
    %swap3A_165 = arith.constant 0 : index
    %swap3A_166 = arith.constant 0 : index
    %swap3A_167 = vector.load %arg15[%swap3A_165, %swap3A_166] : memref<50x1xf32, #tpu.memory_space<vmem>>, vector<50x1xf32>
    tpu.vector_store %arg15[%swap3A_165, %swap3A_166], %add3A_164 {strides = array<i32>} : memref<50x1xf32, #tpu.memory_space<vmem>>, vector<50x1xf32>,
    return
  }
}

module attributes {stable_mosaic.version = 14 : i64} {
  func.func @body(%arg0: memref<32x50048xf32, #tpu.memory_space<vmem>>, %arg1: memref<50048xf32, #tpu.memory_space<vmem>>) attributes {dimension_semantics = [], scalar_prefetch = 0 : i64, scratch_operands = 0 : i64, tpu.core_type = #tpu.core_type<tc>} {
    %get3A = arith.constant 0 : index
    %get3A_0 = arith.constant 0 : index
    %get3A_1 = vector.load %arg0[%get3A, %get3A_0] : memref<32x50048xf32, #tpu.memory_space<vmem>>, vector<32x50048xf32>
    %reduce_sum3A = arith.constant dense<0.000000e+00> : vector<50048xf32>
    %reduce_sum3A_2 = vector.multi_reduction <add>, %get3A_1, %reduce_sum3A [0] : vector<32x50048xf32> to vector<50048xf32>
    %swap3A = arith.constant 0 : index
    %swap3A_3 = vector.load %arg1[%swap3A] : memref<50048xf32, #tpu.memory_space<vmem>>, vector<50048xf32>
    tpu.vector_store %arg1[%swap3A], %reduce_sum3A_2 {strides = array<i32>} : memref<50048xf32, #tpu.memory_space<vmem>>, vector<50048xf32>,
    return
  }
}

module attributes {stable_mosaic.version = 14 : i64} {
  func.func @body(%arg0: memref<32x50xf32, #tpu.memory_space<vmem>>, %arg1: memref<50x1xf32, #tpu.memory_space<vmem>>, %arg2: memref<1x64xf32, #tpu.memory_space<vmem>>, %arg3: memref<64xf32, #tpu.memory_space<vmem>>, %arg4: memref<64xf32, #tpu.memory_space<vmem>>, %arg5: memref<64xf32, #tpu.memory_space<vmem>>, %arg6: memref<64x1xf32, #tpu.memory_space<vmem>>, %arg7: memref<1xf32, #tpu.memory_space<vmem>>, %arg8: memref<50x1xf32, #tpu.memory_space<vmem>>) attributes {dimension_semantics = [], scalar_prefetch = 0 : i64, scratch_operands = 0 : i64, tpu.core_type = #tpu.core_type<tc>} {
    %get3A = arith.constant 0 : index
    %get3A_0 = arith.constant 0 : index
    %get3A_1 = vector.load %arg0[%get3A, %get3A_0] : memref<32x50xf32, #tpu.memory_space<vmem>>, vector<32x50xf32>
    %reduce_sum3A = arith.constant dense<0.000000e+00> : vector<50xf32>
    %reduce_sum3A_2 = vector.multi_reduction <add>, %get3A_1, %reduce_sum3A [0] : vector<32x50xf32> to vector<50xf32>
    %broadcast_in_dim3A = vector.shape_cast %reduce_sum3A_2 : vector<50xf32> to vector<50x1xf32>
    %get3A_3 = arith.constant 0 : index
    %get3A_4 = arith.constant 0 : index
    %get3A_5 = vector.load %arg2[%get3A_3, %get3A_4] : memref<1x64xf32, #tpu.memory_space<vmem>>, vector<1x64xf32>
    %mul3A = vector.broadcast %broadcast_in_dim3A : vector<50x1xf32> to vector<50x64xf32>
    %mul3A_6 = vector.broadcast %get3A_5 : vector<1x64xf32> to vector<50x64xf32>
    %mul3A_7 = arith.mulf %mul3A, %mul3A_6 : vector<50x64xf32>
    %get3A_8 = arith.constant 0 : index
    %get3A_9 = vector.load %arg3[%get3A_8] : memref<64xf32, #tpu.memory_space<vmem>>, vector<64xf32>
    %broadcast_in_dim3A_10 = vector.shape_cast %get3A_9 : vector<64xf32> to vector<1x64xf32>
    %add3A = vector.broadcast %broadcast_in_dim3A_10 : vector<1x64xf32> to vector<50x64xf32>
    %add3A_11 = arith.addf %mul3A_7, %add3A : vector<50x64xf32>
    %get3A_12 = arith.constant 0 : index
    %get3A_13 = vector.load %arg4[%get3A_12] : memref<64xf32, #tpu.memory_space<vmem>>, vector<64xf32>
    %get3A_14 = arith.constant 0 : index
    %get3A_15 = vector.load %arg5[%get3A_14] : memref<64xf32, #tpu.memory_space<vmem>>, vector<64xf32>
    %reduce_sum3A_16 = arith.constant dense<0.000000e+00> : vector<50xf32>
    %reduce_sum3A_17 = vector.multi_reduction <add>, %add3A_11, %reduce_sum3A_16 [1] : vector<50x64xf32> to vector<50xf32>
    %broadcast_in_dim3A_18 = vector.shape_cast %reduce_sum3A_17 : vector<50xf32> to vector<50x1xf32>
    %div3A = arith.constant 6.400000e+01 : f32
    %div3A_19 = vector.broadcast %div3A : f32 to vector<50x1xf32>
    %div3A_20 = arith.divf %broadcast_in_dim3A_18, %div3A_19 : vector<50x1xf32>
    %jit3A = arith.constant 0 : i32
    %reduce_sum3A_21 = arith.constant dense<0.000000e+00> : vector<50xf32>
    %reduce_sum3A_22 = vector.multi_reduction <add>, %add3A_11, %reduce_sum3A_21 [1] : vector<50x64xf32> to vector<50xf32>
    %broadcast_in_dim3A_23 = vector.shape_cast %reduce_sum3A_22 : vector<50xf32> to vector<50x1xf32>
    %div3A_24 = arith.constant 6.400000e+01 : f32
    %div3A_25 = vector.broadcast %div3A_24 : f32 to vector<50x1xf32>
    %div3A_26 = arith.divf %broadcast_in_dim3A_23, %div3A_25 : vector<50x1xf32>
    %sub3A = vector.broadcast %div3A_26 : vector<50x1xf32> to vector<50x64xf32>
    %sub3A_27 = arith.subf %add3A_11, %sub3A : vector<50x64xf32>
    %square3A = arith.mulf %sub3A_27, %sub3A_27 : vector<50x64xf32>
    %convert_element_type3A = arith.sitofp %jit3A : i32 to f32
    %sub3A_28 = arith.constant 6.400000e+01 : f32
    %sub3A_29 = arith.subf %sub3A_28, %convert_element_type3A : f32
    %reduce_sum3A_30 = arith.constant dense<0.000000e+00> : vector<50xf32>
    %reduce_sum3A_31 = vector.multi_reduction <add>, %square3A, %reduce_sum3A_30 [1] : vector<50x64xf32> to vector<50xf32>
    %broadcast_in_dim3A_32 = vector.shape_cast %reduce_sum3A_31 : vector<50xf32> to vector<50x1xf32>
    %div3A_33 = vector.broadcast %sub3A_29 : f32 to vector<50x1xf32>
    %div3A_34 = arith.divf %broadcast_in_dim3A_32, %div3A_33 : vector<50x1xf32>
    %gt3A = arith.constant 0.000000e+00 : f32
    %gt3A_35 = arith.cmpf ogt, %sub3A_29, %gt3A : f32
    %jit3A_36 = arith.constant 0x7FC00000 : f32
    %broadcast_in_dim3A_37 = vector.broadcast %jit3A_36 : f32 to vector<50x1xf32>
    %select_n3A = arith.select %gt3A_35, %div3A_34, %broadcast_in_dim3A_37 : vector<50x1xf32>
    %sub3A_38 = vector.broadcast %div3A_20 : vector<50x1xf32> to vector<50x64xf32>
    %sub3A_39 = arith.subf %add3A_11, %sub3A_38 : vector<50x64xf32>
    %add3A_40 = arith.constant 9.99999974E-6 : f32
    %add3A_41 = vector.broadcast %add3A_40 : f32 to vector<50x1xf32>
    %add3A_42 = arith.addf %select_n3A, %add3A_41 : vector<50x1xf32>
    %sqrt3A = math.sqrt %add3A_42 : vector<50x1xf32>
    %div3A_43 = vector.broadcast %sqrt3A : vector<50x1xf32> to vector<50x64xf32>
    %div3A_44 = arith.divf %sub3A_39, %div3A_43 : vector<50x64xf32>
    %broadcast_in_dim3A_45 = vector.shape_cast %get3A_13 : vector<64xf32> to vector<1x64xf32>
    %mul3A_46 = vector.broadcast %broadcast_in_dim3A_45 : vector<1x64xf32> to vector<50x64xf32>
    %mul3A_47 = arith.mulf %div3A_44, %mul3A_46 : vector<50x64xf32>
    %broadcast_in_dim3A_48 = vector.shape_cast %get3A_15 : vector<64xf32> to vector<1x64xf32>
    %add3A_49 = vector.broadcast %broadcast_in_dim3A_48 : vector<1x64xf32> to vector<50x64xf32>
    %add3A_50 = arith.addf %mul3A_47, %add3A_49 : vector<50x64xf32>
    %integer_pow3A = arith.mulf %add3A_50, %add3A_50 : vector<50x64xf32>
    %integer_pow3A_51 = arith.mulf %add3A_50, %integer_pow3A : vector<50x64xf32>
    %mul3A_52 = arith.constant 4.471500e-02 : f32
    %mul3A_53 = vector.broadcast %mul3A_52 : f32 to vector<50x64xf32>
    %mul3A_54 = arith.mulf %mul3A_53, %integer_pow3A_51 : vector<50x64xf32>
    %add3A_55 = arith.addf %add3A_50, %mul3A_54 : vector<50x64xf32>
    %mul3A_56 = arith.constant 0.797884583 : f32
    %mul3A_57 = vector.broadcast %mul3A_56 : f32 to vector<50x64xf32>
    %mul3A_58 = arith.mulf %mul3A_57, %add3A_55 : vector<50x64xf32>
    %tanh3A = math.tanh %mul3A_58 : vector<50x64xf32>
    %add3A_59 = arith.constant 1.000000e+00 : f32
    %add3A_60 = vector.broadcast %add3A_59 : f32 to vector<50x64xf32>
    %add3A_61 = arith.addf %add3A_60, %tanh3A : vector<50x64xf32>
    %mul3A_62 = arith.constant 5.000000e-01 : f32
    %mul3A_63 = vector.broadcast %mul3A_62 : f32 to vector<50x64xf32>
    %mul3A_64 = arith.mulf %mul3A_63, %add3A_61 : vector<50x64xf32>
    %mul3A_65 = arith.mulf %add3A_50, %mul3A_64 : vector<50x64xf32>
    %get3A_66 = arith.constant 0 : index
    %get3A_67 = arith.constant 0 : index
    %get3A_68 = vector.load %arg6[%get3A_66, %get3A_67] : memref<64x1xf32, #tpu.memory_space<vmem>>, vector<64x1xf32>
    %dot_general3A = arith.constant dense<0.000000e+00> : vector<50x1xf32>
    %dot_general3A_69 = tpu.matmul %mul3A_65, %get3A_68, %dot_general3A {dimension_numbers = #tpu.dot_dimension_numbers<[1], [0], [0], [1], [0, 0, 1, 1], [], []>, transpose_lhs_hint = false} : vector<50x64xf32>, vector<64x1xf32>, vector<50x1xf32> -> vector<50x1xf32>
    %get3A_70 = arith.constant 0 : index
    %get3A_71 = vector.load %arg7[%get3A_70] : memref<1xf32, #tpu.memory_space<vmem>>, vector<1xf32>
    %broadcast_in_dim3A_72 = vector.shape_cast %get3A_71 : vector<1xf32> to vector<1x1xf32>
    %add3A_73 = vector.broadcast %broadcast_in_dim3A_72 : vector<1x1xf32> to vector<50x1xf32>
    %add3A_74 = arith.addf %dot_general3A_69, %add3A_73 : vector<50x1xf32>
    %get3A_75 = arith.constant 0 : index
    %get3A_76 = arith.constant 0 : index
    %get3A_77 = vector.load %arg1[%get3A_75, %get3A_76] : memref<50x1xf32, #tpu.memory_space<vmem>>, vector<50x1xf32>
    %add3A_78 = arith.addf %add3A_74, %get3A_77 : vector<50x1xf32>
    %swap3A = arith.constant 0 : index
    %swap3A_79 = arith.constant 0 : index
    %swap3A_80 = vector.load %arg8[%swap3A, %swap3A_79] : memref<50x1xf32, #tpu.memory_space<vmem>>, vector<50x1xf32>
    tpu.vector_store %arg8[%swap3A, %swap3A_79], %add3A_78 {strides = array<i32>} : memref<50x1xf32, #tpu.memory_space<vmem>>, vector<50x1xf32>,
    return
  }
}

</mosaic_0001>

<sc_bundles>
// kernel: kernel.11.cloned.1.call-start
scs
__scs_entry_jumppad:
0x0: {  	(pc) =	sbr.rel $0x88, $3  }
0x1: {  	(tag) =	ssettag $0x0;
	lr =	simm.s32 $0x1  }
0x2: {  	[smem:$0x3F8B] =	sst lr;
	_ =	strace $0xD0000000  }
0x3: {  	_ = 	snop  }
0x4: {  	_ = 	snop  }
0x5: {  	_ = 	snop  }
0x6: {  	_ = 	snop  }
0x7: {  	_ = 	snop  }
__scs_overlays_trampoline_lowered:
0x8: {  	[smem:$0x3F9A] =	sst s0  }
0x9: {  	[smem:$0x3F9B] =	sst s1  }
0xa: {  	[smem:$0x3F9C] =	sst s2  }
0xb: {  	[smem:$0x3F9D] =	sst s3  }
0xc: {  	[smem:$0x3F9E] =	sst s4  }
0xd: {  	[smem:$0x3F9F] =	sst s5  }
0xe: {  	[smem:$0x3FA0] =	sst s6  }
0xf: {  	[smem:$0x3FA1] =	sst s7  }
0x10: {  	[smem:$0x3FA2] =	sst s8  }
0x11: {  	[smem:$0x3FA3] =	sst s9;
	s0 =	simm.s32 @!p0 $0x0  }
0x12: {  	s1 =	sld [smem:$0x3F89];
	s0 =	simm.s32 @p0 $0x1  }
0x13: {  	[smem:$0x3FA4] =	sst s0;
	s0 =	simm.s32 @!p1 $0x0  }
0x14: {  	s2 =	sld [smem:$0x3F88];
	s0 =	simm.s32 @p1 $0x1  }
0x15: {  	[smem:$0x3FA5] =	sst s0;
	s0 =	simm.s32 @!p2 $0x0  }
0x16: {  	s3 =	sld [smem:$0x3FDB];
	s0 =	simm.s32 @p2 $0x1  }
0x17: {  	s4 =	simm.s32 $0x1BF5;
	[smem:$0x3FA7] =	sst s0  }
0x18: {  	s0 =	sld [smem:$0x3F8A];
	_ =	swait.ge [sflag:s4], $0x0  }
0x19: {  	s7 =	sld [smem:$0x3F8B]  }
0x1a: {  	s8 =	sadd.s32 $0xFFFFE003, lr  }
0x1b: {  	s9 =	sadd.s32 $0xFFFFFEF7, lr;
	s5 =	simm.s32 $0xFFFFFFFF;
	p2 =	slt.u32 s8, $0xFFFFF086  }
0x1c: {  	p1 =	slt.u32 s9, $0xF7A;
	s5 =	simm.s32 @!p2 $0x0  }
0x1d: {  	s5 =	simm.s32 @p1 $0x1;
	p0 =	seq.s32 s7, s2  }
0x1e: {  	s7 =	smul.u32 @!p0 $0xF7A, s2;
	p2 =	seq.s32 @!p0 s5, $0x0  }
0x1f: {  	s9 =	smul.u32 $0xF7A, s1;
	s8 =	simm.s32 @!p0 $0x1BF5;
	p2 =	por !p2, p0  }
0x20: {  	[sflag:s8] =	ssyncset.s32 @!p0 $0xFFFFF086;
	s6 =	sadd.s32 @!p0 s3, s7;
	s7 =	simm.s32 @!p0 $0x108  }
0x21: {  	s3 =	sadd.s32 s3, s9;
	s6 =	sadd.s32 @!p0 $0x88, s6;
	s7 =	simm.s32 @p2 $0x1082  }
0x22: {  	[simem:s7], [sflag:s8] =	dma.local @!p0 [hbm:s6], $0xF7A  }
0x23: {  	s9 =	sor.u32 $0xD0000000, s2;
	s6 =	simm.s32 $0x108;
	_ =	swait.ge @!p0 [sflag:s8], $0x0  }
0x24: {  	s3 =	sadd.s32 $0x88, s3;
	s6 =	simm.s32 @!p1 $0x1082;
	[sflag:s4] =	ssyncset.s32 $0xFFFFF086  }
0x25: {  	[simem:s6], [sflag:s4] =	dma.local [hbm:s3], $0xF7A  }
0x26: {  	[smem:$0x3F8B] =	sst s1;
	(tag) =	ssettag s2;
	_ =	strace s9  }
0x27: {  	s1 =	sld [smem:$0x3F9B]  }
0x28: {  	s2 =	sld [smem:$0x3F9C]  }
0x29: {  	s4 =	sld [smem:$0x3F9E]  }
0x2a: {  	p0 =	seq.s32 s5, $0x0;
	s5 =	sld [smem:$0x3F9F]  }
0x2b: {  	s6 =	sld [smem:$0x3FA0]  }
0x2c: {  	s7 =	sld [smem:$0x3FA1]  }
0x2d: {  	s3 =	simm.s32 $0x108;
	s8 =	sld [smem:$0x3FA2]  }
0x2e: {  	s3 =	simm.s32 @!p0 $0x1082;
	s9 =	sld [smem:$0x3FA3]  }
0x2f: {  	lr =	sadd.s32 s0, s3;
	s0 =	sld [smem:$0x3F9A]  }
0x30: {  	s3 =	sld [smem:$0x3F9D]  }
0x31: {  	[smem:$0x3FA6] =	sst s10  }
0x32: {  	s10 =	sld [smem:$0x3FA4];
	_ =	sdelay $0x3  }
0x33: {  	p0 =	seq.s32 s10, $0x1;
	s10 =	sld [smem:$0x3FA6];
	_ =	sdelay $0x3  }
0x34: {  	[smem:$0x3FA6] =	sst s10  }
0x35: {  	s10 =	sld [smem:$0x3FA5];
	_ =	sdelay $0x3  }
0x36: {  	p1 =	seq.s32 s10, $0x1;
	s10 =	sld [smem:$0x3FA6];
	_ =	sdelay $0x3  }
0x37: {  	[smem:$0x3FA6] =	sst s10  }
0x38: {  	s10 =	sld [smem:$0x3FA7]  }
0x39: {  	_ = 	snop;
	(pc) =	sbr.ind lr, $3  }
0x3a: {  	_ = 	snop  }
0x3b: {  	_ = 	snop  }
0x3c: {  	p2 =	seq.s32 s10, $0x1;
	s10 =	sld [smem:$0x3FA6]  }
0x3d: {  	_ =	shalt  }
0x3e: {  	_ =	shalt  }
0x3f: {  	_ =	shalt  }
0x40: {  	_ =	shalt  }
0x41: {  	_ =	shalt  }
0x42: {  	_ =	shalt  }
0x43: {  	_ =	shalt  }
0x44: {  	_ =	shalt  }
0x45: {  	_ =	shalt  }
0x46: {  	_ =	shalt  }
0x47: {  	_ =	shalt  }
0x48: {  	_ =	shalt  }
0x49: {  	_ =	shalt  }
0x4a: {  	_ =	shalt  }
0x4b: {  	_ =	shalt  }
0x4c: {  	_ =	shalt  }
0x4d: {  	_ =	shalt  }
0x4e: {  	_ =	shalt  }
0x4f: {  	_ =	shalt  }
0x50: {  	_ =	shalt  }
0x51: {  	_ =	shalt  }
0x52: {  	_ =	shalt  }
0x53: {  	_ =	shalt  }
0x54: {  	_ =	shalt  }
0x55: {  	_ =	shalt  }
0x56: {  	_ =	shalt  }
0x57: {  	_ =	shalt  }
0x58: {  	_ =	shalt  }
0x59: {  	_ =	shalt  }
0x5a: {  	_ =	shalt  }
0x5b: {  	_ =	shalt  }
0x5c: {  	_ =	shalt  }
0x5d: {  	_ =	shalt  }
0x5e: {  	_ =	shalt  }
0x5f: {  	_ =	shalt  }
0x60: {  	_ =	shalt  }
0x61: {  	_ =	shalt  }
0x62: {  	_ =	shalt  }
0x63: {  	_ =	shalt  }
0x64: {  	_ =	shalt  }
0x65: {  	_ =	shalt  }
0x66: {  	_ =	shalt  }
0x67: {  	_ =	shalt  }
0x68: {  	_ =	shalt  }
0x69: {  	_ =	shalt  }
0x6a: {  	_ =	shalt  }
0x6b: {  	_ =	shalt  }
0x6c: {  	_ =	shalt  }
0x6d: {  	_ =	shalt  }
0x6e: {  	_ =	shalt  }
0x6f: {  	_ =	shalt  }
0x70: {  	_ =	shalt  }
0x71: {  	_ =	shalt  }
0x72: {  	_ =	shalt  }
0x73: {  	_ =	shalt  }
0x74: {  	_ =	shalt  }
0x75: {  	_ =	shalt  }
0x76: {  	_ =	shalt  }
0x77: {  	_ =	shalt  }
0x78: {  	_ =	shalt  }
0x79: {  	_ =	shalt  }
0x7a: {  	_ =	shalt  }
0x7b: {  	_ =	shalt  }
0x7c: {  	_ =	shalt  }
0x7d: {  	_ =	shalt  }
0x7e: {  	_ =	shalt  }
0x7f: {  	_ =	shalt  }
0x80: {  	_ =	shalt  }
0x81: {  	_ =	shalt  }
0x82: {  	_ =	shalt  }
0x83: {  	_ =	shalt  }
0x84: {  	_ =	shalt  }
0x85: {  	_ =	shalt  }
0x86: {  	_ =	shalt  }
0x87: {  	_ =	shalt  }
.Lfunc_end0:
.L_simem_size_0:
called_computation_lowered:
.L_overlay_start_0:
0x88: {  	s2 =	sld [smem:$0x3FD9]  }
0x89: {  	s3 =	sld [smem:$0x3FFE];
	_ =	sdelay $0x1  }
0x8a: {  	s1 =	srdreg.scid  }
0x8b: {  	s0 =	sand.u32 $0x1, s1  }
0x8c: {  	s16 =	sshll.u32 s0, $0xA;
	s2 =	sadd.s32 s3, s2  }
0x8d: {  	s2 =	sadd.s32 s2, s16  }
0x8e: {  	[smem:$0x3FB2] =	sst s2  }
0x8f: {  	_ = 	snop  }
0x90: {  	(tm) =	ssettm $0x1  }
0x91: {  	s17 =	sld [smem:$0x3FFB];
	_ =	sdelay $0x3  }
0x92: {  	_ =	strace s17  }
0x93: {  	s2 =	sld [smem:$0x3FFC];
	_ =	sdelay $0x3  }
0x94: {  	_ =	strace s2  }
0x95: {  	s2 =	sld [smem:$0x3FFD];
	_ =	sdelay $0x3  }
0x96: {  	_ =	strace s2  }
0x97: {  	_ =	strace $0x8FFFFFFF  }
0x98: {  	s18 =	sld [smem:$0x3FDB];
	_ =	sdelay $0x1  }
0x99: {  	s19 =	simm.s32 $_scs_section_size  }
0x9a: {  	s4 =	simm.s32 $_size__tile_overlayer_lowered;
	s5 =	simm.s32 $_tile_overlayer_lowered  }
0x9b: {  	s22 =	simm.s32 $0x1BFF;
	s21 =	sshll.u32 s5, $0x1;
	s2 =	sadd.s32 s19, s18  }
0x9c: {  	s6 =	simm.s32 $0x0;
	s20 =	sshll.u32 s4, $0x1;
	s4 =	sadd.s32 s21, s2  }
0x9d: {  	[timem:s6], [sflag:s22] =	dma.local [hbm:s4], s20  }
0x9e: {  	_ =	swait.ge [sflag:s22], s20  }
0x9f: {  	s3 =	ssub.s32 $0x0, s20;
	[sflag:s22] =	ssyncset.done $0x0  }
0xa0: {  	[sflag:s22] =	ssyncadd.s32 s3;
	_ =	sdelay $0x1  }
0xa1: {  	s23 =	simm.s32 $0x1B8B  }
0xa2: {  	_ =	swait.ge [sflag:s23], $0x1  }
0xa3: {  	[sflag:s23] =	ssyncset.done $0x0  }
0xa4: {  	s25 =	simm.s32 $0x1B8E;
	s24 =	sld [smem:$0x3FFE];
	[sflag:s23] =	ssyncadd.s32 $0xFFFFFFFF  }
0xa5: {  	s26 =	simm.s32 $execute0_lowered;
	[smem:$0x3FD2] =	sst s25  }
0xa6: {  	s4 =	sshll.u32 s26, $0x1;
	_ =	strace $0x80000046;
	[dreg:$0x1] =	wrdreg $0xFFFFFFFF  }
0xa7: {  	s28 =	simm.s32 $_size_execute0_lowered;
	s2 =	sadd.s32 s2, s4;
	[dreg:$0x0] =	wrdreg $0x0  }
0xa8: {  	s4 =	sshll.u32 s28, $0x1;
	[dreg:$0x2] =	wrdreg s2  }
0xa9: {  	[dreg:$0x3] =	wrdreg s4  }
0xaa: {  	[dreg:$0x4] =	wrdreg $0xC0  }
0xab: {  	_ =	task [dreg:s6], $0x5FFFF  }
0xac: {  	[dreg:$0x1] =	wrdreg $0xFFFFFFFF  }
0xad: {  	[dreg:$0x0] =	wrdreg $0x60  }
0xae: {  	[dreg:$0x2] =	wrdreg s24  }
0xaf: {  	[dreg:$0x3] =	wrdreg $0x9  }
0xb0: {  	_ =	task.clear_ibuf [dreg:s6], $0x4FFFF;
	_ =	strace $0x90000046  }
0xb1: {  	s29 =	simm.s32 $0x9;
	_ =	strace $0x80000048  }
0xb2: {  	_ =	swait.ge [sflag:s29], $0x1  }
0xb3: {  	[sflag:s29] =	ssyncadd.s32 $0xFFFFFFFF  }
0xb4: {  	_ =	strace $0x90000048  }
0xb5: {  	_ =	sfence  }
0xb6: {  	s30 =	sld [smem:$0x0];
	_ =	sdelay $0x2  }
0xb7: {  	s31 =	sshll.u32 s1, $0xD;
	s1 =	sshrl.u32 s1, $0x2  }
0xb8: {  	s3 =	sand.u32 $0x4000, s31;
	s1 =	sadd.s32 s1, s30  }
0xb9: {  	s0 =	sor.u32 s3, s0;
	s1 =	sshll.u32 s1, $0x11  }
0xba: {  	s0 =	sor.u32 s1, s0  }
0xbb: {  	s0 =	sadd.s32 $0x8F2B, s0  }
0xbc: {  	[sflag:s0] =	ssyncadd.remote.s32 $0x1  }
0xbd: {  	_ =	sfence.sel $0xFFFF  }
0xbe: {  	[dreg:$0x0] =	wrdreg $0xFFFFFFFF;
	(pc) =	sbr.abs _section_cstart, $3  }
0xbf: {  	[dreg:$0x1] =	wrdreg $0xFFFFFFFF  }
0xc0: {  	_ =	task.clear_ibuf [dreg:s6], $0x2FFFF;
	_ =	strace $0x9FFFFFFF  }
0xc1: {  	(tm) =	ssettm $0x7FFFFFFF  }
tec
execute0_lowered:
.L_overlay_start_1:
0x0: {  	(tag) =	ssettag $0x1  }
0x1: {  	s7 =	rddreg [dreg:$0x0]  }
0x2: {  	s1 =	srdreg.scid;
	s0 =	rddreg [dreg:$0x1];
	s2 =	simm.s32 $0x0  }
0x3: {  	s12 =	simm.s32 $0x18980;
	s13 =	simm.s32 $0x1;
	s14 =	simm.s32 $0x19580  }
0x4: {  	s15 =	simm.s32 $0x2;
	s16 =	simm.s32 $0xC380;
	s17 =	simm.s32 $0x1A180  }
0x5: {  	s18 =	simm.s32 $0x3;
	s19 =	simm.s32 $0x1A580;
	s20 =	simm.s32 $0x4  }
0x6: {  	s21 =	simm.s32 $0x5;
	s22 =	simm.s32 $0x6;
	s23 =	simm.s32 $0x0  }
0x7: {  	s6 =	sand.u32 $0x1, s1;
	[smem:$0x7FF] =	sst s2;
	s1 =	stileid.u32  }
0x8: {  	s4 =	sadd.s32 $0x3E00, s7;
	s5 =	sadd.s32 $0x5800, s7;
	s3 =	sshll.u32 s6, $0x4  }
0x9: {  	_ =	strace $0x80000047;
	s10 =	ssub.s32 $0x2, s6;
	s8 =	sor.u32 s1, s3  }
0xa: {  	s6 =	sadd.s32 $0x12EC00, s7;
	s31 =	sshrl.u32 s10, $0x1;
	s9 =	smul.u32 $0x1870, s8  }
0xb: {  	s3 =	sadd.s32 $0x67E00, s7;
	s11 =	smul.u32 $0x4B00, s8;
	s10 =	ssub.s32 s10, s31  }
0xc: {  	s10 =	smax.u32 s10, $0x1;
	s9 =	sadd.s32 s9, s7;
	s7 =	smul.u32 $0x190, s8  }
0xd: {  	v0 =	vimm.f32 $0.0e+00;
	s8 =	sadd.s32 s3, s11;
	s11 =	simm.s32 $0x18700;
	s9 =	sadd.s32 $0xFDE00, s9  }
.LBB2_1:
0xe: {  	[tilespmem:s2], [sflag:$0x1] =	stream.linear.gather [hbm4b:s4+s2], $0xC380, $0x38;
	[tilespmem:$0x1A980] =	vst v63  }
0xf: {  	_ = 	snop  }
0x10: {  	[tilespmem:s11], [sflag:$0x1] =	stream.linear.gather [hbm4b:s5+s2], $0x280, $0x38;
	[tilespmem:$0x1A980] =	vst v63  }
0x11: {  	s24 =	simm.s32 $0x40;
	s25 =	simm.s32 $0x0  }
0x12: {  	[tilespmem:s12], [sflag:$0x2] =	stream.linear.gather [hbm4b:s8+s2], $0xC00, $0x38;
	[tilespmem:$0x1A980] =	vst v63  }
.LBB2_2:
0x13: {  	p0 =	sne.s32 s24, $0x30DC0;
	[tilespmem:s25+$0xC380] =	vst v0;
	s25 =	smov.u32 s24;
	s24 =	sadd.s32 $0x40, s24  }
.Ltmp0:
0x14: {  	(pc) =	sbr.rel @p0 .LBB2_2-.Ltmp0, $2  }
0x15: {  	_ =	sdelay $0x2  }
0x16: {  	s25 =	sshra.s32 s25, $0x2  }
0x17: {  	[tilespmem:s25+$0xC380] =	vst v0  }
0x18: {  	_ =	swait.ge [sflag:s13], $0xC380  }
0x19: {  	[sflag:s13] =	ssyncset.done $0x0  }
0x1a: {  	[sflag:s13] =	ssyncadd.s32 $0xFFFF3C80  }
0x1b: {  	_ =	swait.ge [sflag:s13], $0x280  }
0x1c: {  	[sflag:s13] =	ssyncset.done $0x0  }
0x1d: {  	s24 =	simm.s32 $0x0;
	s25 =	simm.s32 $0x0;
	[sflag:s13] =	ssyncadd.s32 $0xFFFFFD80  }
.LBB2_4:
0x1e: {  	s26 =	sshll.u32 s25, $0x4  }
0x1f: {  	s28 =	sadd.s32 s7, s26  }
0x20: {  	p0 =	seq.s32 s25, $0x0;
	s29 =	smul.u32 $0x180, s28  }
0x21: {  	s30 =	simm.s32 @!p0 $0x4  }
0x22: {  	_ =	swait.ge @!p0 [sflag:s30], $0x400;
	s29 =	sshrl.u32 s29, $0x3  }
0x23: {  	[sflag:s30] =	ssyncset.done @!p0 $0x0;
	s29 =	sadd.s32 s3, s29  }
0x24: {  	[sflag:s30] =	ssyncadd.s32 @!p0 $0xFFFFFC00;
	s29 =	sadd.s32 $0x180, s29  }
0x25: {  	[tilespmem:s14], [sflag:$0x3] =	stream.linear.gather [hbm4b:s29+s24], $0xC00, $0x38;
	[tilespmem:$0x1A980] =	vst v63  }
0x26: {  	_ =	swait.ge [sflag:s15], $0xC00  }
0x27: {  	[sflag:s15] =	ssyncset.done $0x0  }
0x28: {  	s30 =	simm.s32 $0x0;
	s29 =	simm.s32 $0x18B00;
	[sflag:s15] =	ssyncadd.s32 $0xFFFFF400  }
.LBB2_5:
0x29: {  	v1 =	vld [tilespmem:s29+$0xFFFFFF00];
	_ =	sdelay $0x1  }
0x2a: {  	v2 =	vld [tilespmem:s29+$0xFFFFFF80];
	_ =	sdelay $0x4  }
0x2b: {  	v3 =	vld [tilespmem:s29+$0xFFFFFE80]  }
0x2c: {  	v1 =	vld.idx.msk [tilespmem:v1+s2+$0x0], $0xffff;
	_ =	sdelay $0x1  }
0x2d: {  	v4 =	vld.idx.msk [tilespmem:v2+s2+$0x0], $0xffff;
	_ =	sdelay $0x2  }
0x2e: {  	v3 =	vshll.u32 v3, $0x4;
	v1 =	vshll.u32 v1, $0x2  }
0x2f: {  	v1 =	vadd.s32 v3, v1  }
0x30: {  	v1 =	vadd.s32 v4, v1;
	_ =	sdelay $0x4  }
0x31: {  	v1 =	vld.idx.msk [tilespmem:v1+s11+$0x0], $0xffff;
	_ =	sdelay $0x3  }
0x32: {  	s31 =	sshra.s32 s30, $0x2  }
0x33: {  	[tilespmem:s31+$0x1A180] =	vst v1  }
0x34: {  	[tilespmem:v2+s16+$0x0] =	vst.idx.add.f32.msk $0xffff, v1  }
0x35: {  	v1 =	vld [tilespmem:s29+$0xFFFFFF10];
	_ =	sdelay $0x1  }
0x36: {  	v2 =	vld [tilespmem:s29+$0xFFFFFF90];
	_ =	sdelay $0x4  }
0x37: {  	v3 =	vld [tilespmem:s29+$0xFFFFFE90]  }
0x38: {  	v1 =	vld.idx.msk [tilespmem:v1+s2+$0x0], $0xffff;
	_ =	sdelay $0x1  }
0x39: {  	v49 =	vld.idx.msk [tilespmem:v2+s2+$0x0], $0xffff;
	_ =	sdelay $0x2  }
0x3a: {  	v3 =	vshll.u32 v3, $0x4;
	v1 =	vshll.u32 v1, $0x2  }
0x3b: {  	v1 =	vadd.s32 v3, v1  }
0x3c: {  	v1 =	vadd.s32 v49, v1;
	_ =	sdelay $0x4  }
0x3d: {  	v1 =	vld.idx.msk [tilespmem:v1+s11+$0x0], $0xffff;
	_ =	sdelay $0x4  }
0x3e: {  	[tilespmem:s31+$0x1A190] =	vst v1  }
0x3f: {  	[tilespmem:v2+s16+$0x0] =	vst.idx.add.f32.msk $0xffff, v1  }
0x40: {  	v1 =	vld [tilespmem:s29+$0xFFFFFF20];
	_ =	sdelay $0x1  }
0x41: {  	v2 =	vld [tilespmem:s29+$0xFFFFFFA0];
	_ =	sdelay $0x4  }
0x42: {  	v3 =	vld [tilespmem:s29+$0xFFFFFEA0]  }
0x43: {  	v1 =	vld.idx.msk [tilespmem:v1+s2+$0x0], $0xffff;
	_ =	sdelay $0x1  }
0x44: {  	v50 =	vld.idx.msk [tilespmem:v2+s2+$0x0], $0xffff;
	_ =	sdelay $0x2  }
0x45: {  	v3 =	vshll.u32 v3, $0x4;
	v1 =	vshll.u32 v1, $0x2  }
0x46: {  	v1 =	vadd.s32 v3, v1  }
0x47: {  	v1 =	vadd.s32 v50, v1;
	_ =	sdelay $0x4  }
0x48: {  	v1 =	vld.idx.msk [tilespmem:v1+s11+$0x0], $0xffff;
	_ =	sdelay $0x4  }
0x49: {  	[tilespmem:s31+$0x1A1A0] =	vst v1  }
0x4a: {  	[tilespmem:v2+s16+$0x0] =	vst.idx.add.f32.msk $0xffff, v1  }
0x4b: {  	v1 =	vld [tilespmem:s29+$0xFFFFFF30];
	_ =	sdelay $0x1  }
0x4c: {  	v2 =	vld [tilespmem:s29+$0xFFFFFFB0];
	_ =	sdelay $0x4  }
0x4d: {  	v3 =	vld [tilespmem:s29+$0xFFFFFEB0]  }
0x4e: {  	v1 =	vld.idx.msk [tilespmem:v1+s2+$0x0], $0xffff;
	_ =	sdelay $0x1  }
0x4f: {  	v51 =	vld.idx.msk [tilespmem:v2+s2+$0x0], $0xffff;
	_ =	sdelay $0x2  }
0x50: {  	v3 =	vshll.u32 v3, $0x4;
	v1 =	vshll.u32 v1, $0x2  }
0x51: {  	v1 =	vadd.s32 v3, v1  }
0x52: {  	v1 =	vadd.s32 v51, v1;
	_ =	sdelay $0x4  }
0x53: {  	v1 =	vld.idx.msk [tilespmem:v1+s11+$0x0], $0xffff;
	_ =	sdelay $0x4  }
0x54: {  	[tilespmem:s31+$0x1A1B0] =	vst v1  }
0x55: {  	[tilespmem:v2+s16+$0x0] =	vst.idx.add.f32.msk $0xffff, v1  }
0x56: {  	v1 =	vld [tilespmem:s29+$0xFFFFFF40];
	_ =	sdelay $0x1  }
0x57: {  	v2 =	vld [tilespmem:s29+$0xFFFFFFC0];
	_ =	sdelay $0x4  }
0x58: {  	v3 =	vld [tilespmem:s29+$0xFFFFFEC0]  }
0x59: {  	v1 =	vld.idx.msk [tilespmem:v1+s2+$0x0], $0xffff;
	_ =	sdelay $0x1  }
0x5a: {  	v52 =	vld.idx.msk [tilespmem:v2+s2+$0x0], $0xffff;
	_ =	sdelay $0x2  }
0x5b: {  	v3 =	vshll.u32 v3, $0x4;
	v1 =	vshll.u32 v1, $0x2  }
0x5c: {  	v1 =	vadd.s32 v3, v1  }
0x5d: {  	v1 =	vadd.s32 v52, v1;
	_ =	sdelay $0x4  }
0x5e: {  	v1 =	vld.idx.msk [tilespmem:v1+s11+$0x0], $0xffff;
	_ =	sdelay $0x4  }
0x5f: {  	[tilespmem:s31+$0x1A1C0] =	vst v1  }
0x60: {  	[tilespmem:v2+s16+$0x0] =	vst.idx.add.f32.msk $0xffff, v1  }
0x61: {  	v1 =	vld [tilespmem:s29+$0xFFFFFF50];
	_ =	sdelay $0x1  }
0x62: {  	v2 =	vld [tilespmem:s29+$0xFFFFFFD0];
	_ =	sdelay $0x4  }
0x63: {  	v3 =	vld [tilespmem:s29+$0xFFFFFED0]  }
0x64: {  	v1 =	vld.idx.msk [tilespmem:v1+s2+$0x0], $0xffff;
	_ =	sdelay $0x1  }
0x65: {  	v53 =	vld.idx.msk [tilespmem:v2+s2+$0x0], $0xffff;
	_ =	sdelay $0x2  }
0x66: {  	v3 =	vshll.u32 v3, $0x4;
	v1 =	vshll.u32 v1, $0x2  }
0x67: {  	v1 =	vadd.s32 v3, v1  }
0x68: {  	v1 =	vadd.s32 v53, v1;
	_ =	sdelay $0x4  }
0x69: {  	v1 =	vld.idx.msk [tilespmem:v1+s11+$0x0], $0xffff;
	_ =	sdelay $0x4  }
0x6a: {  	[tilespmem:s31+$0x1A1D0] =	vst v1  }
0x6b: {  	[tilespmem:v2+s16+$0x0] =	vst.idx.add.f32.msk $0xffff, v1  }
0x6c: {  	v1 =	vld [tilespmem:s29+$0xFFFFFF60];
	_ =	sdelay $0x1  }
0x6d: {  	v2 =	vld [tilespmem:s29+$0xFFFFFFE0];
	_ =	sdelay $0x4  }
0x6e: {  	v3 =	vld [tilespmem:s29+$0xFFFFFEE0]  }
0x6f: {  	v1 =	vld.idx.msk [tilespmem:v1+s2+$0x0], $0xffff;
	_ =	sdelay $0x1  }
0x70: {  	v54 =	vld.idx.msk [tilespmem:v2+s2+$0x0], $0xffff;
	_ =	sdelay $0x2  }
0x71: {  	v3 =	vshll.u32 v3, $0x4;
	v1 =	vshll.u32 v1, $0x2  }
0x72: {  	v1 =	vadd.s32 v3, v1  }
0x73: {  	v1 =	vadd.s32 v54, v1;
	_ =	sdelay $0x4  }
0x74: {  	v1 =	vld.idx.msk [tilespmem:v1+s11+$0x0], $0xffff;
	_ =	sdelay $0x4  }
0x75: {  	[tilespmem:s31+$0x1A1E0] =	vst v1  }
0x76: {  	[tilespmem:v2+s16+$0x0] =	vst.idx.add.f32.msk $0xffff, v1  }
0x77: {  	v1 =	vld [tilespmem:s29+$0xFFFFFF70];
	_ =	sdelay $0x1  }
0x78: {  	v2 =	vld [tilespmem:s29+$0xFFFFFFF0];
	_ =	sdelay $0x4  }
0x79: {  	v3 =	vld [tilespmem:s29+$0xFFFFFEF0]  }
0x7a: {  	v1 =	vld.idx.msk [tilespmem:v1+s2+$0x0], $0xffff;
	_ =	sdelay $0x1  }
0x7b: {  	v55 =	vld.idx.msk [tilespmem:v2+s2+$0x0], $0xffff;
	_ =	sdelay $0x2  }
0x7c: {  	v3 =	vshll.u32 v3, $0x4;
	v1 =	vshll.u32 v1, $0x2  }
0x7d: {  	v1 =	vadd.s32 v3, v1  }
0x7e: {  	v1 =	vadd.s32 v55, v1;
	_ =	sdelay $0x4  }
0x7f: {  	v1 =	vld.idx.msk [tilespmem:v1+s11+$0x0], $0xffff;
	_ =	sdelay $0x4  }
0x80: {  	[tilespmem:s31+$0x1A1F0] =	vst v1  }
0x81: {  	[tilespmem:v2+s16+$0x0] =	vst.idx.add.f32.msk $0xffff, v1  }
0x82: {  	v1 =	vld [tilespmem:s29+$0x80];
	_ =	sdelay $0x1  }
0x83: {  	v2 =	vld [tilespmem:s29+$0x100];
	_ =	sdelay $0x4  }
0x84: {  	v3 =	vld [tilespmem:s29+$0x0]  }
0x85: {  	v1 =	vld.idx.msk [tilespmem:v1+s2+$0x0], $0xffff;
	_ =	sdelay $0x1  }
0x86: {  	v56 =	vld.idx.msk [tilespmem:v2+s2+$0x0], $0xffff;
	_ =	sdelay $0x2  }
0x87: {  	v3 =	vshll.u32 v3, $0x4;
	v1 =	vshll.u32 v1, $0x2  }
0x88: {  	v1 =	vadd.s32 v3, v1  }
0x89: {  	v1 =	vadd.s32 v56, v1;
	_ =	sdelay $0x4  }
0x8a: {  	v1 =	vld.idx.msk [tilespmem:v1+s11+$0x0], $0xffff;
	_ =	sdelay $0x4  }
0x8b: {  	[tilespmem:s31+$0x1A200] =	vst v1  }
0x8c: {  	[tilespmem:v2+s16+$0x0] =	vst.idx.add.f32.msk $0xffff, v1  }
0x8d: {  	v1 =	vld [tilespmem:s29+$0x90];
	_ =	sdelay $0x1  }
0x8e: {  	v2 =	vld [tilespmem:s29+$0x110];
	_ =	sdelay $0x4  }
0x8f: {  	v3 =	vld [tilespmem:s29+$0x10]  }
0x90: {  	v1 =	vld.idx.msk [tilespmem:v1+s2+$0x0], $0xffff;
	_ =	sdelay $0x1  }
0x91: {  	v57 =	vld.idx.msk [tilespmem:v2+s2+$0x0], $0xffff;
	_ =	sdelay $0x2  }
0x92: {  	v3 =	vshll.u32 v3, $0x4;
	v1 =	vshll.u32 v1, $0x2  }
0x93: {  	v1 =	vadd.s32 v3, v1  }
0x94: {  	v1 =	vadd.s32 v57, v1;
	_ =	sdelay $0x4  }
0x95: {  	v1 =	vld.idx.msk [tilespmem:v1+s11+$0x0], $0xffff;
	_ =	sdelay $0x4  }
0x96: {  	[tilespmem:s31+$0x1A210] =	vst v1  }
0x97: {  	[tilespmem:v2+s16+$0x0] =	vst.idx.add.f32.msk $0xffff, v1  }
0x98: {  	v1 =	vld [tilespmem:s29+$0xA0];
	_ =	sdelay $0x1  }
0x99: {  	v2 =	vld [tilespmem:s29+$0x120];
	_ =	sdelay $0x4  }
0x9a: {  	v3 =	vld [tilespmem:s29+$0x20]  }
0x9b: {  	v1 =	vld.idx.msk [tilespmem:v1+s2+$0x0], $0xffff;
	_ =	sdelay $0x1  }
0x9c: {  	v58 =	vld.idx.msk [tilespmem:v2+s2+$0x0], $0xffff;
	_ =	sdelay $0x2  }
0x9d: {  	v3 =	vshll.u32 v3, $0x4;
	v1 =	vshll.u32 v1, $0x2  }
0x9e: {  	v1 =	vadd.s32 v3, v1  }
0x9f: {  	v1 =	vadd.s32 v58, v1;
	_ =	sdelay $0x4  }
0xa0: {  	v1 =	vld.idx.msk [tilespmem:v1+s11+$0x0], $0xffff;
	_ =	sdelay $0x4  }
0xa1: {  	[tilespmem:s31+$0x1A220] =	vst v1  }
0xa2: {  	[tilespmem:v2+s16+$0x0] =	vst.idx.add.f32.msk $0xffff, v1  }
0xa3: {  	v1 =	vld [tilespmem:s29+$0xB0];
	_ =	sdelay $0x1  }
0xa4: {  	v2 =	vld [tilespmem:s29+$0x130];
	_ =	sdelay $0x4  }
0xa5: {  	v3 =	vld [tilespmem:s29+$0x30]  }
0xa6: {  	v1 =	vld.idx.msk [tilespmem:v1+s2+$0x0], $0xffff;
	_ =	sdelay $0x1  }
0xa7: {  	v59 =	vld.idx.msk [tilespmem:v2+s2+$0x0], $0xffff;
	_ =	sdelay $0x2  }
0xa8: {  	v3 =	vshll.u32 v3, $0x4;
	v1 =	vshll.u32 v1, $0x2  }
0xa9: {  	v1 =	vadd.s32 v3, v1  }
0xaa: {  	v1 =	vadd.s32 v59, v1;
	_ =	sdelay $0x4  }
0xab: {  	v1 =	vld.idx.msk [tilespmem:v1+s11+$0x0], $0xffff;
	_ =	sdelay $0x4  }
0xac: {  	[tilespmem:s31+$0x1A230] =	vst v1  }
0xad: {  	[tilespmem:v2+s16+$0x0] =	vst.idx.add.f32.msk $0xffff, v1  }
0xae: {  	v1 =	vld [tilespmem:s29+$0xC0];
	_ =	sdelay $0x1  }
0xaf: {  	v2 =	vld [tilespmem:s29+$0x140];
	_ =	sdelay $0x4  }
0xb0: {  	v3 =	vld [tilespmem:s29+$0x40]  }
0xb1: {  	v1 =	vld.idx.msk [tilespmem:v1+s2+$0x0], $0xffff;
	_ =	sdelay $0x1  }
0xb2: {  	v60 =	vld.idx.msk [tilespmem:v2+s2+$0x0], $0xffff;
	_ =	sdelay $0x2  }
0xb3: {  	v3 =	vshll.u32 v3, $0x4;
	v1 =	vshll.u32 v1, $0x2  }
0xb4: {  	v1 =	vadd.s32 v3, v1  }
0xb5: {  	v1 =	vadd.s32 v60, v1;
	_ =	sdelay $0x4  }
0xb6: {  	v1 =	vld.idx.msk [tilespmem:v1+s11+$0x0], $0xffff;
	_ =	sdelay $0x4  }
0xb7: {  	[tilespmem:s31+$0x1A240] =	vst v1  }
0xb8: {  	[tilespmem:v2+s16+$0x0] =	vst.idx.add.f32.msk $0xffff, v1  }
0xb9: {  	v1 =	vld [tilespmem:s29+$0xD0];
	_ =	sdelay $0x1  }
0xba: {  	v2 =	vld [tilespmem:s29+$0x150];
	_ =	sdelay $0x4  }
0xbb: {  	v3 =	vld [tilespmem:s29+$0x50]  }
0xbc: {  	v1 =	vld.idx.msk [tilespmem:v1+s2+$0x0], $0xffff;
	_ =	sdelay $0x1  }
0xbd: {  	v61 =	vld.idx.msk [tilespmem:v2+s2+$0x0], $0xffff;
	_ =	sdelay $0x2  }
0xbe: {  	v3 =	vshll.u32 v3, $0x4;
	v1 =	vshll.u32 v1, $0x2  }
0xbf: {  	v1 =	vadd.s32 v3, v1  }
0xc0: {  	v1 =	vadd.s32 v61, v1;
	_ =	sdelay $0x4  }
0xc1: {  	v1 =	vld.idx.msk [tilespmem:v1+s11+$0x0], $0xffff;
	_ =	sdelay $0x4  }
0xc2: {  	[tilespmem:s31+$0x1A250] =	vst v1  }
0xc3: {  	[tilespmem:v2+s16+$0x0] =	vst.idx.add.f32.msk $0xffff, v1  }
0xc4: {  	v1 =	vld [tilespmem:s29+$0xE0];
	_ =	sdelay $0x1  }
0xc5: {  	v2 =	vld [tilespmem:s29+$0x160];
	_ =	sdelay $0x4  }
0xc6: {  	v3 =	vld [tilespmem:s29+$0x60]  }
0xc7: {  	v1 =	vld.idx.msk [tilespmem:v1+s2+$0x0], $0xffff;
	_ =	sdelay $0x1  }
0xc8: {  	v62 =	vld.idx.msk [tilespmem:v2+s2+$0x0], $0xffff;
	_ =	sdelay $0x2  }
0xc9: {  	v3 =	vshll.u32 v3, $0x4;
	v1 =	vshll.u32 v1, $0x2  }
0xca: {  	v1 =	vadd.s32 v3, v1  }
0xcb: {  	v1 =	vadd.s32 v62, v1;
	_ =	sdelay $0x4  }
0xcc: {  	v1 =	vld.idx.msk [tilespmem:v1+s11+$0x0], $0xffff;
	_ =	sdelay $0x4  }
0xcd: {  	[tilespmem:s31+$0x1A260] =	vst v1  }
0xce: {  	[tilespmem:v2+s16+$0x0] =	vst.idx.add.f32.msk $0xffff, v1  }
0xcf: {  	v1 =	vld [tilespmem:s29+$0xF0];
	_ =	sdelay $0x1  }
0xd0: {  	v2 =	vld [tilespmem:s29+$0x170];
	_ =	sdelay $0x4  }
0xd1: {  	v3 =	vld [tilespmem:s29+$0x70]  }
0xd2: {  	v1 =	vld.idx.msk [tilespmem:v1+s2+$0x0], $0xffff;
	_ =	sdelay $0x1  }
0xd3: {  	v63 =	vld.idx.msk [tilespmem:v2+s2+$0x0], $0xffff;
	_ =	sdelay $0x2  }
0xd4: {  	v3 =	vshll.u32 v3, $0x4;
	v1 =	vshll.u32 v1, $0x2  }
0xd5: {  	v1 =	vadd.s32 v3, v1  }
0xd6: {  	v1 =	vadd.s32 v63, v1;
	_ =	sdelay $0x4  }
0xd7: {  	v1 =	vld.idx.msk [tilespmem:v1+s11+$0x0], $0xffff  }
0xd8: {  	p1 =	sne.s32 s30, $0xC00  }
.Ltmp1:
0xd9: {  	_ = 	snop;
	(pc) =	sbr.rel @p1 .LBB2_5-.Ltmp1, $3  }
0xda: {  	_ =	sdelay $0x1  }
0xdb: {  	[tilespmem:s31+$0x1A270] =	vst v1  }
0xdc: {  	s30 =	sadd.s32 $0x400, s30;
	s29 =	sadd.s32 $0x300, s29;
	[tilespmem:v2+s16+$0x0] =	vst.idx.add.f32.msk $0xffff, v1  }
0xdd: {  	s28 =	sshll.u32 s28, $0x4  }
0xde: {  	s28 =	sadd.s32 s6, s28  }
0xdf: {  	[hbm4b:s28+s2] =	stream.linear.scatter [tilespmem:s17], [sflag:$0x4], $0x400, $0x38;
	[tilespmem:$0x1A980] =	vst v63  }
0xe0: {  	s28 =	simm.s32 @!p0 $0x5  }
0xe1: {  	p1 =	seq.s32 @!p0 s25, $0x18;
	s26 =	sadd.s32 s26, s7;
	_ =	swait.ge @!p0 [sflag:s28], $0x400  }
0xe2: {  	p1 =	por p0, !p1;
	s26 =	sadd.s32 $0x8, s26;
	[sflag:s28] =	ssyncset.done @!p0 $0x0  }
0xe3: {  	[sflag:s28] =	ssyncadd.s32 @!p0 $0xFFFFFC00;
	s28 =	smul.u32 @p1 $0x180, s26;
	_ =	sdelay $0x1  }
0xe4: {  	s28 =	sshrl.u32 @p1 s28, $0x3  }
0xe5: {  	s28 =	sadd.s32 @p1 s3, s28  }
0xe6: {  	s28 =	sadd.s32 @p1 $0x180, s28  }
0xe7: {  	[tilespmem:s12], [sflag:$0x2] =	stream.linear.gather @p1 [hbm4b:s28+s2], $0xC00, $0x38;
	[tilespmem:$0x1A980] =	vst v63  }
0xe8: {  	_ =	swait.ge [sflag:s18], $0xC00  }
0xe9: {  	[sflag:s18] =	ssyncset.done $0x0  }
0xea: {  	s29 =	simm.s32 $0x19870;
	s28 =	simm.s32 $0x0;
	[sflag:s18] =	ssyncadd.s32 $0xFFFFF400  }
.LBB2_7:
0xeb: {  	v1 =	vld [tilespmem:s29+$0xFFFFFD90];
	_ =	sdelay $0x1  }
0xec: {  	v2 =	vld [tilespmem:s29+$0xFFFFFE10];
	_ =	sdelay $0x4  }
0xed: {  	v3 =	vld [tilespmem:s29+$0xFFFFFD10]  }
0xee: {  	v1 =	vld.idx.msk [tilespmem:v1+s2+$0x0], $0xffff;
	_ =	sdelay $0x1  }
0xef: {  	v4 =	vld.idx.msk [tilespmem:v2+s2+$0x0], $0xffff;
	_ =	sdelay $0x2  }
0xf0: {  	v3 =	vshll.u32 v3, $0x4;
	v1 =	vshll.u32 v1, $0x2  }
0xf1: {  	v1 =	vadd.s32 v3, v1  }
0xf2: {  	v1 =	vadd.s32 v4, v1;
	_ =	sdelay $0x4  }
0xf3: {  	v1 =	vld.idx.msk [tilespmem:v1+s11+$0x0], $0xffff;
	_ =	sdelay $0x3  }
0xf4: {  	s30 =	sshra.s32 s28, $0x2  }
0xf5: {  	[tilespmem:s30+$0x1A580] =	vst v1  }
0xf6: {  	[tilespmem:v2+s16+$0x0] =	vst.idx.add.f32.msk $0xffff, v1  }
0xf7: {  	v1 =	vld [tilespmem:s29+$0xFFFFFDA0];
	_ =	sdelay $0x1  }
0xf8: {  	v2 =	vld [tilespmem:s29+$0xFFFFFE20];
	_ =	sdelay $0x4  }
0xf9: {  	v3 =	vld [tilespmem:s29+$0xFFFFFD20]  }
0xfa: {  	v1 =	vld.idx.msk [tilespmem:v1+s2+$0x0], $0xffff;
	_ =	sdelay $0x1  }
0xfb: {  	v49 =	vld.idx.msk [tilespmem:v2+s2+$0x0], $0xffff;
	_ =	sdelay $0x2  }
0xfc: {  	v3 =	vshll.u32 v3, $0x4;
	v1 =	vshll.u32 v1, $0x2  }
0xfd: {  	v1 =	vadd.s32 v3, v1  }
0xfe: {  	v1 =	vadd.s32 v49, v1;
	_ =	sdelay $0x4  }
0xff: {  	v1 =	vld.idx.msk [tilespmem:v1+s11+$0x0], $0xffff;
	_ =	sdelay $0x4  }
0x100: {  	[tilespmem:s30+$0x1A590] =	vst v1  }
0x101: {  	[tilespmem:v2+s16+$0x0] =	vst.idx.add.f32.msk $0xffff, v1  }
0x102: {  	v1 =	vld [tilespmem:s29+$0xFFFFFDB0];
	_ =	sdelay $0x1  }
0x103: {  	v2 =	vld [tilespmem:s29+$0xFFFFFE30];
	_ =	sdelay $0x4  }
0x104: {  	v3 =	vld [tilespmem:s29+$0xFFFFFD30]  }
0x105: {  	v1 =	vld.idx.msk [tilespmem:v1+s2+$0x0], $0xffff;
	_ =	sdelay $0x1  }
0x106: {  	v50 =	vld.idx.msk [tilespmem:v2+s2+$0x0], $0xffff;
	_ =	sdelay $0x2  }
0x107: {  	v3 =	vshll.u32 v3, $0x4;
	v1 =	vshll.u32 v1, $0x2  }
0x108: {  	v1 =	vadd.s32 v3, v1  }
0x109: {  	v1 =	vadd.s32 v50, v1;
	_ =	sdelay $0x4  }
0x10a: {  	v1 =	vld.idx.msk [tilespmem:v1+s11+$0x0], $0xffff;
	_ =	sdelay $0x4  }
0x10b: {  	[tilespmem:s30+$0x1A5A0] =	vst v1  }
0x10c: {  	[tilespmem:v2+s16+$0x0] =	vst.idx.add.f32.msk $0xffff, v1  }
0x10d: {  	v1 =	vld [tilespmem:s29+$0xFFFFFDC0];
	_ =	sdelay $0x1  }
0x10e: {  	v2 =	vld [tilespmem:s29+$0xFFFFFE40];
	_ =	sdelay $0x4  }
0x10f: {  	v3 =	vld [tilespmem:s29+$0xFFFFFD40]  }
0x110: {  	v1 =	vld.idx.msk [tilespmem:v1+s2+$0x0], $0xffff;
	_ =	sdelay $0x1  }
0x111: {  	v51 =	vld.idx.msk [tilespmem:v2+s2+$0x0], $0xffff;
	_ =	sdelay $0x2  }
0x112: {  	v3 =	vshll.u32 v3, $0x4;
	v1 =	vshll.u32 v1, $0x2  }
0x113: {  	v1 =	vadd.s32 v3, v1  }
0x114: {  	v1 =	vadd.s32 v51, v1;
	_ =	sdelay $0x4  }
0x115: {  	v1 =	vld.idx.msk [tilespmem:v1+s11+$0x0], $0xffff;
	_ =	sdelay $0x4  }
0x116: {  	[tilespmem:s30+$0x1A5B0] =	vst v1  }
0x117: {  	[tilespmem:v2+s16+$0x0] =	vst.idx.add.f32.msk $0xffff, v1  }
0x118: {  	v1 =	vld [tilespmem:s29+$0xFFFFFDD0];
	_ =	sdelay $0x1  }
0x119: {  	v2 =	vld [tilespmem:s29+$0xFFFFFE50];
	_ =	sdelay $0x4  }
0x11a: {  	v3 =	vld [tilespmem:s29+$0xFFFFFD50]  }
0x11b: {  	v1 =	vld.idx.msk [tilespmem:v1+s2+$0x0], $0xffff;
	_ =	sdelay $0x1  }
0x11c: {  	v52 =	vld.idx.msk [tilespmem:v2+s2+$0x0], $0xffff;
	_ =	sdelay $0x2  }
0x11d: {  	v3 =	vshll.u32 v3, $0x4;
	v1 =	vshll.u32 v1, $0x2  }
0x11e: {  	v1 =	vadd.s32 v3, v1  }
0x11f: {  	v1 =	vadd.s32 v52, v1;
	_ =	sdelay $0x4  }
0x120: {  	v1 =	vld.idx.msk [tilespmem:v1+s11+$0x0], $0xffff;
	_ =	sdelay $0x4  }
0x121: {  	[tilespmem:s30+$0x1A5C0] =	vst v1  }
0x122: {  	[tilespmem:v2+s16+$0x0] =	vst.idx.add.f32.msk $0xffff, v1  }
0x123: {  	v1 =	vld [tilespmem:s29+$0xFFFFFDE0];
	_ =	sdelay $0x1  }
0x124: {  	v2 =	vld [tilespmem:s29+$0xFFFFFE60];
	_ =	sdelay $0x4  }
0x125: {  	v3 =	vld [tilespmem:s29+$0xFFFFFD60]  }
0x126: {  	v1 =	vld.idx.msk [tilespmem:v1+s2+$0x0], $0xffff;
	_ =	sdelay $0x1  }
0x127: {  	v53 =	vld.idx.msk [tilespmem:v2+s2+$0x0], $0xffff;
	_ =	sdelay $0x2  }
0x128: {  	v3 =	vshll.u32 v3, $0x4;
	v1 =	vshll.u32 v1, $0x2  }
0x129: {  	v1 =	vadd.s32 v3, v1  }
0x12a: {  	v1 =	vadd.s32 v53, v1;
	_ =	sdelay $0x4  }
0x12b: {  	v1 =	vld.idx.msk [tilespmem:v1+s11+$0x0], $0xffff;
	_ =	sdelay $0x4  }
0x12c: {  	[tilespmem:s30+$0x1A5D0] =	vst v1  }
0x12d: {  	[tilespmem:v2+s16+$0x0] =	vst.idx.add.f32.msk $0xffff, v1  }
0x12e: {  	v1 =	vld [tilespmem:s29+$0xFFFFFDF0];
	_ =	sdelay $0x1  }
0x12f: {  	v2 =	vld [tilespmem:s29+$0xFFFFFE70];
	_ =	sdelay $0x4  }
0x130: {  	v3 =	vld [tilespmem:s29+$0xFFFFFD70]  }
0x131: {  	v1 =	vld.idx.msk [tilespmem:v1+s2+$0x0], $0xffff;
	_ =	sdelay $0x1  }
0x132: {  	v54 =	vld.idx.msk [tilespmem:v2+s2+$0x0], $0xffff;
	_ =	sdelay $0x2  }
0x133: {  	v3 =	vshll.u32 v3, $0x4;
	v1 =	vshll.u32 v1, $0x2  }
0x134: {  	v1 =	vadd.s32 v3, v1  }
0x135: {  	v1 =	vadd.s32 v54, v1;
	_ =	sdelay $0x4  }
0x136: {  	v1 =	vld.idx.msk [tilespmem:v1+s11+$0x0], $0xffff;
	_ =	sdelay $0x4  }
0x137: {  	[tilespmem:s30+$0x1A5E0] =	vst v1  }
0x138: {  	[tilespmem:v2+s16+$0x0] =	vst.idx.add.f32.msk $0xffff, v1  }
0x139: {  	v1 =	vld [tilespmem:s29+$0xFFFFFE00];
	_ =	sdelay $0x1  }
0x13a: {  	v2 =	vld [tilespmem:s29+$0xFFFFFE80];
	_ =	sdelay $0x4  }
0x13b: {  	v3 =	vld [tilespmem:s29+$0xFFFFFD80]  }
0x13c: {  	v1 =	vld.idx.msk [tilespmem:v1+s2+$0x0], $0xffff;
	_ =	sdelay $0x1  }
0x13d: {  	v55 =	vld.idx.msk [tilespmem:v2+s2+$0x0], $0xffff;
	_ =	sdelay $0x2  }
0x13e: {  	v3 =	vshll.u32 v3, $0x4;
	v1 =	vshll.u32 v1, $0x2  }
0x13f: {  	v1 =	vadd.s32 v3, v1  }
0x140: {  	v1 =	vadd.s32 v55, v1;
	_ =	sdelay $0x4  }
0x141: {  	v1 =	vld.idx.msk [tilespmem:v1+s11+$0x0], $0xffff;
	_ =	sdelay $0x4  }
0x142: {  	[tilespmem:s30+$0x1A5F0] =	vst v1  }
0x143: {  	[tilespmem:v2+s16+$0x0] =	vst.idx.add.f32.msk $0xffff, v1  }
0x144: {  	v1 =	vld [tilespmem:s29+$0xFFFFFF10];
	_ =	sdelay $0x1  }
0x145: {  	v2 =	vld [tilespmem:s29+$0xFFFFFF90];
	_ =	sdelay $0x4  }
0x146: {  	v3 =	vld [tilespmem:s29+$0xFFFFFE90]  }
0x147: {  	v1 =	vld.idx.msk [tilespmem:v1+s2+$0x0], $0xffff;
	_ =	sdelay $0x1  }
0x148: {  	v56 =	vld.idx.msk [tilespmem:v2+s2+$0x0], $0xffff;
	_ =	sdelay $0x2  }
0x149: {  	v3 =	vshll.u32 v3, $0x4;
	v1 =	vshll.u32 v1, $0x2  }
0x14a: {  	v1 =	vadd.s32 v3, v1  }
0x14b: {  	v1 =	vadd.s32 v56, v1;
	_ =	sdelay $0x4  }
0x14c: {  	v1 =	vld.idx.msk [tilespmem:v1+s11+$0x0], $0xffff;
	_ =	sdelay $0x4  }
0x14d: {  	[tilespmem:s30+$0x1A600] =	vst v1  }
0x14e: {  	[tilespmem:v2+s16+$0x0] =	vst.idx.add.f32.msk $0xffff, v1  }
0x14f: {  	v1 =	vld [tilespmem:s29+$0xFFFFFF20];
	_ =	sdelay $0x1  }
0x150: {  	v2 =	vld [tilespmem:s29+$0xFFFFFFA0];
	_ =	sdelay $0x4  }
0x151: {  	v3 =	vld [tilespmem:s29+$0xFFFFFEA0]  }
0x152: {  	v1 =	vld.idx.msk [tilespmem:v1+s2+$0x0], $0xffff;
	_ =	sdelay $0x1  }
0x153: {  	v57 =	vld.idx.msk [tilespmem:v2+s2+$0x0], $0xffff;
	_ =	sdelay $0x2  }
0x154: {  	v3 =	vshll.u32 v3, $0x4;
	v1 =	vshll.u32 v1, $0x2  }
0x155: {  	v1 =	vadd.s32 v3, v1  }
0x156: {  	v1 =	vadd.s32 v57, v1;
	_ =	sdelay $0x4  }
0x157: {  	v1 =	vld.idx.msk [tilespmem:v1+s11+$0x0], $0xffff;
	_ =	sdelay $0x4  }
0x158: {  	[tilespmem:s30+$0x1A610] =	vst v1  }
0x159: {  	[tilespmem:v2+s16+$0x0] =	vst.idx.add.f32.msk $0xffff, v1  }
0x15a: {  	v1 =	vld [tilespmem:s29+$0xFFFFFF30];
	_ =	sdelay $0x1  }
0x15b: {  	v2 =	vld [tilespmem:s29+$0xFFFFFFB0];
	_ =	sdelay $0x4  }
0x15c: {  	v3 =	vld [tilespmem:s29+$0xFFFFFEB0]  }
0x15d: {  	v1 =	vld.idx.msk [tilespmem:v1+s2+$0x0], $0xffff;
	_ =	sdelay $0x1  }
0x15e: {  	v58 =	vld.idx.msk [tilespmem:v2+s2+$0x0], $0xffff;
	_ =	sdelay $0x2  }
0x15f: {  	v3 =	vshll.u32 v3, $0x4;
	v1 =	vshll.u32 v1, $0x2  }
0x160: {  	v1 =	vadd.s32 v3, v1  }
0x161: {  	v1 =	vadd.s32 v58, v1;
	_ =	sdelay $0x4  }
0x162: {  	v1 =	vld.idx.msk [tilespmem:v1+s11+$0x0], $0xffff;
	_ =	sdelay $0x4  }
0x163: {  	[tilespmem:s30+$0x1A620] =	vst v1  }
0x164: {  	[tilespmem:v2+s16+$0x0] =	vst.idx.add.f32.msk $0xffff, v1  }
0x165: {  	v1 =	vld [tilespmem:s29+$0xFFFFFF40];
	_ =	sdelay $0x1  }
0x166: {  	v2 =	vld [tilespmem:s29+$0xFFFFFFC0];
	_ =	sdelay $0x4  }
0x167: {  	v3 =	vld [tilespmem:s29+$0xFFFFFEC0]  }
0x168: {  	v1 =	vld.idx.msk [tilespmem:v1+s2+$0x0], $0xffff;
	_ =	sdelay $0x1  }
0x169: {  	v59 =	vld.idx.msk [tilespmem:v2+s2+$0x0], $0xffff;
	_ =	sdelay $0x2  }
0x16a: {  	v3 =	vshll.u32 v3, $0x4;
	v1 =	vshll.u32 v1, $0x2  }
0x16b: {  	v1 =	vadd.s32 v3, v1  }
0x16c: {  	v1 =	vadd.s32 v59, v1;
	_ =	sdelay $0x4  }
0x16d: {  	v1 =	vld.idx.msk [tilespmem:v1+s11+$0x0], $0xffff;
	_ =	sdelay $0x4  }
0x16e: {  	[tilespmem:s30+$0x1A630] =	vst v1  }
0x16f: {  	[tilespmem:v2+s16+$0x0] =	vst.idx.add.f32.msk $0xffff, v1  }
0x170: {  	v1 =	vld [tilespmem:s29+$0xFFFFFF50];
	_ =	sdelay $0x1  }
0x171: {  	v2 =	vld [tilespmem:s29+$0xFFFFFFD0];
	_ =	sdelay $0x4  }
0x172: {  	v3 =	vld [tilespmem:s29+$0xFFFFFED0]  }
0x173: {  	v1 =	vld.idx.msk [tilespmem:v1+s2+$0x0], $0xffff;
	_ =	sdelay $0x1  }
0x174: {  	v60 =	vld.idx.msk [tilespmem:v2+s2+$0x0], $0xffff;
	_ =	sdelay $0x2  }
0x175: {  	v3 =	vshll.u32 v3, $0x4;
	v1 =	vshll.u32 v1, $0x2  }
0x176: {  	v1 =	vadd.s32 v3, v1  }
0x177: {  	v1 =	vadd.s32 v60, v1;
	_ =	sdelay $0x4  }
0x178: {  	v1 =	vld.idx.msk [tilespmem:v1+s11+$0x0], $0xffff;
	_ =	sdelay $0x4  }
0x179: {  	[tilespmem:s30+$0x1A640] =	vst v1  }
0x17a: {  	[tilespmem:v2+s16+$0x0] =	vst.idx.add.f32.msk $0xffff, v1  }
0x17b: {  	v1 =	vld [tilespmem:s29+$0xFFFFFF60];
	_ =	sdelay $0x1  }
0x17c: {  	v2 =	vld [tilespmem:s29+$0xFFFFFFE0];
	_ =	sdelay $0x4  }
0x17d: {  	v3 =	vld [tilespmem:s29+$0xFFFFFEE0]  }
0x17e: {  	v1 =	vld.idx.msk [tilespmem:v1+s2+$0x0], $0xffff;
	_ =	sdelay $0x1  }
0x17f: {  	v61 =	vld.idx.msk [tilespmem:v2+s2+$0x0], $0xffff;
	_ =	sdelay $0x2  }
0x180: {  	v3 =	vshll.u32 v3, $0x4;
	v1 =	vshll.u32 v1, $0x2  }
0x181: {  	v1 =	vadd.s32 v3, v1  }
0x182: {  	v1 =	vadd.s32 v61, v1;
	_ =	sdelay $0x4  }
0x183: {  	v1 =	vld.idx.msk [tilespmem:v1+s11+$0x0], $0xffff;
	_ =	sdelay $0x4  }
0x184: {  	[tilespmem:s30+$0x1A650] =	vst v1  }
0x185: {  	[tilespmem:v2+s16+$0x0] =	vst.idx.add.f32.msk $0xffff, v1  }
0x186: {  	v1 =	vld [tilespmem:s29+$0xFFFFFF70];
	_ =	sdelay $0x1  }
0x187: {  	v2 =	vld [tilespmem:s29+$0xFFFFFFF0];
	_ =	sdelay $0x4  }
0x188: {  	v3 =	vld [tilespmem:s29+$0xFFFFFEF0]  }
0x189: {  	v1 =	vld.idx.msk [tilespmem:v1+s2+$0x0], $0xffff;
	_ =	sdelay $0x1  }
0x18a: {  	v62 =	vld.idx.msk [tilespmem:v2+s2+$0x0], $0xffff;
	_ =	sdelay $0x2  }
0x18b: {  	v3 =	vshll.u32 v3, $0x4;
	v1 =	vshll.u32 v1, $0x2  }
0x18c: {  	v1 =	vadd.s32 v3, v1  }
0x18d: {  	v1 =	vadd.s32 v62, v1;
	_ =	sdelay $0x4  }
0x18e: {  	v1 =	vld.idx.msk [tilespmem:v1+s11+$0x0], $0xffff;
	_ =	sdelay $0x4  }
0x18f: {  	[tilespmem:s30+$0x1A660] =	vst v1  }
0x190: {  	[tilespmem:v2+s16+$0x0] =	vst.idx.add.f32.msk $0xffff, v1  }
0x191: {  	v1 =	vld [tilespmem:s29+$0xFFFFFF80];
	_ =	sdelay $0x1  }
0x192: {  	v2 =	vld [tilespmem:s29+$0x0];
	_ =	sdelay $0x4  }
0x193: {  	v3 =	vld [tilespmem:s29+$0xFFFFFF00]  }
0x194: {  	v1 =	vld.idx.msk [tilespmem:v1+s2+$0x0], $0xffff;
	_ =	sdelay $0x1  }
0x195: {  	v63 =	vld.idx.msk [tilespmem:v2+s2+$0x0], $0xffff;
	_ =	sdelay $0x2  }
0x196: {  	v3 =	vshll.u32 v3, $0x4;
	v1 =	vshll.u32 v1, $0x2  }
0x197: {  	v1 =	vadd.s32 v3, v1  }
0x198: {  	v1 =	vadd.s32 v63, v1;
	_ =	sdelay $0x4  }
0x199: {  	v1 =	vld.idx.msk [tilespmem:v1+s11+$0x0], $0xffff  }
0x19a: {  	p0 =	sne.s32 s28, $0xC00  }
.Ltmp2:
0x19b: {  	_ = 	snop;
	(pc) =	sbr.rel @p0 .LBB2_7-.Ltmp2, $3  }
0x19c: {  	_ =	sdelay $0x1  }
0x19d: {  	[tilespmem:s30+$0x1A670] =	vst v1  }
0x19e: {  	s28 =	sadd.s32 $0x400, s28;
	s29 =	sadd.s32 $0x300, s29;
	[tilespmem:v2+s16+$0x0] =	vst.idx.add.f32.msk $0xffff, v1  }
0x19f: {  	s25 =	sadd.s32 $0x1, s25  }
0x1a0: {  	p0 =	sne.s32 s25, $0x19  }
.Ltmp3:
0x1a1: {  	_ = 	snop;
	(pc) =	sbr.rel @p0 .LBB2_4-.Ltmp3, $4  }
0x1a2: {  	_ = 	snop  }
0x1a3: {  	s26 =	sshll.u32 s26, $0x4  }
0x1a4: {  	s26 =	sadd.s32 s6, s26  }
0x1a5: {  	[hbm4b:s26+s2] =	stream.linear.scatter [tilespmem:s19], [sflag:$0x5], $0x400, $0x38;
	[tilespmem:$0x1A980] =	vst v63  }
0x1a6: {  	_ =	swait.ge [sflag:s20], $0x400  }
0x1a7: {  	[sflag:s20] =	ssyncset.done $0x0  }
0x1a8: {  	[sflag:s20] =	ssyncadd.s32 $0xFFFFFC00  }
0x1a9: {  	s23 =	sadd.s32 $0x1, s23;
	_ =	swait.ge [sflag:s21], $0x400  }
0x1aa: {  	p0 =	sne.s32 s23, s10;
	[sflag:s21] =	ssyncset.done $0x0  }
.Ltmp4:
0x1ab: {  	[sflag:s21] =	ssyncadd.s32 $0xFFFFFC00;
	(pc) =	sbr.rel @p0 .LBB2_1-.Ltmp4, $4  }
0x1ac: {  	[hbm4b:s9+s2] =	stream.linear.scatter [tilespmem:s16], [sflag:$0x6], $0xC380, $0x38;
	[tilespmem:$0x1A980] =	vst v63  }
0x1ad: {  	_ =	swait.ge [sflag:s22], $0xC380  }
0x1ae: {  	[sflag:s22] =	ssyncset.done $0x0  }
0x1af: {  	[sflag:s22] =	ssyncadd.s32 $0xFFFF3C80  }
0x1b0: {  	_ =	sfence.sel $0x180000  }
0x1b1: {  	[bflag:$0x0] =	sbarrier.arrive $0xFFFF  }
0x1b2: {  	p0 =	sne.s32 s1, $0x0;
	_ =	strace $0x90000047  }
0x1b3: {  	s0 =	sadd.s32 @!p0 $0x100000, s0;
	[bflag:$0x2] =	sbarrier.arrive $0xFFFF  }
0x1b4: {  	[sflag:s0] =	ssyncadd.tile.s32 @!p0 $0x1;
	_ =	shalt  }
.Lfunc_end2:
_tile_overlayer_lowered:
.L_overlay_start_2:
0x1b5: {  	(tag) =	ssettag $0x2  }
0x1b6: {  	s0 =	rddreg [dreg:$0x0];
	s2 =	stileid.u32  }
0x1b7: {  	s1 =	rddreg [dreg:$0x1];
	p0 =	sne.s32 s2, $0x0  }
0x1b8: {  	s3 =	rddreg [dreg:$0x2];
	[bflag:$0x3] =	sbarrier.arrive $0xFFFF;
	s2 =	simm.s32 @!p0 $0x1C06  }
0x1b9: {  	[timem:s3], [sflag:s2] =	dma.local @!p0 [hbm:s0], s1  }
0x1ba: {  	s0 =	simm.s32 @!p0 $0x6  }
0x1bb: {  	_ =	swait.ge @!p0 [sflag:s0], s1  }
0x1bc: {  	s1 =	ssub.s32 @!p0 $0x0, s1;
	[sflag:s0] =	ssyncset.done @!p0 $0x0  }
0x1bd: {  	[sflag:s0] =	ssyncadd.s32 @!p0 s1  }
0x1be: {  	[bflag:$0x3] =	sbarrier.arrive $0xFFFF  }
0x1bf: {  	_ =	shalt  }

// kernel: kernel.14.cloned.1.call-start
scs
__scs_entry_jumppad:
0x0: {  	(pc) =	sbr.rel $0x88, $3  }
0x1: {  	(tag) =	ssettag $0x0;
	lr =	simm.s32 $0x1  }
0x2: {  	[smem:$0x3F8B] =	sst lr;
	_ =	strace $0xD0000000  }
0x3: {  	_ = 	snop  }
0x4: {  	_ = 	snop  }
0x5: {  	_ = 	snop  }
0x6: {  	_ = 	snop  }
0x7: {  	_ = 	snop  }
__scs_overlays_trampoline_lowered:
0x8: {  	[smem:$0x3F9A] =	sst s0  }
0x9: {  	[smem:$0x3F9B] =	sst s1  }
0xa: {  	[smem:$0x3F9C] =	sst s2  }
0xb: {  	[smem:$0x3F9D] =	sst s3  }
0xc: {  	[smem:$0x3F9E] =	sst s4  }
0xd: {  	[smem:$0x3F9F] =	sst s5  }
0xe: {  	[smem:$0x3FA0] =	sst s6  }
0xf: {  	[smem:$0x3FA1] =	sst s7  }
0x10: {  	[smem:$0x3FA2] =	sst s8  }
0x11: {  	[smem:$0x3FA3] =	sst s9;
	s0 =	simm.s32 @!p0 $0x0  }
0x12: {  	s1 =	sld [smem:$0x3F89];
	s0 =	simm.s32 @p0 $0x1  }
0x13: {  	[smem:$0x3FA4] =	sst s0;
	s0 =	simm.s32 @!p1 $0x0  }
0x14: {  	s2 =	sld [smem:$0x3F88];
	s0 =	simm.s32 @p1 $0x1  }
0x15: {  	[smem:$0x3FA5] =	sst s0;
	s0 =	simm.s32 @!p2 $0x0  }
0x16: {  	s3 =	sld [smem:$0x3FDB];
	s0 =	simm.s32 @p2 $0x1  }
0x17: {  	s4 =	simm.s32 $0x1BF5;
	[smem:$0x3FA7] =	sst s0  }
0x18: {  	s0 =	sld [smem:$0x3F8A];
	_ =	swait.ge [sflag:s4], $0x0  }
0x19: {  	s7 =	sld [smem:$0x3F8B]  }
0x1a: {  	s8 =	sadd.s32 $0xFFFFE003, lr  }
0x1b: {  	s9 =	sadd.s32 $0xFFFFFEF7, lr;
	s5 =	simm.s32 $0xFFFFFFFF;
	p2 =	slt.u32 s8, $0xFFFFF086  }
0x1c: {  	p1 =	slt.u32 s9, $0xF7A;
	s5 =	simm.s32 @!p2 $0x0  }
0x1d: {  	s5 =	simm.s32 @p1 $0x1;
	p0 =	seq.s32 s7, s2  }
0x1e: {  	s7 =	smul.u32 @!p0 $0xF7A, s2;
	p2 =	seq.s32 @!p0 s5, $0x0  }
0x1f: {  	s9 =	smul.u32 $0xF7A, s1;
	s8 =	simm.s32 @!p0 $0x1BF5;
	p2 =	por !p2, p0  }
0x20: {  	[sflag:s8] =	ssyncset.s32 @!p0 $0xFFFFF086;
	s6 =	sadd.s32 @!p0 s3, s7;
	s7 =	simm.s32 @!p0 $0x108  }
0x21: {  	s3 =	sadd.s32 s3, s9;
	s6 =	sadd.s32 @!p0 $0x88, s6;
	s7 =	simm.s32 @p2 $0x1082  }
0x22: {  	[simem:s7], [sflag:s8] =	dma.local @!p0 [hbm:s6], $0xF7A  }
0x23: {  	s9 =	sor.u32 $0xD0000000, s2;
	s6 =	simm.s32 $0x108;
	_ =	swait.ge @!p0 [sflag:s8], $0x0  }
0x24: {  	s3 =	sadd.s32 $0x88, s3;
	s6 =	simm.s32 @!p1 $0x1082;
	[sflag:s4] =	ssyncset.s32 $0xFFFFF086  }
0x25: {  	[simem:s6], [sflag:s4] =	dma.local [hbm:s3], $0xF7A  }
0x26: {  	[smem:$0x3F8B] =	sst s1;
	(tag) =	ssettag s2;
	_ =	strace s9  }
0x27: {  	s1 =	sld [smem:$0x3F9B]  }
0x28: {  	s2 =	sld [smem:$0x3F9C]  }
0x29: {  	s4 =	sld [smem:$0x3F9E]  }
0x2a: {  	p0 =	seq.s32 s5, $0x0;
	s5 =	sld [smem:$0x3F9F]  }
0x2b: {  	s6 =	sld [smem:$0x3FA0]  }
0x2c: {  	s7 =	sld [smem:$0x3FA1]  }
0x2d: {  	s3 =	simm.s32 $0x108;
	s8 =	sld [smem:$0x3FA2]  }
0x2e: {  	s3 =	simm.s32 @!p0 $0x1082;
	s9 =	sld [smem:$0x3FA3]  }
0x2f: {  	lr =	sadd.s32 s0, s3;
	s0 =	sld [smem:$0x3F9A]  }
0x30: {  	s3 =	sld [smem:$0x3F9D]  }
0x31: {  	[smem:$0x3FA6] =	sst s10  }
0x32: {  	s10 =	sld [smem:$0x3FA4];
	_ =	sdelay $0x3  }
0x33: {  	p0 =	seq.s32 s10, $0x1;
	s10 =	sld [smem:$0x3FA6];
	_ =	sdelay $0x3  }
0x34: {  	[smem:$0x3FA6] =	sst s10  }
0x35: {  	s10 =	sld [smem:$0x3FA5];
	_ =	sdelay $0x3  }
0x36: {  	p1 =	seq.s32 s10, $0x1;
	s10 =	sld [smem:$0x3FA6];
	_ =	sdelay $0x3  }
0x37: {  	[smem:$0x3FA6] =	sst s10  }
0x38: {  	s10 =	sld [smem:$0x3FA7]  }
0x39: {  	_ = 	snop;
	(pc) =	sbr.ind lr, $3  }
0x3a: {  	_ = 	snop  }
0x3b: {  	_ = 	snop  }
0x3c: {  	p2 =	seq.s32 s10, $0x1;
	s10 =	sld [smem:$0x3FA6]  }
0x3d: {  	_ =	shalt  }
0x3e: {  	_ =	shalt  }
0x3f: {  	_ =	shalt  }
0x40: {  	_ =	shalt  }
0x41: {  	_ =	shalt  }
0x42: {  	_ =	shalt  }
0x43: {  	_ =	shalt  }
0x44: {  	_ =	shalt  }
0x45: {  	_ =	shalt  }
0x46: {  	_ =	shalt  }
0x47: {  	_ =	shalt  }
0x48: {  	_ =	shalt  }
0x49: {  	_ =	shalt  }
0x4a: {  	_ =	shalt  }
0x4b: {  	_ =	shalt  }
0x4c: {  	_ =	shalt  }
0x4d: {  	_ =	shalt  }
0x4e: {  	_ =	shalt  }
0x4f: {  	_ =	shalt  }
0x50: {  	_ =	shalt  }
0x51: {  	_ =	shalt  }
0x52: {  	_ =	shalt  }
0x53: {  	_ =	shalt  }
0x54: {  	_ =	shalt  }
0x55: {  	_ =	shalt  }
0x56: {  	_ =	shalt  }
0x57: {  	_ =	shalt  }
0x58: {  	_ =	shalt  }
0x59: {  	_ =	shalt  }
0x5a: {  	_ =	shalt  }
0x5b: {  	_ =	shalt  }
0x5c: {  	_ =	shalt  }
0x5d: {  	_ =	shalt  }
0x5e: {  	_ =	shalt  }
0x5f: {  	_ =	shalt  }
0x60: {  	_ =	shalt  }
0x61: {  	_ =	shalt  }
0x62: {  	_ =	shalt  }
0x63: {  	_ =	shalt  }
0x64: {  	_ =	shalt  }
0x65: {  	_ =	shalt  }
0x66: {  	_ =	shalt  }
0x67: {  	_ =	shalt  }
0x68: {  	_ =	shalt  }
0x69: {  	_ =	shalt  }
0x6a: {  	_ =	shalt  }
0x6b: {  	_ =	shalt  }
0x6c: {  	_ =	shalt  }
0x6d: {  	_ =	shalt  }
0x6e: {  	_ =	shalt  }
0x6f: {  	_ =	shalt  }
0x70: {  	_ =	shalt  }
0x71: {  	_ =	shalt  }
0x72: {  	_ =	shalt  }
0x73: {  	_ =	shalt  }
0x74: {  	_ =	shalt  }
0x75: {  	_ =	shalt  }
0x76: {  	_ =	shalt  }
0x77: {  	_ =	shalt  }
0x78: {  	_ =	shalt  }
0x79: {  	_ =	shalt  }
0x7a: {  	_ =	shalt  }
0x7b: {  	_ =	shalt  }
0x7c: {  	_ =	shalt  }
0x7d: {  	_ =	shalt  }
0x7e: {  	_ =	shalt  }
0x7f: {  	_ =	shalt  }
0x80: {  	_ =	shalt  }
0x81: {  	_ =	shalt  }
0x82: {  	_ =	shalt  }
0x83: {  	_ =	shalt  }
0x84: {  	_ =	shalt  }
0x85: {  	_ =	shalt  }
0x86: {  	_ =	shalt  }
0x87: {  	_ =	shalt  }
.Lfunc_end0:
.L_simem_size_0:
called_computation.1_lowered:
.L_overlay_start_0:
0x88: {  	s2 =	sld [smem:$0x3FD9]  }
0x89: {  	s3 =	sld [smem:$0x3FFE];
	_ =	sdelay $0x1  }
0x8a: {  	s1 =	srdreg.scid  }
0x8b: {  	s0 =	sand.u32 $0x1, s1  }
0x8c: {  	s16 =	sshll.u32 s0, $0xA;
	s2 =	sadd.s32 s3, s2  }
0x8d: {  	s2 =	sadd.s32 s2, s16  }
0x8e: {  	[smem:$0x3FB2] =	sst s2  }
0x8f: {  	_ = 	snop  }
0x90: {  	(tm) =	ssettm $0x1  }
0x91: {  	s17 =	sld [smem:$0x3FFB];
	_ =	sdelay $0x3  }
0x92: {  	_ =	strace s17  }
0x93: {  	s2 =	sld [smem:$0x3FFC];
	_ =	sdelay $0x3  }
0x94: {  	_ =	strace s2  }
0x95: {  	s2 =	sld [smem:$0x3FFD];
	_ =	sdelay $0x3  }
0x96: {  	_ =	strace s2  }
0x97: {  	_ =	strace $0x8FFFFFFF  }
0x98: {  	s18 =	sld [smem:$0x3FDB];
	_ =	sdelay $0x1  }
0x99: {  	s19 =	simm.s32 $_scs_section_size  }
0x9a: {  	s4 =	simm.s32 $_size__tile_overlayer_lowered;
	s5 =	simm.s32 $_tile_overlayer_lowered  }
0x9b: {  	s22 =	simm.s32 $0x1BFF;
	s21 =	sshll.u32 s5, $0x1;
	s2 =	sadd.s32 s19, s18  }
0x9c: {  	s6 =	simm.s32 $0x0;
	s20 =	sshll.u32 s4, $0x1;
	s4 =	sadd.s32 s21, s2  }
0x9d: {  	[timem:s6], [sflag:s22] =	dma.local [hbm:s4], s20  }
0x9e: {  	_ =	swait.ge [sflag:s22], s20  }
0x9f: {  	s3 =	ssub.s32 $0x0, s20;
	[sflag:s22] =	ssyncset.done $0x0  }
0xa0: {  	[sflag:s22] =	ssyncadd.s32 s3;
	_ =	sdelay $0x1  }
0xa1: {  	s23 =	simm.s32 $0x1B8B  }
0xa2: {  	_ =	swait.ge [sflag:s23], $0x1  }
0xa3: {  	[sflag:s23] =	ssyncset.done $0x0  }
0xa4: {  	s25 =	simm.s32 $0x1B8E;
	s24 =	sld [smem:$0x3FFE];
	[sflag:s23] =	ssyncadd.s32 $0xFFFFFFFF  }
0xa5: {  	s26 =	simm.s32 $execute0_lowered;
	[smem:$0x3FD2] =	sst s25  }
0xa6: {  	s4 =	sshll.u32 s26, $0x1;
	_ =	strace $0x80000049;
	[dreg:$0x1] =	wrdreg $0xFFFFFFFF  }
0xa7: {  	s28 =	simm.s32 $_size_execute0_lowered;
	s2 =	sadd.s32 s2, s4;
	[dreg:$0x0] =	wrdreg $0x0  }
0xa8: {  	s4 =	sshll.u32 s28, $0x1;
	[dreg:$0x2] =	wrdreg s2  }
0xa9: {  	[dreg:$0x3] =	wrdreg s4  }
0xaa: {  	[dreg:$0x4] =	wrdreg $0xC0  }
0xab: {  	_ =	task [dreg:s6], $0x5FFFF  }
0xac: {  	[dreg:$0x1] =	wrdreg $0xFFFFFFFF  }
0xad: {  	[dreg:$0x0] =	wrdreg $0x60  }
0xae: {  	[dreg:$0x2] =	wrdreg s24  }
0xaf: {  	[dreg:$0x3] =	wrdreg $0x9  }
0xb0: {  	_ =	task.clear_ibuf [dreg:s6], $0x4FFFF;
	_ =	strace $0x90000049  }
0xb1: {  	s29 =	simm.s32 $0x9;
	_ =	strace $0x8000004B  }
0xb2: {  	_ =	swait.ge [sflag:s29], $0x1  }
0xb3: {  	[sflag:s29] =	ssyncadd.s32 $0xFFFFFFFF  }
0xb4: {  	_ =	strace $0x9000004B  }
0xb5: {  	_ =	sfence  }
0xb6: {  	s30 =	sld [smem:$0x0];
	_ =	sdelay $0x2  }
0xb7: {  	s31 =	sshll.u32 s1, $0xD;
	s1 =	sshrl.u32 s1, $0x2  }
0xb8: {  	s3 =	sand.u32 $0x4000, s31;
	s1 =	sadd.s32 s1, s30  }
0xb9: {  	s0 =	sor.u32 s3, s0;
	s1 =	sshll.u32 s1, $0x11  }
0xba: {  	s0 =	sor.u32 s1, s0  }
0xbb: {  	s0 =	sadd.s32 $0x8F2B, s0  }
0xbc: {  	[sflag:s0] =	ssyncadd.remote.s32 $0x1  }
0xbd: {  	_ =	sfence.sel $0xFFFF  }
0xbe: {  	[dreg:$0x0] =	wrdreg $0xFFFFFFFF;
	(pc) =	sbr.abs _section_cstart, $3  }
0xbf: {  	[dreg:$0x1] =	wrdreg $0xFFFFFFFF  }
0xc0: {  	_ =	task.clear_ibuf [dreg:s6], $0x2FFFF;
	_ =	strace $0x9FFFFFFF  }
0xc1: {  	(tm) =	ssettm $0x7FFFFFFF  }
tec
execute0_lowered:
.L_overlay_start_1:
0x0: {  	(tag) =	ssettag $0x1  }
0x1: {  	s6 =	rddreg [dreg:$0x0]  }
0x2: {  	s1 =	srdreg.scid;
	s0 =	rddreg [dreg:$0x1];
	s2 =	simm.s32 $0x0  }
0x3: {  	s14 =	simm.s32 $0x1;
	s15 =	simm.s32 $0x18F00;
	s5 =	sand.u32 $0x1, s1  }
0x4: {  	s16 =	simm.s32 $0x19B00;
	s1 =	stileid.u32;
	s3 =	sshll.u32 s5, $0x4  }
0x5: {  	s17 =	simm.s32 $0x2;
	s18 =	simm.s32 $0xC380;
	s7 =	sor.u32 s1, s3  }
0x6: {  	s19 =	simm.s32 $0x3;
	s20 =	simm.s32 $0x4;
	s8 =	smul.u32 $0x1870, s7  }
0x7: {  	s21 =	simm.s32 $0x0;
	[smem:$0x7FF] =	sst s2;
	s9 =	smul.u32 $0x190, s7  }
0x8: {  	s4 =	sadd.s32 $0x12EC00, s6;
	s10 =	ssub.s32 $0x2, s5;
	s11 =	smul.u32 $0x3200, s7  }
0x9: {  	_ =	strace $0x8000004A;
	s12 =	sshrl.u32 s10, $0x1;
	s7 =	smul.u32 $0x1900, s7  }
0xa: {  	s5 =	sadd.s32 $0x3E00, s6;
	s3 =	sadd.s32 $0x160C00, s6;
	s12 =	ssub.s32 s10, s12  }
0xb: {  	s13 =	sadd.s32 s8, s6;
	s6 =	sadd.s32 s3, s11;
	s7 =	sadd.s32 s4, s7  }
0xc: {  	s8 =	sor.u32 $0x8, s9;
	s9 =	sadd.s32 $0x10, s9;
	s11 =	smax.u32 s12, $0x1  }
0xd: {  	v0 =	vimm.f32 $0.0e+00;
	s12 =	simm.s32 $0x18700;
	s10 =	sadd.s32 $0x5800, s13;
	s13 =	simm.s32 $0x19700  }
.LBB2_1:
0xe: {  	[tilespmem:s2], [sflag:$0x1] =	stream.linear.gather [hbm4b:s5+s2], $0xC380, $0x38;
	[tilespmem:$0x19F00] =	vst v63  }
0xf: {  	_ = 	snop  }
0x10: {  	[tilespmem:s12], [sflag:$0x2] =	stream.linear.gather [hbm4b:s6+s2], $0x800, $0x38;
	[tilespmem:$0x19F00] =	vst v63  }
0x11: {  	s22 =	simm.s32 $0x40;
	s23 =	simm.s32 $0x0  }
0x12: {  	[tilespmem:s13], [sflag:$0x2] =	stream.linear.gather [hbm4b:s7+s2], $0x400, $0x38;
	[tilespmem:$0x19F00] =	vst v63  }
.LBB2_2:
0x13: {  	p0 =	sne.s32 s22, $0x30DC0;
	[tilespmem:s23+$0xC380] =	vst v0;
	s23 =	smov.u32 s22;
	s22 =	sadd.s32 $0x40, s22  }
.Ltmp0:
0x14: {  	(pc) =	sbr.rel @p0 .LBB2_2-.Ltmp0, $2  }
0x15: {  	_ =	sdelay $0x2  }
0x16: {  	s23 =	sshra.s32 s23, $0x2  }
0x17: {  	[tilespmem:s23+$0xC380] =	vst v0  }
0x18: {  	_ =	swait.ge [sflag:s14], $0xC380  }
0x19: {  	[sflag:s14] =	ssyncset.done $0x0  }
0x1a: {  	s22 =	simm.s32 $0x0;
	s23 =	simm.s32 $0x0;
	[sflag:s14] =	ssyncadd.s32 $0xFFFF3C80  }
.LBB2_4:
0x1b: {  	s24 =	sshll.u32 s23, $0x4  }
0x1c: {  	s25 =	sadd.s32 s8, s24  }
0x1d: {  	s26 =	sshll.u32 s25, $0x5  }
0x1e: {  	s26 =	sand.u32 $0x1FFFFF00, s26  }
0x1f: {  	s25 =	sshll.u32 s25, $0x4;
	s26 =	sadd.s32 s3, s26  }
0x20: {  	[tilespmem:s15], [sflag:$0x3] =	stream.linear.gather [hbm4b:s26+s22], $0x800, $0x38;
	[tilespmem:$0x19F00] =	vst v63  }
0x21: {  	s25 =	sadd.s32 s4, s25  }
0x22: {  	[tilespmem:s16], [sflag:$0x3] =	stream.linear.gather [hbm4b:s25+s22], $0x400, $0x38;
	[tilespmem:$0x19F00] =	vst v63  }
0x23: {  	_ =	swait.ge [sflag:s17], $0x800  }
0x24: {  	[sflag:s17] =	ssyncset.done $0x0  }
0x25: {  	[sflag:s17] =	ssyncadd.s32 $0xFFFFF800  }
0x26: {  	_ =	swait.ge [sflag:s17], $0x400  }
0x27: {  	[sflag:s17] =	ssyncset.done $0x0  }
0x28: {  	s26 =	simm.s32 $0x0;
	s25 =	simm.s32 $0x18800;
	[sflag:s17] =	ssyncadd.s32 $0xFFFFFC00  }
.LBB2_5:
0x29: {  	v1 =	vld [tilespmem:s25+$0xFFFFFF00];
	_ =	sdelay $0x5  }
0x2a: {  	v2 =	vld [tilespmem:s25+$0xFFFFFF80];
	s28 =	sshra.s32 s26, $0x2  }
0x2b: {  	v3 =	vld [tilespmem:s28+$0x19700]  }
0x2c: {  	v1 =	vld.idx.msk [tilespmem:v1+s2+$0x0], $0xffff;
	_ =	sdelay $0x4  }
0x2d: {  	v1 =	vadd.f32 v3, v1;
	_ =	sdelay $0x1  }
0x2e: {  	[tilespmem:v2+s18+$0x0] =	vst.idx.add.f32.msk $0xffff, v1  }
0x2f: {  	v1 =	vld [tilespmem:s25+$0xFFFFFF10];
	_ =	sdelay $0x5  }
0x30: {  	v2 =	vld [tilespmem:s25+$0xFFFFFF90]  }
0x31: {  	v3 =	vld [tilespmem:s28+$0x19710]  }
0x32: {  	v1 =	vld.idx.msk [tilespmem:v1+s2+$0x0], $0xffff;
	_ =	sdelay $0x4  }
0x33: {  	v1 =	vadd.f32 v3, v1;
	_ =	sdelay $0x1  }
0x34: {  	[tilespmem:v2+s18+$0x0] =	vst.idx.add.f32.msk $0xffff, v1  }
0x35: {  	v1 =	vld [tilespmem:s25+$0xFFFFFF20];
	_ =	sdelay $0x5  }
0x36: {  	v2 =	vld [tilespmem:s25+$0xFFFFFFA0]  }
0x37: {  	v3 =	vld [tilespmem:s28+$0x19720]  }
0x38: {  	v1 =	vld.idx.msk [tilespmem:v1+s2+$0x0], $0xffff;
	_ =	sdelay $0x4  }
0x39: {  	v1 =	vadd.f32 v3, v1;
	_ =	sdelay $0x1  }
0x3a: {  	[tilespmem:v2+s18+$0x0] =	vst.idx.add.f32.msk $0xffff, v1  }
0x3b: {  	v1 =	vld [tilespmem:s25+$0xFFFFFF30];
	_ =	sdelay $0x5  }
0x3c: {  	v2 =	vld [tilespmem:s25+$0xFFFFFFB0]  }
0x3d: {  	v3 =	vld [tilespmem:s28+$0x19730]  }
0x3e: {  	v1 =	vld.idx.msk [tilespmem:v1+s2+$0x0], $0xffff;
	_ =	sdelay $0x4  }
0x3f: {  	v1 =	vadd.f32 v3, v1;
	_ =	sdelay $0x1  }
0x40: {  	[tilespmem:v2+s18+$0x0] =	vst.idx.add.f32.msk $0xffff, v1  }
0x41: {  	v1 =	vld [tilespmem:s25+$0xFFFFFF40];
	_ =	sdelay $0x5  }
0x42: {  	v2 =	vld [tilespmem:s25+$0xFFFFFFC0]  }
0x43: {  	v3 =	vld [tilespmem:s28+$0x19740]  }
0x44: {  	v1 =	vld.idx.msk [tilespmem:v1+s2+$0x0], $0xffff;
	_ =	sdelay $0x4  }
0x45: {  	v1 =	vadd.f32 v3, v1;
	_ =	sdelay $0x1  }
0x46: {  	[tilespmem:v2+s18+$0x0] =	vst.idx.add.f32.msk $0xffff, v1  }
0x47: {  	v1 =	vld [tilespmem:s25+$0xFFFFFF50];
	_ =	sdelay $0x5  }
0x48: {  	v2 =	vld [tilespmem:s25+$0xFFFFFFD0]  }
0x49: {  	v3 =	vld [tilespmem:s28+$0x19750]  }
0x4a: {  	v1 =	vld.idx.msk [tilespmem:v1+s2+$0x0], $0xffff;
	_ =	sdelay $0x4  }
0x4b: {  	v1 =	vadd.f32 v3, v1;
	_ =	sdelay $0x1  }
0x4c: {  	[tilespmem:v2+s18+$0x0] =	vst.idx.add.f32.msk $0xffff, v1  }
0x4d: {  	v1 =	vld [tilespmem:s25+$0xFFFFFF60];
	_ =	sdelay $0x5  }
0x4e: {  	v2 =	vld [tilespmem:s25+$0xFFFFFFE0]  }
0x4f: {  	v3 =	vld [tilespmem:s28+$0x19760]  }
0x50: {  	v1 =	vld.idx.msk [tilespmem:v1+s2+$0x0], $0xffff;
	_ =	sdelay $0x4  }
0x51: {  	v1 =	vadd.f32 v3, v1;
	_ =	sdelay $0x1  }
0x52: {  	[tilespmem:v2+s18+$0x0] =	vst.idx.add.f32.msk $0xffff, v1  }
0x53: {  	v1 =	vld [tilespmem:s25+$0xFFFFFF70];
	_ =	sdelay $0x5  }
0x54: {  	v2 =	vld [tilespmem:s25+$0xFFFFFFF0]  }
0x55: {  	v3 =	vld [tilespmem:s28+$0x19770]  }
0x56: {  	v1 =	vld.idx.msk [tilespmem:v1+s2+$0x0], $0xffff;
	_ =	sdelay $0x4  }
0x57: {  	v1 =	vadd.f32 v3, v1;
	_ =	sdelay $0x1  }
0x58: {  	[tilespmem:v2+s18+$0x0] =	vst.idx.add.f32.msk $0xffff, v1  }
0x59: {  	v1 =	vld [tilespmem:s25+$0x0];
	_ =	sdelay $0x5  }
0x5a: {  	v2 =	vld [tilespmem:s25+$0x80]  }
0x5b: {  	v3 =	vld [tilespmem:s28+$0x19780]  }
0x5c: {  	v1 =	vld.idx.msk [tilespmem:v1+s2+$0x0], $0xffff;
	_ =	sdelay $0x4  }
0x5d: {  	v1 =	vadd.f32 v3, v1;
	_ =	sdelay $0x1  }
0x5e: {  	[tilespmem:v2+s18+$0x0] =	vst.idx.add.f32.msk $0xffff, v1  }
0x5f: {  	v1 =	vld [tilespmem:s25+$0x10];
	_ =	sdelay $0x5  }
0x60: {  	v2 =	vld [tilespmem:s25+$0x90]  }
0x61: {  	v3 =	vld [tilespmem:s28+$0x19790]  }
0x62: {  	v1 =	vld.idx.msk [tilespmem:v1+s2+$0x0], $0xffff;
	_ =	sdelay $0x4  }
0x63: {  	v1 =	vadd.f32 v3, v1;
	_ =	sdelay $0x1  }
0x64: {  	[tilespmem:v2+s18+$0x0] =	vst.idx.add.f32.msk $0xffff, v1  }
0x65: {  	v1 =	vld [tilespmem:s25+$0x20];
	_ =	sdelay $0x5  }
0x66: {  	v2 =	vld [tilespmem:s25+$0xA0]  }
0x67: {  	v3 =	vld [tilespmem:s28+$0x197A0]  }
0x68: {  	v1 =	vld.idx.msk [tilespmem:v1+s2+$0x0], $0xffff;
	_ =	sdelay $0x4  }
0x69: {  	v1 =	vadd.f32 v3, v1;
	_ =	sdelay $0x1  }
0x6a: {  	[tilespmem:v2+s18+$0x0] =	vst.idx.add.f32.msk $0xffff, v1  }
0x6b: {  	v1 =	vld [tilespmem:s25+$0x30];
	_ =	sdelay $0x5  }
0x6c: {  	v2 =	vld [tilespmem:s25+$0xB0]  }
0x6d: {  	v3 =	vld [tilespmem:s28+$0x197B0]  }
0x6e: {  	v1 =	vld.idx.msk [tilespmem:v1+s2+$0x0], $0xffff;
	_ =	sdelay $0x4  }
0x6f: {  	v1 =	vadd.f32 v3, v1;
	_ =	sdelay $0x1  }
0x70: {  	[tilespmem:v2+s18+$0x0] =	vst.idx.add.f32.msk $0xffff, v1  }
0x71: {  	v1 =	vld [tilespmem:s25+$0x40];
	_ =	sdelay $0x5  }
0x72: {  	v2 =	vld [tilespmem:s25+$0xC0]  }
0x73: {  	v3 =	vld [tilespmem:s28+$0x197C0]  }
0x74: {  	v1 =	vld.idx.msk [tilespmem:v1+s2+$0x0], $0xffff;
	_ =	sdelay $0x4  }
0x75: {  	v1 =	vadd.f32 v3, v1;
	_ =	sdelay $0x1  }
0x76: {  	[tilespmem:v2+s18+$0x0] =	vst.idx.add.f32.msk $0xffff, v1  }
0x77: {  	v1 =	vld [tilespmem:s25+$0x50];
	_ =	sdelay $0x5  }
0x78: {  	v2 =	vld [tilespmem:s25+$0xD0]  }
0x79: {  	v3 =	vld [tilespmem:s28+$0x197D0]  }
0x7a: {  	v1 =	vld.idx.msk [tilespmem:v1+s2+$0x0], $0xffff;
	_ =	sdelay $0x4  }
0x7b: {  	v1 =	vadd.f32 v3, v1;
	_ =	sdelay $0x1  }
0x7c: {  	[tilespmem:v2+s18+$0x0] =	vst.idx.add.f32.msk $0xffff, v1  }
0x7d: {  	v1 =	vld [tilespmem:s25+$0x60];
	_ =	sdelay $0x5  }
0x7e: {  	v2 =	vld [tilespmem:s25+$0xE0]  }
0x7f: {  	v3 =	vld [tilespmem:s28+$0x197E0]  }
0x80: {  	v1 =	vld.idx.msk [tilespmem:v1+s2+$0x0], $0xffff;
	_ =	sdelay $0x4  }
0x81: {  	v1 =	vadd.f32 v3, v1;
	_ =	sdelay $0x1  }
0x82: {  	[tilespmem:v2+s18+$0x0] =	vst.idx.add.f32.msk $0xffff, v1  }
0x83: {  	v1 =	vld [tilespmem:s25+$0x70];
	_ =	sdelay $0x5  }
0x84: {  	v2 =	vld [tilespmem:s25+$0xF0]  }
0x85: {  	v3 =	vld [tilespmem:s28+$0x197F0]  }
0x86: {  	v1 =	vld.idx.msk [tilespmem:v1+s2+$0x0], $0xffff;
	_ =	sdelay $0x1  }
0x87: {  	p0 =	sne.s32 s26, $0xC00  }
.Ltmp1:
0x88: {  	_ = 	snop;
	(pc) =	sbr.rel @p0 .LBB2_5-.Ltmp1, $3  }
0x89: {  	_ = 	snop  }
0x8a: {  	v1 =	vadd.f32 v3, v1;
	_ =	sdelay $0x1  }
0x8b: {  	s26 =	sadd.s32 $0x400, s26;
	s25 =	sadd.s32 $0x200, s25;
	[tilespmem:v2+s18+$0x0] =	vst.idx.add.f32.msk $0xffff, v1  }
0x8c: {  	p0 =	seq.s32 s23, $0x18  }
0x8d: {  	s24 =	sadd.s32 @!p0 s24, s9  }
0x8e: {  	s25 =	sshll.u32 @!p0 s24, $0x5  }
0x8f: {  	s26 =	simm.s32 @!p0 $0x0;
	s25 =	sand.u32 @!p0 $0x1FFFFE00, s25  }
0x90: {  	s28 =	simm.s32 @!p0 $0x18700;
	s24 =	sshll.u32 @!p0 s24, $0x4;
	s25 =	sadd.s32 @!p0 s3, s25  }
0x91: {  	[tilespmem:s28], [sflag:$0x2] =	stream.linear.gather @!p0 [hbm4b:s25+s26], $0x800, $0x38;
	[tilespmem:$0x19F00] =	vst v63  }
0x92: {  	s24 =	sadd.s32 @!p0 s4, s24;
	s25 =	simm.s32 @!p0 $0x19700  }
0x93: {  	[tilespmem:s25], [sflag:$0x2] =	stream.linear.gather @!p0 [hbm4b:s24+s26], $0x400, $0x38;
	[tilespmem:$0x19F00] =	vst v63  }
0x94: {  	_ =	swait.ge [sflag:s19], $0x800  }
0x95: {  	[sflag:s19] =	ssyncset.done $0x0  }
0x96: {  	[sflag:s19] =	ssyncadd.s32 $0xFFFFF800  }
0x97: {  	_ =	swait.ge [sflag:s19], $0x400  }
0x98: {  	[sflag:s19] =	ssyncset.done $0x0  }
0x99: {  	s24 =	simm.s32 $0x0;
	s25 =	simm.s32 $0x190F0;
	[sflag:s19] =	ssyncadd.s32 $0xFFFFFC00  }
.LBB2_7:
0x9a: {  	v1 =	vld [tilespmem:s25+$0xFFFFFE10];
	_ =	sdelay $0x5  }
0x9b: {  	v2 =	vld [tilespmem:s25+$0xFFFFFE90];
	s26 =	sshra.s32 s24, $0x2  }
0x9c: {  	v3 =	vld [tilespmem:s26+$0x19B00]  }
0x9d: {  	v1 =	vld.idx.msk [tilespmem:v1+s2+$0x0], $0xffff;
	_ =	sdelay $0x4  }
0x9e: {  	v1 =	vadd.f32 v3, v1;
	_ =	sdelay $0x1  }
0x9f: {  	[tilespmem:v2+s18+$0x0] =	vst.idx.add.f32.msk $0xffff, v1  }
0xa0: {  	v1 =	vld [tilespmem:s25+$0xFFFFFE20];
	_ =	sdelay $0x5  }
0xa1: {  	v2 =	vld [tilespmem:s25+$0xFFFFFEA0]  }
0xa2: {  	v3 =	vld [tilespmem:s26+$0x19B10]  }
0xa3: {  	v1 =	vld.idx.msk [tilespmem:v1+s2+$0x0], $0xffff;
	_ =	sdelay $0x4  }
0xa4: {  	v1 =	vadd.f32 v3, v1;
	_ =	sdelay $0x1  }
0xa5: {  	[tilespmem:v2+s18+$0x0] =	vst.idx.add.f32.msk $0xffff, v1  }
0xa6: {  	v1 =	vld [tilespmem:s25+$0xFFFFFE30];
	_ =	sdelay $0x5  }
0xa7: {  	v2 =	vld [tilespmem:s25+$0xFFFFFEB0]  }
0xa8: {  	v3 =	vld [tilespmem:s26+$0x19B20]  }
0xa9: {  	v1 =	vld.idx.msk [tilespmem:v1+s2+$0x0], $0xffff;
	_ =	sdelay $0x4  }
0xaa: {  	v1 =	vadd.f32 v3, v1;
	_ =	sdelay $0x1  }
0xab: {  	[tilespmem:v2+s18+$0x0] =	vst.idx.add.f32.msk $0xffff, v1  }
0xac: {  	v1 =	vld [tilespmem:s25+$0xFFFFFE40];
	_ =	sdelay $0x5  }
0xad: {  	v2 =	vld [tilespmem:s25+$0xFFFFFEC0]  }
0xae: {  	v3 =	vld [tilespmem:s26+$0x19B30]  }
0xaf: {  	v1 =	vld.idx.msk [tilespmem:v1+s2+$0x0], $0xffff;
	_ =	sdelay $0x4  }
0xb0: {  	v1 =	vadd.f32 v3, v1;
	_ =	sdelay $0x1  }
0xb1: {  	[tilespmem:v2+s18+$0x0] =	vst.idx.add.f32.msk $0xffff, v1  }
0xb2: {  	v1 =	vld [tilespmem:s25+$0xFFFFFE50];
	_ =	sdelay $0x5  }
0xb3: {  	v2 =	vld [tilespmem:s25+$0xFFFFFED0]  }
0xb4: {  	v3 =	vld [tilespmem:s26+$0x19B40]  }
0xb5: {  	v1 =	vld.idx.msk [tilespmem:v1+s2+$0x0], $0xffff;
	_ =	sdelay $0x4  }
0xb6: {  	v1 =	vadd.f32 v3, v1;
	_ =	sdelay $0x1  }
0xb7: {  	[tilespmem:v2+s18+$0x0] =	vst.idx.add.f32.msk $0xffff, v1  }
0xb8: {  	v1 =	vld [tilespmem:s25+$0xFFFFFE60];
	_ =	sdelay $0x5  }
0xb9: {  	v2 =	vld [tilespmem:s25+$0xFFFFFEE0]  }
0xba: {  	v3 =	vld [tilespmem:s26+$0x19B50]  }
0xbb: {  	v1 =	vld.idx.msk [tilespmem:v1+s2+$0x0], $0xffff;
	_ =	sdelay $0x4  }
0xbc: {  	v1 =	vadd.f32 v3, v1;
	_ =	sdelay $0x1  }
0xbd: {  	[tilespmem:v2+s18+$0x0] =	vst.idx.add.f32.msk $0xffff, v1  }
0xbe: {  	v1 =	vld [tilespmem:s25+$0xFFFFFE70];
	_ =	sdelay $0x5  }
0xbf: {  	v2 =	vld [tilespmem:s25+$0xFFFFFEF0]  }
0xc0: {  	v3 =	vld [tilespmem:s26+$0x19B60]  }
0xc1: {  	v1 =	vld.idx.msk [tilespmem:v1+s2+$0x0], $0xffff;
	_ =	sdelay $0x4  }
0xc2: {  	v1 =	vadd.f32 v3, v1;
	_ =	sdelay $0x1  }
0xc3: {  	[tilespmem:v2+s18+$0x0] =	vst.idx.add.f32.msk $0xffff, v1  }
0xc4: {  	v1 =	vld [tilespmem:s25+$0xFFFFFE80];
	_ =	sdelay $0x5  }
0xc5: {  	v2 =	vld [tilespmem:s25+$0xFFFFFF00]  }
0xc6: {  	v3 =	vld [tilespmem:s26+$0x19B70]  }
0xc7: {  	v1 =	vld.idx.msk [tilespmem:v1+s2+$0x0], $0xffff;
	_ =	sdelay $0x4  }
0xc8: {  	v1 =	vadd.f32 v3, v1;
	_ =	sdelay $0x1  }
0xc9: {  	[tilespmem:v2+s18+$0x0] =	vst.idx.add.f32.msk $0xffff, v1  }
0xca: {  	v1 =	vld [tilespmem:s25+$0xFFFFFF10];
	_ =	sdelay $0x5  }
0xcb: {  	v2 =	vld [tilespmem:s25+$0xFFFFFF90]  }
0xcc: {  	v3 =	vld [tilespmem:s26+$0x19B80]  }
0xcd: {  	v1 =	vld.idx.msk [tilespmem:v1+s2+$0x0], $0xffff;
	_ =	sdelay $0x4  }
0xce: {  	v1 =	vadd.f32 v3, v1;
	_ =	sdelay $0x1  }
0xcf: {  	[tilespmem:v2+s18+$0x0] =	vst.idx.add.f32.msk $0xffff, v1  }
0xd0: {  	v1 =	vld [tilespmem:s25+$0xFFFFFF20];
	_ =	sdelay $0x5  }
0xd1: {  	v2 =	vld [tilespmem:s25+$0xFFFFFFA0]  }
0xd2: {  	v3 =	vld [tilespmem:s26+$0x19B90]  }
0xd3: {  	v1 =	vld.idx.msk [tilespmem:v1+s2+$0x0], $0xffff;
	_ =	sdelay $0x4  }
0xd4: {  	v1 =	vadd.f32 v3, v1;
	_ =	sdelay $0x1  }
0xd5: {  	[tilespmem:v2+s18+$0x0] =	vst.idx.add.f32.msk $0xffff, v1  }
0xd6: {  	v1 =	vld [tilespmem:s25+$0xFFFFFF30];
	_ =	sdelay $0x5  }
0xd7: {  	v2 =	vld [tilespmem:s25+$0xFFFFFFB0]  }
0xd8: {  	v3 =	vld [tilespmem:s26+$0x19BA0]  }
0xd9: {  	v1 =	vld.idx.msk [tilespmem:v1+s2+$0x0], $0xffff;
	_ =	sdelay $0x4  }
0xda: {  	v1 =	vadd.f32 v3, v1;
	_ =	sdelay $0x1  }
0xdb: {  	[tilespmem:v2+s18+$0x0] =	vst.idx.add.f32.msk $0xffff, v1  }
0xdc: {  	v1 =	vld [tilespmem:s25+$0xFFFFFF40];
	_ =	sdelay $0x5  }
0xdd: {  	v2 =	vld [tilespmem:s25+$0xFFFFFFC0]  }
0xde: {  	v3 =	vld [tilespmem:s26+$0x19BB0]  }
0xdf: {  	v1 =	vld.idx.msk [tilespmem:v1+s2+$0x0], $0xffff;
	_ =	sdelay $0x4  }
0xe0: {  	v1 =	vadd.f32 v3, v1;
	_ =	sdelay $0x1  }
0xe1: {  	[tilespmem:v2+s18+$0x0] =	vst.idx.add.f32.msk $0xffff, v1  }
0xe2: {  	v1 =	vld [tilespmem:s25+$0xFFFFFF50];
	_ =	sdelay $0x5  }
0xe3: {  	v2 =	vld [tilespmem:s25+$0xFFFFFFD0]  }
0xe4: {  	v3 =	vld [tilespmem:s26+$0x19BC0]  }
0xe5: {  	v1 =	vld.idx.msk [tilespmem:v1+s2+$0x0], $0xffff;
	_ =	sdelay $0x4  }
0xe6: {  	v1 =	vadd.f32 v3, v1;
	_ =	sdelay $0x1  }
0xe7: {  	[tilespmem:v2+s18+$0x0] =	vst.idx.add.f32.msk $0xffff, v1  }
0xe8: {  	v1 =	vld [tilespmem:s25+$0xFFFFFF60];
	_ =	sdelay $0x5  }
0xe9: {  	v2 =	vld [tilespmem:s25+$0xFFFFFFE0]  }
0xea: {  	v3 =	vld [tilespmem:s26+$0x19BD0]  }
0xeb: {  	v1 =	vld.idx.msk [tilespmem:v1+s2+$0x0], $0xffff;
	_ =	sdelay $0x4  }
0xec: {  	v1 =	vadd.f32 v3, v1;
	_ =	sdelay $0x1  }
0xed: {  	[tilespmem:v2+s18+$0x0] =	vst.idx.add.f32.msk $0xffff, v1  }
0xee: {  	v1 =	vld [tilespmem:s25+$0xFFFFFF70];
	_ =	sdelay $0x5  }
0xef: {  	v2 =	vld [tilespmem:s25+$0xFFFFFFF0]  }
0xf0: {  	v3 =	vld [tilespmem:s26+$0x19BE0]  }
0xf1: {  	v1 =	vld.idx.msk [tilespmem:v1+s2+$0x0], $0xffff;
	_ =	sdelay $0x4  }
0xf2: {  	v1 =	vadd.f32 v3, v1;
	_ =	sdelay $0x1  }
0xf3: {  	[tilespmem:v2+s18+$0x0] =	vst.idx.add.f32.msk $0xffff, v1  }
0xf4: {  	v1 =	vld [tilespmem:s25+$0xFFFFFF80];
	_ =	sdelay $0x5  }
0xf5: {  	v2 =	vld [tilespmem:s25+$0x0]  }
0xf6: {  	v3 =	vld [tilespmem:s26+$0x19BF0]  }
0xf7: {  	v1 =	vld.idx.msk [tilespmem:v1+s2+$0x0], $0xffff;
	_ =	sdelay $0x1  }
0xf8: {  	p0 =	sne.s32 s24, $0xC00  }
.Ltmp2:
0xf9: {  	_ = 	snop;
	(pc) =	sbr.rel @p0 .LBB2_7-.Ltmp2, $3  }
0xfa: {  	_ = 	snop  }
0xfb: {  	v1 =	vadd.f32 v3, v1;
	_ =	sdelay $0x1  }
0xfc: {  	s24 =	sadd.s32 $0x400, s24;
	s25 =	sadd.s32 $0x200, s25;
	[tilespmem:v2+s18+$0x0] =	vst.idx.add.f32.msk $0xffff, v1  }
0xfd: {  	s23 =	sadd.s32 $0x1, s23  }
0xfe: {  	p0 =	sne.s32 s23, $0x19  }
.Ltmp3:
0xff: {  	_ = 	snop;
	(pc) =	sbr.rel @p0 .LBB2_4-.Ltmp3, $1  }
0x100: {  	_ =	sdelay $0x3  }
0x101: {  	s21 =	sadd.s32 $0x1, s21  }
0x102: {  	p0 =	sne.s32 s21, s11  }
.Ltmp4:
0x103: {  	_ = 	snop;
	(pc) =	sbr.rel @p0 .LBB2_1-.Ltmp4, $4  }
0x104: {  	[hbm4b:s10+s2] =	stream.linear.scatter [tilespmem:s18], [sflag:$0x4], $0xC380, $0x38;
	[tilespmem:$0x19F00] =	vst v63  }
0x105: {  	_ =	swait.ge [sflag:s20], $0xC380  }
0x106: {  	[sflag:s20] =	ssyncset.done $0x0  }
0x107: {  	[sflag:s20] =	ssyncadd.s32 $0xFFFF3C80  }
0x108: {  	_ =	sfence.sel $0x180000  }
0x109: {  	[bflag:$0x0] =	sbarrier.arrive $0xFFFF  }
0x10a: {  	p0 =	sne.s32 s1, $0x0;
	_ =	strace $0x9000004A  }
0x10b: {  	s0 =	sadd.s32 @!p0 $0x100000, s0;
	[bflag:$0x2] =	sbarrier.arrive $0xFFFF  }
0x10c: {  	[sflag:s0] =	ssyncadd.tile.s32 @!p0 $0x1;
	_ =	shalt  }
.Lfunc_end2:
_tile_overlayer_lowered:
.L_overlay_start_2:
0x10d: {  	(tag) =	ssettag $0x2  }
0x10e: {  	s0 =	rddreg [dreg:$0x0];
	s2 =	stileid.u32  }
0x10f: {  	s1 =	rddreg [dreg:$0x1];
	p0 =	sne.s32 s2, $0x0  }
0x110: {  	s3 =	rddreg [dreg:$0x2];
	[bflag:$0x3] =	sbarrier.arrive $0xFFFF;
	s2 =	simm.s32 @!p0 $0x1C04  }
0x111: {  	[timem:s3], [sflag:s2] =	dma.local @!p0 [hbm:s0], s1  }
0x112: {  	s0 =	simm.s32 @!p0 $0x4  }
0x113: {  	_ =	swait.ge @!p0 [sflag:s0], s1  }
0x114: {  	s1 =	ssub.s32 @!p0 $0x0, s1;
	[sflag:s0] =	ssyncset.done @!p0 $0x0  }
0x115: {  	[sflag:s0] =	ssyncadd.s32 @!p0 s1  }
0x116: {  	[bflag:$0x3] =	sbarrier.arrive $0xFFFF  }
0x117: {  	_ =	shalt  }

// kernel: kernel.17.cloned.1.call-start
scs
__scs_entry_jumppad:
0x0: {  	(pc) =	sbr.rel $0x88, $3  }
0x1: {  	(tag) =	ssettag $0x0;
	lr =	simm.s32 $0x1  }
0x2: {  	[smem:$0x3F8B] =	sst lr;
	_ =	strace $0xD0000000  }
0x3: {  	_ = 	snop  }
0x4: {  	_ = 	snop  }
0x5: {  	_ = 	snop  }
0x6: {  	_ = 	snop  }
0x7: {  	_ = 	snop  }
__scs_overlays_trampoline_lowered:
0x8: {  	[smem:$0x3F9A] =	sst s0  }
0x9: {  	[smem:$0x3F9B] =	sst s1  }
0xa: {  	[smem:$0x3F9C] =	sst s2  }
0xb: {  	[smem:$0x3F9D] =	sst s3  }
0xc: {  	[smem:$0x3F9E] =	sst s4  }
0xd: {  	[smem:$0x3F9F] =	sst s5  }
0xe: {  	[smem:$0x3FA0] =	sst s6  }
0xf: {  	[smem:$0x3FA1] =	sst s7  }
0x10: {  	[smem:$0x3FA2] =	sst s8  }
0x11: {  	[smem:$0x3FA3] =	sst s9;
	s0 =	simm.s32 @!p0 $0x0  }
0x12: {  	s1 =	sld [smem:$0x3F89];
	s0 =	simm.s32 @p0 $0x1  }
0x13: {  	[smem:$0x3FA4] =	sst s0;
	s0 =	simm.s32 @!p1 $0x0  }
0x14: {  	s2 =	sld [smem:$0x3F88];
	s0 =	simm.s32 @p1 $0x1  }
0x15: {  	[smem:$0x3FA5] =	sst s0;
	s0 =	simm.s32 @!p2 $0x0  }
0x16: {  	s3 =	sld [smem:$0x3FDB];
	s0 =	simm.s32 @p2 $0x1  }
0x17: {  	s4 =	simm.s32 $0x1BF5;
	[smem:$0x3FA7] =	sst s0  }
0x18: {  	s0 =	sld [smem:$0x3F8A];
	_ =	swait.ge [sflag:s4], $0x0  }
0x19: {  	s7 =	sld [smem:$0x3F8B]  }
0x1a: {  	s8 =	sadd.s32 $0xFFFFE003, lr  }
0x1b: {  	s9 =	sadd.s32 $0xFFFFFEF7, lr;
	s5 =	simm.s32 $0xFFFFFFFF;
	p2 =	slt.u32 s8, $0xFFFFF086  }
0x1c: {  	p1 =	slt.u32 s9, $0xF7A;
	s5 =	simm.s32 @!p2 $0x0  }
0x1d: {  	s5 =	simm.s32 @p1 $0x1;
	p0 =	seq.s32 s7, s2  }
0x1e: {  	s7 =	smul.u32 @!p0 $0xF7A, s2;
	p2 =	seq.s32 @!p0 s5, $0x0  }
0x1f: {  	s9 =	smul.u32 $0xF7A, s1;
	s8 =	simm.s32 @!p0 $0x1BF5;
	p2 =	por !p2, p0  }
0x20: {  	[sflag:s8] =	ssyncset.s32 @!p0 $0xFFFFF086;
	s6 =	sadd.s32 @!p0 s3, s7;
	s7 =	simm.s32 @!p0 $0x108  }
0x21: {  	s3 =	sadd.s32 s3, s9;
	s6 =	sadd.s32 @!p0 $0x88, s6;
	s7 =	simm.s32 @p2 $0x1082  }
0x22: {  	[simem:s7], [sflag:s8] =	dma.local @!p0 [hbm:s6], $0xF7A  }
0x23: {  	s9 =	sor.u32 $0xD0000000, s2;
	s6 =	simm.s32 $0x108;
	_ =	swait.ge @!p0 [sflag:s8], $0x0  }
0x24: {  	s3 =	sadd.s32 $0x88, s3;
	s6 =	simm.s32 @!p1 $0x1082;
	[sflag:s4] =	ssyncset.s32 $0xFFFFF086  }
0x25: {  	[simem:s6], [sflag:s4] =	dma.local [hbm:s3], $0xF7A  }
0x26: {  	[smem:$0x3F8B] =	sst s1;
	(tag) =	ssettag s2;
	_ =	strace s9  }
0x27: {  	s1 =	sld [smem:$0x3F9B]  }
0x28: {  	s2 =	sld [smem:$0x3F9C]  }
0x29: {  	s4 =	sld [smem:$0x3F9E]  }
0x2a: {  	p0 =	seq.s32 s5, $0x0;
	s5 =	sld [smem:$0x3F9F]  }
0x2b: {  	s6 =	sld [smem:$0x3FA0]  }
0x2c: {  	s7 =	sld [smem:$0x3FA1]  }
0x2d: {  	s3 =	simm.s32 $0x108;
	s8 =	sld [smem:$0x3FA2]  }
0x2e: {  	s3 =	simm.s32 @!p0 $0x1082;
	s9 =	sld [smem:$0x3FA3]  }
0x2f: {  	lr =	sadd.s32 s0, s3;
	s0 =	sld [smem:$0x3F9A]  }
0x30: {  	s3 =	sld [smem:$0x3F9D]  }
0x31: {  	[smem:$0x3FA6] =	sst s10  }
0x32: {  	s10 =	sld [smem:$0x3FA4];
	_ =	sdelay $0x3  }
0x33: {  	p0 =	seq.s32 s10, $0x1;
	s10 =	sld [smem:$0x3FA6];
	_ =	sdelay $0x3  }
0x34: {  	[smem:$0x3FA6] =	sst s10  }
0x35: {  	s10 =	sld [smem:$0x3FA5];
	_ =	sdelay $0x3  }
0x36: {  	p1 =	seq.s32 s10, $0x1;
	s10 =	sld [smem:$0x3FA6];
	_ =	sdelay $0x3  }
0x37: {  	[smem:$0x3FA6] =	sst s10  }
0x38: {  	s10 =	sld [smem:$0x3FA7]  }
0x39: {  	_ = 	snop;
	(pc) =	sbr.ind lr, $3  }
0x3a: {  	_ = 	snop  }
0x3b: {  	_ = 	snop  }
0x3c: {  	p2 =	seq.s32 s10, $0x1;
	s10 =	sld [smem:$0x3FA6]  }
0x3d: {  	_ =	shalt  }
0x3e: {  	_ =	shalt  }
0x3f: {  	_ =	shalt  }
0x40: {  	_ =	shalt  }
0x41: {  	_ =	shalt  }
0x42: {  	_ =	shalt  }
0x43: {  	_ =	shalt  }
0x44: {  	_ =	shalt  }
0x45: {  	_ =	shalt  }
0x46: {  	_ =	shalt  }
0x47: {  	_ =	shalt  }
0x48: {  	_ =	shalt  }
0x49: {  	_ =	shalt  }
0x4a: {  	_ =	shalt  }
0x4b: {  	_ =	shalt  }
0x4c: {  	_ =	shalt  }
0x4d: {  	_ =	shalt  }
0x4e: {  	_ =	shalt  }
0x4f: {  	_ =	shalt  }
0x50: {  	_ =	shalt  }
0x51: {  	_ =	shalt  }
0x52: {  	_ =	shalt  }
0x53: {  	_ =	shalt  }
0x54: {  	_ =	shalt  }
0x55: {  	_ =	shalt  }
0x56: {  	_ =	shalt  }
0x57: {  	_ =	shalt  }
0x58: {  	_ =	shalt  }
0x59: {  	_ =	shalt  }
0x5a: {  	_ =	shalt  }
0x5b: {  	_ =	shalt  }
0x5c: {  	_ =	shalt  }
0x5d: {  	_ =	shalt  }
0x5e: {  	_ =	shalt  }
0x5f: {  	_ =	shalt  }
0x60: {  	_ =	shalt  }
0x61: {  	_ =	shalt  }
0x62: {  	_ =	shalt  }
0x63: {  	_ =	shalt  }
0x64: {  	_ =	shalt  }
0x65: {  	_ =	shalt  }
0x66: {  	_ =	shalt  }
0x67: {  	_ =	shalt  }
0x68: {  	_ =	shalt  }
0x69: {  	_ =	shalt  }
0x6a: {  	_ =	shalt  }
0x6b: {  	_ =	shalt  }
0x6c: {  	_ =	shalt  }
0x6d: {  	_ =	shalt  }
0x6e: {  	_ =	shalt  }
0x6f: {  	_ =	shalt  }
0x70: {  	_ =	shalt  }
0x71: {  	_ =	shalt  }
0x72: {  	_ =	shalt  }
0x73: {  	_ =	shalt  }
0x74: {  	_ =	shalt  }
0x75: {  	_ =	shalt  }
0x76: {  	_ =	shalt  }
0x77: {  	_ =	shalt  }
0x78: {  	_ =	shalt  }
0x79: {  	_ =	shalt  }
0x7a: {  	_ =	shalt  }
0x7b: {  	_ =	shalt  }
0x7c: {  	_ =	shalt  }
0x7d: {  	_ =	shalt  }
0x7e: {  	_ =	shalt  }
0x7f: {  	_ =	shalt  }
0x80: {  	_ =	shalt  }
0x81: {  	_ =	shalt  }
0x82: {  	_ =	shalt  }
0x83: {  	_ =	shalt  }
0x84: {  	_ =	shalt  }
0x85: {  	_ =	shalt  }
0x86: {  	_ =	shalt  }
0x87: {  	_ =	shalt  }
.Lfunc_end0:
.L_simem_size_0:
called_computation.2_lowered:
.L_overlay_start_0:
0x88: {  	s2 =	sld [smem:$0x3FD9]  }
0x89: {  	s3 =	sld [smem:$0x3FFE];
	_ =	sdelay $0x1  }
0x8a: {  	s1 =	srdreg.scid  }
0x8b: {  	s0 =	sand.u32 $0x1, s1  }
0x8c: {  	s16 =	sshll.u32 s0, $0xA;
	s2 =	sadd.s32 s3, s2  }
0x8d: {  	s2 =	sadd.s32 s2, s16  }
0x8e: {  	[smem:$0x3FB2] =	sst s2  }
0x8f: {  	_ = 	snop  }
0x90: {  	(tm) =	ssettm $0x1  }
0x91: {  	s17 =	sld [smem:$0x3FFB];
	_ =	sdelay $0x3  }
0x92: {  	_ =	strace s17  }
0x93: {  	s2 =	sld [smem:$0x3FFC];
	_ =	sdelay $0x3  }
0x94: {  	_ =	strace s2  }
0x95: {  	s2 =	sld [smem:$0x3FFD];
	_ =	sdelay $0x3  }
0x96: {  	_ =	strace s2  }
0x97: {  	_ =	strace $0x8FFFFFFF  }
0x98: {  	s18 =	sld [smem:$0x3FDB];
	_ =	sdelay $0x1  }
0x99: {  	s19 =	simm.s32 $_scs_section_size  }
0x9a: {  	s4 =	simm.s32 $_size__tile_overlayer_lowered;
	s5 =	simm.s32 $_tile_overlayer_lowered  }
0x9b: {  	s22 =	simm.s32 $0x1BFF;
	s21 =	sshll.u32 s5, $0x1;
	s2 =	sadd.s32 s19, s18  }
0x9c: {  	s6 =	simm.s32 $0x0;
	s20 =	sshll.u32 s4, $0x1;
	s4 =	sadd.s32 s21, s2  }
0x9d: {  	[timem:s6], [sflag:s22] =	dma.local [hbm:s4], s20  }
0x9e: {  	_ =	swait.ge [sflag:s22], s20  }
0x9f: {  	s3 =	ssub.s32 $0x0, s20;
	[sflag:s22] =	ssyncset.done $0x0  }
0xa0: {  	[sflag:s22] =	ssyncadd.s32 s3;
	_ =	sdelay $0x1  }
0xa1: {  	s23 =	simm.s32 $0x1B8B  }
0xa2: {  	_ =	swait.ge [sflag:s23], $0x1  }
0xa3: {  	[sflag:s23] =	ssyncset.done $0x0  }
0xa4: {  	s25 =	simm.s32 $0x1B8E;
	s24 =	sld [smem:$0x3FFE];
	[sflag:s23] =	ssyncadd.s32 $0xFFFFFFFF  }
0xa5: {  	s26 =	simm.s32 $execute0_lowered;
	[smem:$0x3FD2] =	sst s25  }
0xa6: {  	s4 =	sshll.u32 s26, $0x1;
	_ =	strace $0x8000004C;
	[dreg:$0x1] =	wrdreg $0xFFFFFFFF  }
0xa7: {  	s28 =	simm.s32 $_size_execute0_lowered;
	s2 =	sadd.s32 s2, s4;
	[dreg:$0x0] =	wrdreg $0x0  }
0xa8: {  	s4 =	sshll.u32 s28, $0x1;
	[dreg:$0x2] =	wrdreg s2  }
0xa9: {  	[dreg:$0x3] =	wrdreg s4  }
0xaa: {  	[dreg:$0x4] =	wrdreg $0xC0  }
0xab: {  	_ =	task [dreg:s6], $0x5FFFF  }
0xac: {  	[dreg:$0x1] =	wrdreg $0xFFFFFFFF  }
0xad: {  	[dreg:$0x0] =	wrdreg $0x60  }
0xae: {  	[dreg:$0x2] =	wrdreg s24  }
0xaf: {  	[dreg:$0x3] =	wrdreg $0x9  }
0xb0: {  	_ =	task.clear_ibuf [dreg:s6], $0x4FFFF;
	_ =	strace $0x9000004C  }
0xb1: {  	s29 =	simm.s32 $0x9;
	_ =	strace $0x8000004E  }
0xb2: {  	_ =	swait.ge [sflag:s29], $0x1  }
0xb3: {  	[sflag:s29] =	ssyncadd.s32 $0xFFFFFFFF  }
0xb4: {  	_ =	strace $0x9000004E  }
0xb5: {  	_ =	sfence  }
0xb6: {  	s30 =	sld [smem:$0x0];
	_ =	sdelay $0x2  }
0xb7: {  	s31 =	sshll.u32 s1, $0xD;
	s1 =	sshrl.u32 s1, $0x2  }
0xb8: {  	s3 =	sand.u32 $0x4000, s31;
	s1 =	sadd.s32 s1, s30  }
0xb9: {  	s0 =	sor.u32 s3, s0;
	s1 =	sshll.u32 s1, $0x11  }
0xba: {  	s0 =	sor.u32 s1, s0  }
0xbb: {  	s0 =	sadd.s32 $0x8F2B, s0  }
0xbc: {  	[sflag:s0] =	ssyncadd.remote.s32 $0x1  }
0xbd: {  	_ =	sfence.sel $0xFFFF  }
0xbe: {  	[dreg:$0x0] =	wrdreg $0xFFFFFFFF;
	(pc) =	sbr.abs _section_cstart, $3  }
0xbf: {  	[dreg:$0x1] =	wrdreg $0xFFFFFFFF  }
0xc0: {  	_ =	task.clear_ibuf [dreg:s6], $0x2FFFF;
	_ =	strace $0x9FFFFFFF  }
0xc1: {  	(tm) =	ssettm $0x7FFFFFFF  }
tec
execute0_lowered:
.L_overlay_start_1:
0x0: {  	(tag) =	ssettag $0x1  }
0x1: {  	s6 =	rddreg [dreg:$0x0]  }
0x2: {  	s1 =	srdreg.scid;
	s0 =	rddreg [dreg:$0x1];
	s2 =	simm.s32 $0x0  }
0x3: {  	s14 =	simm.s32 $0x1;
	s15 =	simm.s32 $0x18F00;
	s5 =	sand.u32 $0x1, s1  }
0x4: {  	s16 =	simm.s32 $0x19B00;
	s1 =	stileid.u32;
	s3 =	sshll.u32 s5, $0x4  }
0x5: {  	s17 =	simm.s32 $0x2;
	s18 =	simm.s32 $0xC380;
	s7 =	sor.u32 s1, s3  }
0x6: {  	s19 =	simm.s32 $0x3;
	s20 =	simm.s32 $0x4;
	s8 =	smul.u32 $0x1870, s7  }
0x7: {  	s21 =	simm.s32 $0x0;
	[smem:$0x7FF] =	sst s2;
	s9 =	smul.u32 $0x190, s7  }
0x8: {  	s4 =	sadd.s32 $0x12EC00, s6;
	s10 =	ssub.s32 $0x2, s5;
	s11 =	smul.u32 $0x3200, s7  }
0x9: {  	_ =	strace $0x8000004D;
	s12 =	sshrl.u32 s10, $0x1;
	s7 =	smul.u32 $0x1900, s7  }
0xa: {  	s5 =	sadd.s32 $0x3E00, s6;
	s3 =	sadd.s32 $0x160C00, s6;
	s12 =	ssub.s32 s10, s12  }
0xb: {  	s13 =	sadd.s32 s8, s6;
	s6 =	sadd.s32 s3, s11;
	s7 =	sadd.s32 s4, s7  }
0xc: {  	s8 =	sor.u32 $0x8, s9;
	s9 =	sadd.s32 $0x10, s9;
	s11 =	smax.u32 s12, $0x1  }
0xd: {  	v0 =	vimm.f32 $0.0e+00;
	s12 =	simm.s32 $0x18700;
	s10 =	sadd.s32 $0x5800, s13;
	s13 =	simm.s32 $0x19700  }
.LBB2_1:
0xe: {  	[tilespmem:s2], [sflag:$0x1] =	stream.linear.gather [hbm4b:s5+s2], $0xC380, $0x38;
	[tilespmem:$0x19F00] =	vst v63  }
0xf: {  	_ = 	snop  }
0x10: {  	[tilespmem:s12], [sflag:$0x2] =	stream.linear.gather [hbm4b:s6+s2], $0x800, $0x38;
	[tilespmem:$0x19F00] =	vst v63  }
0x11: {  	s22 =	simm.s32 $0x40;
	s23 =	simm.s32 $0x0  }
0x12: {  	[tilespmem:s13], [sflag:$0x2] =	stream.linear.gather [hbm4b:s7+s2], $0x400, $0x38;
	[tilespmem:$0x19F00] =	vst v63  }
.LBB2_2:
0x13: {  	p0 =	sne.s32 s22, $0x30DC0;
	[tilespmem:s23+$0xC380] =	vst v0;
	s23 =	smov.u32 s22;
	s22 =	sadd.s32 $0x40, s22  }
.Ltmp0:
0x14: {  	(pc) =	sbr.rel @p0 .LBB2_2-.Ltmp0, $2  }
0x15: {  	_ =	sdelay $0x2  }
0x16: {  	s23 =	sshra.s32 s23, $0x2  }
0x17: {  	[tilespmem:s23+$0xC380] =	vst v0  }
0x18: {  	_ =	swait.ge [sflag:s14], $0xC380  }
0x19: {  	[sflag:s14] =	ssyncset.done $0x0  }
0x1a: {  	s22 =	simm.s32 $0x0;
	s23 =	simm.s32 $0x0;
	[sflag:s14] =	ssyncadd.s32 $0xFFFF3C80  }
.LBB2_4:
0x1b: {  	s24 =	sshll.u32 s23, $0x4  }
0x1c: {  	s25 =	sadd.s32 s8, s24  }
0x1d: {  	s26 =	sshll.u32 s25, $0x5  }
0x1e: {  	s26 =	sand.u32 $0x1FFFFF00, s26  }
0x1f: {  	s25 =	sshll.u32 s25, $0x4;
	s26 =	sadd.s32 s3, s26  }
0x20: {  	[tilespmem:s15], [sflag:$0x3] =	stream.linear.gather [hbm4b:s26+s22], $0x800, $0x38;
	[tilespmem:$0x19F00] =	vst v63  }
0x21: {  	s25 =	sadd.s32 s4, s25  }
0x22: {  	[tilespmem:s16], [sflag:$0x3] =	stream.linear.gather [hbm4b:s25+s22], $0x400, $0x38;
	[tilespmem:$0x19F00] =	vst v63  }
0x23: {  	_ =	swait.ge [sflag:s17], $0x800  }
0x24: {  	[sflag:s17] =	ssyncset.done $0x0  }
0x25: {  	[sflag:s17] =	ssyncadd.s32 $0xFFFFF800  }
0x26: {  	_ =	swait.ge [sflag:s17], $0x400  }
0x27: {  	[sflag:s17] =	ssyncset.done $0x0  }
0x28: {  	s26 =	simm.s32 $0x0;
	s25 =	simm.s32 $0x18800;
	[sflag:s17] =	ssyncadd.s32 $0xFFFFFC00  }
.LBB2_5:
0x29: {  	v1 =	vld [tilespmem:s25+$0xFFFFFF00];
	_ =	sdelay $0x5  }
0x2a: {  	v2 =	vld [tilespmem:s25+$0xFFFFFF80];
	s28 =	sshra.s32 s26, $0x2  }
0x2b: {  	v3 =	vld [tilespmem:s28+$0x19700]  }
0x2c: {  	v1 =	vld.idx.msk [tilespmem:v1+s2+$0x0], $0xffff;
	_ =	sdelay $0x4  }
0x2d: {  	v1 =	vadd.f32 v3, v1;
	_ =	sdelay $0x1  }
0x2e: {  	[tilespmem:v2+s18+$0x0] =	vst.idx.add.f32.msk $0xffff, v1  }
0x2f: {  	v1 =	vld [tilespmem:s25+$0xFFFFFF10];
	_ =	sdelay $0x5  }
0x30: {  	v2 =	vld [tilespmem:s25+$0xFFFFFF90]  }
0x31: {  	v3 =	vld [tilespmem:s28+$0x19710]  }
0x32: {  	v1 =	vld.idx.msk [tilespmem:v1+s2+$0x0], $0xffff;
	_ =	sdelay $0x4  }
0x33: {  	v1 =	vadd.f32 v3, v1;
	_ =	sdelay $0x1  }
0x34: {  	[tilespmem:v2+s18+$0x0] =	vst.idx.add.f32.msk $0xffff, v1  }
0x35: {  	v1 =	vld [tilespmem:s25+$0xFFFFFF20];
	_ =	sdelay $0x5  }
0x36: {  	v2 =	vld [tilespmem:s25+$0xFFFFFFA0]  }
0x37: {  	v3 =	vld [tilespmem:s28+$0x19720]  }
0x38: {  	v1 =	vld.idx.msk [tilespmem:v1+s2+$0x0], $0xffff;
	_ =	sdelay $0x4  }
0x39: {  	v1 =	vadd.f32 v3, v1;
	_ =	sdelay $0x1  }
0x3a: {  	[tilespmem:v2+s18+$0x0] =	vst.idx.add.f32.msk $0xffff, v1  }
0x3b: {  	v1 =	vld [tilespmem:s25+$0xFFFFFF30];
	_ =	sdelay $0x5  }
0x3c: {  	v2 =	vld [tilespmem:s25+$0xFFFFFFB0]  }
0x3d: {  	v3 =	vld [tilespmem:s28+$0x19730]  }
0x3e: {  	v1 =	vld.idx.msk [tilespmem:v1+s2+$0x0], $0xffff;
	_ =	sdelay $0x4  }
0x3f: {  	v1 =	vadd.f32 v3, v1;
	_ =	sdelay $0x1  }
0x40: {  	[tilespmem:v2+s18+$0x0] =	vst.idx.add.f32.msk $0xffff, v1  }
0x41: {  	v1 =	vld [tilespmem:s25+$0xFFFFFF40];
	_ =	sdelay $0x5  }
0x42: {  	v2 =	vld [tilespmem:s25+$0xFFFFFFC0]  }
0x43: {  	v3 =	vld [tilespmem:s28+$0x19740]  }
0x44: {  	v1 =	vld.idx.msk [tilespmem:v1+s2+$0x0], $0xffff;
	_ =	sdelay $0x4  }
0x45: {  	v1 =	vadd.f32 v3, v1;
	_ =	sdelay $0x1  }
0x46: {  	[tilespmem:v2+s18+$0x0] =	vst.idx.add.f32.msk $0xffff, v1  }
0x47: {  	v1 =	vld [tilespmem:s25+$0xFFFFFF50];
	_ =	sdelay $0x5  }
0x48: {  	v2 =	vld [tilespmem:s25+$0xFFFFFFD0]  }
0x49: {  	v3 =	vld [tilespmem:s28+$0x19750]  }
0x4a: {  	v1 =	vld.idx.msk [tilespmem:v1+s2+$0x0], $0xffff;
	_ =	sdelay $0x4  }
0x4b: {  	v1 =	vadd.f32 v3, v1;
	_ =	sdelay $0x1  }
0x4c: {  	[tilespmem:v2+s18+$0x0] =	vst.idx.add.f32.msk $0xffff, v1  }
0x4d: {  	v1 =	vld [tilespmem:s25+$0xFFFFFF60];
	_ =	sdelay $0x5  }
0x4e: {  	v2 =	vld [tilespmem:s25+$0xFFFFFFE0]  }
0x4f: {  	v3 =	vld [tilespmem:s28+$0x19760]  }
0x50: {  	v1 =	vld.idx.msk [tilespmem:v1+s2+$0x0], $0xffff;
	_ =	sdelay $0x4  }
0x51: {  	v1 =	vadd.f32 v3, v1;
	_ =	sdelay $0x1  }
0x52: {  	[tilespmem:v2+s18+$0x0] =	vst.idx.add.f32.msk $0xffff, v1  }
0x53: {  	v1 =	vld [tilespmem:s25+$0xFFFFFF70];
	_ =	sdelay $0x5  }
0x54: {  	v2 =	vld [tilespmem:s25+$0xFFFFFFF0]  }
0x55: {  	v3 =	vld [tilespmem:s28+$0x19770]  }
0x56: {  	v1 =	vld.idx.msk [tilespmem:v1+s2+$0x0], $0xffff;
	_ =	sdelay $0x4  }
0x57: {  	v1 =	vadd.f32 v3, v1;
	_ =	sdelay $0x1  }
0x58: {  	[tilespmem:v2+s18+$0x0] =	vst.idx.add.f32.msk $0xffff, v1  }
0x59: {  	v1 =	vld [tilespmem:s25+$0x0];
	_ =	sdelay $0x5  }
0x5a: {  	v2 =	vld [tilespmem:s25+$0x80]  }
0x5b: {  	v3 =	vld [tilespmem:s28+$0x19780]  }
0x5c: {  	v1 =	vld.idx.msk [tilespmem:v1+s2+$0x0], $0xffff;
	_ =	sdelay $0x4  }
0x5d: {  	v1 =	vadd.f32 v3, v1;
	_ =	sdelay $0x1  }
0x5e: {  	[tilespmem:v2+s18+$0x0] =	vst.idx.add.f32.msk $0xffff, v1  }
0x5f: {  	v1 =	vld [tilespmem:s25+$0x10];
	_ =	sdelay $0x5  }
0x60: {  	v2 =	vld [tilespmem:s25+$0x90]  }
0x61: {  	v3 =	vld [tilespmem:s28+$0x19790]  }
0x62: {  	v1 =	vld.idx.msk [tilespmem:v1+s2+$0x0], $0xffff;
	_ =	sdelay $0x4  }
0x63: {  	v1 =	vadd.f32 v3, v1;
	_ =	sdelay $0x1  }
0x64: {  	[tilespmem:v2+s18+$0x0] =	vst.idx.add.f32.msk $0xffff, v1  }
0x65: {  	v1 =	vld [tilespmem:s25+$0x20];
	_ =	sdelay $0x5  }
0x66: {  	v2 =	vld [tilespmem:s25+$0xA0]  }
0x67: {  	v3 =	vld [tilespmem:s28+$0x197A0]  }
0x68: {  	v1 =	vld.idx.msk [tilespmem:v1+s2+$0x0], $0xffff;
	_ =	sdelay $0x4  }
0x69: {  	v1 =	vadd.f32 v3, v1;
	_ =	sdelay $0x1  }
0x6a: {  	[tilespmem:v2+s18+$0x0] =	vst.idx.add.f32.msk $0xffff, v1  }
0x6b: {  	v1 =	vld [tilespmem:s25+$0x30];
	_ =	sdelay $0x5  }
0x6c: {  	v2 =	vld [tilespmem:s25+$0xB0]  }
0x6d: {  	v3 =	vld [tilespmem:s28+$0x197B0]  }
0x6e: {  	v1 =	vld.idx.msk [tilespmem:v1+s2+$0x0], $0xffff;
	_ =	sdelay $0x4  }
0x6f: {  	v1 =	vadd.f32 v3, v1;
	_ =	sdelay $0x1  }
0x70: {  	[tilespmem:v2+s18+$0x0] =	vst.idx.add.f32.msk $0xffff, v1  }
0x71: {  	v1 =	vld [tilespmem:s25+$0x40];
	_ =	sdelay $0x5  }
0x72: {  	v2 =	vld [tilespmem:s25+$0xC0]  }
0x73: {  	v3 =	vld [tilespmem:s28+$0x197C0]  }
0x74: {  	v1 =	vld.idx.msk [tilespmem:v1+s2+$0x0], $0xffff;
	_ =	sdelay $0x4  }
0x75: {  	v1 =	vadd.f32 v3, v1;
	_ =	sdelay $0x1  }
0x76: {  	[tilespmem:v2+s18+$0x0] =	vst.idx.add.f32.msk $0xffff, v1  }
0x77: {  	v1 =	vld [tilespmem:s25+$0x50];
	_ =	sdelay $0x5  }
0x78: {  	v2 =	vld [tilespmem:s25+$0xD0]  }
0x79: {  	v3 =	vld [tilespmem:s28+$0x197D0]  }
0x7a: {  	v1 =	vld.idx.msk [tilespmem:v1+s2+$0x0], $0xffff;
	_ =	sdelay $0x4  }
0x7b: {  	v1 =	vadd.f32 v3, v1;
	_ =	sdelay $0x1  }
0x7c: {  	[tilespmem:v2+s18+$0x0] =	vst.idx.add.f32.msk $0xffff, v1  }
0x7d: {  	v1 =	vld [tilespmem:s25+$0x60];
	_ =	sdelay $0x5  }
0x7e: {  	v2 =	vld [tilespmem:s25+$0xE0]  }
0x7f: {  	v3 =	vld [tilespmem:s28+$0x197E0]  }
0x80: {  	v1 =	vld.idx.msk [tilespmem:v1+s2+$0x0], $0xffff;
	_ =	sdelay $0x4  }
0x81: {  	v1 =	vadd.f32 v3, v1;
	_ =	sdelay $0x1  }
0x82: {  	[tilespmem:v2+s18+$0x0] =	vst.idx.add.f32.msk $0xffff, v1  }
0x83: {  	v1 =	vld [tilespmem:s25+$0x70];
	_ =	sdelay $0x5  }
0x84: {  	v2 =	vld [tilespmem:s25+$0xF0]  }
0x85: {  	v3 =	vld [tilespmem:s28+$0x197F0]  }
0x86: {  	v1 =	vld.idx.msk [tilespmem:v1+s2+$0x0], $0xffff;
	_ =	sdelay $0x1  }
0x87: {  	p0 =	sne.s32 s26, $0xC00  }
.Ltmp1:
0x88: {  	_ = 	snop;
	(pc) =	sbr.rel @p0 .LBB2_5-.Ltmp1, $3  }
0x89: {  	_ = 	snop  }
0x8a: {  	v1 =	vadd.f32 v3, v1;
	_ =	sdelay $0x1  }
0x8b: {  	s26 =	sadd.s32 $0x400, s26;
	s25 =	sadd.s32 $0x200, s25;
	[tilespmem:v2+s18+$0x0] =	vst.idx.add.f32.msk $0xffff, v1  }
0x8c: {  	p0 =	seq.s32 s23, $0x18  }
0x8d: {  	s24 =	sadd.s32 @!p0 s24, s9  }
0x8e: {  	s25 =	sshll.u32 @!p0 s24, $0x5  }
0x8f: {  	s26 =	simm.s32 @!p0 $0x0;
	s25 =	sand.u32 @!p0 $0x1FFFFE00, s25  }
0x90: {  	s28 =	simm.s32 @!p0 $0x18700;
	s24 =	sshll.u32 @!p0 s24, $0x4;
	s25 =	sadd.s32 @!p0 s3, s25  }
0x91: {  	[tilespmem:s28], [sflag:$0x2] =	stream.linear.gather @!p0 [hbm4b:s25+s26], $0x800, $0x38;
	[tilespmem:$0x19F00] =	vst v63  }
0x92: {  	s24 =	sadd.s32 @!p0 s4, s24;
	s25 =	simm.s32 @!p0 $0x19700  }
0x93: {  	[tilespmem:s25], [sflag:$0x2] =	stream.linear.gather @!p0 [hbm4b:s24+s26], $0x400, $0x38;
	[tilespmem:$0x19F00] =	vst v63  }
0x94: {  	_ =	swait.ge [sflag:s19], $0x800  }
0x95: {  	[sflag:s19] =	ssyncset.done $0x0  }
0x96: {  	[sflag:s19] =	ssyncadd.s32 $0xFFFFF800  }
0x97: {  	_ =	swait.ge [sflag:s19], $0x400  }
0x98: {  	[sflag:s19] =	ssyncset.done $0x0  }
0x99: {  	s24 =	simm.s32 $0x0;
	s25 =	simm.s32 $0x190F0;
	[sflag:s19] =	ssyncadd.s32 $0xFFFFFC00  }
.LBB2_7:
0x9a: {  	v1 =	vld [tilespmem:s25+$0xFFFFFE10];
	_ =	sdelay $0x5  }
0x9b: {  	v2 =	vld [tilespmem:s25+$0xFFFFFE90];
	s26 =	sshra.s32 s24, $0x2  }
0x9c: {  	v3 =	vld [tilespmem:s26+$0x19B00]  }
0x9d: {  	v1 =	vld.idx.msk [tilespmem:v1+s2+$0x0], $0xffff;
	_ =	sdelay $0x4  }
0x9e: {  	v1 =	vadd.f32 v3, v1;
	_ =	sdelay $0x1  }
0x9f: {  	[tilespmem:v2+s18+$0x0] =	vst.idx.add.f32.msk $0xffff, v1  }
0xa0: {  	v1 =	vld [tilespmem:s25+$0xFFFFFE20];
	_ =	sdelay $0x5  }
0xa1: {  	v2 =	vld [tilespmem:s25+$0xFFFFFEA0]  }
0xa2: {  	v3 =	vld [tilespmem:s26+$0x19B10]  }
0xa3: {  	v1 =	vld.idx.msk [tilespmem:v1+s2+$0x0], $0xffff;
	_ =	sdelay $0x4  }
0xa4: {  	v1 =	vadd.f32 v3, v1;
	_ =	sdelay $0x1  }
0xa5: {  	[tilespmem:v2+s18+$0x0] =	vst.idx.add.f32.msk $0xffff, v1  }
0xa6: {  	v1 =	vld [tilespmem:s25+$0xFFFFFE30];
	_ =	sdelay $0x5  }
0xa7: {  	v2 =	vld [tilespmem:s25+$0xFFFFFEB0]  }
0xa8: {  	v3 =	vld [tilespmem:s26+$0x19B20]  }
0xa9: {  	v1 =	vld.idx.msk [tilespmem:v1+s2+$0x0], $0xffff;
	_ =	sdelay $0x4  }
0xaa: {  	v1 =	vadd.f32 v3, v1;
	_ =	sdelay $0x1  }
0xab: {  	[tilespmem:v2+s18+$0x0] =	vst.idx.add.f32.msk $0xffff, v1  }
0xac: {  	v1 =	vld [tilespmem:s25+$0xFFFFFE40];
	_ =	sdelay $0x5  }
0xad: {  	v2 =	vld [tilespmem:s25+$0xFFFFFEC0]  }
0xae: {  	v3 =	vld [tilespmem:s26+$0x19B30]  }
0xaf: {  	v1 =	vld.idx.msk [tilespmem:v1+s2+$0x0], $0xffff;
	_ =	sdelay $0x4  }
0xb0: {  	v1 =	vadd.f32 v3, v1;
	_ =	sdelay $0x1  }
0xb1: {  	[tilespmem:v2+s18+$0x0] =	vst.idx.add.f32.msk $0xffff, v1  }
0xb2: {  	v1 =	vld [tilespmem:s25+$0xFFFFFE50];
	_ =	sdelay $0x5  }
0xb3: {  	v2 =	vld [tilespmem:s25+$0xFFFFFED0]  }
0xb4: {  	v3 =	vld [tilespmem:s26+$0x19B40]  }
0xb5: {  	v1 =	vld.idx.msk [tilespmem:v1+s2+$0x0], $0xffff;
	_ =	sdelay $0x4  }
0xb6: {  	v1 =	vadd.f32 v3, v1;
	_ =	sdelay $0x1  }
0xb7: {  	[tilespmem:v2+s18+$0x0] =	vst.idx.add.f32.msk $0xffff, v1  }
0xb8: {  	v1 =	vld [tilespmem:s25+$0xFFFFFE60];
	_ =	sdelay $0x5  }
0xb9: {  	v2 =	vld [tilespmem:s25+$0xFFFFFEE0]  }
0xba: {  	v3 =	vld [tilespmem:s26+$0x19B50]  }
0xbb: {  	v1 =	vld.idx.msk [tilespmem:v1+s2+$0x0], $0xffff;
	_ =	sdelay $0x4  }
0xbc: {  	v1 =	vadd.f32 v3, v1;
	_ =	sdelay $0x1  }
0xbd: {  	[tilespmem:v2+s18+$0x0] =	vst.idx.add.f32.msk $0xffff, v1  }
0xbe: {  	v1 =	vld [tilespmem:s25+$0xFFFFFE70];
	_ =	sdelay $0x5  }
0xbf: {  	v2 =	vld [tilespmem:s25+$0xFFFFFEF0]  }
0xc0: {  	v3 =	vld [tilespmem:s26+$0x19B60]  }
0xc1: {  	v1 =	vld.idx.msk [tilespmem:v1+s2+$0x0], $0xffff;
	_ =	sdelay $0x4  }
0xc2: {  	v1 =	vadd.f32 v3, v1;
	_ =	sdelay $0x1  }
0xc3: {  	[tilespmem:v2+s18+$0x0] =	vst.idx.add.f32.msk $0xffff, v1  }
0xc4: {  	v1 =	vld [tilespmem:s25+$0xFFFFFE80];
	_ =	sdelay $0x5  }
0xc5: {  	v2 =	vld [tilespmem:s25+$0xFFFFFF00]  }
0xc6: {  	v3 =	vld [tilespmem:s26+$0x19B70]  }
0xc7: {  	v1 =	vld.idx.msk [tilespmem:v1+s2+$0x0], $0xffff;
	_ =	sdelay $0x4  }
0xc8: {  	v1 =	vadd.f32 v3, v1;
	_ =	sdelay $0x1  }
0xc9: {  	[tilespmem:v2+s18+$0x0] =	vst.idx.add.f32.msk $0xffff, v1  }
0xca: {  	v1 =	vld [tilespmem:s25+$0xFFFFFF10];
	_ =	sdelay $0x5  }
0xcb: {  	v2 =	vld [tilespmem:s25+$0xFFFFFF90]  }
0xcc: {  	v3 =	vld [tilespmem:s26+$0x19B80]  }
0xcd: {  	v1 =	vld.idx.msk [tilespmem:v1+s2+$0x0], $0xffff;
	_ =	sdelay $0x4  }
0xce: {  	v1 =	vadd.f32 v3, v1;
	_ =	sdelay $0x1  }
0xcf: {  	[tilespmem:v2+s18+$0x0] =	vst.idx.add.f32.msk $0xffff, v1  }
0xd0: {  	v1 =	vld [tilespmem:s25+$0xFFFFFF20];
	_ =	sdelay $0x5  }
0xd1: {  	v2 =	vld [tilespmem:s25+$0xFFFFFFA0]  }
0xd2: {  	v3 =	vld [tilespmem:s26+$0x19B90]  }
0xd3: {  	v1 =	vld.idx.msk [tilespmem:v1+s2+$0x0], $0xffff;
	_ =	sdelay $0x4  }
0xd4: {  	v1 =	vadd.f32 v3, v1;
	_ =	sdelay $0x1  }
0xd5: {  	[tilespmem:v2+s18+$0x0] =	vst.idx.add.f32.msk $0xffff, v1  }
0xd6: {  	v1 =	vld [tilespmem:s25+$0xFFFFFF30];
	_ =	sdelay $0x5  }
0xd7: {  	v2 =	vld [tilespmem:s25+$0xFFFFFFB0]  }
0xd8: {  	v3 =	vld [tilespmem:s26+$0x19BA0]  }
0xd9: {  	v1 =	vld.idx.msk [tilespmem:v1+s2+$0x0], $0xffff;
	_ =	sdelay $0x4  }
0xda: {  	v1 =	vadd.f32 v3, v1;
	_ =	sdelay $0x1  }
0xdb: {  	[tilespmem:v2+s18+$0x0] =	vst.idx.add.f32.msk $0xffff, v1  }
0xdc: {  	v1 =	vld [tilespmem:s25+$0xFFFFFF40];
	_ =	sdelay $0x5  }
0xdd: {  	v2 =	vld [tilespmem:s25+$0xFFFFFFC0]  }
0xde: {  	v3 =	vld [tilespmem:s26+$0x19BB0]  }
0xdf: {  	v1 =	vld.idx.msk [tilespmem:v1+s2+$0x0], $0xffff;
	_ =	sdelay $0x4  }
0xe0: {  	v1 =	vadd.f32 v3, v1;
	_ =	sdelay $0x1  }
0xe1: {  	[tilespmem:v2+s18+$0x0] =	vst.idx.add.f32.msk $0xffff, v1  }
0xe2: {  	v1 =	vld [tilespmem:s25+$0xFFFFFF50];
	_ =	sdelay $0x5  }
0xe3: {  	v2 =	vld [tilespmem:s25+$0xFFFFFFD0]  }
0xe4: {  	v3 =	vld [tilespmem:s26+$0x19BC0]  }
0xe5: {  	v1 =	vld.idx.msk [tilespmem:v1+s2+$0x0], $0xffff;
	_ =	sdelay $0x4  }
0xe6: {  	v1 =	vadd.f32 v3, v1;
	_ =	sdelay $0x1  }
0xe7: {  	[tilespmem:v2+s18+$0x0] =	vst.idx.add.f32.msk $0xffff, v1  }
0xe8: {  	v1 =	vld [tilespmem:s25+$0xFFFFFF60];
	_ =	sdelay $0x5  }
0xe9: {  	v2 =	vld [tilespmem:s25+$0xFFFFFFE0]  }
0xea: {  	v3 =	vld [tilespmem:s26+$0x19BD0]  }
0xeb: {  	v1 =	vld.idx.msk [tilespmem:v1+s2+$0x0], $0xffff;
	_ =	sdelay $0x4  }
0xec: {  	v1 =	vadd.f32 v3, v1;
	_ =	sdelay $0x1  }
0xed: {  	[tilespmem:v2+s18+$0x0] =	vst.idx.add.f32.msk $0xffff, v1  }
0xee: {  	v1 =	vld [tilespmem:s25+$0xFFFFFF70];
	_ =	sdelay $0x5  }
0xef: {  	v2 =	vld [tilespmem:s25+$0xFFFFFFF0]  }
0xf0: {  	v3 =	vld [tilespmem:s26+$0x19BE0]  }
0xf1: {  	v1 =	vld.idx.msk [tilespmem:v1+s2+$0x0], $0xffff;
	_ =	sdelay $0x4  }
0xf2: {  	v1 =	vadd.f32 v3, v1;
	_ =	sdelay $0x1  }
0xf3: {  	[tilespmem:v2+s18+$0x0] =	vst.idx.add.f32.msk $0xffff, v1  }
0xf4: {  	v1 =	vld [tilespmem:s25+$0xFFFFFF80];
	_ =	sdelay $0x5  }
0xf5: {  	v2 =	vld [tilespmem:s25+$0x0]  }
0xf6: {  	v3 =	vld [tilespmem:s26+$0x19BF0]  }
0xf7: {  	v1 =	vld.idx.msk [tilespmem:v1+s2+$0x0], $0xffff;
	_ =	sdelay $0x1  }
0xf8: {  	p0 =	sne.s32 s24, $0xC00  }
.Ltmp2:
0xf9: {  	_ = 	snop;
	(pc) =	sbr.rel @p0 .LBB2_7-.Ltmp2, $3  }
0xfa: {  	_ = 	snop  }
0xfb: {  	v1 =	vadd.f32 v3, v1;
	_ =	sdelay $0x1  }
0xfc: {  	s24 =	sadd.s32 $0x400, s24;
	s25 =	sadd.s32 $0x200, s25;
	[tilespmem:v2+s18+$0x0] =	vst.idx.add.f32.msk $0xffff, v1  }
0xfd: {  	s23 =	sadd.s32 $0x1, s23  }
0xfe: {  	p0 =	sne.s32 s23, $0x19  }
.Ltmp3:
0xff: {  	_ = 	snop;
	(pc) =	sbr.rel @p0 .LBB2_4-.Ltmp3, $1  }
0x100: {  	_ =	sdelay $0x3  }
0x101: {  	s21 =	sadd.s32 $0x1, s21  }
0x102: {  	p0 =	sne.s32 s21, s11  }
.Ltmp4:
0x103: {  	_ = 	snop;
	(pc) =	sbr.rel @p0 .LBB2_1-.Ltmp4, $4  }
0x104: {  	[hbm4b:s10+s2] =	stream.linear.scatter [tilespmem:s18], [sflag:$0x4], $0xC380, $0x38;
	[tilespmem:$0x19F00] =	vst v63  }
0x105: {  	_ =	swait.ge [sflag:s20], $0xC380  }
0x106: {  	[sflag:s20] =	ssyncset.done $0x0  }
0x107: {  	[sflag:s20] =	ssyncadd.s32 $0xFFFF3C80  }
0x108: {  	_ =	sfence.sel $0x180000  }
0x109: {  	[bflag:$0x0] =	sbarrier.arrive $0xFFFF  }
0x10a: {  	p0 =	sne.s32 s1, $0x0;
	_ =	strace $0x9000004D  }
0x10b: {  	s0 =	sadd.s32 @!p0 $0x100000, s0;
	[bflag:$0x2] =	sbarrier.arrive $0xFFFF  }
0x10c: {  	[sflag:s0] =	ssyncadd.tile.s32 @!p0 $0x1;
	_ =	shalt  }
.Lfunc_end2:
_tile_overlayer_lowered:
.L_overlay_start_2:
0x10d: {  	(tag) =	ssettag $0x2  }
0x10e: {  	s0 =	rddreg [dreg:$0x0];
	s2 =	stileid.u32  }
0x10f: {  	s1 =	rddreg [dreg:$0x1];
	p0 =	sne.s32 s2, $0x0  }
0x110: {  	s3 =	rddreg [dreg:$0x2];
	[bflag:$0x3] =	sbarrier.arrive $0xFFFF;
	s2 =	simm.s32 @!p0 $0x1C04  }
0x111: {  	[timem:s3], [sflag:s2] =	dma.local @!p0 [hbm:s0], s1  }
0x112: {  	s0 =	simm.s32 @!p0 $0x4  }
0x113: {  	_ =	swait.ge @!p0 [sflag:s0], s1  }
0x114: {  	s1 =	ssub.s32 @!p0 $0x0, s1;
	[sflag:s0] =	ssyncset.done @!p0 $0x0  }
0x115: {  	[sflag:s0] =	ssyncadd.s32 @!p0 s1  }
0x116: {  	[bflag:$0x3] =	sbarrier.arrive $0xFFFF  }
0x117: {  	_ =	shalt  }

// kernel: kernel.20.cloned.1.call-start
scs
__scs_entry_jumppad:
0x0: {  	(pc) =	sbr.rel $0x88, $3  }
0x1: {  	(tag) =	ssettag $0x0;
	lr =	simm.s32 $0x1  }
0x2: {  	[smem:$0x3F8B] =	sst lr;
	_ =	strace $0xD0000000  }
0x3: {  	_ = 	snop  }
0x4: {  	_ = 	snop  }
0x5: {  	_ = 	snop  }
0x6: {  	_ = 	snop  }
0x7: {  	_ = 	snop  }
__scs_overlays_trampoline_lowered:
0x8: {  	[smem:$0x3F9A] =	sst s0  }
0x9: {  	[smem:$0x3F9B] =	sst s1  }
0xa: {  	[smem:$0x3F9C] =	sst s2  }
0xb: {  	[smem:$0x3F9D] =	sst s3  }
0xc: {  	[smem:$0x3F9E] =	sst s4  }
0xd: {  	[smem:$0x3F9F] =	sst s5  }
0xe: {  	[smem:$0x3FA0] =	sst s6  }
0xf: {  	[smem:$0x3FA1] =	sst s7  }
0x10: {  	[smem:$0x3FA2] =	sst s8  }
0x11: {  	[smem:$0x3FA3] =	sst s9;
	s0 =	simm.s32 @!p0 $0x0  }
0x12: {  	s1 =	sld [smem:$0x3F89];
	s0 =	simm.s32 @p0 $0x1  }
0x13: {  	[smem:$0x3FA4] =	sst s0;
	s0 =	simm.s32 @!p1 $0x0  }
0x14: {  	s2 =	sld [smem:$0x3F88];
	s0 =	simm.s32 @p1 $0x1  }
0x15: {  	[smem:$0x3FA5] =	sst s0;
	s0 =	simm.s32 @!p2 $0x0  }
0x16: {  	s3 =	sld [smem:$0x3FDB];
	s0 =	simm.s32 @p2 $0x1  }
0x17: {  	s4 =	simm.s32 $0x1BF5;
	[smem:$0x3FA7] =	sst s0  }
0x18: {  	s0 =	sld [smem:$0x3F8A];
	_ =	swait.ge [sflag:s4], $0x0  }
0x19: {  	s7 =	sld [smem:$0x3F8B]  }
0x1a: {  	s8 =	sadd.s32 $0xFFFFE003, lr  }
0x1b: {  	s9 =	sadd.s32 $0xFFFFFEF7, lr;
	s5 =	simm.s32 $0xFFFFFFFF;
	p2 =	slt.u32 s8, $0xFFFFF086  }
0x1c: {  	p1 =	slt.u32 s9, $0xF7A;
	s5 =	simm.s32 @!p2 $0x0  }
0x1d: {  	s5 =	simm.s32 @p1 $0x1;
	p0 =	seq.s32 s7, s2  }
0x1e: {  	s7 =	smul.u32 @!p0 $0xF7A, s2;
	p2 =	seq.s32 @!p0 s5, $0x0  }
0x1f: {  	s9 =	smul.u32 $0xF7A, s1;
	s8 =	simm.s32 @!p0 $0x1BF5;
	p2 =	por !p2, p0  }
0x20: {  	[sflag:s8] =	ssyncset.s32 @!p0 $0xFFFFF086;
	s6 =	sadd.s32 @!p0 s3, s7;
	s7 =	simm.s32 @!p0 $0x108  }
0x21: {  	s3 =	sadd.s32 s3, s9;
	s6 =	sadd.s32 @!p0 $0x88, s6;
	s7 =	simm.s32 @p2 $0x1082  }
0x22: {  	[simem:s7], [sflag:s8] =	dma.local @!p0 [hbm:s6], $0xF7A  }
0x23: {  	s9 =	sor.u32 $0xD0000000, s2;
	s6 =	simm.s32 $0x108;
	_ =	swait.ge @!p0 [sflag:s8], $0x0  }
0x24: {  	s3 =	sadd.s32 $0x88, s3;
	s6 =	simm.s32 @!p1 $0x1082;
	[sflag:s4] =	ssyncset.s32 $0xFFFFF086  }
0x25: {  	[simem:s6], [sflag:s4] =	dma.local [hbm:s3], $0xF7A  }
0x26: {  	[smem:$0x3F8B] =	sst s1;
	(tag) =	ssettag s2;
	_ =	strace s9  }
0x27: {  	s1 =	sld [smem:$0x3F9B]  }
0x28: {  	s2 =	sld [smem:$0x3F9C]  }
0x29: {  	s4 =	sld [smem:$0x3F9E]  }
0x2a: {  	p0 =	seq.s32 s5, $0x0;
	s5 =	sld [smem:$0x3F9F]  }
0x2b: {  	s6 =	sld [smem:$0x3FA0]  }
0x2c: {  	s7 =	sld [smem:$0x3FA1]  }
0x2d: {  	s3 =	simm.s32 $0x108;
	s8 =	sld [smem:$0x3FA2]  }
0x2e: {  	s3 =	simm.s32 @!p0 $0x1082;
	s9 =	sld [smem:$0x3FA3]  }
0x2f: {  	lr =	sadd.s32 s0, s3;
	s0 =	sld [smem:$0x3F9A]  }
0x30: {  	s3 =	sld [smem:$0x3F9D]  }
0x31: {  	[smem:$0x3FA6] =	sst s10  }
0x32: {  	s10 =	sld [smem:$0x3FA4];
	_ =	sdelay $0x3  }
0x33: {  	p0 =	seq.s32 s10, $0x1;
	s10 =	sld [smem:$0x3FA6];
	_ =	sdelay $0x3  }
0x34: {  	[smem:$0x3FA6] =	sst s10  }
0x35: {  	s10 =	sld [smem:$0x3FA5];
	_ =	sdelay $0x3  }
0x36: {  	p1 =	seq.s32 s10, $0x1;
	s10 =	sld [smem:$0x3FA6];
	_ =	sdelay $0x3  }
0x37: {  	[smem:$0x3FA6] =	sst s10  }
0x38: {  	s10 =	sld [smem:$0x3FA7]  }
0x39: {  	_ = 	snop;
	(pc) =	sbr.ind lr, $3  }
0x3a: {  	_ = 	snop  }
0x3b: {  	_ = 	snop  }
0x3c: {  	p2 =	seq.s32 s10, $0x1;
	s10 =	sld [smem:$0x3FA6]  }
0x3d: {  	_ =	shalt  }
0x3e: {  	_ =	shalt  }
0x3f: {  	_ =	shalt  }
0x40: {  	_ =	shalt  }
0x41: {  	_ =	shalt  }
0x42: {  	_ =	shalt  }
0x43: {  	_ =	shalt  }
0x44: {  	_ =	shalt  }
0x45: {  	_ =	shalt  }
0x46: {  	_ =	shalt  }
0x47: {  	_ =	shalt  }
0x48: {  	_ =	shalt  }
0x49: {  	_ =	shalt  }
0x4a: {  	_ =	shalt  }
0x4b: {  	_ =	shalt  }
0x4c: {  	_ =	shalt  }
0x4d: {  	_ =	shalt  }
0x4e: {  	_ =	shalt  }
0x4f: {  	_ =	shalt  }
0x50: {  	_ =	shalt  }
0x51: {  	_ =	shalt  }
0x52: {  	_ =	shalt  }
0x53: {  	_ =	shalt  }
0x54: {  	_ =	shalt  }
0x55: {  	_ =	shalt  }
0x56: {  	_ =	shalt  }
0x57: {  	_ =	shalt  }
0x58: {  	_ =	shalt  }
0x59: {  	_ =	shalt  }
0x5a: {  	_ =	shalt  }
0x5b: {  	_ =	shalt  }
0x5c: {  	_ =	shalt  }
0x5d: {  	_ =	shalt  }
0x5e: {  	_ =	shalt  }
0x5f: {  	_ =	shalt  }
0x60: {  	_ =	shalt  }
0x61: {  	_ =	shalt  }
0x62: {  	_ =	shalt  }
0x63: {  	_ =	shalt  }
0x64: {  	_ =	shalt  }
0x65: {  	_ =	shalt  }
0x66: {  	_ =	shalt  }
0x67: {  	_ =	shalt  }
0x68: {  	_ =	shalt  }
0x69: {  	_ =	shalt  }
0x6a: {  	_ =	shalt  }
0x6b: {  	_ =	shalt  }
0x6c: {  	_ =	shalt  }
0x6d: {  	_ =	shalt  }
0x6e: {  	_ =	shalt  }
0x6f: {  	_ =	shalt  }
0x70: {  	_ =	shalt  }
0x71: {  	_ =	shalt  }
0x72: {  	_ =	shalt  }
0x73: {  	_ =	shalt  }
0x74: {  	_ =	shalt  }
0x75: {  	_ =	shalt  }
0x76: {  	_ =	shalt  }
0x77: {  	_ =	shalt  }
0x78: {  	_ =	shalt  }
0x79: {  	_ =	shalt  }
0x7a: {  	_ =	shalt  }
0x7b: {  	_ =	shalt  }
0x7c: {  	_ =	shalt  }
0x7d: {  	_ =	shalt  }
0x7e: {  	_ =	shalt  }
0x7f: {  	_ =	shalt  }
0x80: {  	_ =	shalt  }
0x81: {  	_ =	shalt  }
0x82: {  	_ =	shalt  }
0x83: {  	_ =	shalt  }
0x84: {  	_ =	shalt  }
0x85: {  	_ =	shalt  }
0x86: {  	_ =	shalt  }
0x87: {  	_ =	shalt  }
.Lfunc_end0:
.L_simem_size_0:
called_computation.3_lowered:
.L_overlay_start_0:
0x88: {  	s2 =	sld [smem:$0x3FD9]  }
0x89: {  	s3 =	sld [smem:$0x3FFE];
	_ =	sdelay $0x1  }
0x8a: {  	s1 =	srdreg.scid  }
0x8b: {  	s0 =	sand.u32 $0x1, s1  }
0x8c: {  	s16 =	sshll.u32 s0, $0xA;
	s2 =	sadd.s32 s3, s2  }
0x8d: {  	s2 =	sadd.s32 s2, s16  }
0x8e: {  	[smem:$0x3FB2] =	sst s2  }
0x8f: {  	_ = 	snop  }
0x90: {  	(tm) =	ssettm $0x1  }
0x91: {  	s17 =	sld [smem:$0x3FFB];
	_ =	sdelay $0x3  }
0x92: {  	_ =	strace s17  }
0x93: {  	s2 =	sld [smem:$0x3FFC];
	_ =	sdelay $0x3  }
0x94: {  	_ =	strace s2  }
0x95: {  	s2 =	sld [smem:$0x3FFD];
	_ =	sdelay $0x3  }
0x96: {  	_ =	strace s2  }
0x97: {  	_ =	strace $0x8FFFFFFF  }
0x98: {  	s18 =	sld [smem:$0x3FDB];
	_ =	sdelay $0x1  }
0x99: {  	s19 =	simm.s32 $_scs_section_size  }
0x9a: {  	s4 =	simm.s32 $_size__tile_overlayer_lowered;
	s5 =	simm.s32 $_tile_overlayer_lowered  }
0x9b: {  	s22 =	simm.s32 $0x1BFF;
	s21 =	sshll.u32 s5, $0x1;
	s2 =	sadd.s32 s19, s18  }
0x9c: {  	s6 =	simm.s32 $0x0;
	s20 =	sshll.u32 s4, $0x1;
	s4 =	sadd.s32 s21, s2  }
0x9d: {  	[timem:s6], [sflag:s22] =	dma.local [hbm:s4], s20  }
0x9e: {  	_ =	swait.ge [sflag:s22], s20  }
0x9f: {  	s3 =	ssub.s32 $0x0, s20;
	[sflag:s22] =	ssyncset.done $0x0  }
0xa0: {  	[sflag:s22] =	ssyncadd.s32 s3;
	_ =	sdelay $0x1  }
0xa1: {  	s23 =	simm.s32 $0x1B8B  }
0xa2: {  	_ =	swait.ge [sflag:s23], $0x1  }
0xa3: {  	[sflag:s23] =	ssyncset.done $0x0  }
0xa4: {  	s25 =	simm.s32 $0x1B8E;
	s24 =	sld [smem:$0x3FFE];
	[sflag:s23] =	ssyncadd.s32 $0xFFFFFFFF  }
0xa5: {  	s26 =	simm.s32 $execute0_lowered;
	[smem:$0x3FD2] =	sst s25  }
0xa6: {  	s4 =	sshll.u32 s26, $0x1;
	_ =	strace $0x8000004F;
	[dreg:$0x1] =	wrdreg $0xFFFFFFFF  }
0xa7: {  	s28 =	simm.s32 $_size_execute0_lowered;
	s2 =	sadd.s32 s2, s4;
	[dreg:$0x0] =	wrdreg $0x0  }
0xa8: {  	s4 =	sshll.u32 s28, $0x1;
	[dreg:$0x2] =	wrdreg s2  }
0xa9: {  	[dreg:$0x3] =	wrdreg s4  }
0xaa: {  	[dreg:$0x4] =	wrdreg $0xC0  }
0xab: {  	_ =	task [dreg:s6], $0x5FFFF  }
0xac: {  	[dreg:$0x1] =	wrdreg $0xFFFFFFFF  }
0xad: {  	[dreg:$0x0] =	wrdreg $0x60  }
0xae: {  	[dreg:$0x2] =	wrdreg s24  }
0xaf: {  	[dreg:$0x3] =	wrdreg $0x9  }
0xb0: {  	_ =	task.clear_ibuf [dreg:s6], $0x4FFFF;
	_ =	strace $0x9000004F  }
0xb1: {  	s29 =	simm.s32 $0x9;
	_ =	strace $0x80000051  }
0xb2: {  	_ =	swait.ge [sflag:s29], $0x1  }
0xb3: {  	[sflag:s29] =	ssyncadd.s32 $0xFFFFFFFF  }
0xb4: {  	_ =	strace $0x90000051  }
0xb5: {  	_ =	sfence  }
0xb6: {  	s30 =	sld [smem:$0x0];
	_ =	sdelay $0x2  }
0xb7: {  	s31 =	sshll.u32 s1, $0xD;
	s1 =	sshrl.u32 s1, $0x2  }
0xb8: {  	s3 =	sand.u32 $0x4000, s31;
	s1 =	sadd.s32 s1, s30  }
0xb9: {  	s0 =	sor.u32 s3, s0;
	s1 =	sshll.u32 s1, $0x11  }
0xba: {  	s0 =	sor.u32 s1, s0  }
0xbb: {  	s0 =	sadd.s32 $0x8F2B, s0  }
0xbc: {  	[sflag:s0] =	ssyncadd.remote.s32 $0x1  }
0xbd: {  	_ =	sfence.sel $0xFFFF  }
0xbe: {  	[dreg:$0x0] =	wrdreg $0xFFFFFFFF;
	(pc) =	sbr.abs _section_cstart, $3  }
0xbf: {  	[dreg:$0x1] =	wrdreg $0xFFFFFFFF  }
0xc0: {  	_ =	task.clear_ibuf [dreg:s6], $0x2FFFF;
	_ =	strace $0x9FFFFFFF  }
0xc1: {  	(tm) =	ssettm $0x7FFFFFFF  }
tec
execute0_lowered:
.L_overlay_start_1:
0x0: {  	(tag) =	ssettag $0x1  }
0x1: {  	s6 =	rddreg [dreg:$0x0]  }
0x2: {  	s1 =	srdreg.scid;
	s0 =	rddreg [dreg:$0x1];
	s2 =	simm.s32 $0x0  }
0x3: {  	s14 =	simm.s32 $0x1;
	s15 =	simm.s32 $0x18F00;
	s5 =	sand.u32 $0x1, s1  }
0x4: {  	s16 =	simm.s32 $0x19B00;
	s1 =	stileid.u32;
	s3 =	sshll.u32 s5, $0x4  }
0x5: {  	s17 =	simm.s32 $0x2;
	s18 =	simm.s32 $0xC380;
	s7 =	sor.u32 s1, s3  }
0x6: {  	s19 =	simm.s32 $0x3;
	s20 =	simm.s32 $0x4;
	s8 =	smul.u32 $0x1870, s7  }
0x7: {  	s21 =	simm.s32 $0x0;
	[smem:$0x7FF] =	sst s2;
	s9 =	smul.u32 $0x190, s7  }
0x8: {  	s4 =	sadd.s32 $0x12EC00, s6;
	s10 =	ssub.s32 $0x2, s5;
	s11 =	smul.u32 $0x3200, s7  }
0x9: {  	_ =	strace $0x80000050;
	s12 =	sshrl.u32 s10, $0x1;
	s7 =	smul.u32 $0x1900, s7  }
0xa: {  	s5 =	sadd.s32 $0x3E00, s6;
	s3 =	sadd.s32 $0x160C00, s6;
	s12 =	ssub.s32 s10, s12  }
0xb: {  	s13 =	sadd.s32 s8, s6;
	s6 =	sadd.s32 s3, s11;
	s7 =	sadd.s32 s4, s7  }
0xc: {  	s8 =	sor.u32 $0x8, s9;
	s9 =	sadd.s32 $0x10, s9;
	s11 =	smax.u32 s12, $0x1  }
0xd: {  	v0 =	vimm.f32 $0.0e+00;
	s12 =	simm.s32 $0x18700;
	s10 =	sadd.s32 $0x5800, s13;
	s13 =	simm.s32 $0x19700  }
.LBB2_1:
0xe: {  	[tilespmem:s2], [sflag:$0x1] =	stream.linear.gather [hbm4b:s5+s2], $0xC380, $0x38;
	[tilespmem:$0x19F00] =	vst v63  }
0xf: {  	_ = 	snop  }
0x10: {  	[tilespmem:s12], [sflag:$0x2] =	stream.linear.gather [hbm4b:s6+s2], $0x800, $0x38;
	[tilespmem:$0x19F00] =	vst v63  }
0x11: {  	s22 =	simm.s32 $0x40;
	s23 =	simm.s32 $0x0  }
0x12: {  	[tilespmem:s13], [sflag:$0x2] =	stream.linear.gather [hbm4b:s7+s2], $0x400, $0x38;
	[tilespmem:$0x19F00] =	vst v63  }
.LBB2_2:
0x13: {  	p0 =	sne.s32 s22, $0x30DC0;
	[tilespmem:s23+$0xC380] =	vst v0;
	s23 =	smov.u32 s22;
	s22 =	sadd.s32 $0x40, s22  }
.Ltmp0:
0x14: {  	(pc) =	sbr.rel @p0 .LBB2_2-.Ltmp0, $2  }
0x15: {  	_ =	sdelay $0x2  }
0x16: {  	s23 =	sshra.s32 s23, $0x2  }
0x17: {  	[tilespmem:s23+$0xC380] =	vst v0  }
0x18: {  	_ =	swait.ge [sflag:s14], $0xC380  }
0x19: {  	[sflag:s14] =	ssyncset.done $0x0  }
0x1a: {  	s22 =	simm.s32 $0x0;
	s23 =	simm.s32 $0x0;
	[sflag:s14] =	ssyncadd.s32 $0xFFFF3C80  }
.LBB2_4:
0x1b: {  	s24 =	sshll.u32 s23, $0x4  }
0x1c: {  	s25 =	sadd.s32 s8, s24  }
0x1d: {  	s26 =	sshll.u32 s25, $0x5  }
0x1e: {  	s26 =	sand.u32 $0x1FFFFF00, s26  }
0x1f: {  	s25 =	sshll.u32 s25, $0x4;
	s26 =	sadd.s32 s3, s26  }
0x20: {  	[tilespmem:s15], [sflag:$0x3] =	stream.linear.gather [hbm4b:s26+s22], $0x800, $0x38;
	[tilespmem:$0x19F00] =	vst v63  }
0x21: {  	s25 =	sadd.s32 s4, s25  }
0x22: {  	[tilespmem:s16], [sflag:$0x3] =	stream.linear.gather [hbm4b:s25+s22], $0x400, $0x38;
	[tilespmem:$0x19F00] =	vst v63  }
0x23: {  	_ =	swait.ge [sflag:s17], $0x800  }
0x24: {  	[sflag:s17] =	ssyncset.done $0x0  }
0x25: {  	[sflag:s17] =	ssyncadd.s32 $0xFFFFF800  }
0x26: {  	_ =	swait.ge [sflag:s17], $0x400  }
0x27: {  	[sflag:s17] =	ssyncset.done $0x0  }
0x28: {  	s26 =	simm.s32 $0x0;
	s25 =	simm.s32 $0x18800;
	[sflag:s17] =	ssyncadd.s32 $0xFFFFFC00  }
.LBB2_5:
0x29: {  	v1 =	vld [tilespmem:s25+$0xFFFFFF00];
	_ =	sdelay $0x5  }
0x2a: {  	v2 =	vld [tilespmem:s25+$0xFFFFFF80];
	s28 =	sshra.s32 s26, $0x2  }
0x2b: {  	v3 =	vld [tilespmem:s28+$0x19700]  }
0x2c: {  	v1 =	vld.idx.msk [tilespmem:v1+s2+$0x0], $0xffff;
	_ =	sdelay $0x4  }
0x2d: {  	v1 =	vadd.f32 v3, v1;
	_ =	sdelay $0x1  }
0x2e: {  	[tilespmem:v2+s18+$0x0] =	vst.idx.add.f32.msk $0xffff, v1  }
0x2f: {  	v1 =	vld [tilespmem:s25+$0xFFFFFF10];
	_ =	sdelay $0x5  }
0x30: {  	v2 =	vld [tilespmem:s25+$0xFFFFFF90]  }
0x31: {  	v3 =	vld [tilespmem:s28+$0x19710]  }
0x32: {  	v1 =	vld.idx.msk [tilespmem:v1+s2+$0x0], $0xffff;
	_ =	sdelay $0x4  }
0x33: {  	v1 =	vadd.f32 v3, v1;
	_ =	sdelay $0x1  }
0x34: {  	[tilespmem:v2+s18+$0x0] =	vst.idx.add.f32.msk $0xffff, v1  }
0x35: {  	v1 =	vld [tilespmem:s25+$0xFFFFFF20];
	_ =	sdelay $0x5  }
0x36: {  	v2 =	vld [tilespmem:s25+$0xFFFFFFA0]  }
0x37: {  	v3 =	vld [tilespmem:s28+$0x19720]  }
0x38: {  	v1 =	vld.idx.msk [tilespmem:v1+s2+$0x0], $0xffff;
	_ =	sdelay $0x4  }
0x39: {  	v1 =	vadd.f32 v3, v1;
	_ =	sdelay $0x1  }
0x3a: {  	[tilespmem:v2+s18+$0x0] =	vst.idx.add.f32.msk $0xffff, v1  }
0x3b: {  	v1 =	vld [tilespmem:s25+$0xFFFFFF30];
	_ =	sdelay $0x5  }
0x3c: {  	v2 =	vld [tilespmem:s25+$0xFFFFFFB0]  }
0x3d: {  	v3 =	vld [tilespmem:s28+$0x19730]  }
0x3e: {  	v1 =	vld.idx.msk [tilespmem:v1+s2+$0x0], $0xffff;
	_ =	sdelay $0x4  }
0x3f: {  	v1 =	vadd.f32 v3, v1;
	_ =	sdelay $0x1  }
0x40: {  	[tilespmem:v2+s18+$0x0] =	vst.idx.add.f32.msk $0xffff, v1  }
0x41: {  	v1 =	vld [tilespmem:s25+$0xFFFFFF40];
	_ =	sdelay $0x5  }
0x42: {  	v2 =	vld [tilespmem:s25+$0xFFFFFFC0]  }
0x43: {  	v3 =	vld [tilespmem:s28+$0x19740]  }
0x44: {  	v1 =	vld.idx.msk [tilespmem:v1+s2+$0x0], $0xffff;
	_ =	sdelay $0x4  }
0x45: {  	v1 =	vadd.f32 v3, v1;
	_ =	sdelay $0x1  }
0x46: {  	[tilespmem:v2+s18+$0x0] =	vst.idx.add.f32.msk $0xffff, v1  }
0x47: {  	v1 =	vld [tilespmem:s25+$0xFFFFFF50];
	_ =	sdelay $0x5  }
0x48: {  	v2 =	vld [tilespmem:s25+$0xFFFFFFD0]  }
0x49: {  	v3 =	vld [tilespmem:s28+$0x19750]  }
0x4a: {  	v1 =	vld.idx.msk [tilespmem:v1+s2+$0x0], $0xffff;
	_ =	sdelay $0x4  }
0x4b: {  	v1 =	vadd.f32 v3, v1;
	_ =	sdelay $0x1  }
0x4c: {  	[tilespmem:v2+s18+$0x0] =	vst.idx.add.f32.msk $0xffff, v1  }
0x4d: {  	v1 =	vld [tilespmem:s25+$0xFFFFFF60];
	_ =	sdelay $0x5  }
0x4e: {  	v2 =	vld [tilespmem:s25+$0xFFFFFFE0]  }
0x4f: {  	v3 =	vld [tilespmem:s28+$0x19760]  }
0x50: {  	v1 =	vld.idx.msk [tilespmem:v1+s2+$0x0], $0xffff;
	_ =	sdelay $0x4  }
0x51: {  	v1 =	vadd.f32 v3, v1;
	_ =	sdelay $0x1  }
0x52: {  	[tilespmem:v2+s18+$0x0] =	vst.idx.add.f32.msk $0xffff, v1  }
0x53: {  	v1 =	vld [tilespmem:s25+$0xFFFFFF70];
	_ =	sdelay $0x5  }
0x54: {  	v2 =	vld [tilespmem:s25+$0xFFFFFFF0]  }
0x55: {  	v3 =	vld [tilespmem:s28+$0x19770]  }
0x56: {  	v1 =	vld.idx.msk [tilespmem:v1+s2+$0x0], $0xffff;
	_ =	sdelay $0x4  }
0x57: {  	v1 =	vadd.f32 v3, v1;
	_ =	sdelay $0x1  }
0x58: {  	[tilespmem:v2+s18+$0x0] =	vst.idx.add.f32.msk $0xffff, v1  }
0x59: {  	v1 =	vld [tilespmem:s25+$0x0];
	_ =	sdelay $0x5  }
0x5a: {  	v2 =	vld [tilespmem:s25+$0x80]  }
0x5b: {  	v3 =	vld [tilespmem:s28+$0x19780]  }
0x5c: {  	v1 =	vld.idx.msk [tilespmem:v1+s2+$0x0], $0xffff;
	_ =	sdelay $0x4  }
0x5d: {  	v1 =	vadd.f32 v3, v1;
	_ =	sdelay $0x1  }
0x5e: {  	[tilespmem:v2+s18+$0x0] =	vst.idx.add.f32.msk $0xffff, v1  }
0x5f: {  	v1 =	vld [tilespmem:s25+$0x10];
	_ =	sdelay $0x5  }
0x60: {  	v2 =	vld [tilespmem:s25+$0x90]  }
0x61: {  	v3 =	vld [tilespmem:s28+$0x19790]  }
0x62: {  	v1 =	vld.idx.msk [tilespmem:v1+s2+$0x0], $0xffff;
	_ =	sdelay $0x4  }
0x63: {  	v1 =	vadd.f32 v3, v1;
	_ =	sdelay $0x1  }
0x64: {  	[tilespmem:v2+s18+$0x0] =	vst.idx.add.f32.msk $0xffff, v1  }
0x65: {  	v1 =	vld [tilespmem:s25+$0x20];
	_ =	sdelay $0x5  }
0x66: {  	v2 =	vld [tilespmem:s25+$0xA0]  }
0x67: {  	v3 =	vld [tilespmem:s28+$0x197A0]  }
0x68: {  	v1 =	vld.idx.msk [tilespmem:v1+s2+$0x0], $0xffff;
	_ =	sdelay $0x4  }
0x69: {  	v1 =	vadd.f32 v3, v1;
	_ =	sdelay $0x1  }
0x6a: {  	[tilespmem:v2+s18+$0x0] =	vst.idx.add.f32.msk $0xffff, v1  }
0x6b: {  	v1 =	vld [tilespmem:s25+$0x30];
	_ =	sdelay $0x5  }
0x6c: {  	v2 =	vld [tilespmem:s25+$0xB0]  }
0x6d: {  	v3 =	vld [tilespmem:s28+$0x197B0]  }
0x6e: {  	v1 =	vld.idx.msk [tilespmem:v1+s2+$0x0], $0xffff;
	_ =	sdelay $0x4  }
0x6f: {  	v1 =	vadd.f32 v3, v1;
	_ =	sdelay $0x1  }
0x70: {  	[tilespmem:v2+s18+$0x0] =	vst.idx.add.f32.msk $0xffff, v1  }
0x71: {  	v1 =	vld [tilespmem:s25+$0x40];
	_ =	sdelay $0x5  }
0x72: {  	v2 =	vld [tilespmem:s25+$0xC0]  }
0x73: {  	v3 =	vld [tilespmem:s28+$0x197C0]  }
0x74: {  	v1 =	vld.idx.msk [tilespmem:v1+s2+$0x0], $0xffff;
	_ =	sdelay $0x4  }
0x75: {  	v1 =	vadd.f32 v3, v1;
	_ =	sdelay $0x1  }
0x76: {  	[tilespmem:v2+s18+$0x0] =	vst.idx.add.f32.msk $0xffff, v1  }
0x77: {  	v1 =	vld [tilespmem:s25+$0x50];
	_ =	sdelay $0x5  }
0x78: {  	v2 =	vld [tilespmem:s25+$0xD0]  }
0x79: {  	v3 =	vld [tilespmem:s28+$0x197D0]  }
0x7a: {  	v1 =	vld.idx.msk [tilespmem:v1+s2+$0x0], $0xffff;
	_ =	sdelay $0x4  }
0x7b: {  	v1 =	vadd.f32 v3, v1;
	_ =	sdelay $0x1  }
0x7c: {  	[tilespmem:v2+s18+$0x0] =	vst.idx.add.f32.msk $0xffff, v1  }
0x7d: {  	v1 =	vld [tilespmem:s25+$0x60];
	_ =	sdelay $0x5  }
0x7e: {  	v2 =	vld [tilespmem:s25+$0xE0]  }
0x7f: {  	v3 =	vld [tilespmem:s28+$0x197E0]  }
0x80: {  	v1 =	vld.idx.msk [tilespmem:v1+s2+$0x0], $0xffff;
	_ =	sdelay $0x4  }
0x81: {  	v1 =	vadd.f32 v3, v1;
	_ =	sdelay $0x1  }
0x82: {  	[tilespmem:v2+s18+$0x0] =	vst.idx.add.f32.msk $0xffff, v1  }
0x83: {  	v1 =	vld [tilespmem:s25+$0x70];
	_ =	sdelay $0x5  }
0x84: {  	v2 =	vld [tilespmem:s25+$0xF0]  }
0x85: {  	v3 =	vld [tilespmem:s28+$0x197F0]  }
0x86: {  	v1 =	vld.idx.msk [tilespmem:v1+s2+$0x0], $0xffff;
	_ =	sdelay $0x1  }
0x87: {  	p0 =	sne.s32 s26, $0xC00  }
.Ltmp1:
0x88: {  	_ = 	snop;
	(pc) =	sbr.rel @p0 .LBB2_5-.Ltmp1, $3  }
0x89: {  	_ = 	snop  }
0x8a: {  	v1 =	vadd.f32 v3, v1;
	_ =	sdelay $0x1  }
0x8b: {  	s26 =	sadd.s32 $0x400, s26;
	s25 =	sadd.s32 $0x200, s25;
	[tilespmem:v2+s18+$0x0] =	vst.idx.add.f32.msk $0xffff, v1  }
0x8c: {  	p0 =	seq.s32 s23, $0x18  }
0x8d: {  	s24 =	sadd.s32 @!p0 s24, s9  }
0x8e: {  	s25 =	sshll.u32 @!p0 s24, $0x5  }
0x8f: {  	s26 =	simm.s32 @!p0 $0x0;
	s25 =	sand.u32 @!p0 $0x1FFFFE00, s25  }
0x90: {  	s28 =	simm.s32 @!p0 $0x18700;
	s24 =	sshll.u32 @!p0 s24, $0x4;
	s25 =	sadd.s32 @!p0 s3, s25  }
0x91: {  	[tilespmem:s28], [sflag:$0x2] =	stream.linear.gather @!p0 [hbm4b:s25+s26], $0x800, $0x38;
	[tilespmem:$0x19F00] =	vst v63  }
0x92: {  	s24 =	sadd.s32 @!p0 s4, s24;
	s25 =	simm.s32 @!p0 $0x19700  }
0x93: {  	[tilespmem:s25], [sflag:$0x2] =	stream.linear.gather @!p0 [hbm4b:s24+s26], $0x400, $0x38;
	[tilespmem:$0x19F00] =	vst v63  }
0x94: {  	_ =	swait.ge [sflag:s19], $0x800  }
0x95: {  	[sflag:s19] =	ssyncset.done $0x0  }
0x96: {  	[sflag:s19] =	ssyncadd.s32 $0xFFFFF800  }
0x97: {  	_ =	swait.ge [sflag:s19], $0x400  }
0x98: {  	[sflag:s19] =	ssyncset.done $0x0  }
0x99: {  	s24 =	simm.s32 $0x0;
	s25 =	simm.s32 $0x190F0;
	[sflag:s19] =	ssyncadd.s32 $0xFFFFFC00  }
.LBB2_7:
0x9a: {  	v1 =	vld [tilespmem:s25+$0xFFFFFE10];
	_ =	sdelay $0x5  }
0x9b: {  	v2 =	vld [tilespmem:s25+$0xFFFFFE90];
	s26 =	sshra.s32 s24, $0x2  }
0x9c: {  	v3 =	vld [tilespmem:s26+$0x19B00]  }
0x9d: {  	v1 =	vld.idx.msk [tilespmem:v1+s2+$0x0], $0xffff;
	_ =	sdelay $0x4  }
0x9e: {  	v1 =	vadd.f32 v3, v1;
	_ =	sdelay $0x1  }
0x9f: {  	[tilespmem:v2+s18+$0x0] =	vst.idx.add.f32.msk $0xffff, v1  }
0xa0: {  	v1 =	vld [tilespmem:s25+$0xFFFFFE20];
	_ =	sdelay $0x5  }
0xa1: {  	v2 =	vld [tilespmem:s25+$0xFFFFFEA0]  }
0xa2: {  	v3 =	vld [tilespmem:s26+$0x19B10]  }
0xa3: {  	v1 =	vld.idx.msk [tilespmem:v1+s2+$0x0], $0xffff;
	_ =	sdelay $0x4  }
0xa4: {  	v1 =	vadd.f32 v3, v1;
	_ =	sdelay $0x1  }
0xa5: {  	[tilespmem:v2+s18+$0x0] =	vst.idx.add.f32.msk $0xffff, v1  }
0xa6: {  	v1 =	vld [tilespmem:s25+$0xFFFFFE30];
	_ =	sdelay $0x5  }
0xa7: {  	v2 =	vld [tilespmem:s25+$0xFFFFFEB0]  }
0xa8: {  	v3 =	vld [tilespmem:s26+$0x19B20]  }
0xa9: {  	v1 =	vld.idx.msk [tilespmem:v1+s2+$0x0], $0xffff;
	_ =	sdelay $0x4  }
0xaa: {  	v1 =	vadd.f32 v3, v1;
	_ =	sdelay $0x1  }
0xab: {  	[tilespmem:v2+s18+$0x0] =	vst.idx.add.f32.msk $0xffff, v1  }
0xac: {  	v1 =	vld [tilespmem:s25+$0xFFFFFE40];
	_ =	sdelay $0x5  }
0xad: {  	v2 =	vld [tilespmem:s25+$0xFFFFFEC0]  }
0xae: {  	v3 =	vld [tilespmem:s26+$0x19B30]  }
0xaf: {  	v1 =	vld.idx.msk [tilespmem:v1+s2+$0x0], $0xffff;
	_ =	sdelay $0x4  }
0xb0: {  	v1 =	vadd.f32 v3, v1;
	_ =	sdelay $0x1  }
0xb1: {  	[tilespmem:v2+s18+$0x0] =	vst.idx.add.f32.msk $0xffff, v1  }
0xb2: {  	v1 =	vld [tilespmem:s25+$0xFFFFFE50];
	_ =	sdelay $0x5  }
0xb3: {  	v2 =	vld [tilespmem:s25+$0xFFFFFED0]  }
0xb4: {  	v3 =	vld [tilespmem:s26+$0x19B40]  }
0xb5: {  	v1 =	vld.idx.msk [tilespmem:v1+s2+$0x0], $0xffff;
	_ =	sdelay $0x4  }
0xb6: {  	v1 =	vadd.f32 v3, v1;
	_ =	sdelay $0x1  }
0xb7: {  	[tilespmem:v2+s18+$0x0] =	vst.idx.add.f32.msk $0xffff, v1  }
0xb8: {  	v1 =	vld [tilespmem:s25+$0xFFFFFE60];
	_ =	sdelay $0x5  }
0xb9: {  	v2 =	vld [tilespmem:s25+$0xFFFFFEE0]  }
0xba: {  	v3 =	vld [tilespmem:s26+$0x19B50]  }
0xbb: {  	v1 =	vld.idx.msk [tilespmem:v1+s2+$0x0], $0xffff;
	_ =	sdelay $0x4  }
0xbc: {  	v1 =	vadd.f32 v3, v1;
	_ =	sdelay $0x1  }
0xbd: {  	[tilespmem:v2+s18+$0x0] =	vst.idx.add.f32.msk $0xffff, v1  }
0xbe: {  	v1 =	vld [tilespmem:s25+$0xFFFFFE70];
	_ =	sdelay $0x5  }
0xbf: {  	v2 =	vld [tilespmem:s25+$0xFFFFFEF0]  }
0xc0: {  	v3 =	vld [tilespmem:s26+$0x19B60]  }
0xc1: {  	v1 =	vld.idx.msk [tilespmem:v1+s2+$0x0], $0xffff;
	_ =	sdelay $0x4  }
0xc2: {  	v1 =	vadd.f32 v3, v1;
	_ =	sdelay $0x1  }
0xc3: {  	[tilespmem:v2+s18+$0x0] =	vst.idx.add.f32.msk $0xffff, v1  }
0xc4: {  	v1 =	vld [tilespmem:s25+$0xFFFFFE80];
	_ =	sdelay $0x5  }
0xc5: {  	v2 =	vld [tilespmem:s25+$0xFFFFFF00]  }
0xc6: {  	v3 =	vld [tilespmem:s26+$0x19B70]  }
0xc7: {  	v1 =	vld.idx.msk [tilespmem:v1+s2+$0x0], $0xffff;
	_ =	sdelay $0x4  }
0xc8: {  	v1 =	vadd.f32 v3, v1;
	_ =	sdelay $0x1  }
0xc9: {  	[tilespmem:v2+s18+$0x0] =	vst.idx.add.f32.msk $0xffff, v1  }
0xca: {  	v1 =	vld [tilespmem:s25+$0xFFFFFF10];
	_ =	sdelay $0x5  }
0xcb: {  	v2 =	vld [tilespmem:s25+$0xFFFFFF90]  }
0xcc: {  	v3 =	vld [tilespmem:s26+$0x19B80]  }
0xcd: {  	v1 =	vld.idx.msk [tilespmem:v1+s2+$0x0], $0xffff;
	_ =	sdelay $0x4  }
0xce: {  	v1 =	vadd.f32 v3, v1;
	_ =	sdelay $0x1  }
0xcf: {  	[tilespmem:v2+s18+$0x0] =	vst.idx.add.f32.msk $0xffff, v1  }
0xd0: {  	v1 =	vld [tilespmem:s25+$0xFFFFFF20];
	_ =	sdelay $0x5  }
0xd1: {  	v2 =	vld [tilespmem:s25+$0xFFFFFFA0]  }
0xd2: {  	v3 =	vld [tilespmem:s26+$0x19B90]  }
0xd3: {  	v1 =	vld.idx.msk [tilespmem:v1+s2+$0x0], $0xffff;
	_ =	sdelay $0x4  }
0xd4: {  	v1 =	vadd.f32 v3, v1;
	_ =	sdelay $0x1  }
0xd5: {  	[tilespmem:v2+s18+$0x0] =	vst.idx.add.f32.msk $0xffff, v1  }
0xd6: {  	v1 =	vld [tilespmem:s25+$0xFFFFFF30];
	_ =	sdelay $0x5  }
0xd7: {  	v2 =	vld [tilespmem:s25+$0xFFFFFFB0]  }
0xd8: {  	v3 =	vld [tilespmem:s26+$0x19BA0]  }
0xd9: {  	v1 =	vld.idx.msk [tilespmem:v1+s2+$0x0], $0xffff;
	_ =	sdelay $0x4  }
0xda: {  	v1 =	vadd.f32 v3, v1;
	_ =	sdelay $0x1  }
0xdb: {  	[tilespmem:v2+s18+$0x0] =	vst.idx.add.f32.msk $0xffff, v1  }
0xdc: {  	v1 =	vld [tilespmem:s25+$0xFFFFFF40];
	_ =	sdelay $0x5  }
0xdd: {  	v2 =	vld [tilespmem:s25+$0xFFFFFFC0]  }
0xde: {  	v3 =	vld [tilespmem:s26+$0x19BB0]  }
0xdf: {  	v1 =	vld.idx.msk [tilespmem:v1+s2+$0x0], $0xffff;
	_ =	sdelay $0x4  }
0xe0: {  	v1 =	vadd.f32 v3, v1;
	_ =	sdelay $0x1  }
0xe1: {  	[tilespmem:v2+s18+$0x0] =	vst.idx.add.f32.msk $0xffff, v1  }
0xe2: {  	v1 =	vld [tilespmem:s25+$0xFFFFFF50];
	_ =	sdelay $0x5  }
0xe3: {  	v2 =	vld [tilespmem:s25+$0xFFFFFFD0]  }
0xe4: {  	v3 =	vld [tilespmem:s26+$0x19BC0]  }
0xe5: {  	v1 =	vld.idx.msk [tilespmem:v1+s2+$0x0], $0xffff;
	_ =	sdelay $0x4  }
0xe6: {  	v1 =	vadd.f32 v3, v1;
	_ =	sdelay $0x1  }
0xe7: {  	[tilespmem:v2+s18+$0x0] =	vst.idx.add.f32.msk $0xffff, v1  }
0xe8: {  	v1 =	vld [tilespmem:s25+$0xFFFFFF60];
	_ =	sdelay $0x5  }
0xe9: {  	v2 =	vld [tilespmem:s25+$0xFFFFFFE0]  }
0xea: {  	v3 =	vld [tilespmem:s26+$0x19BD0]  }
0xeb: {  	v1 =	vld.idx.msk [tilespmem:v1+s2+$0x0], $0xffff;
	_ =	sdelay $0x4  }
0xec: {  	v1 =	vadd.f32 v3, v1;
	_ =	sdelay $0x1  }
0xed: {  	[tilespmem:v2+s18+$0x0] =	vst.idx.add.f32.msk $0xffff, v1  }
0xee: {  	v1 =	vld [tilespmem:s25+$0xFFFFFF70];
	_ =	sdelay $0x5  }
0xef: {  	v2 =	vld [tilespmem:s25+$0xFFFFFFF0]  }
0xf0: {  	v3 =	vld [tilespmem:s26+$0x19BE0]  }
0xf1: {  	v1 =	vld.idx.msk [tilespmem:v1+s2+$0x0], $0xffff;
	_ =	sdelay $0x4  }
0xf2: {  	v1 =	vadd.f32 v3, v1;
	_ =	sdelay $0x1  }
0xf3: {  	[tilespmem:v2+s18+$0x0] =	vst.idx.add.f32.msk $0xffff, v1  }
0xf4: {  	v1 =	vld [tilespmem:s25+$0xFFFFFF80];
	_ =	sdelay $0x5  }
0xf5: {  	v2 =	vld [tilespmem:s25+$0x0]  }
0xf6: {  	v3 =	vld [tilespmem:s26+$0x19BF0]  }
0xf7: {  	v1 =	vld.idx.msk [tilespmem:v1+s2+$0x0], $0xffff;
	_ =	sdelay $0x1  }
0xf8: {  	p0 =	sne.s32 s24, $0xC00  }
.Ltmp2:
0xf9: {  	_ = 	snop;
	(pc) =	sbr.rel @p0 .LBB2_7-.Ltmp2, $3  }
0xfa: {  	_ = 	snop  }
0xfb: {  	v1 =	vadd.f32 v3, v1;
	_ =	sdelay $0x1  }
0xfc: {  	s24 =	sadd.s32 $0x400, s24;
	s25 =	sadd.s32 $0x200, s25;
	[tilespmem:v2+s18+$0x0] =	vst.idx.add.f32.msk $0xffff, v1  }
0xfd: {  	s23 =	sadd.s32 $0x1, s23  }
0xfe: {  	p0 =	sne.s32 s23, $0x19  }
.Ltmp3:
0xff: {  	_ = 	snop;
	(pc) =	sbr.rel @p0 .LBB2_4-.Ltmp3, $1  }
0x100: {  	_ =	sdelay $0x3  }
0x101: {  	s21 =	sadd.s32 $0x1, s21  }
0x102: {  	p0 =	sne.s32 s21, s11  }
.Ltmp4:
0x103: {  	_ = 	snop;
	(pc) =	sbr.rel @p0 .LBB2_1-.Ltmp4, $4  }
0x104: {  	[hbm4b:s10+s2] =	stream.linear.scatter [tilespmem:s18], [sflag:$0x4], $0xC380, $0x38;
	[tilespmem:$0x19F00] =	vst v63  }
0x105: {  	_ =	swait.ge [sflag:s20], $0xC380  }
0x106: {  	[sflag:s20] =	ssyncset.done $0x0  }
0x107: {  	[sflag:s20] =	ssyncadd.s32 $0xFFFF3C80  }
0x108: {  	_ =	sfence.sel $0x180000  }
0x109: {  	[bflag:$0x0] =	sbarrier.arrive $0xFFFF  }
0x10a: {  	p0 =	sne.s32 s1, $0x0;
	_ =	strace $0x90000050  }
0x10b: {  	s0 =	sadd.s32 @!p0 $0x100000, s0;
	[bflag:$0x2] =	sbarrier.arrive $0xFFFF  }
0x10c: {  	[sflag:s0] =	ssyncadd.tile.s32 @!p0 $0x1;
	_ =	shalt  }
.Lfunc_end2:
_tile_overlayer_lowered:
.L_overlay_start_2:
0x10d: {  	(tag) =	ssettag $0x2  }
0x10e: {  	s0 =	rddreg [dreg:$0x0];
	s2 =	stileid.u32  }
0x10f: {  	s1 =	rddreg [dreg:$0x1];
	p0 =	sne.s32 s2, $0x0  }
0x110: {  	s3 =	rddreg [dreg:$0x2];
	[bflag:$0x3] =	sbarrier.arrive $0xFFFF;
	s2 =	simm.s32 @!p0 $0x1C04  }
0x111: {  	[timem:s3], [sflag:s2] =	dma.local @!p0 [hbm:s0], s1  }
0x112: {  	s0 =	simm.s32 @!p0 $0x4  }
0x113: {  	_ =	swait.ge @!p0 [sflag:s0], s1  }
0x114: {  	s1 =	ssub.s32 @!p0 $0x0, s1;
	[sflag:s0] =	ssyncset.done @!p0 $0x0  }
0x115: {  	[sflag:s0] =	ssyncadd.s32 @!p0 s1  }
0x116: {  	[bflag:$0x3] =	sbarrier.arrive $0xFFFF  }
0x117: {  	_ =	shalt  }

</sc_bundles>
